<compile_context>
chip_gen: v7x
topology: tpu7x:2x2x1
jax: 0.10.2.dev20260603
libtpu: 0.0.44.dev20260713+nightly
codegen_flags: <defaults>
</compile_context>

<pallas_src>
import functools

import jax
import jax.numpy as jnp
from jax import lax
from jax.experimental import pallas as pl
from jax.experimental.pallas import tpu as pltpu
from jax.experimental.pallas import tpu_sc as plsc

B = 2048
NEG = 64
D = 128
K = 512
LANES = 16
NC = 2
NS = 16
NW = NC * NS
BPW = B // NW
CB = 1
CHUNK_ROWS = CB * NEG
NCHUNK = BPW // CB
NBUF = 8
NMAIN = (NCHUNK // NBUF) * NBUF


def _accum_chunk(rows_v, row0, acc, local_b):
    for b2 in range(CB):

        @pl.loop(0, D // LANES)
        def _cols(k):
            sl = pl.ds(k * LANES, LANES)
            r0 = row0 + b2 * NEG
            regs = [rows_v[r0 + jj, sl] for jj in range(4)]
            for j in range(4, NEG):
                regs[j % 4] = regs[j % 4] + rows_v[r0 + j, sl]
            acc[local_b + b2, sl] = (regs[0] + regs[1]) + (regs[2] + regs[3])


@functools.lru_cache(maxsize=1)
def _build_sc_gather():
    mesh = plsc.VectorSubcoreMesh(
        core_axis_name="c", subcore_axis_name="s", num_cores=NC, num_subcores=NS
    )
    return functools.partial(
        pl.kernel,
        out_type=jax.ShapeDtypeStruct((3 * B, D), jnp.float32),
        mesh=mesh,
        scratch_types=[
            pltpu.VMEM((BPW,), jnp.int32),
            pltpu.VMEM((BPW,), jnp.int32),
            pltpu.VMEM((BPW * NEG,), jnp.int32),
            pltpu.VMEM((BPW, D), jnp.float32),
            pltpu.VMEM((BPW, D), jnp.float32),
            pltpu.VMEM((NBUF * CHUNK_ROWS, D), jnp.float32),
            pltpu.VMEM((BPW, D), jnp.float32),
            pltpu.SemaphoreType.DMA,
            pltpu.SemaphoreType.DMA,
            [pltpu.SemaphoreType.DMA] * NBUF,
        ],
    )(_sc_gather_body)


def _sc_gather_body(emb_hbm, uidx_hbm, vidx_hbm, negidx_hbm,
                    out_hbm,
                    uidx_v, vidx_v, negidx_v, urows, vrows, ring, acc,
                    sem_stage, sem_uv, sems):
    wid = lax.axis_index("s") * NC + lax.axis_index("c")
    base = wid * BPW

    st_u = pltpu.async_copy(uidx_hbm.at[pl.ds(base, BPW)], uidx_v, sem_stage)
    st_v = pltpu.async_copy(vidx_hbm.at[pl.ds(base, BPW)], vidx_v, sem_stage)
    st_n = pltpu.async_copy(
        negidx_hbm.at[pl.ds(base * NEG, BPW * NEG)], negidx_v, sem_stage)
    st_u.wait()
    st_v.wait()
    st_n.wait()

    cp_u = pltpu.async_copy(emb_hbm.at[uidx_v], urows, sem_uv)
    cp_v = pltpu.async_copy(emb_hbm.at[vidx_v], vrows, sem_uv)

    def _start(c, i):
        idx = negidx_v.at[pl.ds(c * CHUNK_ROWS, CHUNK_ROWS)]
        pltpu.async_copy(
            emb_hbm.at[idx],
            ring.at[pl.ds(i * CHUNK_ROWS, CHUNK_ROWS)], sems[i])

    def _wait(i):
        pltpu.make_async_copy(
            emb_hbm.at[negidx_v.at[pl.ds(0, CHUNK_ROWS)]],
            ring.at[pl.ds(i * CHUNK_ROWS, CHUNK_ROWS)], sems[i]).wait()

    for i in range(NBUF):
        _start(i, i)

    @pl.loop(0, NMAIN, step=NBUF)
    def _pipeline(c):
        for i in range(NBUF):
            _wait(i)
            _accum_chunk(ring, i * CHUNK_ROWS, acc, (c + i) * CB)

            @pl.when(c + NBUF + i < NCHUNK)
            def _():
                _start(c + NBUF + i, i)

    for t in range(NMAIN, NCHUNK):
        i = t % NBUF
        _wait(i)
        _accum_chunk(ring, i * CHUNK_ROWS, acc, t * CB)

    cp_ns = pltpu.async_copy(acc, out_hbm.at[pl.ds(2 * B + base, BPW)],
                             sem_stage)
    cp_u.wait()
    cp_v.wait()
    cp_ou = pltpu.async_copy(urows, out_hbm.at[pl.ds(base, BPW)], sem_stage)
    cp_ov = pltpu.async_copy(vrows, out_hbm.at[pl.ds(B + base, BPW)],
                             sem_stage)
    cp_ns.wait()
    cp_ou.wait()
    cp_ov.wait()


def _log_sigmoid(x):
    return jnp.minimum(x, 0.0) - jnp.log1p(jnp.exp(-jnp.abs(x)))


def _tc_body(rows_ref, com_ref, loss_ref, cl_ref):
    u = rows_ref[0:B, :]
    v = rows_ref[B:2 * B, :]
    ns = rows_ref[2 * B:3 * B, :]
    com = com_ref[...]

    pos = jnp.sum(u * v, axis=1, keepdims=True)
    neg = -jnp.sum(ns * u, axis=1, keepdims=True)
    ls = _log_sigmoid(pos) + _log_sigmoid(neg)
    loss1 = -jnp.sum(ls, axis=(0, 1), keepdims=True) / B

    g = lax.dot_general(
        u, com,
        dimension_numbers=(((1,), (1,)), ((), ())),
        preferred_element_type=jnp.float32,
        precision=lax.Precision.HIGHEST,
    )
    unorm = jnp.sum(u * u, axis=1, keepdims=True)
    cnorm = jnp.sum(com * com, axis=1)[None, :]
    d2 = (unorm - 2.0 * g) + cnorm

    dmin = jnp.min(d2, axis=1, keepdims=True)
    loss2 = jnp.sum(jnp.maximum(dmin, 0.0), axis=(0, 1), keepdims=True) / B
    loss_ref[...] = loss1 + loss2

    ids = lax.broadcasted_iota(jnp.int32, (B, K), 1)
    cand = jnp.where(d2 <= dmin, ids, K)
    cl_ref[...] = jnp.min(cand, axis=1, keepdims=True)


def kernel(u_node, v_node, negative_nodes, nb_labels, emb_u, emb_com):
    u_idx = u_node.reshape(-1).astype(jnp.int32)
    v_idx = v_node.reshape(-1).astype(jnp.int32)
    neg_idx = negative_nodes.reshape(-1).astype(jnp.int32)

    rows = _build_sc_gather()(emb_u, u_idx, v_idx, neg_idx)

    loss, cl = pl.pallas_call(
        _tc_body,
        out_shape=[
            jax.ShapeDtypeStruct((1, 1), jnp.float32),
            jax.ShapeDtypeStruct((B, 1), jnp.int32),
        ],
    )(rows, emb_com)

    return (loss.reshape(()), cl.reshape(-1))

# --- scband reference (transcript-rebuilt; emitter-appended) ---
"""Pipeline reference for scband-loss-neg-sampling-73126113182288 (READ-ONLY COPY).

The authoritative reference and input builder live on the scoring server;
editing this copy changes nothing except your own understanding.
"""

import jax, jax.numpy as jnp
import numpy as np

NUM_NODES = 100000
EMB_DIM = 128
NB_LABELS = 512
B = 2048
NEG = 64


def setup_inputs(seed: int = 0) -> dict:
    key = jax.random.key(seed)
    k1, k2, k3, k4, k5 = jax.random.split(key, 5)
    initrange = (2.0 / (NUM_NODES + EMB_DIM)) ** 0.5
    emb_u = jax.random.uniform(k1, (NUM_NODES, EMB_DIM), minval=-initrange, maxval=initrange, dtype=jnp.float32)
    # codebook initialized by copying random node embeddings (as in torch __init__)
    com_idx = jax.random.randint(k2, (NB_LABELS,), 0, NUM_NODES)
    emb_com = jnp.take(emb_u, com_idx, axis=0)
    u_node = jax.random.randint(k3, (B, 1), 0, NUM_NODES)
    v_node = jax.random.randint(k4, (B, 1), 0, NUM_NODES)
    negative_nodes = jax.random.randint(k5, (B, NEG), 0, NUM_NODES)
    return {
        "u_node": u_node,
        "v_node": v_node,
        "negative_nodes": negative_nodes,
        "nb_labels": NB_LABELS,
        "emb_u": emb_u,
        "emb_com": emb_com,
    }


def reference(u_node, v_node, negative_nodes, nb_labels, emb_u, emb_com):
    # embedding lookups (gather)
    u_embed = emb_u[u_node]            # [B, 1, d]
    v_embed = emb_u[v_node]            # [B, 1, d]
    negs = -emb_u[negative_nodes]      # [B, NEG, d]

    # positive / negative scores via bmm
    positive_score = jnp.matmul(v_embed, jnp.swapaxes(u_embed, 1, 2))[:, :, 0]  # [B, 1]
    negative_score = jnp.sum(
        jnp.matmul(negs, jnp.swapaxes(u_embed, 1, 2))[:, :, 0], axis=1
    ).reshape(negative_nodes.shape[0], -1)  # [B, 1]

    sum_all = jax.nn.log_sigmoid(positive_score) + jax.nn.log_sigmoid(negative_score)
    loss = -jnp.mean(sum_all)

    # nearest-codebook (community) distance: z repeated over labels vs codebook
    n = u_embed.shape[0]
    z = u_embed                         # [B, 1, d] (broadcasts == torch repeat(1, K, 1))
    mu = emb_com[None, :, :]            # [1, K, d] (broadcasts == torch repeat(n, 1, 1))
    dist = jnp.sqrt(jnp.sum((z - mu) ** 2, axis=2)).reshape(n, emb_com.shape[0])  # [B, K]
    loss2 = jnp.mean(jnp.min(dist, axis=1) ** 2)
    cluster_choice = jnp.argmin(dist, axis=1)

    final_loss = loss + loss2 + 0.0 * nb_labels
    return (final_loss, cluster_choice)

if __name__ == "__main__":
    import jax
    _d = setup_inputs()
    print(jax.jit(kernel)(*tuple(_d.values())))

</pallas_src>

<mosaic_0001>
#map = affine_map<(d0, d1) -> (0, 0)>
#map1 = affine_map<(d0, d1) -> (0)>
module attributes {stable_mosaic.version = 14 : i64} {
  func.func @_sc_gather_body(%arg0: i32, %arg1: i32, %arg2: memref<100000x128xf32, #tpu.memory_space<hbm>>, %arg3: memref<2048xi32, #tpu.memory_space<hbm>>, %arg4: memref<2048xi32, #tpu.memory_space<hbm>>, %arg5: memref<131072xi32, #tpu.memory_space<hbm>>, %arg6: memref<6144x128xf32, #tpu.memory_space<hbm>>, %arg7: memref<64xi32, #tpu.memory_space<vmem>>, %arg8: memref<64xi32, #tpu.memory_space<vmem>>, %arg9: memref<4096xi32, #tpu.memory_space<vmem>>, %arg10: memref<64x128xf32, #tpu.memory_space<vmem>>, %arg11: memref<64x128xf32, #tpu.memory_space<vmem>>, %arg12: memref<512x128xf32, #tpu.memory_space<vmem>>, %arg13: memref<64x128xf32, #tpu.memory_space<vmem>>, %arg14: memref<!tpu.dma_semaphore, #tpu.memory_space<semaphore_mem>>, %arg15: memref<!tpu.dma_semaphore, #tpu.memory_space<semaphore_mem>>, %arg16: memref<!tpu.dma_semaphore, #tpu.memory_space<semaphore_mem>>, %arg17: memref<!tpu.dma_semaphore, #tpu.memory_space<semaphore_mem>>, %arg18: memref<!tpu.dma_semaphore, #tpu.memory_space<semaphore_mem>>, %arg19: memref<!tpu.dma_semaphore, #tpu.memory_space<semaphore_mem>>, %arg20: memref<!tpu.dma_semaphore, #tpu.memory_space<semaphore_mem>>, %arg21: memref<!tpu.dma_semaphore, #tpu.memory_space<semaphore_mem>>, %arg22: memref<!tpu.dma_semaphore, #tpu.memory_space<semaphore_mem>>, %arg23: memref<!tpu.dma_semaphore, #tpu.memory_space<semaphore_mem>>) attributes {dimension_semantics = [#tpu.dimension_semantics<core_parallel>, #tpu.dimension_semantics<subcore_parallel>], iteration_bounds = array<i64: 2, 16>, scalar_prefetch = 0 : i64, scratch_operands = 17 : i64, tpu.core_type = #tpu.core_type<sc_vector_subcore>, window_params = [{transform_indices = #map}, {transform_indices = #map1}, {transform_indices = #map1}, {transform_indices = #map1}, {transform_indices = #map}]} {
    %mul3A = arith.constant 2 : i32
    %mul3A_0 = arith.muli %arg1, %mul3A : i32
    %add3A = arith.addi %mul3A_0, %arg0 : i32
    %mul3A_1 = arith.constant 64 : i32
    %mul3A_2 = arith.muli %add3A, %mul3A_1 : i32
    %dma_start3A = tpu.memref_slice %arg3[%mul3A_2] : memref<2048xi32, #tpu.memory_space<hbm>> -> memref<64xi32, #tpu.memory_space<hbm>>
    %dma_start3A_3 = tpu.memref_slice %arg3[%mul3A_2] : memref<2048xi32, #tpu.memory_space<hbm>> -> memref<64xi32, #tpu.memory_space<hbm>>
    tpu.enqueue_dma source(%dma_start3A_3 : memref<64xi32, #tpu.memory_space<hbm>>) target(%arg7 : memref<64xi32, #tpu.memory_space<vmem>>) target_semaphore(%arg14 : memref<!tpu.dma_semaphore, #tpu.memory_space<semaphore_mem>>)
    %dma_start3A_4 = tpu.memref_slice %arg4[%mul3A_2] : memref<2048xi32, #tpu.memory_space<hbm>> -> memref<64xi32, #tpu.memory_space<hbm>>
    %dma_start3A_5 = tpu.memref_slice %arg4[%mul3A_2] : memref<2048xi32, #tpu.memory_space<hbm>> -> memref<64xi32, #tpu.memory_space<hbm>>
    tpu.enqueue_dma source(%dma_start3A_5 : memref<64xi32, #tpu.memory_space<hbm>>) target(%arg8 : memref<64xi32, #tpu.memory_space<vmem>>) target_semaphore(%arg14 : memref<!tpu.dma_semaphore, #tpu.memory_space<semaphore_mem>>)
    %mul3A_6 = arith.constant 64 : i32
    %mul3A_7 = arith.muli %mul3A_2, %mul3A_6 : i32
    %dma_start3A_8 = tpu.memref_slice %arg5[%mul3A_7] : memref<131072xi32, #tpu.memory_space<hbm>> -> memref<4096xi32, #tpu.memory_space<hbm>>
    %dma_start3A_9 = tpu.memref_slice %arg5[%mul3A_7] : memref<131072xi32, #tpu.memory_space<hbm>> -> memref<4096xi32, #tpu.memory_space<hbm>>
    tpu.enqueue_dma source(%dma_start3A_9 : memref<4096xi32, #tpu.memory_space<hbm>>) target(%arg9 : memref<4096xi32, #tpu.memory_space<vmem>>) target_semaphore(%arg14 : memref<!tpu.dma_semaphore, #tpu.memory_space<semaphore_mem>>)
    %dma_wait3A = tpu.memref_slice %arg3[%mul3A_2] : memref<2048xi32, #tpu.memory_space<hbm>> -> memref<64xi32, #tpu.memory_space<hbm>>
    %dma_wait3A_10 = tpu.memref_slice %arg3[%mul3A_2] : memref<2048xi32, #tpu.memory_space<hbm>> -> memref<64xi32, #tpu.memory_space<hbm>>
    tpu.wait_dma2 semaphore(%arg14 : memref<!tpu.dma_semaphore, #tpu.memory_space<semaphore_mem>>) src(%dma_wait3A_10 : memref<64xi32, #tpu.memory_space<hbm>>) dst(%arg7 : memref<64xi32, #tpu.memory_space<vmem>>)
    %dma_wait3A_11 = tpu.memref_slice %arg4[%mul3A_2] : memref<2048xi32, #tpu.memory_space<hbm>> -> memref<64xi32, #tpu.memory_space<hbm>>
    %dma_wait3A_12 = tpu.memref_slice %arg4[%mul3A_2] : memref<2048xi32, #tpu.memory_space<hbm>> -> memref<64xi32, #tpu.memory_space<hbm>>
    tpu.wait_dma2 semaphore(%arg14 : memref<!tpu.dma_semaphore, #tpu.memory_space<semaphore_mem>>) src(%dma_wait3A_12 : memref<64xi32, #tpu.memory_space<hbm>>) dst(%arg8 : memref<64xi32, #tpu.memory_space<vmem>>)
    %dma_wait3A_13 = tpu.memref_slice %arg5[%mul3A_7] : memref<131072xi32, #tpu.memory_space<hbm>> -> memref<4096xi32, #tpu.memory_space<hbm>>
    %dma_wait3A_14 = tpu.memref_slice %arg5[%mul3A_7] : memref<131072xi32, #tpu.memory_space<hbm>> -> memref<4096xi32, #tpu.memory_space<hbm>>
    tpu.wait_dma2 semaphore(%arg14 : memref<!tpu.dma_semaphore, #tpu.memory_space<semaphore_mem>>) src(%dma_wait3A_14 : memref<4096xi32, #tpu.memory_space<hbm>>) dst(%arg9 : memref<4096xi32, #tpu.memory_space<vmem>>)
    %dma_start3A_15 = arith.constant 0 : i32
    %dma_start3A_16 = arith.constant 0 : i32
    %dma_start3A_17 = tpu.memref_slice %arg2[%dma_start3A_15, %dma_start3A_16] : memref<100000x128xf32, #tpu.memory_space<hbm>> -> memref<100000x128xf32, #tpu.memory_space<hbm>>
    tpu.enqueue_indirect_dma source(%dma_start3A_17 : memref<100000x128xf32, #tpu.memory_space<hbm>>) target(%arg10 : memref<64x128xf32, #tpu.memory_space<vmem>>) offsets(%arg7 : memref<64xi32, #tpu.memory_space<vmem>>) semaphore(%arg15 : memref<!tpu.dma_semaphore, #tpu.memory_space<semaphore_mem>>)
    %dma_start3A_18 = arith.constant 0 : i32
    %dma_start3A_19 = arith.constant 0 : i32
    %dma_start3A_20 = tpu.memref_slice %arg2[%dma_start3A_18, %dma_start3A_19] : memref<100000x128xf32, #tpu.memory_space<hbm>> -> memref<100000x128xf32, #tpu.memory_space<hbm>>
    tpu.enqueue_indirect_dma source(%dma_start3A_20 : memref<100000x128xf32, #tpu.memory_space<hbm>>) target(%arg11 : memref<64x128xf32, #tpu.memory_space<vmem>>) offsets(%arg8 : memref<64xi32, #tpu.memory_space<vmem>>) semaphore(%arg15 : memref<!tpu.dma_semaphore, #tpu.memory_space<semaphore_mem>>)
    %dma_start3A_21 = arith.constant 0 : i32
    %dma_start3A_22 = arith.constant 0 : i32
    %dma_start3A_23 = tpu.memref_slice %arg12[%dma_start3A_21, %dma_start3A_22] : memref<512x128xf32, #tpu.memory_space<vmem>> -> memref<64x128xf32, #tpu.memory_space<vmem>>
    %dma_start3A_24 = arith.constant 0 : i32
    %dma_start3A_25 = tpu.memref_slice %arg9[%dma_start3A_24] : memref<4096xi32, #tpu.memory_space<vmem>> -> memref<64xi32, #tpu.memory_space<vmem>>
    %dma_start3A_26 = arith.constant 0 : i32
    %dma_start3A_27 = arith.constant 0 : i32
    %dma_start3A_28 = tpu.memref_slice %arg2[%dma_start3A_26, %dma_start3A_27] : memref<100000x128xf32, #tpu.memory_space<hbm>> -> memref<100000x128xf32, #tpu.memory_space<hbm>>
    tpu.enqueue_indirect_dma source(%dma_start3A_28 : memref<100000x128xf32, #tpu.memory_space<hbm>>) target(%dma_start3A_23 : memref<64x128xf32, #tpu.memory_space<vmem>>) offsets(%dma_start3A_25 : memref<64xi32, #tpu.memory_space<vmem>>) semaphore(%arg16 : memref<!tpu.dma_semaphore, #tpu.memory_space<semaphore_mem>>)
    %dma_start3A_29 = arith.constant 64 : i32
    %dma_start3A_30 = arith.constant 0 : i32
    %dma_start3A_31 = tpu.memref_slice %arg12[%dma_start3A_29, %dma_start3A_30] : memref<512x128xf32, #tpu.memory_space<vmem>> -> memref<64x128xf32, #tpu.memory_space<vmem>>
    %dma_start3A_32 = arith.constant 64 : i32
    %dma_start3A_33 = tpu.memref_slice %arg9[%dma_start3A_32] : memref<4096xi32, #tpu.memory_space<vmem>> -> memref<64xi32, #tpu.memory_space<vmem>>
    %dma_start3A_34 = arith.constant 0 : i32
    %dma_start3A_35 = arith.constant 0 : i32
    %dma_start3A_36 = tpu.memref_slice %arg2[%dma_start3A_34, %dma_start3A_35] : memref<100000x128xf32, #tpu.memory_space<hbm>> -> memref<100000x128xf32, #tpu.memory_space<hbm>>
    tpu.enqueue_indirect_dma source(%dma_start3A_36 : memref<100000x128xf32, #tpu.memory_space<hbm>>) target(%dma_start3A_31 : memref<64x128xf32, #tpu.memory_space<vmem>>) offsets(%dma_start3A_33 : memref<64xi32, #tpu.memory_space<vmem>>) semaphore(%arg17 : memref<!tpu.dma_semaphore, #tpu.memory_space<semaphore_mem>>)
    %dma_start3A_37 = arith.constant 128 : i32
    %dma_start3A_38 = arith.constant 0 : i32
    %dma_start3A_39 = tpu.memref_slice %arg12[%dma_start3A_37, %dma_start3A_38] : memref<512x128xf32, #tpu.memory_space<vmem>> -> memref<64x128xf32, #tpu.memory_space<vmem>>
    %dma_start3A_40 = arith.constant 128 : i32
    %dma_start3A_41 = tpu.memref_slice %arg9[%dma_start3A_40] : memref<4096xi32, #tpu.memory_space<vmem>> -> memref<64xi32, #tpu.memory_space<vmem>>
    %dma_start3A_42 = arith.constant 0 : i32
    %dma_start3A_43 = arith.constant 0 : i32
    %dma_start3A_44 = tpu.memref_slice %arg2[%dma_start3A_42, %dma_start3A_43] : memref<100000x128xf32, #tpu.memory_space<hbm>> -> memref<100000x128xf32, #tpu.memory_space<hbm>>
    tpu.enqueue_indirect_dma source(%dma_start3A_44 : memref<100000x128xf32, #tpu.memory_space<hbm>>) target(%dma_start3A_39 : memref<64x128xf32, #tpu.memory_space<vmem>>) offsets(%dma_start3A_41 : memref<64xi32, #tpu.memory_space<vmem>>) semaphore(%arg18 : memref<!tpu.dma_semaphore, #tpu.memory_space<semaphore_mem>>)
    %dma_start3A_45 = arith.constant 192 : i32
    %dma_start3A_46 = arith.constant 0 : i32
    %dma_start3A_47 = tpu.memref_slice %arg12[%dma_start3A_45, %dma_start3A_46] : memref<512x128xf32, #tpu.memory_space<vmem>> -> memref<64x128xf32, #tpu.memory_space<vmem>>
    %dma_start3A_48 = arith.constant 192 : i32
    %dma_start3A_49 = tpu.memref_slice %arg9[%dma_start3A_48] : memref<4096xi32, #tpu.memory_space<vmem>> -> memref<64xi32, #tpu.memory_space<vmem>>
    %dma_start3A_50 = arith.constant 0 : i32
    %dma_start3A_51 = arith.constant 0 : i32
    %dma_start3A_52 = tpu.memref_slice %arg2[%dma_start3A_50, %dma_start3A_51] : memref<100000x128xf32, #tpu.memory_space<hbm>> -> memref<100000x128xf32, #tpu.memory_space<hbm>>
    tpu.enqueue_indirect_dma source(%dma_start3A_52 : memref<100000x128xf32, #tpu.memory_space<hbm>>) target(%dma_start3A_47 : memref<64x128xf32, #tpu.memory_space<vmem>>) offsets(%dma_start3A_49 : memref<64xi32, #tpu.memory_space<vmem>>) semaphore(%arg19 : memref<!tpu.dma_semaphore, #tpu.memory_space<semaphore_mem>>)
    %dma_start3A_53 = arith.constant 256 : i32
    %dma_start3A_54 = arith.constant 0 : i32
    %dma_start3A_55 = tpu.memref_slice %arg12[%dma_start3A_53, %dma_start3A_54] : memref<512x128xf32, #tpu.memory_space<vmem>> -> memref<64x128xf32, #tpu.memory_space<vmem>>
    %dma_start3A_56 = arith.constant 256 : i32
    %dma_start3A_57 = tpu.memref_slice %arg9[%dma_start3A_56] : memref<4096xi32, #tpu.memory_space<vmem>> -> memref<64xi32, #tpu.memory_space<vmem>>
    %dma_start3A_58 = arith.constant 0 : i32
    %dma_start3A_59 = arith.constant 0 : i32
    %dma_start3A_60 = tpu.memref_slice %arg2[%dma_start3A_58, %dma_start3A_59] : memref<100000x128xf32, #tpu.memory_space<hbm>> -> memref<100000x128xf32, #tpu.memory_space<hbm>>
    tpu.enqueue_indirect_dma source(%dma_start3A_60 : memref<100000x128xf32, #tpu.memory_space<hbm>>) target(%dma_start3A_55 : memref<64x128xf32, #tpu.memory_space<vmem>>) offsets(%dma_start3A_57 : memref<64xi32, #tpu.memory_space<vmem>>) semaphore(%arg20 : memref<!tpu.dma_semaphore, #tpu.memory_space<semaphore_mem>>)
    %dma_start3A_61 = arith.constant 320 : i32
    %dma_start3A_62 = arith.constant 0 : i32
    %dma_start3A_63 = tpu.memref_slice %arg12[%dma_start3A_61, %dma_start3A_62] : memref<512x128xf32, #tpu.memory_space<vmem>> -> memref<64x128xf32, #tpu.memory_space<vmem>>
    %dma_start3A_64 = arith.constant 320 : i32
    %dma_start3A_65 = tpu.memref_slice %arg9[%dma_start3A_64] : memref<4096xi32, #tpu.memory_space<vmem>> -> memref<64xi32, #tpu.memory_space<vmem>>
    %dma_start3A_66 = arith.constant 0 : i32
    %dma_start3A_67 = arith.constant 0 : i32
    %dma_start3A_68 = tpu.memref_slice %arg2[%dma_start3A_66, %dma_start3A_67] : memref<100000x128xf32, #tpu.memory_space<hbm>> -> memref<100000x128xf32, #tpu.memory_space<hbm>>
    tpu.enqueue_indirect_dma source(%dma_start3A_68 : memref<100000x128xf32, #tpu.memory_space<hbm>>) target(%dma_start3A_63 : memref<64x128xf32, #tpu.memory_space<vmem>>) offsets(%dma_start3A_65 : memref<64xi32, #tpu.memory_space<vmem>>) semaphore(%arg21 : memref<!tpu.dma_semaphore, #tpu.memory_space<semaphore_mem>>)
    %dma_start3A_69 = arith.constant 384 : i32
    %dma_start3A_70 = arith.constant 0 : i32
    %dma_start3A_71 = tpu.memref_slice %arg12[%dma_start3A_69, %dma_start3A_70] : memref<512x128xf32, #tpu.memory_space<vmem>> -> memref<64x128xf32, #tpu.memory_space<vmem>>
    %dma_start3A_72 = arith.constant 384 : i32
    %dma_start3A_73 = tpu.memref_slice %arg9[%dma_start3A_72] : memref<4096xi32, #tpu.memory_space<vmem>> -> memref<64xi32, #tpu.memory_space<vmem>>
    %dma_start3A_74 = arith.constant 0 : i32
    %dma_start3A_75 = arith.constant 0 : i32
    %dma_start3A_76 = tpu.memref_slice %arg2[%dma_start3A_74, %dma_start3A_75] : memref<100000x128xf32, #tpu.memory_space<hbm>> -> memref<100000x128xf32, #tpu.memory_space<hbm>>
    tpu.enqueue_indirect_dma source(%dma_start3A_76 : memref<100000x128xf32, #tpu.memory_space<hbm>>) target(%dma_start3A_71 : memref<64x128xf32, #tpu.memory_space<vmem>>) offsets(%dma_start3A_73 : memref<64xi32, #tpu.memory_space<vmem>>) semaphore(%arg22 : memref<!tpu.dma_semaphore, #tpu.memory_space<semaphore_mem>>)
    %dma_start3A_77 = arith.constant 448 : i32
    %dma_start3A_78 = arith.constant 0 : i32
    %dma_start3A_79 = tpu.memref_slice %arg12[%dma_start3A_77, %dma_start3A_78] : memref<512x128xf32, #tpu.memory_space<vmem>> -> memref<64x128xf32, #tpu.memory_space<vmem>>
    %dma_start3A_80 = arith.constant 448 : i32
    %dma_start3A_81 = tpu.memref_slice %arg9[%dma_start3A_80] : memref<4096xi32, #tpu.memory_space<vmem>> -> memref<64xi32, #tpu.memory_space<vmem>>
    %dma_start3A_82 = arith.constant 0 : i32
    %dma_start3A_83 = arith.constant 0 : i32
    %dma_start3A_84 = tpu.memref_slice %arg2[%dma_start3A_82, %dma_start3A_83] : memref<100000x128xf32, #tpu.memory_space<hbm>> -> memref<100000x128xf32, #tpu.memory_space<hbm>>
    tpu.enqueue_indirect_dma source(%dma_start3A_84 : memref<100000x128xf32, #tpu.memory_space<hbm>>) target(%dma_start3A_79 : memref<64x128xf32, #tpu.memory_space<vmem>>) offsets(%dma_start3A_81 : memref<64xi32, #tpu.memory_space<vmem>>) semaphore(%arg23 : memref<!tpu.dma_semaphore, #tpu.memory_space<semaphore_mem>>)
    %scan3A = arith.constant 0 : i32
    %scan3A_85 = arith.constant 8 : i32
    %scan3A_86 = arith.addi %scan3A, %scan3A_85 : i32
    %scan3A_87 = arith.constant 1 : i32
    scf.for %scan3A_123 = %scan3A to %scan3A_86 step %scan3A_87  : i32 {
      %mul3A_124 = arith.constant 8 : i32
      %mul3A_125 = arith.muli %scan3A_123, %mul3A_124 : i32
      %add3A_126 = arith.constant 0 : i32
      %add3A_127 = arith.addi %add3A_126, %mul3A_125 : i32
      %dma_wait3A_128 = arith.constant 0 : i32
      %dma_wait3A_129 = arith.constant 0 : i32
      %dma_wait3A_130 = tpu.memref_slice %arg12[%dma_wait3A_128, %dma_wait3A_129] : memref<512x128xf32, #tpu.memory_space<vmem>> -> memref<64x128xf32, #tpu.memory_space<vmem>>
      %dma_wait3A_131 = arith.constant 0 : i32
      %dma_wait3A_132 = tpu.memref_slice %arg9[%dma_wait3A_131] : memref<4096xi32, #tpu.memory_space<vmem>> -> memref<64xi32, #tpu.memory_space<vmem>>
      %dma_wait3A_133 = arith.constant 0 : i32
      %dma_wait3A_134 = arith.constant 0 : i32
      %dma_wait3A_135 = tpu.memref_slice %arg2[%dma_wait3A_133, %dma_wait3A_134] : memref<100000x128xf32, #tpu.memory_space<hbm>> -> memref<100000x128xf32, #tpu.memory_space<hbm>>
      tpu.wait_indirect_dma semaphore(%arg16 : memref<!tpu.dma_semaphore, #tpu.memory_space<semaphore_mem>>) src(%dma_wait3A_135 : memref<100000x128xf32, #tpu.memory_space<hbm>>) dst(%dma_wait3A_130 : memref<64x128xf32, #tpu.memory_space<vmem>>)
      %add3A_136 = arith.constant 0 : i32
      %add3A_137 = arith.addi %add3A_127, %add3A_136 : i32
      %mul3A_138 = arith.constant 1 : i32
      %mul3A_139 = arith.muli %add3A_137, %mul3A_138 : i32
      %scan3A_140 = arith.constant 0 : i32
      %scan3A_141 = arith.constant 8 : i32
      %scan3A_142 = arith.addi %scan3A_140, %scan3A_141 : i32
      %scan3A_143 = arith.constant 1 : i32
      scf.for %scan3A_333 = %scan3A_140 to %scan3A_142 step %scan3A_143  : i32 {
        %mul3A_334 = arith.constant 1 : i32
        %mul3A_335 = arith.muli %scan3A_333, %mul3A_334 : i32
        %add3A_336 = arith.constant 0 : i32
        %add3A_337 = arith.addi %add3A_336, %mul3A_335 : i32
        %mul3A_338 = arith.constant 16 : i32
        %mul3A_339 = arith.muli %add3A_337, %mul3A_338 : i32
        %get3A = arith.constant 0 : i32
        %get3A_340 = arith.index_cast %get3A : i32 to index
        %get3A_341 = arith.index_cast %mul3A_339 : i32 to index
        %get3A_342 = tpu.vector_load %arg12[%get3A_340, %get3A_341] {strides = array<i32>} : memref<512x128xf32, #tpu.memory_space<vmem>>, vector<1x16xf32>,
        %get3A_343 = vector.shape_cast %get3A_342 : vector<1x16xf32> to vector<16xf32>
        %get3A_344 = arith.constant 1 : i32
        %get3A_345 = arith.index_cast %get3A_344 : i32 to index
        %get3A_346 = arith.index_cast %mul3A_339 : i32 to index
        %get3A_347 = tpu.vector_load %arg12[%get3A_345, %get3A_346] {strides = array<i32>} : memref<512x128xf32, #tpu.memory_space<vmem>>, vector<1x16xf32>,
        %get3A_348 = vector.shape_cast %get3A_347 : vector<1x16xf32> to vector<16xf32>
        %get3A_349 = arith.constant 2 : i32
        %get3A_350 = arith.index_cast %get3A_349 : i32 to index
        %get3A_351 = arith.index_cast %mul3A_339 : i32 to index
        %get3A_352 = tpu.vector_load %arg12[%get3A_350, %get3A_351] {strides = array<i32>} : memref<512x128xf32, #tpu.memory_space<vmem>>, vector<1x16xf32>,
        %get3A_353 = vector.shape_cast %get3A_352 : vector<1x16xf32> to vector<16xf32>
        %get3A_354 = arith.constant 3 : i32
        %get3A_355 = arith.index_cast %get3A_354 : i32 to index
        %get3A_356 = arith.index_cast %mul3A_339 : i32 to index
        %get3A_357 = tpu.vector_load %arg12[%get3A_355, %get3A_356] {strides = array<i32>} : memref<512x128xf32, #tpu.memory_space<vmem>>, vector<1x16xf32>,
        %get3A_358 = vector.shape_cast %get3A_357 : vector<1x16xf32> to vector<16xf32>
        %get3A_359 = arith.constant 4 : i32
        %get3A_360 = arith.index_cast %get3A_359 : i32 to index
        %get3A_361 = arith.index_cast %mul3A_339 : i32 to index
        %get3A_362 = tpu.vector_load %arg12[%get3A_360, %get3A_361] {strides = array<i32>} : memref<512x128xf32, #tpu.memory_space<vmem>>, vector<1x16xf32>,
        %get3A_363 = vector.shape_cast %get3A_362 : vector<1x16xf32> to vector<16xf32>
        %add3A_364 = arith.addf %get3A_343, %get3A_363 : vector<16xf32>
        %get3A_365 = arith.constant 5 : i32
        %get3A_366 = arith.index_cast %get3A_365 : i32 to index
        %get3A_367 = arith.index_cast %mul3A_339 : i32 to index
        %get3A_368 = tpu.vector_load %arg12[%get3A_366, %get3A_367] {strides = array<i32>} : memref<512x128xf32, #tpu.memory_space<vmem>>, vector<1x16xf32>,
        %get3A_369 = vector.shape_cast %get3A_368 : vector<1x16xf32> to vector<16xf32>
        %add3A_370 = arith.addf %get3A_348, %get3A_369 : vector<16xf32>
        %get3A_371 = arith.constant 6 : i32
        %get3A_372 = arith.index_cast %get3A_371 : i32 to index
        %get3A_373 = arith.index_cast %mul3A_339 : i32 to index
        %get3A_374 = tpu.vector_load %arg12[%get3A_372, %get3A_373] {strides = array<i32>} : memref<512x128xf32, #tpu.memory_space<vmem>>, vector<1x16xf32>,
        %get3A_375 = vector.shape_cast %get3A_374 : vector<1x16xf32> to vector<16xf32>
        %add3A_376 = arith.addf %get3A_353, %get3A_375 : vector<16xf32>
        %get3A_377 = arith.constant 7 : i32
        %get3A_378 = arith.index_cast %get3A_377 : i32 to index
        %get3A_379 = arith.index_cast %mul3A_339 : i32 to index
        %get3A_380 = tpu.vector_load %arg12[%get3A_378, %get3A_379] {strides = array<i32>} : memref<512x128xf32, #tpu.memory_space<vmem>>, vector<1x16xf32>,
        %get3A_381 = vector.shape_cast %get3A_380 : vector<1x16xf32> to vector<16xf32>
        %add3A_382 = arith.addf %get3A_358, %get3A_381 : vector<16xf32>
        %get3A_383 = arith.constant 8 : i32
        %get3A_384 = arith.index_cast %get3A_383 : i32 to index
        %get3A_385 = arith.index_cast %mul3A_339 : i32 to index
        %get3A_386 = tpu.vector_load %arg12[%get3A_384, %get3A_385] {strides = array<i32>} : memref<512x128xf32, #tpu.memory_space<vmem>>, vector<1x16xf32>,
        %get3A_387 = vector.shape_cast %get3A_386 : vector<1x16xf32> to vector<16xf32>
        %add3A_388 = arith.addf %add3A_364, %get3A_387 : vector<16xf32>
        %get3A_389 = arith.constant 9 : i32
        %get3A_390 = arith.index_cast %get3A_389 : i32 to index
        %get3A_391 = arith.index_cast %mul3A_339 : i32 to index
        %get3A_392 = tpu.vector_load %arg12[%get3A_390, %get3A_391] {strides = array<i32>} : memref<512x128xf32, #tpu.memory_space<vmem>>, vector<1x16xf32>,
        %get3A_393 = vector.shape_cast %get3A_392 : vector<1x16xf32> to vector<16xf32>
        %add3A_394 = arith.addf %add3A_370, %get3A_393 : vector<16xf32>
        %get3A_395 = arith.constant 10 : i32
        %get3A_396 = arith.index_cast %get3A_395 : i32 to index
        %get3A_397 = arith.index_cast %mul3A_339 : i32 to index
        %get3A_398 = tpu.vector_load %arg12[%get3A_396, %get3A_397] {strides = array<i32>} : memref<512x128xf32, #tpu.memory_space<vmem>>, vector<1x16xf32>,
        %get3A_399 = vector.shape_cast %get3A_398 : vector<1x16xf32> to vector<16xf32>
        %add3A_400 = arith.addf %add3A_376, %get3A_399 : vector<16xf32>
        %get3A_401 = arith.constant 11 : i32
        %get3A_402 = arith.index_cast %get3A_401 : i32 to index
        %get3A_403 = arith.index_cast %mul3A_339 : i32 to index
        %get3A_404 = tpu.vector_load %arg12[%get3A_402, %get3A_403] {strides = array<i32>} : memref<512x128xf32, #tpu.memory_space<vmem>>, vector<1x16xf32>,
        %get3A_405 = vector.shape_cast %get3A_404 : vector<1x16xf32> to vector<16xf32>
        %add3A_406 = arith.addf %add3A_382, %get3A_405 : vector<16xf32>
        %get3A_407 = arith.constant 12 : i32
        %get3A_408 = arith.index_cast %get3A_407 : i32 to index
        %get3A_409 = arith.index_cast %mul3A_339 : i32 to index
        %get3A_410 = tpu.vector_load %arg12[%get3A_408, %get3A_409] {strides = array<i32>} : memref<512x128xf32, #tpu.memory_space<vmem>>, vector<1x16xf32>,
        %get3A_411 = vector.shape_cast %get3A_410 : vector<1x16xf32> to vector<16xf32>
        %add3A_412 = arith.addf %add3A_388, %get3A_411 : vector<16xf32>
        %get3A_413 = arith.constant 13 : i32
        %get3A_414 = arith.index_cast %get3A_413 : i32 to index
        %get3A_415 = arith.index_cast %mul3A_339 : i32 to index
        %get3A_416 = tpu.vector_load %arg12[%get3A_414, %get3A_415] {strides = array<i32>} : memref<512x128xf32, #tpu.memory_space<vmem>>, vector<1x16xf32>,
        %get3A_417 = vector.shape_cast %get3A_416 : vector<1x16xf32> to vector<16xf32>
        %add3A_418 = arith.addf %add3A_394, %get3A_417 : vector<16xf32>
        %get3A_419 = arith.constant 14 : i32
        %get3A_420 = arith.index_cast %get3A_419 : i32 to index
        %get3A_421 = arith.index_cast %mul3A_339 : i32 to index
        %get3A_422 = tpu.vector_load %arg12[%get3A_420, %get3A_421] {strides = array<i32>} : memref<512x128xf32, #tpu.memory_space<vmem>>, vector<1x16xf32>,
        %get3A_423 = vector.shape_cast %get3A_422 : vector<1x16xf32> to vector<16xf32>
        %add3A_424 = arith.addf %add3A_400, %get3A_423 : vector<16xf32>
        %get3A_425 = arith.constant 15 : i32
        %get3A_426 = arith.index_cast %get3A_425 : i32 to index
        %get3A_427 = arith.index_cast %mul3A_339 : i32 to index
        %get3A_428 = tpu.vector_load %arg12[%get3A_426, %get3A_427] {strides = array<i32>} : memref<512x128xf32, #tpu.memory_space<vmem>>, vector<1x16xf32>,
        %get3A_429 = vector.shape_cast %get3A_428 : vector<1x16xf32> to vector<16xf32>
        %add3A_430 = arith.addf %add3A_406, %get3A_429 : vector<16xf32>
        %get3A_431 = arith.constant 16 : i32
        %get3A_432 = arith.index_cast %get3A_431 : i32 to index
        %get3A_433 = arith.index_cast %mul3A_339 : i32 to index
        %get3A_434 = tpu.vector_load %arg12[%get3A_432, %get3A_433] {strides = array<i32>} : memref<512x128xf32, #tpu.memory_space<vmem>>, vector<1x16xf32>,
        %get3A_435 = vector.shape_cast %get3A_434 : vector<1x16xf32> to vector<16xf32>
        %add3A_436 = arith.addf %add3A_412, %get3A_435 : vector<16xf32>
        %get3A_437 = arith.constant 17 : i32
        %get3A_438 = arith.index_cast %get3A_437 : i32 to index
        %get3A_439 = arith.index_cast %mul3A_339 : i32 to index
        %get3A_440 = tpu.vector_load %arg12[%get3A_438, %get3A_439] {strides = array<i32>} : memref<512x128xf32, #tpu.memory_space<vmem>>, vector<1x16xf32>,
        %get3A_441 = vector.shape_cast %get3A_440 : vector<1x16xf32> to vector<16xf32>
        %add3A_442 = arith.addf %add3A_418, %get3A_441 : vector<16xf32>
        %get3A_443 = arith.constant 18 : i32
        %get3A_444 = arith.index_cast %get3A_443 : i32 to index
        %get3A_445 = arith.index_cast %mul3A_339 : i32 to index
        %get3A_446 = tpu.vector_load %arg12[%get3A_444, %get3A_445] {strides = array<i32>} : memref<512x128xf32, #tpu.memory_space<vmem>>, vector<1x16xf32>,
        %get3A_447 = vector.shape_cast %get3A_446 : vector<1x16xf32> to vector<16xf32>
        %add3A_448 = arith.addf %add3A_424, %get3A_447 : vector<16xf32>
        %get3A_449 = arith.constant 19 : i32
        %get3A_450 = arith.index_cast %get3A_449 : i32 to index
        %get3A_451 = arith.index_cast %mul3A_339 : i32 to index
        %get3A_452 = tpu.vector_load %arg12[%get3A_450, %get3A_451] {strides = array<i32>} : memref<512x128xf32, #tpu.memory_space<vmem>>, vector<1x16xf32>,
        %get3A_453 = vector.shape_cast %get3A_452 : vector<1x16xf32> to vector<16xf32>
        %add3A_454 = arith.addf %add3A_430, %get3A_453 : vector<16xf32>
        %get3A_455 = arith.constant 20 : i32
        %get3A_456 = arith.index_cast %get3A_455 : i32 to index
        %get3A_457 = arith.index_cast %mul3A_339 : i32 to index
        %get3A_458 = tpu.vector_load %arg12[%get3A_456, %get3A_457] {strides = array<i32>} : memref<512x128xf32, #tpu.memory_space<vmem>>, vector<1x16xf32>,
        %get3A_459 = vector.shape_cast %get3A_458 : vector<1x16xf32> to vector<16xf32>
        %add3A_460 = arith.addf %add3A_436, %get3A_459 : vector<16xf32>
        %get3A_461 = arith.constant 21 : i32
        %get3A_462 = arith.index_cast %get3A_461 : i32 to index
        %get3A_463 = arith.index_cast %mul3A_339 : i32 to index
        %get3A_464 = tpu.vector_load %arg12[%get3A_462, %get3A_463] {strides = array<i32>} : memref<512x128xf32, #tpu.memory_space<vmem>>, vector<1x16xf32>,
        %get3A_465 = vector.shape_cast %get3A_464 : vector<1x16xf32> to vector<16xf32>
        %add3A_466 = arith.addf %add3A_442, %get3A_465 : vector<16xf32>
        %get3A_467 = arith.constant 22 : i32
        %get3A_468 = arith.index_cast %get3A_467 : i32 to index
        %get3A_469 = arith.index_cast %mul3A_339 : i32 to index
        %get3A_470 = tpu.vector_load %arg12[%get3A_468, %get3A_469] {strides = array<i32>} : memref<512x128xf32, #tpu.memory_space<vmem>>, vector<1x16xf32>,
        %get3A_471 = vector.shape_cast %get3A_470 : vector<1x16xf32> to vector<16xf32>
        %add3A_472 = arith.addf %add3A_448, %get3A_471 : vector<16xf32>
        %get3A_473 = arith.constant 23 : i32
        %get3A_474 = arith.index_cast %get3A_473 : i32 to index
        %get3A_475 = arith.index_cast %mul3A_339 : i32 to index
        %get3A_476 = tpu.vector_load %arg12[%get3A_474, %get3A_475] {strides = array<i32>} : memref<512x128xf32, #tpu.memory_space<vmem>>, vector<1x16xf32>,
        %get3A_477 = vector.shape_cast %get3A_476 : vector<1x16xf32> to vector<16xf32>
        %add3A_478 = arith.addf %add3A_454, %get3A_477 : vector<16xf32>
        %get3A_479 = arith.constant 24 : i32
        %get3A_480 = arith.index_cast %get3A_479 : i32 to index
        %get3A_481 = arith.index_cast %mul3A_339 : i32 to index
        %get3A_482 = tpu.vector_load %arg12[%get3A_480, %get3A_481] {strides = array<i32>} : memref<512x128xf32, #tpu.memory_space<vmem>>, vector<1x16xf32>,
        %get3A_483 = vector.shape_cast %get3A_482 : vector<1x16xf32> to vector<16xf32>
        %add3A_484 = arith.addf %add3A_460, %get3A_483 : vector<16xf32>
        %get3A_485 = arith.constant 25 : i32
        %get3A_486 = arith.index_cast %get3A_485 : i32 to index
        %get3A_487 = arith.index_cast %mul3A_339 : i32 to index
        %get3A_488 = tpu.vector_load %arg12[%get3A_486, %get3A_487] {strides = array<i32>} : memref<512x128xf32, #tpu.memory_space<vmem>>, vector<1x16xf32>,
        %get3A_489 = vector.shape_cast %get3A_488 : vector<1x16xf32> to vector<16xf32>
        %add3A_490 = arith.addf %add3A_466, %get3A_489 : vector<16xf32>
        %get3A_491 = arith.constant 26 : i32
        %get3A_492 = arith.index_cast %get3A_491 : i32 to index
        %get3A_493 = arith.index_cast %mul3A_339 : i32 to index
        %get3A_494 = tpu.vector_load %arg12[%get3A_492, %get3A_493] {strides = array<i32>} : memref<512x128xf32, #tpu.memory_space<vmem>>, vector<1x16xf32>,
        %get3A_495 = vector.shape_cast %get3A_494 : vector<1x16xf32> to vector<16xf32>
        %add3A_496 = arith.addf %add3A_472, %get3A_495 : vector<16xf32>
        %get3A_497 = arith.constant 27 : i32
        %get3A_498 = arith.index_cast %get3A_497 : i32 to index
        %get3A_499 = arith.index_cast %mul3A_339 : i32 to index
        %get3A_500 = tpu.vector_load %arg12[%get3A_498, %get3A_499] {strides = array<i32>} : memref<512x128xf32, #tpu.memory_space<vmem>>, vector<1x16xf32>,
        %get3A_501 = vector.shape_cast %get3A_500 : vector<1x16xf32> to vector<16xf32>
        %add3A_502 = arith.addf %add3A_478, %get3A_501 : vector<16xf32>
        %get3A_503 = arith.constant 28 : i32
        %get3A_504 = arith.index_cast %get3A_503 : i32 to index
        %get3A_505 = arith.index_cast %mul3A_339 : i32 to index
        %get3A_506 = tpu.vector_load %arg12[%get3A_504, %get3A_505] {strides = array<i32>} : memref<512x128xf32, #tpu.memory_space<vmem>>, vector<1x16xf32>,
        %get3A_507 = vector.shape_cast %get3A_506 : vector<1x16xf32> to vector<16xf32>
        %add3A_508 = arith.addf %add3A_484, %get3A_507 : vector<16xf32>
        %get3A_509 = arith.constant 29 : i32
        %get3A_510 = arith.index_cast %get3A_509 : i32 to index
        %get3A_511 = arith.index_cast %mul3A_339 : i32 to index
        %get3A_512 = tpu.vector_load %arg12[%get3A_510, %get3A_511] {strides = array<i32>} : memref<512x128xf32, #tpu.memory_space<vmem>>, vector<1x16xf32>,
        %get3A_513 = vector.shape_cast %get3A_512 : vector<1x16xf32> to vector<16xf32>
        %add3A_514 = arith.addf %add3A_490, %get3A_513 : vector<16xf32>
        %get3A_515 = arith.constant 30 : i32
        %get3A_516 = arith.index_cast %get3A_515 : i32 to index
        %get3A_517 = arith.index_cast %mul3A_339 : i32 to index
        %get3A_518 = tpu.vector_load %arg12[%get3A_516, %get3A_517] {strides = array<i32>} : memref<512x128xf32, #tpu.memory_space<vmem>>, vector<1x16xf32>,
        %get3A_519 = vector.shape_cast %get3A_518 : vector<1x16xf32> to vector<16xf32>
        %add3A_520 = arith.addf %add3A_496, %get3A_519 : vector<16xf32>
        %get3A_521 = arith.constant 31 : i32
        %get3A_522 = arith.index_cast %get3A_521 : i32 to index
        %get3A_523 = arith.index_cast %mul3A_339 : i32 to index
        %get3A_524 = tpu.vector_load %arg12[%get3A_522, %get3A_523] {strides = array<i32>} : memref<512x128xf32, #tpu.memory_space<vmem>>, vector<1x16xf32>,
        %get3A_525 = vector.shape_cast %get3A_524 : vector<1x16xf32> to vector<16xf32>
        %add3A_526 = arith.addf %add3A_502, %get3A_525 : vector<16xf32>
        %get3A_527 = arith.constant 32 : i32
        %get3A_528 = arith.index_cast %get3A_527 : i32 to index
        %get3A_529 = arith.index_cast %mul3A_339 : i32 to index
        %get3A_530 = tpu.vector_load %arg12[%get3A_528, %get3A_529] {strides = array<i32>} : memref<512x128xf32, #tpu.memory_space<vmem>>, vector<1x16xf32>,
        %get3A_531 = vector.shape_cast %get3A_530 : vector<1x16xf32> to vector<16xf32>
        %add3A_532 = arith.addf %add3A_508, %get3A_531 : vector<16xf32>
        %get3A_533 = arith.constant 33 : i32
        %get3A_534 = arith.index_cast %get3A_533 : i32 to index
        %get3A_535 = arith.index_cast %mul3A_339 : i32 to index
        %get3A_536 = tpu.vector_load %arg12[%get3A_534, %get3A_535] {strides = array<i32>} : memref<512x128xf32, #tpu.memory_space<vmem>>, vector<1x16xf32>,
        %get3A_537 = vector.shape_cast %get3A_536 : vector<1x16xf32> to vector<16xf32>
        %add3A_538 = arith.addf %add3A_514, %get3A_537 : vector<16xf32>
        %get3A_539 = arith.constant 34 : i32
        %get3A_540 = arith.index_cast %get3A_539 : i32 to index
        %get3A_541 = arith.index_cast %mul3A_339 : i32 to index
        %get3A_542 = tpu.vector_load %arg12[%get3A_540, %get3A_541] {strides = array<i32>} : memref<512x128xf32, #tpu.memory_space<vmem>>, vector<1x16xf32>,
        %get3A_543 = vector.shape_cast %get3A_542 : vector<1x16xf32> to vector<16xf32>
        %add3A_544 = arith.addf %add3A_520, %get3A_543 : vector<16xf32>
        %get3A_545 = arith.constant 35 : i32
        %get3A_546 = arith.index_cast %get3A_545 : i32 to index
        %get3A_547 = arith.index_cast %mul3A_339 : i32 to index
        %get3A_548 = tpu.vector_load %arg12[%get3A_546, %get3A_547] {strides = array<i32>} : memref<512x128xf32, #tpu.memory_space<vmem>>, vector<1x16xf32>,
        %get3A_549 = vector.shape_cast %get3A_548 : vector<1x16xf32> to vector<16xf32>
        %add3A_550 = arith.addf %add3A_526, %get3A_549 : vector<16xf32>
        %get3A_551 = arith.constant 36 : i32
        %get3A_552 = arith.index_cast %get3A_551 : i32 to index
        %get3A_553 = arith.index_cast %mul3A_339 : i32 to index
        %get3A_554 = tpu.vector_load %arg12[%get3A_552, %get3A_553] {strides = array<i32>} : memref<512x128xf32, #tpu.memory_space<vmem>>, vector<1x16xf32>,
        %get3A_555 = vector.shape_cast %get3A_554 : vector<1x16xf32> to vector<16xf32>
        %add3A_556 = arith.addf %add3A_532, %get3A_555 : vector<16xf32>
        %get3A_557 = arith.constant 37 : i32
        %get3A_558 = arith.index_cast %get3A_557 : i32 to index
        %get3A_559 = arith.index_cast %mul3A_339 : i32 to index
        %get3A_560 = tpu.vector_load %arg12[%get3A_558, %get3A_559] {strides = array<i32>} : memref<512x128xf32, #tpu.memory_space<vmem>>, vector<1x16xf32>,
        %get3A_561 = vector.shape_cast %get3A_560 : vector<1x16xf32> to vector<16xf32>
        %add3A_562 = arith.addf %add3A_538, %get3A_561 : vector<16xf32>
        %get3A_563 = arith.constant 38 : i32
        %get3A_564 = arith.index_cast %get3A_563 : i32 to index
        %get3A_565 = arith.index_cast %mul3A_339 : i32 to index
        %get3A_566 = tpu.vector_load %arg12[%get3A_564, %get3A_565] {strides = array<i32>} : memref<512x128xf32, #tpu.memory_space<vmem>>, vector<1x16xf32>,
        %get3A_567 = vector.shape_cast %get3A_566 : vector<1x16xf32> to vector<16xf32>
        %add3A_568 = arith.addf %add3A_544, %get3A_567 : vector<16xf32>
        %get3A_569 = arith.constant 39 : i32
        %get3A_570 = arith.index_cast %get3A_569 : i32 to index
        %get3A_571 = arith.index_cast %mul3A_339 : i32 to index
        %get3A_572 = tpu.vector_load %arg12[%get3A_570, %get3A_571] {strides = array<i32>} : memref<512x128xf32, #tpu.memory_space<vmem>>, vector<1x16xf32>,
        %get3A_573 = vector.shape_cast %get3A_572 : vector<1x16xf32> to vector<16xf32>
        %add3A_574 = arith.addf %add3A_550, %get3A_573 : vector<16xf32>
        %get3A_575 = arith.constant 40 : i32
        %get3A_576 = arith.index_cast %get3A_575 : i32 to index
        %get3A_577 = arith.index_cast %mul3A_339 : i32 to index
        %get3A_578 = tpu.vector_load %arg12[%get3A_576, %get3A_577] {strides = array<i32>} : memref<512x128xf32, #tpu.memory_space<vmem>>, vector<1x16xf32>,
        %get3A_579 = vector.shape_cast %get3A_578 : vector<1x16xf32> to vector<16xf32>
        %add3A_580 = arith.addf %add3A_556, %get3A_579 : vector<16xf32>
        %get3A_581 = arith.constant 41 : i32
        %get3A_582 = arith.index_cast %get3A_581 : i32 to index
        %get3A_583 = arith.index_cast %mul3A_339 : i32 to index
        %get3A_584 = tpu.vector_load %arg12[%get3A_582, %get3A_583] {strides = array<i32>} : memref<512x128xf32, #tpu.memory_space<vmem>>, vector<1x16xf32>,
        %get3A_585 = vector.shape_cast %get3A_584 : vector<1x16xf32> to vector<16xf32>
        %add3A_586 = arith.addf %add3A_562, %get3A_585 : vector<16xf32>
        %get3A_587 = arith.constant 42 : i32
        %get3A_588 = arith.index_cast %get3A_587 : i32 to index
        %get3A_589 = arith.index_cast %mul3A_339 : i32 to index
        %get3A_590 = tpu.vector_load %arg12[%get3A_588, %get3A_589] {strides = array<i32>} : memref<512x128xf32, #tpu.memory_space<vmem>>, vector<1x16xf32>,
        %get3A_591 = vector.shape_cast %get3A_590 : vector<1x16xf32> to vector<16xf32>
        %add3A_592 = arith.addf %add3A_568, %get3A_591 : vector<16xf32>
        %get3A_593 = arith.constant 43 : i32
        %get3A_594 = arith.index_cast %get3A_593 : i32 to index
        %get3A_595 = arith.index_cast %mul3A_339 : i32 to index
        %get3A_596 = tpu.vector_load %arg12[%get3A_594, %get3A_595] {strides = array<i32>} : memref<512x128xf32, #tpu.memory_space<vmem>>, vector<1x16xf32>,
        %get3A_597 = vector.shape_cast %get3A_596 : vector<1x16xf32> to vector<16xf32>
        %add3A_598 = arith.addf %add3A_574, %get3A_597 : vector<16xf32>
        %get3A_599 = arith.constant 44 : i32
        %get3A_600 = arith.index_cast %get3A_599 : i32 to index
        %get3A_601 = arith.index_cast %mul3A_339 : i32 to index
        %get3A_602 = tpu.vector_load %arg12[%get3A_600, %get3A_601] {strides = array<i32>} : memref<512x128xf32, #tpu.memory_space<vmem>>, vector<1x16xf32>,
        %get3A_603 = vector.shape_cast %get3A_602 : vector<1x16xf32> to vector<16xf32>
        %add3A_604 = arith.addf %add3A_580, %get3A_603 : vector<16xf32>
        %get3A_605 = arith.constant 45 : i32
        %get3A_606 = arith.index_cast %get3A_605 : i32 to index
        %get3A_607 = arith.index_cast %mul3A_339 : i32 to index
        %get3A_608 = tpu.vector_load %arg12[%get3A_606, %get3A_607] {strides = array<i32>} : memref<512x128xf32, #tpu.memory_space<vmem>>, vector<1x16xf32>,
        %get3A_609 = vector.shape_cast %get3A_608 : vector<1x16xf32> to vector<16xf32>
        %add3A_610 = arith.addf %add3A_586, %get3A_609 : vector<16xf32>
        %get3A_611 = arith.constant 46 : i32
        %get3A_612 = arith.index_cast %get3A_611 : i32 to index
        %get3A_613 = arith.index_cast %mul3A_339 : i32 to index
        %get3A_614 = tpu.vector_load %arg12[%get3A_612, %get3A_613] {strides = array<i32>} : memref<512x128xf32, #tpu.memory_space<vmem>>, vector<1x16xf32>,
        %get3A_615 = vector.shape_cast %get3A_614 : vector<1x16xf32> to vector<16xf32>
        %add3A_616 = arith.addf %add3A_592, %get3A_615 : vector<16xf32>
        %get3A_617 = arith.constant 47 : i32
        %get3A_618 = arith.index_cast %get3A_617 : i32 to index
        %get3A_619 = arith.index_cast %mul3A_339 : i32 to index
        %get3A_620 = tpu.vector_load %arg12[%get3A_618, %get3A_619] {strides = array<i32>} : memref<512x128xf32, #tpu.memory_space<vmem>>, vector<1x16xf32>,
        %get3A_621 = vector.shape_cast %get3A_620 : vector<1x16xf32> to vector<16xf32>
        %add3A_622 = arith.addf %add3A_598, %get3A_621 : vector<16xf32>
        %get3A_623 = arith.constant 48 : i32
        %get3A_624 = arith.index_cast %get3A_623 : i32 to index
        %get3A_625 = arith.index_cast %mul3A_339 : i32 to index
        %get3A_626 = tpu.vector_load %arg12[%get3A_624, %get3A_625] {strides = array<i32>} : memref<512x128xf32, #tpu.memory_space<vmem>>, vector<1x16xf32>,
        %get3A_627 = vector.shape_cast %get3A_626 : vector<1x16xf32> to vector<16xf32>
        %add3A_628 = arith.addf %add3A_604, %get3A_627 : vector<16xf32>
        %get3A_629 = arith.constant 49 : i32
        %get3A_630 = arith.index_cast %get3A_629 : i32 to index
        %get3A_631 = arith.index_cast %mul3A_339 : i32 to index
        %get3A_632 = tpu.vector_load %arg12[%get3A_630, %get3A_631] {strides = array<i32>} : memref<512x128xf32, #tpu.memory_space<vmem>>, vector<1x16xf32>,
        %get3A_633 = vector.shape_cast %get3A_632 : vector<1x16xf32> to vector<16xf32>
        %add3A_634 = arith.addf %add3A_610, %get3A_633 : vector<16xf32>
        %get3A_635 = arith.constant 50 : i32
        %get3A_636 = arith.index_cast %get3A_635 : i32 to index
        %get3A_637 = arith.index_cast %mul3A_339 : i32 to index
        %get3A_638 = tpu.vector_load %arg12[%get3A_636, %get3A_637] {strides = array<i32>} : memref<512x128xf32, #tpu.memory_space<vmem>>, vector<1x16xf32>,
        %get3A_639 = vector.shape_cast %get3A_638 : vector<1x16xf32> to vector<16xf32>
        %add3A_640 = arith.addf %add3A_616, %get3A_639 : vector<16xf32>
        %get3A_641 = arith.constant 51 : i32
        %get3A_642 = arith.index_cast %get3A_641 : i32 to index
        %get3A_643 = arith.index_cast %mul3A_339 : i32 to index
        %get3A_644 = tpu.vector_load %arg12[%get3A_642, %get3A_643] {strides = array<i32>} : memref<512x128xf32, #tpu.memory_space<vmem>>, vector<1x16xf32>,
        %get3A_645 = vector.shape_cast %get3A_644 : vector<1x16xf32> to vector<16xf32>
        %add3A_646 = arith.addf %add3A_622, %get3A_645 : vector<16xf32>
        %get3A_647 = arith.constant 52 : i32
        %get3A_648 = arith.index_cast %get3A_647 : i32 to index
        %get3A_649 = arith.index_cast %mul3A_339 : i32 to index
        %get3A_650 = tpu.vector_load %arg12[%get3A_648, %get3A_649] {strides = array<i32>} : memref<512x128xf32, #tpu.memory_space<vmem>>, vector<1x16xf32>,
        %get3A_651 = vector.shape_cast %get3A_650 : vector<1x16xf32> to vector<16xf32>
        %add3A_652 = arith.addf %add3A_628, %get3A_651 : vector<16xf32>
        %get3A_653 = arith.constant 53 : i32
        %get3A_654 = arith.index_cast %get3A_653 : i32 to index
        %get3A_655 = arith.index_cast %mul3A_339 : i32 to index
        %get3A_656 = tpu.vector_load %arg12[%get3A_654, %get3A_655] {strides = array<i32>} : memref<512x128xf32, #tpu.memory_space<vmem>>, vector<1x16xf32>,
        %get3A_657 = vector.shape_cast %get3A_656 : vector<1x16xf32> to vector<16xf32>
        %add3A_658 = arith.addf %add3A_634, %get3A_657 : vector<16xf32>
        %get3A_659 = arith.constant 54 : i32
        %get3A_660 = arith.index_cast %get3A_659 : i32 to index
        %get3A_661 = arith.index_cast %mul3A_339 : i32 to index
        %get3A_662 = tpu.vector_load %arg12[%get3A_660, %get3A_661] {strides = array<i32>} : memref<512x128xf32, #tpu.memory_space<vmem>>, vector<1x16xf32>,
        %get3A_663 = vector.shape_cast %get3A_662 : vector<1x16xf32> to vector<16xf32>
        %add3A_664 = arith.addf %add3A_640, %get3A_663 : vector<16xf32>
        %get3A_665 = arith.constant 55 : i32
        %get3A_666 = arith.index_cast %get3A_665 : i32 to index
        %get3A_667 = arith.index_cast %mul3A_339 : i32 to index
        %get3A_668 = tpu.vector_load %arg12[%get3A_666, %get3A_667] {strides = array<i32>} : memref<512x128xf32, #tpu.memory_space<vmem>>, vector<1x16xf32>,
        %get3A_669 = vector.shape_cast %get3A_668 : vector<1x16xf32> to vector<16xf32>
        %add3A_670 = arith.addf %add3A_646, %get3A_669 : vector<16xf32>
        %get3A_671 = arith.constant 56 : i32
        %get3A_672 = arith.index_cast %get3A_671 : i32 to index
        %get3A_673 = arith.index_cast %mul3A_339 : i32 to index
        %get3A_674 = tpu.vector_load %arg12[%get3A_672, %get3A_673] {strides = array<i32>} : memref<512x128xf32, #tpu.memory_space<vmem>>, vector<1x16xf32>,
        %get3A_675 = vector.shape_cast %get3A_674 : vector<1x16xf32> to vector<16xf32>
        %add3A_676 = arith.addf %add3A_652, %get3A_675 : vector<16xf32>
        %get3A_677 = arith.constant 57 : i32
        %get3A_678 = arith.index_cast %get3A_677 : i32 to index
        %get3A_679 = arith.index_cast %mul3A_339 : i32 to index
        %get3A_680 = tpu.vector_load %arg12[%get3A_678, %get3A_679] {strides = array<i32>} : memref<512x128xf32, #tpu.memory_space<vmem>>, vector<1x16xf32>,
        %get3A_681 = vector.shape_cast %get3A_680 : vector<1x16xf32> to vector<16xf32>
        %add3A_682 = arith.addf %add3A_658, %get3A_681 : vector<16xf32>
        %get3A_683 = arith.constant 58 : i32
        %get3A_684 = arith.index_cast %get3A_683 : i32 to index
        %get3A_685 = arith.index_cast %mul3A_339 : i32 to index
        %get3A_686 = tpu.vector_load %arg12[%get3A_684, %get3A_685] {strides = array<i32>} : memref<512x128xf32, #tpu.memory_space<vmem>>, vector<1x16xf32>,
        %get3A_687 = vector.shape_cast %get3A_686 : vector<1x16xf32> to vector<16xf32>
        %add3A_688 = arith.addf %add3A_664, %get3A_687 : vector<16xf32>
        %get3A_689 = arith.constant 59 : i32
        %get3A_690 = arith.index_cast %get3A_689 : i32 to index
        %get3A_691 = arith.index_cast %mul3A_339 : i32 to index
        %get3A_692 = tpu.vector_load %arg12[%get3A_690, %get3A_691] {strides = array<i32>} : memref<512x128xf32, #tpu.memory_space<vmem>>, vector<1x16xf32>,
        %get3A_693 = vector.shape_cast %get3A_692 : vector<1x16xf32> to vector<16xf32>
        %add3A_694 = arith.addf %add3A_670, %get3A_693 : vector<16xf32>
        %get3A_695 = arith.constant 60 : i32
        %get3A_696 = arith.index_cast %get3A_695 : i32 to index
        %get3A_697 = arith.index_cast %mul3A_339 : i32 to index
        %get3A_698 = tpu.vector_load %arg12[%get3A_696, %get3A_697] {strides = array<i32>} : memref<512x128xf32, #tpu.memory_space<vmem>>, vector<1x16xf32>,
        %get3A_699 = vector.shape_cast %get3A_698 : vector<1x16xf32> to vector<16xf32>
        %add3A_700 = arith.addf %add3A_676, %get3A_699 : vector<16xf32>
        %get3A_701 = arith.constant 61 : i32
        %get3A_702 = arith.index_cast %get3A_701 : i32 to index
        %get3A_703 = arith.index_cast %mul3A_339 : i32 to index
        %get3A_704 = tpu.vector_load %arg12[%get3A_702, %get3A_703] {strides = array<i32>} : memref<512x128xf32, #tpu.memory_space<vmem>>, vector<1x16xf32>,
        %get3A_705 = vector.shape_cast %get3A_704 : vector<1x16xf32> to vector<16xf32>
        %add3A_706 = arith.addf %add3A_682, %get3A_705 : vector<16xf32>
        %get3A_707 = arith.constant 62 : i32
        %get3A_708 = arith.index_cast %get3A_707 : i32 to index
        %get3A_709 = arith.index_cast %mul3A_339 : i32 to index
        %get3A_710 = tpu.vector_load %arg12[%get3A_708, %get3A_709] {strides = array<i32>} : memref<512x128xf32, #tpu.memory_space<vmem>>, vector<1x16xf32>,
        %get3A_711 = vector.shape_cast %get3A_710 : vector<1x16xf32> to vector<16xf32>
        %add3A_712 = arith.addf %add3A_688, %get3A_711 : vector<16xf32>
        %get3A_713 = arith.constant 63 : i32
        %get3A_714 = arith.index_cast %get3A_713 : i32 to index
        %get3A_715 = arith.index_cast %mul3A_339 : i32 to index
        %get3A_716 = tpu.vector_load %arg12[%get3A_714, %get3A_715] {strides = array<i32>} : memref<512x128xf32, #tpu.memory_space<vmem>>, vector<1x16xf32>,
        %get3A_717 = vector.shape_cast %get3A_716 : vector<1x16xf32> to vector<16xf32>
        %add3A_718 = arith.addf %add3A_694, %get3A_717 : vector<16xf32>
        %add3A_719 = arith.addf %add3A_700, %add3A_706 : vector<16xf32>
        %add3A_720 = arith.addf %add3A_712, %add3A_718 : vector<16xf32>
        %add3A_721 = arith.addf %add3A_719, %add3A_720 : vector<16xf32>
        %add3A_722 = arith.constant 0 : i32
        %add3A_723 = arith.addi %mul3A_139, %add3A_722 : i32
        %swap3A = arith.index_cast %add3A_723 : i32 to index
        %swap3A_724 = arith.index_cast %mul3A_339 : i32 to index
        %swap3A_725 = tpu.vector_load %arg13[%swap3A, %swap3A_724] {strides = array<i32>} : memref<64x128xf32, #tpu.memory_space<vmem>>, vector<1x16xf32>,
        %swap3A_726 = vector.shape_cast %swap3A_725 : vector<1x16xf32> to vector<16xf32>
        %swap3A_727 = vector.shape_cast %add3A_721 : vector<16xf32> to vector<1x16xf32>
        tpu.vector_store %arg13[%swap3A, %swap3A_724], %swap3A_727 {strides = array<i32>} : memref<64x128xf32, #tpu.memory_space<vmem>>, vector<1x16xf32>,
      }
      %scan3A_144 = arith.constant 8 : i32
      %add3A_145 = arith.constant 8 : i32
      %add3A_146 = arith.addi %add3A_127, %add3A_145 : i32
      %add3A_147 = arith.constant 0 : i32
      %add3A_148 = arith.addi %add3A_146, %add3A_147 : i32
      %lt3A = arith.constant 64 : i32
      %lt3A_149 = arith.cmpi slt, %add3A_148, %lt3A : i32
      %convert_element_type3A = arith.extui %lt3A_149 : i1 to i32
      %cond3A = arith.constant 0 : i32
      %cond3A_150 = arith.cmpi ne, %convert_element_type3A, %cond3A : i32
      scf.if %cond3A_150 {
        %add3A_333 = arith.constant 8 : i32
        %add3A_334 = arith.addi %add3A_127, %add3A_333 : i32
        %add3A_335 = arith.constant 0 : i32
        %add3A_336 = arith.addi %add3A_334, %add3A_335 : i32
        %mul3A_337 = arith.constant 64 : i32
        %mul3A_338 = arith.muli %add3A_336, %mul3A_337 : i32
        %dma_start3A_339 = arith.constant 0 : i32
        %dma_start3A_340 = arith.constant 0 : i32
        %dma_start3A_341 = tpu.memref_slice %arg12[%dma_start3A_339, %dma_start3A_340] : memref<512x128xf32, #tpu.memory_space<vmem>> -> memref<64x128xf32, #tpu.memory_space<vmem>>
        %dma_start3A_342 = tpu.memref_slice %arg9[%mul3A_338] : memref<4096xi32, #tpu.memory_space<vmem>> -> memref<64xi32, #tpu.memory_space<vmem>>
        %dma_start3A_343 = arith.constant 0 : i32
        %dma_start3A_344 = arith.constant 0 : i32
        %dma_start3A_345 = tpu.memref_slice %arg2[%dma_start3A_343, %dma_start3A_344] : memref<100000x128xf32, #tpu.memory_space<hbm>> -> memref<100000x128xf32, #tpu.memory_space<hbm>>
        tpu.enqueue_indirect_dma source(%dma_start3A_345 : memref<100000x128xf32, #tpu.memory_space<hbm>>) target(%dma_start3A_341 : memref<64x128xf32, #tpu.memory_space<vmem>>) offsets(%dma_start3A_342 : memref<64xi32, #tpu.memory_space<vmem>>) semaphore(%arg16 : memref<!tpu.dma_semaphore, #tpu.memory_space<semaphore_mem>>)
      } else {
      }
      %dma_wait3A_151 = arith.constant 64 : i32
      %dma_wait3A_152 = arith.constant 0 : i32
      %dma_wait3A_153 = tpu.memref_slice %arg12[%dma_wait3A_151, %dma_wait3A_152] : memref<512x128xf32, #tpu.memory_space<vmem>> -> memref<64x128xf32, #tpu.memory_space<vmem>>
      %dma_wait3A_154 = arith.constant 0 : i32
      %dma_wait3A_155 = tpu.memref_slice %arg9[%dma_wait3A_154] : memref<4096xi32, #tpu.memory_space<vmem>> -> memref<64xi32, #tpu.memory_space<vmem>>
      %dma_wait3A_156 = arith.constant 0 : i32
      %dma_wait3A_157 = arith.constant 0 : i32
      %dma_wait3A_158 = tpu.memref_slice %arg2[%dma_wait3A_156, %dma_wait3A_157] : memref<100000x128xf32, #tpu.memory_space<hbm>> -> memref<100000x128xf32, #tpu.memory_space<hbm>>
      tpu.wait_indirect_dma semaphore(%arg17 : memref<!tpu.dma_semaphore, #tpu.memory_space<semaphore_mem>>) src(%dma_wait3A_158 : memref<100000x128xf32, #tpu.memory_space<hbm>>) dst(%dma_wait3A_153 : memref<64x128xf32, #tpu.memory_space<vmem>>)
      %add3A_159 = arith.constant 1 : i32
      %add3A_160 = arith.addi %add3A_127, %add3A_159 : i32
      %mul3A_161 = arith.constant 1 : i32
      %mul3A_162 = arith.muli %add3A_160, %mul3A_161 : i32
      %scan3A_163 = arith.constant 0 : i32
      %scan3A_164 = arith.constant 8 : i32
      %scan3A_165 = arith.addi %scan3A_163, %scan3A_164 : i32
      %scan3A_166 = arith.constant 1 : i32
      scf.for %scan3A_333 = %scan3A_163 to %scan3A_165 step %scan3A_166  : i32 {
        %mul3A_334 = arith.constant 1 : i32
        %mul3A_335 = arith.muli %scan3A_333, %mul3A_334 : i32
        %add3A_336 = arith.constant 0 : i32
        %add3A_337 = arith.addi %add3A_336, %mul3A_335 : i32
        %mul3A_338 = arith.constant 16 : i32
        %mul3A_339 = arith.muli %add3A_337, %mul3A_338 : i32
        %get3A = arith.constant 64 : i32
        %get3A_340 = arith.index_cast %get3A : i32 to index
        %get3A_341 = arith.index_cast %mul3A_339 : i32 to index
        %get3A_342 = tpu.vector_load %arg12[%get3A_340, %get3A_341] {strides = array<i32>} : memref<512x128xf32, #tpu.memory_space<vmem>>, vector<1x16xf32>,
        %get3A_343 = vector.shape_cast %get3A_342 : vector<1x16xf32> to vector<16xf32>
        %get3A_344 = arith.constant 65 : i32
        %get3A_345 = arith.index_cast %get3A_344 : i32 to index
        %get3A_346 = arith.index_cast %mul3A_339 : i32 to index
        %get3A_347 = tpu.vector_load %arg12[%get3A_345, %get3A_346] {strides = array<i32>} : memref<512x128xf32, #tpu.memory_space<vmem>>, vector<1x16xf32>,
        %get3A_348 = vector.shape_cast %get3A_347 : vector<1x16xf32> to vector<16xf32>
        %get3A_349 = arith.constant 66 : i32
        %get3A_350 = arith.index_cast %get3A_349 : i32 to index
        %get3A_351 = arith.index_cast %mul3A_339 : i32 to index
        %get3A_352 = tpu.vector_load %arg12[%get3A_350, %get3A_351] {strides = array<i32>} : memref<512x128xf32, #tpu.memory_space<vmem>>, vector<1x16xf32>,
        %get3A_353 = vector.shape_cast %get3A_352 : vector<1x16xf32> to vector<16xf32>
        %get3A_354 = arith.constant 67 : i32
        %get3A_355 = arith.index_cast %get3A_354 : i32 to index
        %get3A_356 = arith.index_cast %mul3A_339 : i32 to index
        %get3A_357 = tpu.vector_load %arg12[%get3A_355, %get3A_356] {strides = array<i32>} : memref<512x128xf32, #tpu.memory_space<vmem>>, vector<1x16xf32>,
        %get3A_358 = vector.shape_cast %get3A_357 : vector<1x16xf32> to vector<16xf32>
        %get3A_359 = arith.constant 68 : i32
        %get3A_360 = arith.index_cast %get3A_359 : i32 to index
        %get3A_361 = arith.index_cast %mul3A_339 : i32 to index
        %get3A_362 = tpu.vector_load %arg12[%get3A_360, %get3A_361] {strides = array<i32>} : memref<512x128xf32, #tpu.memory_space<vmem>>, vector<1x16xf32>,
        %get3A_363 = vector.shape_cast %get3A_362 : vector<1x16xf32> to vector<16xf32>
        %add3A_364 = arith.addf %get3A_343, %get3A_363 : vector<16xf32>
        %get3A_365 = arith.constant 69 : i32
        %get3A_366 = arith.index_cast %get3A_365 : i32 to index
        %get3A_367 = arith.index_cast %mul3A_339 : i32 to index
        %get3A_368 = tpu.vector_load %arg12[%get3A_366, %get3A_367] {strides = array<i32>} : memref<512x128xf32, #tpu.memory_space<vmem>>, vector<1x16xf32>,
        %get3A_369 = vector.shape_cast %get3A_368 : vector<1x16xf32> to vector<16xf32>
        %add3A_370 = arith.addf %get3A_348, %get3A_369 : vector<16xf32>
        %get3A_371 = arith.constant 70 : i32
        %get3A_372 = arith.index_cast %get3A_371 : i32 to index
        %get3A_373 = arith.index_cast %mul3A_339 : i32 to index
        %get3A_374 = tpu.vector_load %arg12[%get3A_372, %get3A_373] {strides = array<i32>} : memref<512x128xf32, #tpu.memory_space<vmem>>, vector<1x16xf32>,
        %get3A_375 = vector.shape_cast %get3A_374 : vector<1x16xf32> to vector<16xf32>
        %add3A_376 = arith.addf %get3A_353, %get3A_375 : vector<16xf32>
        %get3A_377 = arith.constant 71 : i32
        %get3A_378 = arith.index_cast %get3A_377 : i32 to index
        %get3A_379 = arith.index_cast %mul3A_339 : i32 to index
        %get3A_380 = tpu.vector_load %arg12[%get3A_378, %get3A_379] {strides = array<i32>} : memref<512x128xf32, #tpu.memory_space<vmem>>, vector<1x16xf32>,
        %get3A_381 = vector.shape_cast %get3A_380 : vector<1x16xf32> to vector<16xf32>
        %add3A_382 = arith.addf %get3A_358, %get3A_381 : vector<16xf32>
        %get3A_383 = arith.constant 72 : i32
        %get3A_384 = arith.index_cast %get3A_383 : i32 to index
        %get3A_385 = arith.index_cast %mul3A_339 : i32 to index
        %get3A_386 = tpu.vector_load %arg12[%get3A_384, %get3A_385] {strides = array<i32>} : memref<512x128xf32, #tpu.memory_space<vmem>>, vector<1x16xf32>,
        %get3A_387 = vector.shape_cast %get3A_386 : vector<1x16xf32> to vector<16xf32>
        %add3A_388 = arith.addf %add3A_364, %get3A_387 : vector<16xf32>
        %get3A_389 = arith.constant 73 : i32
        %get3A_390 = arith.index_cast %get3A_389 : i32 to index
        %get3A_391 = arith.index_cast %mul3A_339 : i32 to index
        %get3A_392 = tpu.vector_load %arg12[%get3A_390, %get3A_391] {strides = array<i32>} : memref<512x128xf32, #tpu.memory_space<vmem>>, vector<1x16xf32>,
        %get3A_393 = vector.shape_cast %get3A_392 : vector<1x16xf32> to vector<16xf32>
        %add3A_394 = arith.addf %add3A_370, %get3A_393 : vector<16xf32>
        %get3A_395 = arith.constant 74 : i32
        %get3A_396 = arith.index_cast %get3A_395 : i32 to index
        %get3A_397 = arith.index_cast %mul3A_339 : i32 to index
        %get3A_398 = tpu.vector_load %arg12[%get3A_396, %get3A_397] {strides = array<i32>} : memref<512x128xf32, #tpu.memory_space<vmem>>, vector<1x16xf32>,
        %get3A_399 = vector.shape_cast %get3A_398 : vector<1x16xf32> to vector<16xf32>
        %add3A_400 = arith.addf %add3A_376, %get3A_399 : vector<16xf32>
        %get3A_401 = arith.constant 75 : i32
        %get3A_402 = arith.index_cast %get3A_401 : i32 to index
        %get3A_403 = arith.index_cast %mul3A_339 : i32 to index
        %get3A_404 = tpu.vector_load %arg12[%get3A_402, %get3A_403] {strides = array<i32>} : memref<512x128xf32, #tpu.memory_space<vmem>>, vector<1x16xf32>,
        %get3A_405 = vector.shape_cast %get3A_404 : vector<1x16xf32> to vector<16xf32>
        %add3A_406 = arith.addf %add3A_382, %get3A_405 : vector<16xf32>
        %get3A_407 = arith.constant 76 : i32
        %get3A_408 = arith.index_cast %get3A_407 : i32 to index
        %get3A_409 = arith.index_cast %mul3A_339 : i32 to index
        %get3A_410 = tpu.vector_load %arg12[%get3A_408, %get3A_409] {strides = array<i32>} : memref<512x128xf32, #tpu.memory_space<vmem>>, vector<1x16xf32>,
        %get3A_411 = vector.shape_cast %get3A_410 : vector<1x16xf32> to vector<16xf32>
        %add3A_412 = arith.addf %add3A_388, %get3A_411 : vector<16xf32>
        %get3A_413 = arith.constant 77 : i32
        %get3A_414 = arith.index_cast %get3A_413 : i32 to index
        %get3A_415 = arith.index_cast %mul3A_339 : i32 to index
        %get3A_416 = tpu.vector_load %arg12[%get3A_414, %get3A_415] {strides = array<i32>} : memref<512x128xf32, #tpu.memory_space<vmem>>, vector<1x16xf32>,
        %get3A_417 = vector.shape_cast %get3A_416 : vector<1x16xf32> to vector<16xf32>
        %add3A_418 = arith.addf %add3A_394, %get3A_417 : vector<16xf32>
        %get3A_419 = arith.constant 78 : i32
        %get3A_420 = arith.index_cast %get3A_419 : i32 to index
        %get3A_421 = arith.index_cast %mul3A_339 : i32 to index
        %get3A_422 = tpu.vector_load %arg12[%get3A_420, %get3A_421] {strides = array<i32>} : memref<512x128xf32, #tpu.memory_space<vmem>>, vector<1x16xf32>,
        %get3A_423 = vector.shape_cast %get3A_422 : vector<1x16xf32> to vector<16xf32>
        %add3A_424 = arith.addf %add3A_400, %get3A_423 : vector<16xf32>
        %get3A_425 = arith.constant 79 : i32
        %get3A_426 = arith.index_cast %get3A_425 : i32 to index
        %get3A_427 = arith.index_cast %mul3A_339 : i32 to index
        %get3A_428 = tpu.vector_load %arg12[%get3A_426, %get3A_427] {strides = array<i32>} : memref<512x128xf32, #tpu.memory_space<vmem>>, vector<1x16xf32>,
        %get3A_429 = vector.shape_cast %get3A_428 : vector<1x16xf32> to vector<16xf32>
        %add3A_430 = arith.addf %add3A_406, %get3A_429 : vector<16xf32>
        %get3A_431 = arith.constant 80 : i32
        %get3A_432 = arith.index_cast %get3A_431 : i32 to index
        %get3A_433 = arith.index_cast %mul3A_339 : i32 to index
        %get3A_434 = tpu.vector_load %arg12[%get3A_432, %get3A_433] {strides = array<i32>} : memref<512x128xf32, #tpu.memory_space<vmem>>, vector<1x16xf32>,
        %get3A_435 = vector.shape_cast %get3A_434 : vector<1x16xf32> to vector<16xf32>
        %add3A_436 = arith.addf %add3A_412, %get3A_435 : vector<16xf32>
        %get3A_437 = arith.constant 81 : i32
        %get3A_438 = arith.index_cast %get3A_437 : i32 to index
        %get3A_439 = arith.index_cast %mul3A_339 : i32 to index
        %get3A_440 = tpu.vector_load %arg12[%get3A_438, %get3A_439] {strides = array<i32>} : memref<512x128xf32, #tpu.memory_space<vmem>>, vector<1x16xf32>,
        %get3A_441 = vector.shape_cast %get3A_440 : vector<1x16xf32> to vector<16xf32>
        %add3A_442 = arith.addf %add3A_418, %get3A_441 : vector<16xf32>
        %get3A_443 = arith.constant 82 : i32
        %get3A_444 = arith.index_cast %get3A_443 : i32 to index
        %get3A_445 = arith.index_cast %mul3A_339 : i32 to index
        %get3A_446 = tpu.vector_load %arg12[%get3A_444, %get3A_445] {strides = array<i32>} : memref<512x128xf32, #tpu.memory_space<vmem>>, vector<1x16xf32>,
        %get3A_447 = vector.shape_cast %get3A_446 : vector<1x16xf32> to vector<16xf32>
        %add3A_448 = arith.addf %add3A_424, %get3A_447 : vector<16xf32>
        %get3A_449 = arith.constant 83 : i32
        %get3A_450 = arith.index_cast %get3A_449 : i32 to index
        %get3A_451 = arith.index_cast %mul3A_339 : i32 to index
        %get3A_452 = tpu.vector_load %arg12[%get3A_450, %get3A_451] {strides = array<i32>} : memref<512x128xf32, #tpu.memory_space<vmem>>, vector<1x16xf32>,
        %get3A_453 = vector.shape_cast %get3A_452 : vector<1x16xf32> to vector<16xf32>
        %add3A_454 = arith.addf %add3A_430, %get3A_453 : vector<16xf32>
        %get3A_455 = arith.constant 84 : i32
        %get3A_456 = arith.index_cast %get3A_455 : i32 to index
        %get3A_457 = arith.index_cast %mul3A_339 : i32 to index
        %get3A_458 = tpu.vector_load %arg12[%get3A_456, %get3A_457] {strides = array<i32>} : memref<512x128xf32, #tpu.memory_space<vmem>>, vector<1x16xf32>,
        %get3A_459 = vector.shape_cast %get3A_458 : vector<1x16xf32> to vector<16xf32>
        %add3A_460 = arith.addf %add3A_436, %get3A_459 : vector<16xf32>
        %get3A_461 = arith.constant 85 : i32
        %get3A_462 = arith.index_cast %get3A_461 : i32 to index
        %get3A_463 = arith.index_cast %mul3A_339 : i32 to index
        %get3A_464 = tpu.vector_load %arg12[%get3A_462, %get3A_463] {strides = array<i32>} : memref<512x128xf32, #tpu.memory_space<vmem>>, vector<1x16xf32>,
        %get3A_465 = vector.shape_cast %get3A_464 : vector<1x16xf32> to vector<16xf32>
        %add3A_466 = arith.addf %add3A_442, %get3A_465 : vector<16xf32>
        %get3A_467 = arith.constant 86 : i32
        %get3A_468 = arith.index_cast %get3A_467 : i32 to index
        %get3A_469 = arith.index_cast %mul3A_339 : i32 to index
        %get3A_470 = tpu.vector_load %arg12[%get3A_468, %get3A_469] {strides = array<i32>} : memref<512x128xf32, #tpu.memory_space<vmem>>, vector<1x16xf32>,
        %get3A_471 = vector.shape_cast %get3A_470 : vector<1x16xf32> to vector<16xf32>
        %add3A_472 = arith.addf %add3A_448, %get3A_471 : vector<16xf32>
        %get3A_473 = arith.constant 87 : i32
        %get3A_474 = arith.index_cast %get3A_473 : i32 to index
        %get3A_475 = arith.index_cast %mul3A_339 : i32 to index
        %get3A_476 = tpu.vector_load %arg12[%get3A_474, %get3A_475] {strides = array<i32>} : memref<512x128xf32, #tpu.memory_space<vmem>>, vector<1x16xf32>,
        %get3A_477 = vector.shape_cast %get3A_476 : vector<1x16xf32> to vector<16xf32>
        %add3A_478 = arith.addf %add3A_454, %get3A_477 : vector<16xf32>
        %get3A_479 = arith.constant 88 : i32
        %get3A_480 = arith.index_cast %get3A_479 : i32 to index
        %get3A_481 = arith.index_cast %mul3A_339 : i32 to index
        %get3A_482 = tpu.vector_load %arg12[%get3A_480, %get3A_481] {strides = array<i32>} : memref<512x128xf32, #tpu.memory_space<vmem>>, vector<1x16xf32>,
        %get3A_483 = vector.shape_cast %get3A_482 : vector<1x16xf32> to vector<16xf32>
        %add3A_484 = arith.addf %add3A_460, %get3A_483 : vector<16xf32>
        %get3A_485 = arith.constant 89 : i32
        %get3A_486 = arith.index_cast %get3A_485 : i32 to index
        %get3A_487 = arith.index_cast %mul3A_339 : i32 to index
        %get3A_488 = tpu.vector_load %arg12[%get3A_486, %get3A_487] {strides = array<i32>} : memref<512x128xf32, #tpu.memory_space<vmem>>, vector<1x16xf32>,
        %get3A_489 = vector.shape_cast %get3A_488 : vector<1x16xf32> to vector<16xf32>
        %add3A_490 = arith.addf %add3A_466, %get3A_489 : vector<16xf32>
        %get3A_491 = arith.constant 90 : i32
        %get3A_492 = arith.index_cast %get3A_491 : i32 to index
        %get3A_493 = arith.index_cast %mul3A_339 : i32 to index
        %get3A_494 = tpu.vector_load %arg12[%get3A_492, %get3A_493] {strides = array<i32>} : memref<512x128xf32, #tpu.memory_space<vmem>>, vector<1x16xf32>,
        %get3A_495 = vector.shape_cast %get3A_494 : vector<1x16xf32> to vector<16xf32>
        %add3A_496 = arith.addf %add3A_472, %get3A_495 : vector<16xf32>
        %get3A_497 = arith.constant 91 : i32
        %get3A_498 = arith.index_cast %get3A_497 : i32 to index
        %get3A_499 = arith.index_cast %mul3A_339 : i32 to index
        %get3A_500 = tpu.vector_load %arg12[%get3A_498, %get3A_499] {strides = array<i32>} : memref<512x128xf32, #tpu.memory_space<vmem>>, vector<1x16xf32>,
        %get3A_501 = vector.shape_cast %get3A_500 : vector<1x16xf32> to vector<16xf32>
        %add3A_502 = arith.addf %add3A_478, %get3A_501 : vector<16xf32>
        %get3A_503 = arith.constant 92 : i32
        %get3A_504 = arith.index_cast %get3A_503 : i32 to index
        %get3A_505 = arith.index_cast %mul3A_339 : i32 to index
        %get3A_506 = tpu.vector_load %arg12[%get3A_504, %get3A_505] {strides = array<i32>} : memref<512x128xf32, #tpu.memory_space<vmem>>, vector<1x16xf32>,
        %get3A_507 = vector.shape_cast %get3A_506 : vector<1x16xf32> to vector<16xf32>
        %add3A_508 = arith.addf %add3A_484, %get3A_507 : vector<16xf32>
        %get3A_509 = arith.constant 93 : i32
        %get3A_510 = arith.index_cast %get3A_509 : i32 to index
        %get3A_511 = arith.index_cast %mul3A_339 : i32 to index
        %get3A_512 = tpu.vector_load %arg12[%get3A_510, %get3A_511] {strides = array<i32>} : memref<512x128xf32, #tpu.memory_space<vmem>>, vector<1x16xf32>,
        %get3A_513 = vector.shape_cast %get3A_512 : vector<1x16xf32> to vector<16xf32>
        %add3A_514 = arith.addf %add3A_490, %get3A_513 : vector<16xf32>
        %get3A_515 = arith.constant 94 : i32
        %get3A_516 = arith.index_cast %get3A_515 : i32 to index
        %get3A_517 = arith.index_cast %mul3A_339 : i32 to index
        %get3A_518 = tpu.vector_load %arg12[%get3A_516, %get3A_517] {strides = array<i32>} : memref<512x128xf32, #tpu.memory_space<vmem>>, vector<1x16xf32>,
        %get3A_519 = vector.shape_cast %get3A_518 : vector<1x16xf32> to vector<16xf32>
        %add3A_520 = arith.addf %add3A_496, %get3A_519 : vector<16xf32>
        %get3A_521 = arith.constant 95 : i32
        %get3A_522 = arith.index_cast %get3A_521 : i32 to index
        %get3A_523 = arith.index_cast %mul3A_339 : i32 to index
        %get3A_524 = tpu.vector_load %arg12[%get3A_522, %get3A_523] {strides = array<i32>} : memref<512x128xf32, #tpu.memory_space<vmem>>, vector<1x16xf32>,
        %get3A_525 = vector.shape_cast %get3A_524 : vector<1x16xf32> to vector<16xf32>
        %add3A_526 = arith.addf %add3A_502, %get3A_525 : vector<16xf32>
        %get3A_527 = arith.constant 96 : i32
        %get3A_528 = arith.index_cast %get3A_527 : i32 to index
        %get3A_529 = arith.index_cast %mul3A_339 : i32 to index
        %get3A_530 = tpu.vector_load %arg12[%get3A_528, %get3A_529] {strides = array<i32>} : memref<512x128xf32, #tpu.memory_space<vmem>>, vector<1x16xf32>,
        %get3A_531 = vector.shape_cast %get3A_530 : vector<1x16xf32> to vector<16xf32>
        %add3A_532 = arith.addf %add3A_508, %get3A_531 : vector<16xf32>
        %get3A_533 = arith.constant 97 : i32
        %get3A_534 = arith.index_cast %get3A_533 : i32 to index
        %get3A_535 = arith.index_cast %mul3A_339 : i32 to index
        %get3A_536 = tpu.vector_load %arg12[%get3A_534, %get3A_535] {strides = array<i32>} : memref<512x128xf32, #tpu.memory_space<vmem>>, vector<1x16xf32>,
        %get3A_537 = vector.shape_cast %get3A_536 : vector<1x16xf32> to vector<16xf32>
        %add3A_538 = arith.addf %add3A_514, %get3A_537 : vector<16xf32>
        %get3A_539 = arith.constant 98 : i32
        %get3A_540 = arith.index_cast %get3A_539 : i32 to index
        %get3A_541 = arith.index_cast %mul3A_339 : i32 to index
        %get3A_542 = tpu.vector_load %arg12[%get3A_540, %get3A_541] {strides = array<i32>} : memref<512x128xf32, #tpu.memory_space<vmem>>, vector<1x16xf32>,
        %get3A_543 = vector.shape_cast %get3A_542 : vector<1x16xf32> to vector<16xf32>
        %add3A_544 = arith.addf %add3A_520, %get3A_543 : vector<16xf32>
        %get3A_545 = arith.constant 99 : i32
        %get3A_546 = arith.index_cast %get3A_545 : i32 to index
        %get3A_547 = arith.index_cast %mul3A_339 : i32 to index
        %get3A_548 = tpu.vector_load %arg12[%get3A_546, %get3A_547] {strides = array<i32>} : memref<512x128xf32, #tpu.memory_space<vmem>>, vector<1x16xf32>,
        %get3A_549 = vector.shape_cast %get3A_548 : vector<1x16xf32> to vector<16xf32>
        %add3A_550 = arith.addf %add3A_526, %get3A_549 : vector<16xf32>
        %get3A_551 = arith.constant 100 : i32
        %get3A_552 = arith.index_cast %get3A_551 : i32 to index
        %get3A_553 = arith.index_cast %mul3A_339 : i32 to index
        %get3A_554 = tpu.vector_load %arg12[%get3A_552, %get3A_553] {strides = array<i32>} : memref<512x128xf32, #tpu.memory_space<vmem>>, vector<1x16xf32>,
        %get3A_555 = vector.shape_cast %get3A_554 : vector<1x16xf32> to vector<16xf32>
        %add3A_556 = arith.addf %add3A_532, %get3A_555 : vector<16xf32>
        %get3A_557 = arith.constant 101 : i32
        %get3A_558 = arith.index_cast %get3A_557 : i32 to index
        %get3A_559 = arith.index_cast %mul3A_339 : i32 to index
        %get3A_560 = tpu.vector_load %arg12[%get3A_558, %get3A_559] {strides = array<i32>} : memref<512x128xf32, #tpu.memory_space<vmem>>, vector<1x16xf32>,
        %get3A_561 = vector.shape_cast %get3A_560 : vector<1x16xf32> to vector<16xf32>
        %add3A_562 = arith.addf %add3A_538, %get3A_561 : vector<16xf32>
        %get3A_563 = arith.constant 102 : i32
        %get3A_564 = arith.index_cast %get3A_563 : i32 to index
        %get3A_565 = arith.index_cast %mul3A_339 : i32 to index
        %get3A_566 = tpu.vector_load %arg12[%get3A_564, %get3A_565] {strides = array<i32>} : memref<512x128xf32, #tpu.memory_space<vmem>>, vector<1x16xf32>,
        %get3A_567 = vector.shape_cast %get3A_566 : vector<1x16xf32> to vector<16xf32>
        %add3A_568 = arith.addf %add3A_544, %get3A_567 : vector<16xf32>
        %get3A_569 = arith.constant 103 : i32
        %get3A_570 = arith.index_cast %get3A_569 : i32 to index
        %get3A_571 = arith.index_cast %mul3A_339 : i32 to index
        %get3A_572 = tpu.vector_load %arg12[%get3A_570, %get3A_571] {strides = array<i32>} : memref<512x128xf32, #tpu.memory_space<vmem>>, vector<1x16xf32>,
        %get3A_573 = vector.shape_cast %get3A_572 : vector<1x16xf32> to vector<16xf32>
        %add3A_574 = arith.addf %add3A_550, %get3A_573 : vector<16xf32>
        %get3A_575 = arith.constant 104 : i32
        %get3A_576 = arith.index_cast %get3A_575 : i32 to index
        %get3A_577 = arith.index_cast %mul3A_339 : i32 to index
        %get3A_578 = tpu.vector_load %arg12[%get3A_576, %get3A_577] {strides = array<i32>} : memref<512x128xf32, #tpu.memory_space<vmem>>, vector<1x16xf32>,
        %get3A_579 = vector.shape_cast %get3A_578 : vector<1x16xf32> to vector<16xf32>
        %add3A_580 = arith.addf %add3A_556, %get3A_579 : vector<16xf32>
        %get3A_581 = arith.constant 105 : i32
        %get3A_582 = arith.index_cast %get3A_581 : i32 to index
        %get3A_583 = arith.index_cast %mul3A_339 : i32 to index
        %get3A_584 = tpu.vector_load %arg12[%get3A_582, %get3A_583] {strides = array<i32>} : memref<512x128xf32, #tpu.memory_space<vmem>>, vector<1x16xf32>,
        %get3A_585 = vector.shape_cast %get3A_584 : vector<1x16xf32> to vector<16xf32>
        %add3A_586 = arith.addf %add3A_562, %get3A_585 : vector<16xf32>
        %get3A_587 = arith.constant 106 : i32
        %get3A_588 = arith.index_cast %get3A_587 : i32 to index
        %get3A_589 = arith.index_cast %mul3A_339 : i32 to index
        %get3A_590 = tpu.vector_load %arg12[%get3A_588, %get3A_589] {strides = array<i32>} : memref<512x128xf32, #tpu.memory_space<vmem>>, vector<1x16xf32>,
        %get3A_591 = vector.shape_cast %get3A_590 : vector<1x16xf32> to vector<16xf32>
        %add3A_592 = arith.addf %add3A_568, %get3A_591 : vector<16xf32>
        %get3A_593 = arith.constant 107 : i32
        %get3A_594 = arith.index_cast %get3A_593 : i32 to index
        %get3A_595 = arith.index_cast %mul3A_339 : i32 to index
        %get3A_596 = tpu.vector_load %arg12[%get3A_594, %get3A_595] {strides = array<i32>} : memref<512x128xf32, #tpu.memory_space<vmem>>, vector<1x16xf32>,
        %get3A_597 = vector.shape_cast %get3A_596 : vector<1x16xf32> to vector<16xf32>
        %add3A_598 = arith.addf %add3A_574, %get3A_597 : vector<16xf32>
        %get3A_599 = arith.constant 108 : i32
        %get3A_600 = arith.index_cast %get3A_599 : i32 to index
        %get3A_601 = arith.index_cast %mul3A_339 : i32 to index
        %get3A_602 = tpu.vector_load %arg12[%get3A_600, %get3A_601] {strides = array<i32>} : memref<512x128xf32, #tpu.memory_space<vmem>>, vector<1x16xf32>,
        %get3A_603 = vector.shape_cast %get3A_602 : vector<1x16xf32> to vector<16xf32>
        %add3A_604 = arith.addf %add3A_580, %get3A_603 : vector<16xf32>
        %get3A_605 = arith.constant 109 : i32
        %get3A_606 = arith.index_cast %get3A_605 : i32 to index
        %get3A_607 = arith.index_cast %mul3A_339 : i32 to index
        %get3A_608 = tpu.vector_load %arg12[%get3A_606, %get3A_607] {strides = array<i32>} : memref<512x128xf32, #tpu.memory_space<vmem>>, vector<1x16xf32>,
        %get3A_609 = vector.shape_cast %get3A_608 : vector<1x16xf32> to vector<16xf32>
        %add3A_610 = arith.addf %add3A_586, %get3A_609 : vector<16xf32>
        %get3A_611 = arith.constant 110 : i32
        %get3A_612 = arith.index_cast %get3A_611 : i32 to index
        %get3A_613 = arith.index_cast %mul3A_339 : i32 to index
        %get3A_614 = tpu.vector_load %arg12[%get3A_612, %get3A_613] {strides = array<i32>} : memref<512x128xf32, #tpu.memory_space<vmem>>, vector<1x16xf32>,
        %get3A_615 = vector.shape_cast %get3A_614 : vector<1x16xf32> to vector<16xf32>
        %add3A_616 = arith.addf %add3A_592, %get3A_615 : vector<16xf32>
        %get3A_617 = arith.constant 111 : i32
        %get3A_618 = arith.index_cast %get3A_617 : i32 to index
        %get3A_619 = arith.index_cast %mul3A_339 : i32 to index
        %get3A_620 = tpu.vector_load %arg12[%get3A_618, %get3A_619] {strides = array<i32>} : memref<512x128xf32, #tpu.memory_space<vmem>>, vector<1x16xf32>,
        %get3A_621 = vector.shape_cast %get3A_620 : vector<1x16xf32> to vector<16xf32>
        %add3A_622 = arith.addf %add3A_598, %get3A_621 : vector<16xf32>
        %get3A_623 = arith.constant 112 : i32
        %get3A_624 = arith.index_cast %get3A_623 : i32 to index
        %get3A_625 = arith.index_cast %mul3A_339 : i32 to index
        %get3A_626 = tpu.vector_load %arg12[%get3A_624, %get3A_625] {strides = array<i32>} : memref<512x128xf32, #tpu.memory_space<vmem>>, vector<1x16xf32>,
        %get3A_627 = vector.shape_cast %get3A_626 : vector<1x16xf32> to vector<16xf32>
        %add3A_628 = arith.addf %add3A_604, %get3A_627 : vector<16xf32>
        %get3A_629 = arith.constant 113 : i32
        %get3A_630 = arith.index_cast %get3A_629 : i32 to index
        %get3A_631 = arith.index_cast %mul3A_339 : i32 to index
        %get3A_632 = tpu.vector_load %arg12[%get3A_630, %get3A_631] {strides = array<i32>} : memref<512x128xf32, #tpu.memory_space<vmem>>, vector<1x16xf32>,
        %get3A_633 = vector.shape_cast %get3A_632 : vector<1x16xf32> to vector<16xf32>
        %add3A_634 = arith.addf %add3A_610, %get3A_633 : vector<16xf32>
        %get3A_635 = arith.constant 114 : i32
        %get3A_636 = arith.index_cast %get3A_635 : i32 to index
        %get3A_637 = arith.index_cast %mul3A_339 : i32 to index
        %get3A_638 = tpu.vector_load %arg12[%get3A_636, %get3A_637] {strides = array<i32>} : memref<512x128xf32, #tpu.memory_space<vmem>>, vector<1x16xf32>,
        %get3A_639 = vector.shape_cast %get3A_638 : vector<1x16xf32> to vector<16xf32>
        %add3A_640 = arith.addf %add3A_616, %get3A_639 : vector<16xf32>
        %get3A_641 = arith.constant 115 : i32
        %get3A_642 = arith.index_cast %get3A_641 : i32 to index
        %get3A_643 = arith.index_cast %mul3A_339 : i32 to index
        %get3A_644 = tpu.vector_load %arg12[%get3A_642, %get3A_643] {strides = array<i32>} : memref<512x128xf32, #tpu.memory_space<vmem>>, vector<1x16xf32>,
        %get3A_645 = vector.shape_cast %get3A_644 : vector<1x16xf32> to vector<16xf32>
        %add3A_646 = arith.addf %add3A_622, %get3A_645 : vector<16xf32>
        %get3A_647 = arith.constant 116 : i32
        %get3A_648 = arith.index_cast %get3A_647 : i32 to index
        %get3A_649 = arith.index_cast %mul3A_339 : i32 to index
        %get3A_650 = tpu.vector_load %arg12[%get3A_648, %get3A_649] {strides = array<i32>} : memref<512x128xf32, #tpu.memory_space<vmem>>, vector<1x16xf32>,
        %get3A_651 = vector.shape_cast %get3A_650 : vector<1x16xf32> to vector<16xf32>
        %add3A_652 = arith.addf %add3A_628, %get3A_651 : vector<16xf32>
        %get3A_653 = arith.constant 117 : i32
        %get3A_654 = arith.index_cast %get3A_653 : i32 to index
        %get3A_655 = arith.index_cast %mul3A_339 : i32 to index
        %get3A_656 = tpu.vector_load %arg12[%get3A_654, %get3A_655] {strides = array<i32>} : memref<512x128xf32, #tpu.memory_space<vmem>>, vector<1x16xf32>,
        %get3A_657 = vector.shape_cast %get3A_656 : vector<1x16xf32> to vector<16xf32>
        %add3A_658 = arith.addf %add3A_634, %get3A_657 : vector<16xf32>
        %get3A_659 = arith.constant 118 : i32
        %get3A_660 = arith.index_cast %get3A_659 : i32 to index
        %get3A_661 = arith.index_cast %mul3A_339 : i32 to index
        %get3A_662 = tpu.vector_load %arg12[%get3A_660, %get3A_661] {strides = array<i32>} : memref<512x128xf32, #tpu.memory_space<vmem>>, vector<1x16xf32>,
        %get3A_663 = vector.shape_cast %get3A_662 : vector<1x16xf32> to vector<16xf32>
        %add3A_664 = arith.addf %add3A_640, %get3A_663 : vector<16xf32>
        %get3A_665 = arith.constant 119 : i32
        %get3A_666 = arith.index_cast %get3A_665 : i32 to index
        %get3A_667 = arith.index_cast %mul3A_339 : i32 to index
        %get3A_668 = tpu.vector_load %arg12[%get3A_666, %get3A_667] {strides = array<i32>} : memref<512x128xf32, #tpu.memory_space<vmem>>, vector<1x16xf32>,
        %get3A_669 = vector.shape_cast %get3A_668 : vector<1x16xf32> to vector<16xf32>
        %add3A_670 = arith.addf %add3A_646, %get3A_669 : vector<16xf32>
        %get3A_671 = arith.constant 120 : i32
        %get3A_672 = arith.index_cast %get3A_671 : i32 to index
        %get3A_673 = arith.index_cast %mul3A_339 : i32 to index
        %get3A_674 = tpu.vector_load %arg12[%get3A_672, %get3A_673] {strides = array<i32>} : memref<512x128xf32, #tpu.memory_space<vmem>>, vector<1x16xf32>,
        %get3A_675 = vector.shape_cast %get3A_674 : vector<1x16xf32> to vector<16xf32>
        %add3A_676 = arith.addf %add3A_652, %get3A_675 : vector<16xf32>
        %get3A_677 = arith.constant 121 : i32
        %get3A_678 = arith.index_cast %get3A_677 : i32 to index
        %get3A_679 = arith.index_cast %mul3A_339 : i32 to index
        %get3A_680 = tpu.vector_load %arg12[%get3A_678, %get3A_679] {strides = array<i32>} : memref<512x128xf32, #tpu.memory_space<vmem>>, vector<1x16xf32>,
        %get3A_681 = vector.shape_cast %get3A_680 : vector<1x16xf32> to vector<16xf32>
        %add3A_682 = arith.addf %add3A_658, %get3A_681 : vector<16xf32>
        %get3A_683 = arith.constant 122 : i32
        %get3A_684 = arith.index_cast %get3A_683 : i32 to index
        %get3A_685 = arith.index_cast %mul3A_339 : i32 to index
        %get3A_686 = tpu.vector_load %arg12[%get3A_684, %get3A_685] {strides = array<i32>} : memref<512x128xf32, #tpu.memory_space<vmem>>, vector<1x16xf32>,
        %get3A_687 = vector.shape_cast %get3A_686 : vector<1x16xf32> to vector<16xf32>
        %add3A_688 = arith.addf %add3A_664, %get3A_687 : vector<16xf32>
        %get3A_689 = arith.constant 123 : i32
        %get3A_690 = arith.index_cast %get3A_689 : i32 to index
        %get3A_691 = arith.index_cast %mul3A_339 : i32 to index
        %get3A_692 = tpu.vector_load %arg12[%get3A_690, %get3A_691] {strides = array<i32>} : memref<512x128xf32, #tpu.memory_space<vmem>>, vector<1x16xf32>,
        %get3A_693 = vector.shape_cast %get3A_692 : vector<1x16xf32> to vector<16xf32>
        %add3A_694 = arith.addf %add3A_670, %get3A_693 : vector<16xf32>
        %get3A_695 = arith.constant 124 : i32
        %get3A_696 = arith.index_cast %get3A_695 : i32 to index
        %get3A_697 = arith.index_cast %mul3A_339 : i32 to index
        %get3A_698 = tpu.vector_load %arg12[%get3A_696, %get3A_697] {strides = array<i32>} : memref<512x128xf32, #tpu.memory_space<vmem>>, vector<1x16xf32>,
        %get3A_699 = vector.shape_cast %get3A_698 : vector<1x16xf32> to vector<16xf32>
        %add3A_700 = arith.addf %add3A_676, %get3A_699 : vector<16xf32>
        %get3A_701 = arith.constant 125 : i32
        %get3A_702 = arith.index_cast %get3A_701 : i32 to index
        %get3A_703 = arith.index_cast %mul3A_339 : i32 to index
        %get3A_704 = tpu.vector_load %arg12[%get3A_702, %get3A_703] {strides = array<i32>} : memref<512x128xf32, #tpu.memory_space<vmem>>, vector<1x16xf32>,
        %get3A_705 = vector.shape_cast %get3A_704 : vector<1x16xf32> to vector<16xf32>
        %add3A_706 = arith.addf %add3A_682, %get3A_705 : vector<16xf32>
        %get3A_707 = arith.constant 126 : i32
        %get3A_708 = arith.index_cast %get3A_707 : i32 to index
        %get3A_709 = arith.index_cast %mul3A_339 : i32 to index
        %get3A_710 = tpu.vector_load %arg12[%get3A_708, %get3A_709] {strides = array<i32>} : memref<512x128xf32, #tpu.memory_space<vmem>>, vector<1x16xf32>,
        %get3A_711 = vector.shape_cast %get3A_710 : vector<1x16xf32> to vector<16xf32>
        %add3A_712 = arith.addf %add3A_688, %get3A_711 : vector<16xf32>
        %get3A_713 = arith.constant 127 : i32
        %get3A_714 = arith.index_cast %get3A_713 : i32 to index
        %get3A_715 = arith.index_cast %mul3A_339 : i32 to index
        %get3A_716 = tpu.vector_load %arg12[%get3A_714, %get3A_715] {strides = array<i32>} : memref<512x128xf32, #tpu.memory_space<vmem>>, vector<1x16xf32>,
        %get3A_717 = vector.shape_cast %get3A_716 : vector<1x16xf32> to vector<16xf32>
        %add3A_718 = arith.addf %add3A_694, %get3A_717 : vector<16xf32>
        %add3A_719 = arith.addf %add3A_700, %add3A_706 : vector<16xf32>
        %add3A_720 = arith.addf %add3A_712, %add3A_718 : vector<16xf32>
        %add3A_721 = arith.addf %add3A_719, %add3A_720 : vector<16xf32>
        %add3A_722 = arith.constant 0 : i32
        %add3A_723 = arith.addi %mul3A_162, %add3A_722 : i32
        %swap3A = arith.index_cast %add3A_723 : i32 to index
        %swap3A_724 = arith.index_cast %mul3A_339 : i32 to index
        %swap3A_725 = tpu.vector_load %arg13[%swap3A, %swap3A_724] {strides = array<i32>} : memref<64x128xf32, #tpu.memory_space<vmem>>, vector<1x16xf32>,
        %swap3A_726 = vector.shape_cast %swap3A_725 : vector<1x16xf32> to vector<16xf32>
        %swap3A_727 = vector.shape_cast %add3A_721 : vector<16xf32> to vector<1x16xf32>
        tpu.vector_store %arg13[%swap3A, %swap3A_724], %swap3A_727 {strides = array<i32>} : memref<64x128xf32, #tpu.memory_space<vmem>>, vector<1x16xf32>,
      }
      %scan3A_167 = arith.constant 8 : i32
      %add3A_168 = arith.constant 8 : i32
      %add3A_169 = arith.addi %add3A_127, %add3A_168 : i32
      %add3A_170 = arith.constant 1 : i32
      %add3A_171 = arith.addi %add3A_169, %add3A_170 : i32
      %lt3A_172 = arith.constant 64 : i32
      %lt3A_173 = arith.cmpi slt, %add3A_171, %lt3A_172 : i32
      %convert_element_type3A_174 = arith.extui %lt3A_173 : i1 to i32
      %cond3A_175 = arith.constant 0 : i32
      %cond3A_176 = arith.cmpi ne, %convert_element_type3A_174, %cond3A_175 : i32
      scf.if %cond3A_176 {
        %add3A_333 = arith.constant 8 : i32
        %add3A_334 = arith.addi %add3A_127, %add3A_333 : i32
        %add3A_335 = arith.constant 1 : i32
        %add3A_336 = arith.addi %add3A_334, %add3A_335 : i32
        %mul3A_337 = arith.constant 64 : i32
        %mul3A_338 = arith.muli %add3A_336, %mul3A_337 : i32
        %dma_start3A_339 = arith.constant 64 : i32
        %dma_start3A_340 = arith.constant 0 : i32
        %dma_start3A_341 = tpu.memref_slice %arg12[%dma_start3A_339, %dma_start3A_340] : memref<512x128xf32, #tpu.memory_space<vmem>> -> memref<64x128xf32, #tpu.memory_space<vmem>>
        %dma_start3A_342 = tpu.memref_slice %arg9[%mul3A_338] : memref<4096xi32, #tpu.memory_space<vmem>> -> memref<64xi32, #tpu.memory_space<vmem>>
        %dma_start3A_343 = arith.constant 0 : i32
        %dma_start3A_344 = arith.constant 0 : i32
        %dma_start3A_345 = tpu.memref_slice %arg2[%dma_start3A_343, %dma_start3A_344] : memref<100000x128xf32, #tpu.memory_space<hbm>> -> memref<100000x128xf32, #tpu.memory_space<hbm>>
        tpu.enqueue_indirect_dma source(%dma_start3A_345 : memref<100000x128xf32, #tpu.memory_space<hbm>>) target(%dma_start3A_341 : memref<64x128xf32, #tpu.memory_space<vmem>>) offsets(%dma_start3A_342 : memref<64xi32, #tpu.memory_space<vmem>>) semaphore(%arg17 : memref<!tpu.dma_semaphore, #tpu.memory_space<semaphore_mem>>)
      } else {
      }
      %dma_wait3A_177 = arith.constant 128 : i32
      %dma_wait3A_178 = arith.constant 0 : i32
      %dma_wait3A_179 = tpu.memref_slice %arg12[%dma_wait3A_177, %dma_wait3A_178] : memref<512x128xf32, #tpu.memory_space<vmem>> -> memref<64x128xf32, #tpu.memory_space<vmem>>
      %dma_wait3A_180 = arith.constant 0 : i32
      %dma_wait3A_181 = tpu.memref_slice %arg9[%dma_wait3A_180] : memref<4096xi32, #tpu.memory_space<vmem>> -> memref<64xi32, #tpu.memory_space<vmem>>
      %dma_wait3A_182 = arith.constant 0 : i32
      %dma_wait3A_183 = arith.constant 0 : i32
      %dma_wait3A_184 = tpu.memref_slice %arg2[%dma_wait3A_182, %dma_wait3A_183] : memref<100000x128xf32, #tpu.memory_space<hbm>> -> memref<100000x128xf32, #tpu.memory_space<hbm>>
      tpu.wait_indirect_dma semaphore(%arg18 : memref<!tpu.dma_semaphore, #tpu.memory_space<semaphore_mem>>) src(%dma_wait3A_184 : memref<100000x128xf32, #tpu.memory_space<hbm>>) dst(%dma_wait3A_179 : memref<64x128xf32, #tpu.memory_space<vmem>>)
      %add3A_185 = arith.constant 2 : i32
      %add3A_186 = arith.addi %add3A_127, %add3A_185 : i32
      %mul3A_187 = arith.constant 1 : i32
      %mul3A_188 = arith.muli %add3A_186, %mul3A_187 : i32
      %scan3A_189 = arith.constant 0 : i32
      %scan3A_190 = arith.constant 8 : i32
      %scan3A_191 = arith.addi %scan3A_189, %scan3A_190 : i32
      %scan3A_192 = arith.constant 1 : i32
      scf.for %scan3A_333 = %scan3A_189 to %scan3A_191 step %scan3A_192  : i32 {
        %mul3A_334 = arith.constant 1 : i32
        %mul3A_335 = arith.muli %scan3A_333, %mul3A_334 : i32
        %add3A_336 = arith.constant 0 : i32
        %add3A_337 = arith.addi %add3A_336, %mul3A_335 : i32
        %mul3A_338 = arith.constant 16 : i32
        %mul3A_339 = arith.muli %add3A_337, %mul3A_338 : i32
        %get3A = arith.constant 128 : i32
        %get3A_340 = arith.index_cast %get3A : i32 to index
        %get3A_341 = arith.index_cast %mul3A_339 : i32 to index
        %get3A_342 = tpu.vector_load %arg12[%get3A_340, %get3A_341] {strides = array<i32>} : memref<512x128xf32, #tpu.memory_space<vmem>>, vector<1x16xf32>,
        %get3A_343 = vector.shape_cast %get3A_342 : vector<1x16xf32> to vector<16xf32>
        %get3A_344 = arith.constant 129 : i32
        %get3A_345 = arith.index_cast %get3A_344 : i32 to index
        %get3A_346 = arith.index_cast %mul3A_339 : i32 to index
        %get3A_347 = tpu.vector_load %arg12[%get3A_345, %get3A_346] {strides = array<i32>} : memref<512x128xf32, #tpu.memory_space<vmem>>, vector<1x16xf32>,
        %get3A_348 = vector.shape_cast %get3A_347 : vector<1x16xf32> to vector<16xf32>
        %get3A_349 = arith.constant 130 : i32
        %get3A_350 = arith.index_cast %get3A_349 : i32 to index
        %get3A_351 = arith.index_cast %mul3A_339 : i32 to index
        %get3A_352 = tpu.vector_load %arg12[%get3A_350, %get3A_351] {strides = array<i32>} : memref<512x128xf32, #tpu.memory_space<vmem>>, vector<1x16xf32>,
        %get3A_353 = vector.shape_cast %get3A_352 : vector<1x16xf32> to vector<16xf32>
        %get3A_354 = arith.constant 131 : i32
        %get3A_355 = arith.index_cast %get3A_354 : i32 to index
        %get3A_356 = arith.index_cast %mul3A_339 : i32 to index
        %get3A_357 = tpu.vector_load %arg12[%get3A_355, %get3A_356] {strides = array<i32>} : memref<512x128xf32, #tpu.memory_space<vmem>>, vector<1x16xf32>,
        %get3A_358 = vector.shape_cast %get3A_357 : vector<1x16xf32> to vector<16xf32>
        %get3A_359 = arith.constant 132 : i32
        %get3A_360 = arith.index_cast %get3A_359 : i32 to index
        %get3A_361 = arith.index_cast %mul3A_339 : i32 to index
        %get3A_362 = tpu.vector_load %arg12[%get3A_360, %get3A_361] {strides = array<i32>} : memref<512x128xf32, #tpu.memory_space<vmem>>, vector<1x16xf32>,
        %get3A_363 = vector.shape_cast %get3A_362 : vector<1x16xf32> to vector<16xf32>
        %add3A_364 = arith.addf %get3A_343, %get3A_363 : vector<16xf32>
        %get3A_365 = arith.constant 133 : i32
        %get3A_366 = arith.index_cast %get3A_365 : i32 to index
        %get3A_367 = arith.index_cast %mul3A_339 : i32 to index
        %get3A_368 = tpu.vector_load %arg12[%get3A_366, %get3A_367] {strides = array<i32>} : memref<512x128xf32, #tpu.memory_space<vmem>>, vector<1x16xf32>,
        %get3A_369 = vector.shape_cast %get3A_368 : vector<1x16xf32> to vector<16xf32>
        %add3A_370 = arith.addf %get3A_348, %get3A_369 : vector<16xf32>
        %get3A_371 = arith.constant 134 : i32
        %get3A_372 = arith.index_cast %get3A_371 : i32 to index
        %get3A_373 = arith.index_cast %mul3A_339 : i32 to index
        %get3A_374 = tpu.vector_load %arg12[%get3A_372, %get3A_373] {strides = array<i32>} : memref<512x128xf32, #tpu.memory_space<vmem>>, vector<1x16xf32>,
        %get3A_375 = vector.shape_cast %get3A_374 : vector<1x16xf32> to vector<16xf32>
        %add3A_376 = arith.addf %get3A_353, %get3A_375 : vector<16xf32>
        %get3A_377 = arith.constant 135 : i32
        %get3A_378 = arith.index_cast %get3A_377 : i32 to index
        %get3A_379 = arith.index_cast %mul3A_339 : i32 to index
        %get3A_380 = tpu.vector_load %arg12[%get3A_378, %get3A_379] {strides = array<i32>} : memref<512x128xf32, #tpu.memory_space<vmem>>, vector<1x16xf32>,
        %get3A_381 = vector.shape_cast %get3A_380 : vector<1x16xf32> to vector<16xf32>
        %add3A_382 = arith.addf %get3A_358, %get3A_381 : vector<16xf32>
        %get3A_383 = arith.constant 136 : i32
        %get3A_384 = arith.index_cast %get3A_383 : i32 to index
        %get3A_385 = arith.index_cast %mul3A_339 : i32 to index
        %get3A_386 = tpu.vector_load %arg12[%get3A_384, %get3A_385] {strides = array<i32>} : memref<512x128xf32, #tpu.memory_space<vmem>>, vector<1x16xf32>,
        %get3A_387 = vector.shape_cast %get3A_386 : vector<1x16xf32> to vector<16xf32>
        %add3A_388 = arith.addf %add3A_364, %get3A_387 : vector<16xf32>
        %get3A_389 = arith.constant 137 : i32
        %get3A_390 = arith.index_cast %get3A_389 : i32 to index
        %get3A_391 = arith.index_cast %mul3A_339 : i32 to index
        %get3A_392 = tpu.vector_load %arg12[%get3A_390, %get3A_391] {strides = array<i32>} : memref<512x128xf32, #tpu.memory_space<vmem>>, vector<1x16xf32>,
        %get3A_393 = vector.shape_cast %get3A_392 : vector<1x16xf32> to vector<16xf32>
        %add3A_394 = arith.addf %add3A_370, %get3A_393 : vector<16xf32>
        %get3A_395 = arith.constant 138 : i32
        %get3A_396 = arith.index_cast %get3A_395 : i32 to index
        %get3A_397 = arith.index_cast %mul3A_339 : i32 to index
        %get3A_398 = tpu.vector_load %arg12[%get3A_396, %get3A_397] {strides = array<i32>} : memref<512x128xf32, #tpu.memory_space<vmem>>, vector<1x16xf32>,
        %get3A_399 = vector.shape_cast %get3A_398 : vector<1x16xf32> to vector<16xf32>
        %add3A_400 = arith.addf %add3A_376, %get3A_399 : vector<16xf32>
        %get3A_401 = arith.constant 139 : i32
        %get3A_402 = arith.index_cast %get3A_401 : i32 to index
        %get3A_403 = arith.index_cast %mul3A_339 : i32 to index
        %get3A_404 = tpu.vector_load %arg12[%get3A_402, %get3A_403] {strides = array<i32>} : memref<512x128xf32, #tpu.memory_space<vmem>>, vector<1x16xf32>,
        %get3A_405 = vector.shape_cast %get3A_404 : vector<1x16xf32> to vector<16xf32>
        %add3A_406 = arith.addf %add3A_382, %get3A_405 : vector<16xf32>
        %get3A_407 = arith.constant 140 : i32
        %get3A_408 = arith.index_cast %get3A_407 : i32 to index
        %get3A_409 = arith.index_cast %mul3A_339 : i32 to index
        %get3A_410 = tpu.vector_load %arg12[%get3A_408, %get3A_409] {strides = array<i32>} : memref<512x128xf32, #tpu.memory_space<vmem>>, vector<1x16xf32>,
        %get3A_411 = vector.shape_cast %get3A_410 : vector<1x16xf32> to vector<16xf32>
        %add3A_412 = arith.addf %add3A_388, %get3A_411 : vector<16xf32>
        %get3A_413 = arith.constant 141 : i32
        %get3A_414 = arith.index_cast %get3A_413 : i32 to index
        %get3A_415 = arith.index_cast %mul3A_339 : i32 to index
        %get3A_416 = tpu.vector_load %arg12[%get3A_414, %get3A_415] {strides = array<i32>} : memref<512x128xf32, #tpu.memory_space<vmem>>, vector<1x16xf32>,
        %get3A_417 = vector.shape_cast %get3A_416 : vector<1x16xf32> to vector<16xf32>
        %add3A_418 = arith.addf %add3A_394, %get3A_417 : vector<16xf32>
        %get3A_419 = arith.constant 142 : i32
        %get3A_420 = arith.index_cast %get3A_419 : i32 to index
        %get3A_421 = arith.index_cast %mul3A_339 : i32 to index
        %get3A_422 = tpu.vector_load %arg12[%get3A_420, %get3A_421] {strides = array<i32>} : memref<512x128xf32, #tpu.memory_space<vmem>>, vector<1x16xf32>,
        %get3A_423 = vector.shape_cast %get3A_422 : vector<1x16xf32> to vector<16xf32>
        %add3A_424 = arith.addf %add3A_400, %get3A_423 : vector<16xf32>
        %get3A_425 = arith.constant 143 : i32
        %get3A_426 = arith.index_cast %get3A_425 : i32 to index
        %get3A_427 = arith.index_cast %mul3A_339 : i32 to index
        %get3A_428 = tpu.vector_load %arg12[%get3A_426, %get3A_427] {strides = array<i32>} : memref<512x128xf32, #tpu.memory_space<vmem>>, vector<1x16xf32>,
        %get3A_429 = vector.shape_cast %get3A_428 : vector<1x16xf32> to vector<16xf32>
        %add3A_430 = arith.addf %add3A_406, %get3A_429 : vector<16xf32>
        %get3A_431 = arith.constant 144 : i32
        %get3A_432 = arith.index_cast %get3A_431 : i32 to index
        %get3A_433 = arith.index_cast %mul3A_339 : i32 to index
        %get3A_434 = tpu.vector_load %arg12[%get3A_432, %get3A_433] {strides = array<i32>} : memref<512x128xf32, #tpu.memory_space<vmem>>, vector<1x16xf32>,
        %get3A_435 = vector.shape_cast %get3A_434 : vector<1x16xf32> to vector<16xf32>
        %add3A_436 = arith.addf %add3A_412, %get3A_435 : vector<16xf32>
        %get3A_437 = arith.constant 145 : i32
        %get3A_438 = arith.index_cast %get3A_437 : i32 to index
        %get3A_439 = arith.index_cast %mul3A_339 : i32 to index
        %get3A_440 = tpu.vector_load %arg12[%get3A_438, %get3A_439] {strides = array<i32>} : memref<512x128xf32, #tpu.memory_space<vmem>>, vector<1x16xf32>,
        %get3A_441 = vector.shape_cast %get3A_440 : vector<1x16xf32> to vector<16xf32>
        %add3A_442 = arith.addf %add3A_418, %get3A_441 : vector<16xf32>
        %get3A_443 = arith.constant 146 : i32
        %get3A_444 = arith.index_cast %get3A_443 : i32 to index
        %get3A_445 = arith.index_cast %mul3A_339 : i32 to index
        %get3A_446 = tpu.vector_load %arg12[%get3A_444, %get3A_445] {strides = array<i32>} : memref<512x128xf32, #tpu.memory_space<vmem>>, vector<1x16xf32>,
        %get3A_447 = vector.shape_cast %get3A_446 : vector<1x16xf32> to vector<16xf32>
        %add3A_448 = arith.addf %add3A_424, %get3A_447 : vector<16xf32>
        %get3A_449 = arith.constant 147 : i32
        %get3A_450 = arith.index_cast %get3A_449 : i32 to index
        %get3A_451 = arith.index_cast %mul3A_339 : i32 to index
        %get3A_452 = tpu.vector_load %arg12[%get3A_450, %get3A_451] {strides = array<i32>} : memref<512x128xf32, #tpu.memory_space<vmem>>, vector<1x16xf32>,
        %get3A_453 = vector.shape_cast %get3A_452 : vector<1x16xf32> to vector<16xf32>
        %add3A_454 = arith.addf %add3A_430, %get3A_453 : vector<16xf32>
        %get3A_455 = arith.constant 148 : i32
        %get3A_456 = arith.index_cast %get3A_455 : i32 to index
        %get3A_457 = arith.index_cast %mul3A_339 : i32 to index
        %get3A_458 = tpu.vector_load %arg12[%get3A_456, %get3A_457] {strides = array<i32>} : memref<512x128xf32, #tpu.memory_space<vmem>>, vector<1x16xf32>,
        %get3A_459 = vector.shape_cast %get3A_458 : vector<1x16xf32> to vector<16xf32>
        %add3A_460 = arith.addf %add3A_436, %get3A_459 : vector<16xf32>
        %get3A_461 = arith.constant 149 : i32
        %get3A_462 = arith.index_cast %get3A_461 : i32 to index
        %get3A_463 = arith.index_cast %mul3A_339 : i32 to index
        %get3A_464 = tpu.vector_load %arg12[%get3A_462, %get3A_463] {strides = array<i32>} : memref<512x128xf32, #tpu.memory_space<vmem>>, vector<1x16xf32>,
        %get3A_465 = vector.shape_cast %get3A_464 : vector<1x16xf32> to vector<16xf32>
        %add3A_466 = arith.addf %add3A_442, %get3A_465 : vector<16xf32>
        %get3A_467 = arith.constant 150 : i32
        %get3A_468 = arith.index_cast %get3A_467 : i32 to index
        %get3A_469 = arith.index_cast %mul3A_339 : i32 to index
        %get3A_470 = tpu.vector_load %arg12[%get3A_468, %get3A_469] {strides = array<i32>} : memref<512x128xf32, #tpu.memory_space<vmem>>, vector<1x16xf32>,
        %get3A_471 = vector.shape_cast %get3A_470 : vector<1x16xf32> to vector<16xf32>
        %add3A_472 = arith.addf %add3A_448, %get3A_471 : vector<16xf32>
        %get3A_473 = arith.constant 151 : i32
        %get3A_474 = arith.index_cast %get3A_473 : i32 to index
        %get3A_475 = arith.index_cast %mul3A_339 : i32 to index
        %get3A_476 = tpu.vector_load %arg12[%get3A_474, %get3A_475] {strides = array<i32>} : memref<512x128xf32, #tpu.memory_space<vmem>>, vector<1x16xf32>,
        %get3A_477 = vector.shape_cast %get3A_476 : vector<1x16xf32> to vector<16xf32>
        %add3A_478 = arith.addf %add3A_454, %get3A_477 : vector<16xf32>
        %get3A_479 = arith.constant 152 : i32
        %get3A_480 = arith.index_cast %get3A_479 : i32 to index
        %get3A_481 = arith.index_cast %mul3A_339 : i32 to index
        %get3A_482 = tpu.vector_load %arg12[%get3A_480, %get3A_481] {strides = array<i32>} : memref<512x128xf32, #tpu.memory_space<vmem>>, vector<1x16xf32>,
        %get3A_483 = vector.shape_cast %get3A_482 : vector<1x16xf32> to vector<16xf32>
        %add3A_484 = arith.addf %add3A_460, %get3A_483 : vector<16xf32>
        %get3A_485 = arith.constant 153 : i32
        %get3A_486 = arith.index_cast %get3A_485 : i32 to index
        %get3A_487 = arith.index_cast %mul3A_339 : i32 to index
        %get3A_488 = tpu.vector_load %arg12[%get3A_486, %get3A_487] {strides = array<i32>} : memref<512x128xf32, #tpu.memory_space<vmem>>, vector<1x16xf32>,
        %get3A_489 = vector.shape_cast %get3A_488 : vector<1x16xf32> to vector<16xf32>
        %add3A_490 = arith.addf %add3A_466, %get3A_489 : vector<16xf32>
        %get3A_491 = arith.constant 154 : i32
        %get3A_492 = arith.index_cast %get3A_491 : i32 to index
        %get3A_493 = arith.index_cast %mul3A_339 : i32 to index
        %get3A_494 = tpu.vector_load %arg12[%get3A_492, %get3A_493] {strides = array<i32>} : memref<512x128xf32, #tpu.memory_space<vmem>>, vector<1x16xf32>,
        %get3A_495 = vector.shape_cast %get3A_494 : vector<1x16xf32> to vector<16xf32>
        %add3A_496 = arith.addf %add3A_472, %get3A_495 : vector<16xf32>
        %get3A_497 = arith.constant 155 : i32
        %get3A_498 = arith.index_cast %get3A_497 : i32 to index
        %get3A_499 = arith.index_cast %mul3A_339 : i32 to index
        %get3A_500 = tpu.vector_load %arg12[%get3A_498, %get3A_499] {strides = array<i32>} : memref<512x128xf32, #tpu.memory_space<vmem>>, vector<1x16xf32>,
        %get3A_501 = vector.shape_cast %get3A_500 : vector<1x16xf32> to vector<16xf32>
        %add3A_502 = arith.addf %add3A_478, %get3A_501 : vector<16xf32>
        %get3A_503 = arith.constant 156 : i32
        %get3A_504 = arith.index_cast %get3A_503 : i32 to index
        %get3A_505 = arith.index_cast %mul3A_339 : i32 to index
        %get3A_506 = tpu.vector_load %arg12[%get3A_504, %get3A_505] {strides = array<i32>} : memref<512x128xf32, #tpu.memory_space<vmem>>, vector<1x16xf32>,
        %get3A_507 = vector.shape_cast %get3A_506 : vector<1x16xf32> to vector<16xf32>
        %add3A_508 = arith.addf %add3A_484, %get3A_507 : vector<16xf32>
        %get3A_509 = arith.constant 157 : i32
        %get3A_510 = arith.index_cast %get3A_509 : i32 to index
        %get3A_511 = arith.index_cast %mul3A_339 : i32 to index
        %get3A_512 = tpu.vector_load %arg12[%get3A_510, %get3A_511] {strides = array<i32>} : memref<512x128xf32, #tpu.memory_space<vmem>>, vector<1x16xf32>,
        %get3A_513 = vector.shape_cast %get3A_512 : vector<1x16xf32> to vector<16xf32>
        %add3A_514 = arith.addf %add3A_490, %get3A_513 : vector<16xf32>
        %get3A_515 = arith.constant 158 : i32
        %get3A_516 = arith.index_cast %get3A_515 : i32 to index
        %get3A_517 = arith.index_cast %mul3A_339 : i32 to index
        %get3A_518 = tpu.vector_load %arg12[%get3A_516, %get3A_517] {strides = array<i32>} : memref<512x128xf32, #tpu.memory_space<vmem>>, vector<1x16xf32>,
        %get3A_519 = vector.shape_cast %get3A_518 : vector<1x16xf32> to vector<16xf32>
        %add3A_520 = arith.addf %add3A_496, %get3A_519 : vector<16xf32>
        %get3A_521 = arith.constant 159 : i32
        %get3A_522 = arith.index_cast %get3A_521 : i32 to index
        %get3A_523 = arith.index_cast %mul3A_339 : i32 to index
        %get3A_524 = tpu.vector_load %arg12[%get3A_522, %get3A_523] {strides = array<i32>} : memref<512x128xf32, #tpu.memory_space<vmem>>, vector<1x16xf32>,
        %get3A_525 = vector.shape_cast %get3A_524 : vector<1x16xf32> to vector<16xf32>
        %add3A_526 = arith.addf %add3A_502, %get3A_525 : vector<16xf32>
        %get3A_527 = arith.constant 160 : i32
        %get3A_528 = arith.index_cast %get3A_527 : i32 to index
        %get3A_529 = arith.index_cast %mul3A_339 : i32 to index
        %get3A_530 = tpu.vector_load %arg12[%get3A_528, %get3A_529] {strides = array<i32>} : memref<512x128xf32, #tpu.memory_space<vmem>>, vector<1x16xf32>,
        %get3A_531 = vector.shape_cast %get3A_530 : vector<1x16xf32> to vector<16xf32>
        %add3A_532 = arith.addf %add3A_508, %get3A_531 : vector<16xf32>
        %get3A_533 = arith.constant 161 : i32
        %get3A_534 = arith.index_cast %get3A_533 : i32 to index
        %get3A_535 = arith.index_cast %mul3A_339 : i32 to index
        %get3A_536 = tpu.vector_load %arg12[%get3A_534, %get3A_535] {strides = array<i32>} : memref<512x128xf32, #tpu.memory_space<vmem>>, vector<1x16xf32>,
        %get3A_537 = vector.shape_cast %get3A_536 : vector<1x16xf32> to vector<16xf32>
        %add3A_538 = arith.addf %add3A_514, %get3A_537 : vector<16xf32>
        %get3A_539 = arith.constant 162 : i32
        %get3A_540 = arith.index_cast %get3A_539 : i32 to index
        %get3A_541 = arith.index_cast %mul3A_339 : i32 to index
        %get3A_542 = tpu.vector_load %arg12[%get3A_540, %get3A_541] {strides = array<i32>} : memref<512x128xf32, #tpu.memory_space<vmem>>, vector<1x16xf32>,
        %get3A_543 = vector.shape_cast %get3A_542 : vector<1x16xf32> to vector<16xf32>
        %add3A_544 = arith.addf %add3A_520, %get3A_543 : vector<16xf32>
        %get3A_545 = arith.constant 163 : i32
        %get3A_546 = arith.index_cast %get3A_545 : i32 to index
        %get3A_547 = arith.index_cast %mul3A_339 : i32 to index
        %get3A_548 = tpu.vector_load %arg12[%get3A_546, %get3A_547] {strides = array<i32>} : memref<512x128xf32, #tpu.memory_space<vmem>>, vector<1x16xf32>,
        %get3A_549 = vector.shape_cast %get3A_548 : vector<1x16xf32> to vector<16xf32>
        %add3A_550 = arith.addf %add3A_526, %get3A_549 : vector<16xf32>
        %get3A_551 = arith.constant 164 : i32
        %get3A_552 = arith.index_cast %get3A_551 : i32 to index
        %get3A_553 = arith.index_cast %mul3A_339 : i32 to index
        %get3A_554 = tpu.vector_load %arg12[%get3A_552, %get3A_553] {strides = array<i32>} : memref<512x128xf32, #tpu.memory_space<vmem>>, vector<1x16xf32>,
        %get3A_555 = vector.shape_cast %get3A_554 : vector<1x16xf32> to vector<16xf32>
        %add3A_556 = arith.addf %add3A_532, %get3A_555 : vector<16xf32>
        %get3A_557 = arith.constant 165 : i32
        %get3A_558 = arith.index_cast %get3A_557 : i32 to index
        %get3A_559 = arith.index_cast %mul3A_339 : i32 to index
        %get3A_560 = tpu.vector_load %arg12[%get3A_558, %get3A_559] {strides = array<i32>} : memref<512x128xf32, #tpu.memory_space<vmem>>, vector<1x16xf32>,
        %get3A_561 = vector.shape_cast %get3A_560 : vector<1x16xf32> to vector<16xf32>
        %add3A_562 = arith.addf %add3A_538, %get3A_561 : vector<16xf32>
        %get3A_563 = arith.constant 166 : i32
        %get3A_564 = arith.index_cast %get3A_563 : i32 to index
        %get3A_565 = arith.index_cast %mul3A_339 : i32 to index
        %get3A_566 = tpu.vector_load %arg12[%get3A_564, %get3A_565] {strides = array<i32>} : memref<512x128xf32, #tpu.memory_space<vmem>>, vector<1x16xf32>,
        %get3A_567 = vector.shape_cast %get3A_566 : vector<1x16xf32> to vector<16xf32>
        %add3A_568 = arith.addf %add3A_544, %get3A_567 : vector<16xf32>
        %get3A_569 = arith.constant 167 : i32
        %get3A_570 = arith.index_cast %get3A_569 : i32 to index
        %get3A_571 = arith.index_cast %mul3A_339 : i32 to index
        %get3A_572 = tpu.vector_load %arg12[%get3A_570, %get3A_571] {strides = array<i32>} : memref<512x128xf32, #tpu.memory_space<vmem>>, vector<1x16xf32>,
        %get3A_573 = vector.shape_cast %get3A_572 : vector<1x16xf32> to vector<16xf32>
        %add3A_574 = arith.addf %add3A_550, %get3A_573 : vector<16xf32>
        %get3A_575 = arith.constant 168 : i32
        %get3A_576 = arith.index_cast %get3A_575 : i32 to index
        %get3A_577 = arith.index_cast %mul3A_339 : i32 to index
        %get3A_578 = tpu.vector_load %arg12[%get3A_576, %get3A_577] {strides = array<i32>} : memref<512x128xf32, #tpu.memory_space<vmem>>, vector<1x16xf32>,
        %get3A_579 = vector.shape_cast %get3A_578 : vector<1x16xf32> to vector<16xf32>
        %add3A_580 = arith.addf %add3A_556, %get3A_579 : vector<16xf32>
        %get3A_581 = arith.constant 169 : i32
        %get3A_582 = arith.index_cast %get3A_581 : i32 to index
        %get3A_583 = arith.index_cast %mul3A_339 : i32 to index
        %get3A_584 = tpu.vector_load %arg12[%get3A_582, %get3A_583] {strides = array<i32>} : memref<512x128xf32, #tpu.memory_space<vmem>>, vector<1x16xf32>,
        %get3A_585 = vector.shape_cast %get3A_584 : vector<1x16xf32> to vector<16xf32>
        %add3A_586 = arith.addf %add3A_562, %get3A_585 : vector<16xf32>
        %get3A_587 = arith.constant 170 : i32
        %get3A_588 = arith.index_cast %get3A_587 : i32 to index
        %get3A_589 = arith.index_cast %mul3A_339 : i32 to index
        %get3A_590 = tpu.vector_load %arg12[%get3A_588, %get3A_589] {strides = array<i32>} : memref<512x128xf32, #tpu.memory_space<vmem>>, vector<1x16xf32>,
        %get3A_591 = vector.shape_cast %get3A_590 : vector<1x16xf32> to vector<16xf32>
        %add3A_592 = arith.addf %add3A_568, %get3A_591 : vector<16xf32>
        %get3A_593 = arith.constant 171 : i32
        %get3A_594 = arith.index_cast %get3A_593 : i32 to index
        %get3A_595 = arith.index_cast %mul3A_339 : i32 to index
        %get3A_596 = tpu.vector_load %arg12[%get3A_594, %get3A_595] {strides = array<i32>} : memref<512x128xf32, #tpu.memory_space<vmem>>, vector<1x16xf32>,
        %get3A_597 = vector.shape_cast %get3A_596 : vector<1x16xf32> to vector<16xf32>
        %add3A_598 = arith.addf %add3A_574, %get3A_597 : vector<16xf32>
        %get3A_599 = arith.constant 172 : i32
        %get3A_600 = arith.index_cast %get3A_599 : i32 to index
        %get3A_601 = arith.index_cast %mul3A_339 : i32 to index
        %get3A_602 = tpu.vector_load %arg12[%get3A_600, %get3A_601] {strides = array<i32>} : memref<512x128xf32, #tpu.memory_space<vmem>>, vector<1x16xf32>,
        %get3A_603 = vector.shape_cast %get3A_602 : vector<1x16xf32> to vector<16xf32>
        %add3A_604 = arith.addf %add3A_580, %get3A_603 : vector<16xf32>
        %get3A_605 = arith.constant 173 : i32
        %get3A_606 = arith.index_cast %get3A_605 : i32 to index
        %get3A_607 = arith.index_cast %mul3A_339 : i32 to index
        %get3A_608 = tpu.vector_load %arg12[%get3A_606, %get3A_607] {strides = array<i32>} : memref<512x128xf32, #tpu.memory_space<vmem>>, vector<1x16xf32>,
        %get3A_609 = vector.shape_cast %get3A_608 : vector<1x16xf32> to vector<16xf32>
        %add3A_610 = arith.addf %add3A_586, %get3A_609 : vector<16xf32>
        %get3A_611 = arith.constant 174 : i32
        %get3A_612 = arith.index_cast %get3A_611 : i32 to index
        %get3A_613 = arith.index_cast %mul3A_339 : i32 to index
        %get3A_614 = tpu.vector_load %arg12[%get3A_612, %get3A_613] {strides = array<i32>} : memref<512x128xf32, #tpu.memory_space<vmem>>, vector<1x16xf32>,
        %get3A_615 = vector.shape_cast %get3A_614 : vector<1x16xf32> to vector<16xf32>
        %add3A_616 = arith.addf %add3A_592, %get3A_615 : vector<16xf32>
        %get3A_617 = arith.constant 175 : i32
        %get3A_618 = arith.index_cast %get3A_617 : i32 to index
        %get3A_619 = arith.index_cast %mul3A_339 : i32 to index
        %get3A_620 = tpu.vector_load %arg12[%get3A_618, %get3A_619] {strides = array<i32>} : memref<512x128xf32, #tpu.memory_space<vmem>>, vector<1x16xf32>,
        %get3A_621 = vector.shape_cast %get3A_620 : vector<1x16xf32> to vector<16xf32>
        %add3A_622 = arith.addf %add3A_598, %get3A_621 : vector<16xf32>
        %get3A_623 = arith.constant 176 : i32
        %get3A_624 = arith.index_cast %get3A_623 : i32 to index
        %get3A_625 = arith.index_cast %mul3A_339 : i32 to index
        %get3A_626 = tpu.vector_load %arg12[%get3A_624, %get3A_625] {strides = array<i32>} : memref<512x128xf32, #tpu.memory_space<vmem>>, vector<1x16xf32>,
        %get3A_627 = vector.shape_cast %get3A_626 : vector<1x16xf32> to vector<16xf32>
        %add3A_628 = arith.addf %add3A_604, %get3A_627 : vector<16xf32>
        %get3A_629 = arith.constant 177 : i32
        %get3A_630 = arith.index_cast %get3A_629 : i32 to index
        %get3A_631 = arith.index_cast %mul3A_339 : i32 to index
        %get3A_632 = tpu.vector_load %arg12[%get3A_630, %get3A_631] {strides = array<i32>} : memref<512x128xf32, #tpu.memory_space<vmem>>, vector<1x16xf32>,
        %get3A_633 = vector.shape_cast %get3A_632 : vector<1x16xf32> to vector<16xf32>
        %add3A_634 = arith.addf %add3A_610, %get3A_633 : vector<16xf32>
        %get3A_635 = arith.constant 178 : i32
        %get3A_636 = arith.index_cast %get3A_635 : i32 to index
        %get3A_637 = arith.index_cast %mul3A_339 : i32 to index
        %get3A_638 = tpu.vector_load %arg12[%get3A_636, %get3A_637] {strides = array<i32>} : memref<512x128xf32, #tpu.memory_space<vmem>>, vector<1x16xf32>,
        %get3A_639 = vector.shape_cast %get3A_638 : vector<1x16xf32> to vector<16xf32>
        %add3A_640 = arith.addf %add3A_616, %get3A_639 : vector<16xf32>
        %get3A_641 = arith.constant 179 : i32
        %get3A_642 = arith.index_cast %get3A_641 : i32 to index
        %get3A_643 = arith.index_cast %mul3A_339 : i32 to index
        %get3A_644 = tpu.vector_load %arg12[%get3A_642, %get3A_643] {strides = array<i32>} : memref<512x128xf32, #tpu.memory_space<vmem>>, vector<1x16xf32>,
        %get3A_645 = vector.shape_cast %get3A_644 : vector<1x16xf32> to vector<16xf32>
        %add3A_646 = arith.addf %add3A_622, %get3A_645 : vector<16xf32>
        %get3A_647 = arith.constant 180 : i32
        %get3A_648 = arith.index_cast %get3A_647 : i32 to index
        %get3A_649 = arith.index_cast %mul3A_339 : i32 to index
        %get3A_650 = tpu.vector_load %arg12[%get3A_648, %get3A_649] {strides = array<i32>} : memref<512x128xf32, #tpu.memory_space<vmem>>, vector<1x16xf32>,
        %get3A_651 = vector.shape_cast %get3A_650 : vector<1x16xf32> to vector<16xf32>
        %add3A_652 = arith.addf %add3A_628, %get3A_651 : vector<16xf32>
        %get3A_653 = arith.constant 181 : i32
        %get3A_654 = arith.index_cast %get3A_653 : i32 to index
        %get3A_655 = arith.index_cast %mul3A_339 : i32 to index
        %get3A_656 = tpu.vector_load %arg12[%get3A_654, %get3A_655] {strides = array<i32>} : memref<512x128xf32, #tpu.memory_space<vmem>>, vector<1x16xf32>,
        %get3A_657 = vector.shape_cast %get3A_656 : vector<1x16xf32> to vector<16xf32>
        %add3A_658 = arith.addf %add3A_634, %get3A_657 : vector<16xf32>
        %get3A_659 = arith.constant 182 : i32
        %get3A_660 = arith.index_cast %get3A_659 : i32 to index
        %get3A_661 = arith.index_cast %mul3A_339 : i32 to index
        %get3A_662 = tpu.vector_load %arg12[%get3A_660, %get3A_661] {strides = array<i32>} : memref<512x128xf32, #tpu.memory_space<vmem>>, vector<1x16xf32>,
        %get3A_663 = vector.shape_cast %get3A_662 : vector<1x16xf32> to vector<16xf32>
        %add3A_664 = arith.addf %add3A_640, %get3A_663 : vector<16xf32>
        %get3A_665 = arith.constant 183 : i32
        %get3A_666 = arith.index_cast %get3A_665 : i32 to index
        %get3A_667 = arith.index_cast %mul3A_339 : i32 to index
        %get3A_668 = tpu.vector_load %arg12[%get3A_666, %get3A_667] {strides = array<i32>} : memref<512x128xf32, #tpu.memory_space<vmem>>, vector<1x16xf32>,
        %get3A_669 = vector.shape_cast %get3A_668 : vector<1x16xf32> to vector<16xf32>
        %add3A_670 = arith.addf %add3A_646, %get3A_669 : vector<16xf32>
        %get3A_671 = arith.constant 184 : i32
        %get3A_672 = arith.index_cast %get3A_671 : i32 to index
        %get3A_673 = arith.index_cast %mul3A_339 : i32 to index
        %get3A_674 = tpu.vector_load %arg12[%get3A_672, %get3A_673] {strides = array<i32>} : memref<512x128xf32, #tpu.memory_space<vmem>>, vector<1x16xf32>,
        %get3A_675 = vector.shape_cast %get3A_674 : vector<1x16xf32> to vector<16xf32>
        %add3A_676 = arith.addf %add3A_652, %get3A_675 : vector<16xf32>
        %get3A_677 = arith.constant 185 : i32
        %get3A_678 = arith.index_cast %get3A_677 : i32 to index
        %get3A_679 = arith.index_cast %mul3A_339 : i32 to index
        %get3A_680 = tpu.vector_load %arg12[%get3A_678, %get3A_679] {strides = array<i32>} : memref<512x128xf32, #tpu.memory_space<vmem>>, vector<1x16xf32>,
        %get3A_681 = vector.shape_cast %get3A_680 : vector<1x16xf32> to vector<16xf32>
        %add3A_682 = arith.addf %add3A_658, %get3A_681 : vector<16xf32>
        %get3A_683 = arith.constant 186 : i32
        %get3A_684 = arith.index_cast %get3A_683 : i32 to index
        %get3A_685 = arith.index_cast %mul3A_339 : i32 to index
        %get3A_686 = tpu.vector_load %arg12[%get3A_684, %get3A_685] {strides = array<i32>} : memref<512x128xf32, #tpu.memory_space<vmem>>, vector<1x16xf32>,
        %get3A_687 = vector.shape_cast %get3A_686 : vector<1x16xf32> to vector<16xf32>
        %add3A_688 = arith.addf %add3A_664, %get3A_687 : vector<16xf32>
        %get3A_689 = arith.constant 187 : i32
        %get3A_690 = arith.index_cast %get3A_689 : i32 to index
        %get3A_691 = arith.index_cast %mul3A_339 : i32 to index
        %get3A_692 = tpu.vector_load %arg12[%get3A_690, %get3A_691] {strides = array<i32>} : memref<512x128xf32, #tpu.memory_space<vmem>>, vector<1x16xf32>,
        %get3A_693 = vector.shape_cast %get3A_692 : vector<1x16xf32> to vector<16xf32>
        %add3A_694 = arith.addf %add3A_670, %get3A_693 : vector<16xf32>
        %get3A_695 = arith.constant 188 : i32
        %get3A_696 = arith.index_cast %get3A_695 : i32 to index
        %get3A_697 = arith.index_cast %mul3A_339 : i32 to index
        %get3A_698 = tpu.vector_load %arg12[%get3A_696, %get3A_697] {strides = array<i32>} : memref<512x128xf32, #tpu.memory_space<vmem>>, vector<1x16xf32>,
        %get3A_699 = vector.shape_cast %get3A_698 : vector<1x16xf32> to vector<16xf32>
        %add3A_700 = arith.addf %add3A_676, %get3A_699 : vector<16xf32>
        %get3A_701 = arith.constant 189 : i32
        %get3A_702 = arith.index_cast %get3A_701 : i32 to index
        %get3A_703 = arith.index_cast %mul3A_339 : i32 to index
        %get3A_704 = tpu.vector_load %arg12[%get3A_702, %get3A_703] {strides = array<i32>} : memref<512x128xf32, #tpu.memory_space<vmem>>, vector<1x16xf32>,
        %get3A_705 = vector.shape_cast %get3A_704 : vector<1x16xf32> to vector<16xf32>
        %add3A_706 = arith.addf %add3A_682, %get3A_705 : vector<16xf32>
        %get3A_707 = arith.constant 190 : i32
        %get3A_708 = arith.index_cast %get3A_707 : i32 to index
        %get3A_709 = arith.index_cast %mul3A_339 : i32 to index
        %get3A_710 = tpu.vector_load %arg12[%get3A_708, %get3A_709] {strides = array<i32>} : memref<512x128xf32, #tpu.memory_space<vmem>>, vector<1x16xf32>,
        %get3A_711 = vector.shape_cast %get3A_710 : vector<1x16xf32> to vector<16xf32>
        %add3A_712 = arith.addf %add3A_688, %get3A_711 : vector<16xf32>
        %get3A_713 = arith.constant 191 : i32
        %get3A_714 = arith.index_cast %get3A_713 : i32 to index
        %get3A_715 = arith.index_cast %mul3A_339 : i32 to index
        %get3A_716 = tpu.vector_load %arg12[%get3A_714, %get3A_715] {strides = array<i32>} : memref<512x128xf32, #tpu.memory_space<vmem>>, vector<1x16xf32>,
        %get3A_717 = vector.shape_cast %get3A_716 : vector<1x16xf32> to vector<16xf32>
        %add3A_718 = arith.addf %add3A_694, %get3A_717 : vector<16xf32>
        %add3A_719 = arith.addf %add3A_700, %add3A_706 : vector<16xf32>
        %add3A_720 = arith.addf %add3A_712, %add3A_718 : vector<16xf32>
        %add3A_721 = arith.addf %add3A_719, %add3A_720 : vector<16xf32>
        %add3A_722 = arith.constant 0 : i32
        %add3A_723 = arith.addi %mul3A_188, %add3A_722 : i32
        %swap3A = arith.index_cast %add3A_723 : i32 to index
        %swap3A_724 = arith.index_cast %mul3A_339 : i32 to index
        %swap3A_725 = tpu.vector_load %arg13[%swap3A, %swap3A_724] {strides = array<i32>} : memref<64x128xf32, #tpu.memory_space<vmem>>, vector<1x16xf32>,
        %swap3A_726 = vector.shape_cast %swap3A_725 : vector<1x16xf32> to vector<16xf32>
        %swap3A_727 = vector.shape_cast %add3A_721 : vector<16xf32> to vector<1x16xf32>
        tpu.vector_store %arg13[%swap3A, %swap3A_724], %swap3A_727 {strides = array<i32>} : memref<64x128xf32, #tpu.memory_space<vmem>>, vector<1x16xf32>,
      }
      %scan3A_193 = arith.constant 8 : i32
      %add3A_194 = arith.constant 8 : i32
      %add3A_195 = arith.addi %add3A_127, %add3A_194 : i32
      %add3A_196 = arith.constant 2 : i32
      %add3A_197 = arith.addi %add3A_195, %add3A_196 : i32
      %lt3A_198 = arith.constant 64 : i32
      %lt3A_199 = arith.cmpi slt, %add3A_197, %lt3A_198 : i32
      %convert_element_type3A_200 = arith.extui %lt3A_199 : i1 to i32
      %cond3A_201 = arith.constant 0 : i32
      %cond3A_202 = arith.cmpi ne, %convert_element_type3A_200, %cond3A_201 : i32
      scf.if %cond3A_202 {
        %add3A_333 = arith.constant 8 : i32
        %add3A_334 = arith.addi %add3A_127, %add3A_333 : i32
        %add3A_335 = arith.constant 2 : i32
        %add3A_336 = arith.addi %add3A_334, %add3A_335 : i32
        %mul3A_337 = arith.constant 64 : i32
        %mul3A_338 = arith.muli %add3A_336, %mul3A_337 : i32
        %dma_start3A_339 = arith.constant 128 : i32
        %dma_start3A_340 = arith.constant 0 : i32
        %dma_start3A_341 = tpu.memref_slice %arg12[%dma_start3A_339, %dma_start3A_340] : memref<512x128xf32, #tpu.memory_space<vmem>> -> memref<64x128xf32, #tpu.memory_space<vmem>>
        %dma_start3A_342 = tpu.memref_slice %arg9[%mul3A_338] : memref<4096xi32, #tpu.memory_space<vmem>> -> memref<64xi32, #tpu.memory_space<vmem>>
        %dma_start3A_343 = arith.constant 0 : i32
        %dma_start3A_344 = arith.constant 0 : i32
        %dma_start3A_345 = tpu.memref_slice %arg2[%dma_start3A_343, %dma_start3A_344] : memref<100000x128xf32, #tpu.memory_space<hbm>> -> memref<100000x128xf32, #tpu.memory_space<hbm>>
        tpu.enqueue_indirect_dma source(%dma_start3A_345 : memref<100000x128xf32, #tpu.memory_space<hbm>>) target(%dma_start3A_341 : memref<64x128xf32, #tpu.memory_space<vmem>>) offsets(%dma_start3A_342 : memref<64xi32, #tpu.memory_space<vmem>>) semaphore(%arg18 : memref<!tpu.dma_semaphore, #tpu.memory_space<semaphore_mem>>)
      } else {
      }
      %dma_wait3A_203 = arith.constant 192 : i32
      %dma_wait3A_204 = arith.constant 0 : i32
      %dma_wait3A_205 = tpu.memref_slice %arg12[%dma_wait3A_203, %dma_wait3A_204] : memref<512x128xf32, #tpu.memory_space<vmem>> -> memref<64x128xf32, #tpu.memory_space<vmem>>
      %dma_wait3A_206 = arith.constant 0 : i32
      %dma_wait3A_207 = tpu.memref_slice %arg9[%dma_wait3A_206] : memref<4096xi32, #tpu.memory_space<vmem>> -> memref<64xi32, #tpu.memory_space<vmem>>
      %dma_wait3A_208 = arith.constant 0 : i32
      %dma_wait3A_209 = arith.constant 0 : i32
      %dma_wait3A_210 = tpu.memref_slice %arg2[%dma_wait3A_208, %dma_wait3A_209] : memref<100000x128xf32, #tpu.memory_space<hbm>> -> memref<100000x128xf32, #tpu.memory_space<hbm>>
      tpu.wait_indirect_dma semaphore(%arg19 : memref<!tpu.dma_semaphore, #tpu.memory_space<semaphore_mem>>) src(%dma_wait3A_210 : memref<100000x128xf32, #tpu.memory_space<hbm>>) dst(%dma_wait3A_205 : memref<64x128xf32, #tpu.memory_space<vmem>>)
      %add3A_211 = arith.constant 3 : i32
      %add3A_212 = arith.addi %add3A_127, %add3A_211 : i32
      %mul3A_213 = arith.constant 1 : i32
      %mul3A_214 = arith.muli %add3A_212, %mul3A_213 : i32
      %scan3A_215 = arith.constant 0 : i32
      %scan3A_216 = arith.constant 8 : i32
      %scan3A_217 = arith.addi %scan3A_215, %scan3A_216 : i32
      %scan3A_218 = arith.constant 1 : i32
      scf.for %scan3A_333 = %scan3A_215 to %scan3A_217 step %scan3A_218  : i32 {
        %mul3A_334 = arith.constant 1 : i32
        %mul3A_335 = arith.muli %scan3A_333, %mul3A_334 : i32
        %add3A_336 = arith.constant 0 : i32
        %add3A_337 = arith.addi %add3A_336, %mul3A_335 : i32
        %mul3A_338 = arith.constant 16 : i32
        %mul3A_339 = arith.muli %add3A_337, %mul3A_338 : i32
        %get3A = arith.constant 192 : i32
        %get3A_340 = arith.index_cast %get3A : i32 to index
        %get3A_341 = arith.index_cast %mul3A_339 : i32 to index
        %get3A_342 = tpu.vector_load %arg12[%get3A_340, %get3A_341] {strides = array<i32>} : memref<512x128xf32, #tpu.memory_space<vmem>>, vector<1x16xf32>,
        %get3A_343 = vector.shape_cast %get3A_342 : vector<1x16xf32> to vector<16xf32>
        %get3A_344 = arith.constant 193 : i32
        %get3A_345 = arith.index_cast %get3A_344 : i32 to index
        %get3A_346 = arith.index_cast %mul3A_339 : i32 to index
        %get3A_347 = tpu.vector_load %arg12[%get3A_345, %get3A_346] {strides = array<i32>} : memref<512x128xf32, #tpu.memory_space<vmem>>, vector<1x16xf32>,
        %get3A_348 = vector.shape_cast %get3A_347 : vector<1x16xf32> to vector<16xf32>
        %get3A_349 = arith.constant 194 : i32
        %get3A_350 = arith.index_cast %get3A_349 : i32 to index
        %get3A_351 = arith.index_cast %mul3A_339 : i32 to index
        %get3A_352 = tpu.vector_load %arg12[%get3A_350, %get3A_351] {strides = array<i32>} : memref<512x128xf32, #tpu.memory_space<vmem>>, vector<1x16xf32>,
        %get3A_353 = vector.shape_cast %get3A_352 : vector<1x16xf32> to vector<16xf32>
        %get3A_354 = arith.constant 195 : i32
        %get3A_355 = arith.index_cast %get3A_354 : i32 to index
        %get3A_356 = arith.index_cast %mul3A_339 : i32 to index
        %get3A_357 = tpu.vector_load %arg12[%get3A_355, %get3A_356] {strides = array<i32>} : memref<512x128xf32, #tpu.memory_space<vmem>>, vector<1x16xf32>,
        %get3A_358 = vector.shape_cast %get3A_357 : vector<1x16xf32> to vector<16xf32>
        %get3A_359 = arith.constant 196 : i32
        %get3A_360 = arith.index_cast %get3A_359 : i32 to index
        %get3A_361 = arith.index_cast %mul3A_339 : i32 to index
        %get3A_362 = tpu.vector_load %arg12[%get3A_360, %get3A_361] {strides = array<i32>} : memref<512x128xf32, #tpu.memory_space<vmem>>, vector<1x16xf32>,
        %get3A_363 = vector.shape_cast %get3A_362 : vector<1x16xf32> to vector<16xf32>
        %add3A_364 = arith.addf %get3A_343, %get3A_363 : vector<16xf32>
        %get3A_365 = arith.constant 197 : i32
        %get3A_366 = arith.index_cast %get3A_365 : i32 to index
        %get3A_367 = arith.index_cast %mul3A_339 : i32 to index
        %get3A_368 = tpu.vector_load %arg12[%get3A_366, %get3A_367] {strides = array<i32>} : memref<512x128xf32, #tpu.memory_space<vmem>>, vector<1x16xf32>,
        %get3A_369 = vector.shape_cast %get3A_368 : vector<1x16xf32> to vector<16xf32>
        %add3A_370 = arith.addf %get3A_348, %get3A_369 : vector<16xf32>
        %get3A_371 = arith.constant 198 : i32
        %get3A_372 = arith.index_cast %get3A_371 : i32 to index
        %get3A_373 = arith.index_cast %mul3A_339 : i32 to index
        %get3A_374 = tpu.vector_load %arg12[%get3A_372, %get3A_373] {strides = array<i32>} : memref<512x128xf32, #tpu.memory_space<vmem>>, vector<1x16xf32>,
        %get3A_375 = vector.shape_cast %get3A_374 : vector<1x16xf32> to vector<16xf32>
        %add3A_376 = arith.addf %get3A_353, %get3A_375 : vector<16xf32>
        %get3A_377 = arith.constant 199 : i32
        %get3A_378 = arith.index_cast %get3A_377 : i32 to index
        %get3A_379 = arith.index_cast %mul3A_339 : i32 to index
        %get3A_380 = tpu.vector_load %arg12[%get3A_378, %get3A_379] {strides = array<i32>} : memref<512x128xf32, #tpu.memory_space<vmem>>, vector<1x16xf32>,
        %get3A_381 = vector.shape_cast %get3A_380 : vector<1x16xf32> to vector<16xf32>
        %add3A_382 = arith.addf %get3A_358, %get3A_381 : vector<16xf32>
        %get3A_383 = arith.constant 200 : i32
        %get3A_384 = arith.index_cast %get3A_383 : i32 to index
        %get3A_385 = arith.index_cast %mul3A_339 : i32 to index
        %get3A_386 = tpu.vector_load %arg12[%get3A_384, %get3A_385] {strides = array<i32>} : memref<512x128xf32, #tpu.memory_space<vmem>>, vector<1x16xf32>,
        %get3A_387 = vector.shape_cast %get3A_386 : vector<1x16xf32> to vector<16xf32>
        %add3A_388 = arith.addf %add3A_364, %get3A_387 : vector<16xf32>
        %get3A_389 = arith.constant 201 : i32
        %get3A_390 = arith.index_cast %get3A_389 : i32 to index
        %get3A_391 = arith.index_cast %mul3A_339 : i32 to index
        %get3A_392 = tpu.vector_load %arg12[%get3A_390, %get3A_391] {strides = array<i32>} : memref<512x128xf32, #tpu.memory_space<vmem>>, vector<1x16xf32>,
        %get3A_393 = vector.shape_cast %get3A_392 : vector<1x16xf32> to vector<16xf32>
        %add3A_394 = arith.addf %add3A_370, %get3A_393 : vector<16xf32>
        %get3A_395 = arith.constant 202 : i32
        %get3A_396 = arith.index_cast %get3A_395 : i32 to index
        %get3A_397 = arith.index_cast %mul3A_339 : i32 to index
        %get3A_398 = tpu.vector_load %arg12[%get3A_396, %get3A_397] {strides = array<i32>} : memref<512x128xf32, #tpu.memory_space<vmem>>, vector<1x16xf32>,
        %get3A_399 = vector.shape_cast %get3A_398 : vector<1x16xf32> to vector<16xf32>
        %add3A_400 = arith.addf %add3A_376, %get3A_399 : vector<16xf32>
        %get3A_401 = arith.constant 203 : i32
        %get3A_402 = arith.index_cast %get3A_401 : i32 to index
        %get3A_403 = arith.index_cast %mul3A_339 : i32 to index
        %get3A_404 = tpu.vector_load %arg12[%get3A_402, %get3A_403] {strides = array<i32>} : memref<512x128xf32, #tpu.memory_space<vmem>>, vector<1x16xf32>,
        %get3A_405 = vector.shape_cast %get3A_404 : vector<1x16xf32> to vector<16xf32>
        %add3A_406 = arith.addf %add3A_382, %get3A_405 : vector<16xf32>
        %get3A_407 = arith.constant 204 : i32
        %get3A_408 = arith.index_cast %get3A_407 : i32 to index
        %get3A_409 = arith.index_cast %mul3A_339 : i32 to index
        %get3A_410 = tpu.vector_load %arg12[%get3A_408, %get3A_409] {strides = array<i32>} : memref<512x128xf32, #tpu.memory_space<vmem>>, vector<1x16xf32>,
        %get3A_411 = vector.shape_cast %get3A_410 : vector<1x16xf32> to vector<16xf32>
        %add3A_412 = arith.addf %add3A_388, %get3A_411 : vector<16xf32>
        %get3A_413 = arith.constant 205 : i32
        %get3A_414 = arith.index_cast %get3A_413 : i32 to index
        %get3A_415 = arith.index_cast %mul3A_339 : i32 to index
        %get3A_416 = tpu.vector_load %arg12[%get3A_414, %get3A_415] {strides = array<i32>} : memref<512x128xf32, #tpu.memory_space<vmem>>, vector<1x16xf32>,
        %get3A_417 = vector.shape_cast %get3A_416 : vector<1x16xf32> to vector<16xf32>
        %add3A_418 = arith.addf %add3A_394, %get3A_417 : vector<16xf32>
        %get3A_419 = arith.constant 206 : i32
        %get3A_420 = arith.index_cast %get3A_419 : i32 to index
        %get3A_421 = arith.index_cast %mul3A_339 : i32 to index
        %get3A_422 = tpu.vector_load %arg12[%get3A_420, %get3A_421] {strides = array<i32>} : memref<512x128xf32, #tpu.memory_space<vmem>>, vector<1x16xf32>,
        %get3A_423 = vector.shape_cast %get3A_422 : vector<1x16xf32> to vector<16xf32>
        %add3A_424 = arith.addf %add3A_400, %get3A_423 : vector<16xf32>
        %get3A_425 = arith.constant 207 : i32
        %get3A_426 = arith.index_cast %get3A_425 : i32 to index
        %get3A_427 = arith.index_cast %mul3A_339 : i32 to index
        %get3A_428 = tpu.vector_load %arg12[%get3A_426, %get3A_427] {strides = array<i32>} : memref<512x128xf32, #tpu.memory_space<vmem>>, vector<1x16xf32>,
        %get3A_429 = vector.shape_cast %get3A_428 : vector<1x16xf32> to vector<16xf32>
        %add3A_430 = arith.addf %add3A_406, %get3A_429 : vector<16xf32>
        %get3A_431 = arith.constant 208 : i32
        %get3A_432 = arith.index_cast %get3A_431 : i32 to index
        %get3A_433 = arith.index_cast %mul3A_339 : i32 to index
        %get3A_434 = tpu.vector_load %arg12[%get3A_432, %get3A_433] {strides = array<i32>} : memref<512x128xf32, #tpu.memory_space<vmem>>, vector<1x16xf32>,
        %get3A_435 = vector.shape_cast %get3A_434 : vector<1x16xf32> to vector<16xf32>
        %add3A_436 = arith.addf %add3A_412, %get3A_435 : vector<16xf32>
        %get3A_437 = arith.constant 209 : i32
        %get3A_438 = arith.index_cast %get3A_437 : i32 to index
        %get3A_439 = arith.index_cast %mul3A_339 : i32 to index
        %get3A_440 = tpu.vector_load %arg12[%get3A_438, %get3A_439] {strides = array<i32>} : memref<512x128xf32, #tpu.memory_space<vmem>>, vector<1x16xf32>,
        %get3A_441 = vector.shape_cast %get3A_440 : vector<1x16xf32> to vector<16xf32>
        %add3A_442 = arith.addf %add3A_418, %get3A_441 : vector<16xf32>
        %get3A_443 = arith.constant 210 : i32
        %get3A_444 = arith.index_cast %get3A_443 : i32 to index
        %get3A_445 = arith.index_cast %mul3A_339 : i32 to index
        %get3A_446 = tpu.vector_load %arg12[%get3A_444, %get3A_445] {strides = array<i32>} : memref<512x128xf32, #tpu.memory_space<vmem>>, vector<1x16xf32>,
        %get3A_447 = vector.shape_cast %get3A_446 : vector<1x16xf32> to vector<16xf32>
        %add3A_448 = arith.addf %add3A_424, %get3A_447 : vector<16xf32>
        %get3A_449 = arith.constant 211 : i32
        %get3A_450 = arith.index_cast %get3A_449 : i32 to index
        %get3A_451 = arith.index_cast %mul3A_339 : i32 to index
        %get3A_452 = tpu.vector_load %arg12[%get3A_450, %get3A_451] {strides = array<i32>} : memref<512x128xf32, #tpu.memory_space<vmem>>, vector<1x16xf32>,
        %get3A_453 = vector.shape_cast %get3A_452 : vector<1x16xf32> to vector<16xf32>
        %add3A_454 = arith.addf %add3A_430, %get3A_453 : vector<16xf32>
        %get3A_455 = arith.constant 212 : i32
        %get3A_456 = arith.index_cast %get3A_455 : i32 to index
        %get3A_457 = arith.index_cast %mul3A_339 : i32 to index
        %get3A_458 = tpu.vector_load %arg12[%get3A_456, %get3A_457] {strides = array<i32>} : memref<512x128xf32, #tpu.memory_space<vmem>>, vector<1x16xf32>,
        %get3A_459 = vector.shape_cast %get3A_458 : vector<1x16xf32> to vector<16xf32>
        %add3A_460 = arith.addf %add3A_436, %get3A_459 : vector<16xf32>
        %get3A_461 = arith.constant 213 : i32
        %get3A_462 = arith.index_cast %get3A_461 : i32 to index
        %get3A_463 = arith.index_cast %mul3A_339 : i32 to index
        %get3A_464 = tpu.vector_load %arg12[%get3A_462, %get3A_463] {strides = array<i32>} : memref<512x128xf32, #tpu.memory_space<vmem>>, vector<1x16xf32>,
        %get3A_465 = vector.shape_cast %get3A_464 : vector<1x16xf32> to vector<16xf32>
        %add3A_466 = arith.addf %add3A_442, %get3A_465 : vector<16xf32>
        %get3A_467 = arith.constant 214 : i32
        %get3A_468 = arith.index_cast %get3A_467 : i32 to index
        %get3A_469 = arith.index_cast %mul3A_339 : i32 to index
        %get3A_470 = tpu.vector_load %arg12[%get3A_468, %get3A_469] {strides = array<i32>} : memref<512x128xf32, #tpu.memory_space<vmem>>, vector<1x16xf32>,
        %get3A_471 = vector.shape_cast %get3A_470 : vector<1x16xf32> to vector<16xf32>
        %add3A_472 = arith.addf %add3A_448, %get3A_471 : vector<16xf32>
        %get3A_473 = arith.constant 215 : i32
        %get3A_474 = arith.index_cast %get3A_473 : i32 to index
        %get3A_475 = arith.index_cast %mul3A_339 : i32 to index
        %get3A_476 = tpu.vector_load %arg12[%get3A_474, %get3A_475] {strides = array<i32>} : memref<512x128xf32, #tpu.memory_space<vmem>>, vector<1x16xf32>,
        %get3A_477 = vector.shape_cast %get3A_476 : vector<1x16xf32> to vector<16xf32>
        %add3A_478 = arith.addf %add3A_454, %get3A_477 : vector<16xf32>
        %get3A_479 = arith.constant 216 : i32
        %get3A_480 = arith.index_cast %get3A_479 : i32 to index
        %get3A_481 = arith.index_cast %mul3A_339 : i32 to index
        %get3A_482 = tpu.vector_load %arg12[%get3A_480, %get3A_481] {strides = array<i32>} : memref<512x128xf32, #tpu.memory_space<vmem>>, vector<1x16xf32>,
        %get3A_483 = vector.shape_cast %get3A_482 : vector<1x16xf32> to vector<16xf32>
        %add3A_484 = arith.addf %add3A_460, %get3A_483 : vector<16xf32>
        %get3A_485 = arith.constant 217 : i32
        %get3A_486 = arith.index_cast %get3A_485 : i32 to index
        %get3A_487 = arith.index_cast %mul3A_339 : i32 to index
        %get3A_488 = tpu.vector_load %arg12[%get3A_486, %get3A_487] {strides = array<i32>} : memref<512x128xf32, #tpu.memory_space<vmem>>, vector<1x16xf32>,
        %get3A_489 = vector.shape_cast %get3A_488 : vector<1x16xf32> to vector<16xf32>
        %add3A_490 = arith.addf %add3A_466, %get3A_489 : vector<16xf32>
        %get3A_491 = arith.constant 218 : i32
        %get3A_492 = arith.index_cast %get3A_491 : i32 to index
        %get3A_493 = arith.index_cast %mul3A_339 : i32 to index
        %get3A_494 = tpu.vector_load %arg12[%get3A_492, %get3A_493] {strides = array<i32>} : memref<512x128xf32, #tpu.memory_space<vmem>>, vector<1x16xf32>,
        %get3A_495 = vector.shape_cast %get3A_494 : vector<1x16xf32> to vector<16xf32>
        %add3A_496 = arith.addf %add3A_472, %get3A_495 : vector<16xf32>
        %get3A_497 = arith.constant 219 : i32
        %get3A_498 = arith.index_cast %get3A_497 : i32 to index
        %get3A_499 = arith.index_cast %mul3A_339 : i32 to index
        %get3A_500 = tpu.vector_load %arg12[%get3A_498, %get3A_499] {strides = array<i32>} : memref<512x128xf32, #tpu.memory_space<vmem>>, vector<1x16xf32>,
        %get3A_501 = vector.shape_cast %get3A_500 : vector<1x16xf32> to vector<16xf32>
        %add3A_502 = arith.addf %add3A_478, %get3A_501 : vector<16xf32>
        %get3A_503 = arith.constant 220 : i32
        %get3A_504 = arith.index_cast %get3A_503 : i32 to index
        %get3A_505 = arith.index_cast %mul3A_339 : i32 to index
        %get3A_506 = tpu.vector_load %arg12[%get3A_504, %get3A_505] {strides = array<i32>} : memref<512x128xf32, #tpu.memory_space<vmem>>, vector<1x16xf32>,
        %get3A_507 = vector.shape_cast %get3A_506 : vector<1x16xf32> to vector<16xf32>
        %add3A_508 = arith.addf %add3A_484, %get3A_507 : vector<16xf32>
        %get3A_509 = arith.constant 221 : i32
        %get3A_510 = arith.index_cast %get3A_509 : i32 to index
        %get3A_511 = arith.index_cast %mul3A_339 : i32 to index
        %get3A_512 = tpu.vector_load %arg12[%get3A_510, %get3A_511] {strides = array<i32>} : memref<512x128xf32, #tpu.memory_space<vmem>>, vector<1x16xf32>,
        %get3A_513 = vector.shape_cast %get3A_512 : vector<1x16xf32> to vector<16xf32>
        %add3A_514 = arith.addf %add3A_490, %get3A_513 : vector<16xf32>
        %get3A_515 = arith.constant 222 : i32
        %get3A_516 = arith.index_cast %get3A_515 : i32 to index
        %get3A_517 = arith.index_cast %mul3A_339 : i32 to index
        %get3A_518 = tpu.vector_load %arg12[%get3A_516, %get3A_517] {strides = array<i32>} : memref<512x128xf32, #tpu.memory_space<vmem>>, vector<1x16xf32>,
        %get3A_519 = vector.shape_cast %get3A_518 : vector<1x16xf32> to vector<16xf32>
        %add3A_520 = arith.addf %add3A_496, %get3A_519 : vector<16xf32>
        %get3A_521 = arith.constant 223 : i32
        %get3A_522 = arith.index_cast %get3A_521 : i32 to index
        %get3A_523 = arith.index_cast %mul3A_339 : i32 to index
        %get3A_524 = tpu.vector_load %arg12[%get3A_522, %get3A_523] {strides = array<i32>} : memref<512x128xf32, #tpu.memory_space<vmem>>, vector<1x16xf32>,
        %get3A_525 = vector.shape_cast %get3A_524 : vector<1x16xf32> to vector<16xf32>
        %add3A_526 = arith.addf %add3A_502, %get3A_525 : vector<16xf32>
        %get3A_527 = arith.constant 224 : i32
        %get3A_528 = arith.index_cast %get3A_527 : i32 to index
        %get3A_529 = arith.index_cast %mul3A_339 : i32 to index
        %get3A_530 = tpu.vector_load %arg12[%get3A_528, %get3A_529] {strides = array<i32>} : memref<512x128xf32, #tpu.memory_space<vmem>>, vector<1x16xf32>,
        %get3A_531 = vector.shape_cast %get3A_530 : vector<1x16xf32> to vector<16xf32>
        %add3A_532 = arith.addf %add3A_508, %get3A_531 : vector<16xf32>
        %get3A_533 = arith.constant 225 : i32
        %get3A_534 = arith.index_cast %get3A_533 : i32 to index
        %get3A_535 = arith.index_cast %mul3A_339 : i32 to index
        %get3A_536 = tpu.vector_load %arg12[%get3A_534, %get3A_535] {strides = array<i32>} : memref<512x128xf32, #tpu.memory_space<vmem>>, vector<1x16xf32>,
        %get3A_537 = vector.shape_cast %get3A_536 : vector<1x16xf32> to vector<16xf32>
        %add3A_538 = arith.addf %add3A_514, %get3A_537 : vector<16xf32>
        %get3A_539 = arith.constant 226 : i32
        %get3A_540 = arith.index_cast %get3A_539 : i32 to index
        %get3A_541 = arith.index_cast %mul3A_339 : i32 to index
        %get3A_542 = tpu.vector_load %arg12[%get3A_540, %get3A_541] {strides = array<i32>} : memref<512x128xf32, #tpu.memory_space<vmem>>, vector<1x16xf32>,
        %get3A_543 = vector.shape_cast %get3A_542 : vector<1x16xf32> to vector<16xf32>
        %add3A_544 = arith.addf %add3A_520, %get3A_543 : vector<16xf32>
        %get3A_545 = arith.constant 227 : i32
        %get3A_546 = arith.index_cast %get3A_545 : i32 to index
        %get3A_547 = arith.index_cast %mul3A_339 : i32 to index
        %get3A_548 = tpu.vector_load %arg12[%get3A_546, %get3A_547] {strides = array<i32>} : memref<512x128xf32, #tpu.memory_space<vmem>>, vector<1x16xf32>,
        %get3A_549 = vector.shape_cast %get3A_548 : vector<1x16xf32> to vector<16xf32>
        %add3A_550 = arith.addf %add3A_526, %get3A_549 : vector<16xf32>
        %get3A_551 = arith.constant 228 : i32
        %get3A_552 = arith.index_cast %get3A_551 : i32 to index
        %get3A_553 = arith.index_cast %mul3A_339 : i32 to index
        %get3A_554 = tpu.vector_load %arg12[%get3A_552, %get3A_553] {strides = array<i32>} : memref<512x128xf32, #tpu.memory_space<vmem>>, vector<1x16xf32>,
        %get3A_555 = vector.shape_cast %get3A_554 : vector<1x16xf32> to vector<16xf32>
        %add3A_556 = arith.addf %add3A_532, %get3A_555 : vector<16xf32>
        %get3A_557 = arith.constant 229 : i32
        %get3A_558 = arith.index_cast %get3A_557 : i32 to index
        %get3A_559 = arith.index_cast %mul3A_339 : i32 to index
        %get3A_560 = tpu.vector_load %arg12[%get3A_558, %get3A_559] {strides = array<i32>} : memref<512x128xf32, #tpu.memory_space<vmem>>, vector<1x16xf32>,
        %get3A_561 = vector.shape_cast %get3A_560 : vector<1x16xf32> to vector<16xf32>
        %add3A_562 = arith.addf %add3A_538, %get3A_561 : vector<16xf32>
        %get3A_563 = arith.constant 230 : i32
        %get3A_564 = arith.index_cast %get3A_563 : i32 to index
        %get3A_565 = arith.index_cast %mul3A_339 : i32 to index
        %get3A_566 = tpu.vector_load %arg12[%get3A_564, %get3A_565] {strides = array<i32>} : memref<512x128xf32, #tpu.memory_space<vmem>>, vector<1x16xf32>,
        %get3A_567 = vector.shape_cast %get3A_566 : vector<1x16xf32> to vector<16xf32>
        %add3A_568 = arith.addf %add3A_544, %get3A_567 : vector<16xf32>
        %get3A_569 = arith.constant 231 : i32
        %get3A_570 = arith.index_cast %get3A_569 : i32 to index
        %get3A_571 = arith.index_cast %mul3A_339 : i32 to index
        %get3A_572 = tpu.vector_load %arg12[%get3A_570, %get3A_571] {strides = array<i32>} : memref<512x128xf32, #tpu.memory_space<vmem>>, vector<1x16xf32>,
        %get3A_573 = vector.shape_cast %get3A_572 : vector<1x16xf32> to vector<16xf32>
        %add3A_574 = arith.addf %add3A_550, %get3A_573 : vector<16xf32>
        %get3A_575 = arith.constant 232 : i32
        %get3A_576 = arith.index_cast %get3A_575 : i32 to index
        %get3A_577 = arith.index_cast %mul3A_339 : i32 to index
        %get3A_578 = tpu.vector_load %arg12[%get3A_576, %get3A_577] {strides = array<i32>} : memref<512x128xf32, #tpu.memory_space<vmem>>, vector<1x16xf32>,
        %get3A_579 = vector.shape_cast %get3A_578 : vector<1x16xf32> to vector<16xf32>
        %add3A_580 = arith.addf %add3A_556, %get3A_579 : vector<16xf32>
        %get3A_581 = arith.constant 233 : i32
        %get3A_582 = arith.index_cast %get3A_581 : i32 to index
        %get3A_583 = arith.index_cast %mul3A_339 : i32 to index
        %get3A_584 = tpu.vector_load %arg12[%get3A_582, %get3A_583] {strides = array<i32>} : memref<512x128xf32, #tpu.memory_space<vmem>>, vector<1x16xf32>,
        %get3A_585 = vector.shape_cast %get3A_584 : vector<1x16xf32> to vector<16xf32>
        %add3A_586 = arith.addf %add3A_562, %get3A_585 : vector<16xf32>
        %get3A_587 = arith.constant 234 : i32
        %get3A_588 = arith.index_cast %get3A_587 : i32 to index
        %get3A_589 = arith.index_cast %mul3A_339 : i32 to index
        %get3A_590 = tpu.vector_load %arg12[%get3A_588, %get3A_589] {strides = array<i32>} : memref<512x128xf32, #tpu.memory_space<vmem>>, vector<1x16xf32>,
        %get3A_591 = vector.shape_cast %get3A_590 : vector<1x16xf32> to vector<16xf32>
        %add3A_592 = arith.addf %add3A_568, %get3A_591 : vector<16xf32>
        %get3A_593 = arith.constant 235 : i32
        %get3A_594 = arith.index_cast %get3A_593 : i32 to index
        %get3A_595 = arith.index_cast %mul3A_339 : i32 to index
        %get3A_596 = tpu.vector_load %arg12[%get3A_594, %get3A_595] {strides = array<i32>} : memref<512x128xf32, #tpu.memory_space<vmem>>, vector<1x16xf32>,
        %get3A_597 = vector.shape_cast %get3A_596 : vector<1x16xf32> to vector<16xf32>
        %add3A_598 = arith.addf %add3A_574, %get3A_597 : vector<16xf32>
        %get3A_599 = arith.constant 236 : i32
        %get3A_600 = arith.index_cast %get3A_599 : i32 to index
        %get3A_601 = arith.index_cast %mul3A_339 : i32 to index
        %get3A_602 = tpu.vector_load %arg12[%get3A_600, %get3A_601] {strides = array<i32>} : memref<512x128xf32, #tpu.memory_space<vmem>>, vector<1x16xf32>,
        %get3A_603 = vector.shape_cast %get3A_602 : vector<1x16xf32> to vector<16xf32>
        %add3A_604 = arith.addf %add3A_580, %get3A_603 : vector<16xf32>
        %get3A_605 = arith.constant 237 : i32
        %get3A_606 = arith.index_cast %get3A_605 : i32 to index
        %get3A_607 = arith.index_cast %mul3A_339 : i32 to index
        %get3A_608 = tpu.vector_load %arg12[%get3A_606, %get3A_607] {strides = array<i32>} : memref<512x128xf32, #tpu.memory_space<vmem>>, vector<1x16xf32>,
        %get3A_609 = vector.shape_cast %get3A_608 : vector<1x16xf32> to vector<16xf32>
        %add3A_610 = arith.addf %add3A_586, %get3A_609 : vector<16xf32>
        %get3A_611 = arith.constant 238 : i32
        %get3A_612 = arith.index_cast %get3A_611 : i32 to index
        %get3A_613 = arith.index_cast %mul3A_339 : i32 to index
        %get3A_614 = tpu.vector_load %arg12[%get3A_612, %get3A_613] {strides = array<i32>} : memref<512x128xf32, #tpu.memory_space<vmem>>, vector<1x16xf32>,
        %get3A_615 = vector.shape_cast %get3A_614 : vector<1x16xf32> to vector<16xf32>
        %add3A_616 = arith.addf %add3A_592, %get3A_615 : vector<16xf32>
        %get3A_617 = arith.constant 239 : i32
        %get3A_618 = arith.index_cast %get3A_617 : i32 to index
        %get3A_619 = arith.index_cast %mul3A_339 : i32 to index
        %get3A_620 = tpu.vector_load %arg12[%get3A_618, %get3A_619] {strides = array<i32>} : memref<512x128xf32, #tpu.memory_space<vmem>>, vector<1x16xf32>,
        %get3A_621 = vector.shape_cast %get3A_620 : vector<1x16xf32> to vector<16xf32>
        %add3A_622 = arith.addf %add3A_598, %get3A_621 : vector<16xf32>
        %get3A_623 = arith.constant 240 : i32
        %get3A_624 = arith.index_cast %get3A_623 : i32 to index
        %get3A_625 = arith.index_cast %mul3A_339 : i32 to index
        %get3A_626 = tpu.vector_load %arg12[%get3A_624, %get3A_625] {strides = array<i32>} : memref<512x128xf32, #tpu.memory_space<vmem>>, vector<1x16xf32>,
        %get3A_627 = vector.shape_cast %get3A_626 : vector<1x16xf32> to vector<16xf32>
        %add3A_628 = arith.addf %add3A_604, %get3A_627 : vector<16xf32>
        %get3A_629 = arith.constant 241 : i32
        %get3A_630 = arith.index_cast %get3A_629 : i32 to index
        %get3A_631 = arith.index_cast %mul3A_339 : i32 to index
        %get3A_632 = tpu.vector_load %arg12[%get3A_630, %get3A_631] {strides = array<i32>} : memref<512x128xf32, #tpu.memory_space<vmem>>, vector<1x16xf32>,
        %get3A_633 = vector.shape_cast %get3A_632 : vector<1x16xf32> to vector<16xf32>
        %add3A_634 = arith.addf %add3A_610, %get3A_633 : vector<16xf32>
        %get3A_635 = arith.constant 242 : i32
        %get3A_636 = arith.index_cast %get3A_635 : i32 to index
        %get3A_637 = arith.index_cast %mul3A_339 : i32 to index
        %get3A_638 = tpu.vector_load %arg12[%get3A_636, %get3A_637] {strides = array<i32>} : memref<512x128xf32, #tpu.memory_space<vmem>>, vector<1x16xf32>,
        %get3A_639 = vector.shape_cast %get3A_638 : vector<1x16xf32> to vector<16xf32>
        %add3A_640 = arith.addf %add3A_616, %get3A_639 : vector<16xf32>
        %get3A_641 = arith.constant 243 : i32
        %get3A_642 = arith.index_cast %get3A_641 : i32 to index
        %get3A_643 = arith.index_cast %mul3A_339 : i32 to index
        %get3A_644 = tpu.vector_load %arg12[%get3A_642, %get3A_643] {strides = array<i32>} : memref<512x128xf32, #tpu.memory_space<vmem>>, vector<1x16xf32>,
        %get3A_645 = vector.shape_cast %get3A_644 : vector<1x16xf32> to vector<16xf32>
        %add3A_646 = arith.addf %add3A_622, %get3A_645 : vector<16xf32>
        %get3A_647 = arith.constant 244 : i32
        %get3A_648 = arith.index_cast %get3A_647 : i32 to index
        %get3A_649 = arith.index_cast %mul3A_339 : i32 to index
        %get3A_650 = tpu.vector_load %arg12[%get3A_648, %get3A_649] {strides = array<i32>} : memref<512x128xf32, #tpu.memory_space<vmem>>, vector<1x16xf32>,
        %get3A_651 = vector.shape_cast %get3A_650 : vector<1x16xf32> to vector<16xf32>
        %add3A_652 = arith.addf %add3A_628, %get3A_651 : vector<16xf32>
        %get3A_653 = arith.constant 245 : i32
        %get3A_654 = arith.index_cast %get3A_653 : i32 to index
        %get3A_655 = arith.index_cast %mul3A_339 : i32 to index
        %get3A_656 = tpu.vector_load %arg12[%get3A_654, %get3A_655] {strides = array<i32>} : memref<512x128xf32, #tpu.memory_space<vmem>>, vector<1x16xf32>,
        %get3A_657 = vector.shape_cast %get3A_656 : vector<1x16xf32> to vector<16xf32>
        %add3A_658 = arith.addf %add3A_634, %get3A_657 : vector<16xf32>
        %get3A_659 = arith.constant 246 : i32
        %get3A_660 = arith.index_cast %get3A_659 : i32 to index
        %get3A_661 = arith.index_cast %mul3A_339 : i32 to index
        %get3A_662 = tpu.vector_load %arg12[%get3A_660, %get3A_661] {strides = array<i32>} : memref<512x128xf32, #tpu.memory_space<vmem>>, vector<1x16xf32>,
        %get3A_663 = vector.shape_cast %get3A_662 : vector<1x16xf32> to vector<16xf32>
        %add3A_664 = arith.addf %add3A_640, %get3A_663 : vector<16xf32>
        %get3A_665 = arith.constant 247 : i32
        %get3A_666 = arith.index_cast %get3A_665 : i32 to index
        %get3A_667 = arith.index_cast %mul3A_339 : i32 to index
        %get3A_668 = tpu.vector_load %arg12[%get3A_666, %get3A_667] {strides = array<i32>} : memref<512x128xf32, #tpu.memory_space<vmem>>, vector<1x16xf32>,
        %get3A_669 = vector.shape_cast %get3A_668 : vector<1x16xf32> to vector<16xf32>
        %add3A_670 = arith.addf %add3A_646, %get3A_669 : vector<16xf32>
        %get3A_671 = arith.constant 248 : i32
        %get3A_672 = arith.index_cast %get3A_671 : i32 to index
        %get3A_673 = arith.index_cast %mul3A_339 : i32 to index
        %get3A_674 = tpu.vector_load %arg12[%get3A_672, %get3A_673] {strides = array<i32>} : memref<512x128xf32, #tpu.memory_space<vmem>>, vector<1x16xf32>,
        %get3A_675 = vector.shape_cast %get3A_674 : vector<1x16xf32> to vector<16xf32>
        %add3A_676 = arith.addf %add3A_652, %get3A_675 : vector<16xf32>
        %get3A_677 = arith.constant 249 : i32
        %get3A_678 = arith.index_cast %get3A_677 : i32 to index
        %get3A_679 = arith.index_cast %mul3A_339 : i32 to index
        %get3A_680 = tpu.vector_load %arg12[%get3A_678, %get3A_679] {strides = array<i32>} : memref<512x128xf32, #tpu.memory_space<vmem>>, vector<1x16xf32>,
        %get3A_681 = vector.shape_cast %get3A_680 : vector<1x16xf32> to vector<16xf32>
        %add3A_682 = arith.addf %add3A_658, %get3A_681 : vector<16xf32>
        %get3A_683 = arith.constant 250 : i32
        %get3A_684 = arith.index_cast %get3A_683 : i32 to index
        %get3A_685 = arith.index_cast %mul3A_339 : i32 to index
        %get3A_686 = tpu.vector_load %arg12[%get3A_684, %get3A_685] {strides = array<i32>} : memref<512x128xf32, #tpu.memory_space<vmem>>, vector<1x16xf32>,
        %get3A_687 = vector.shape_cast %get3A_686 : vector<1x16xf32> to vector<16xf32>
        %add3A_688 = arith.addf %add3A_664, %get3A_687 : vector<16xf32>
        %get3A_689 = arith.constant 251 : i32
        %get3A_690 = arith.index_cast %get3A_689 : i32 to index
        %get3A_691 = arith.index_cast %mul3A_339 : i32 to index
        %get3A_692 = tpu.vector_load %arg12[%get3A_690, %get3A_691] {strides = array<i32>} : memref<512x128xf32, #tpu.memory_space<vmem>>, vector<1x16xf32>,
        %get3A_693 = vector.shape_cast %get3A_692 : vector<1x16xf32> to vector<16xf32>
        %add3A_694 = arith.addf %add3A_670, %get3A_693 : vector<16xf32>
        %get3A_695 = arith.constant 252 : i32
        %get3A_696 = arith.index_cast %get3A_695 : i32 to index
        %get3A_697 = arith.index_cast %mul3A_339 : i32 to index
        %get3A_698 = tpu.vector_load %arg12[%get3A_696, %get3A_697] {strides = array<i32>} : memref<512x128xf32, #tpu.memory_space<vmem>>, vector<1x16xf32>,
        %get3A_699 = vector.shape_cast %get3A_698 : vector<1x16xf32> to vector<16xf32>
        %add3A_700 = arith.addf %add3A_676, %get3A_699 : vector<16xf32>
        %get3A_701 = arith.constant 253 : i32
        %get3A_702 = arith.index_cast %get3A_701 : i32 to index
        %get3A_703 = arith.index_cast %mul3A_339 : i32 to index
        %get3A_704 = tpu.vector_load %arg12[%get3A_702, %get3A_703] {strides = array<i32>} : memref<512x128xf32, #tpu.memory_space<vmem>>, vector<1x16xf32>,
        %get3A_705 = vector.shape_cast %get3A_704 : vector<1x16xf32> to vector<16xf32>
        %add3A_706 = arith.addf %add3A_682, %get3A_705 : vector<16xf32>
        %get3A_707 = arith.constant 254 : i32
        %get3A_708 = arith.index_cast %get3A_707 : i32 to index
        %get3A_709 = arith.index_cast %mul3A_339 : i32 to index
        %get3A_710 = tpu.vector_load %arg12[%get3A_708, %get3A_709] {strides = array<i32>} : memref<512x128xf32, #tpu.memory_space<vmem>>, vector<1x16xf32>,
        %get3A_711 = vector.shape_cast %get3A_710 : vector<1x16xf32> to vector<16xf32>
        %add3A_712 = arith.addf %add3A_688, %get3A_711 : vector<16xf32>
        %get3A_713 = arith.constant 255 : i32
        %get3A_714 = arith.index_cast %get3A_713 : i32 to index
        %get3A_715 = arith.index_cast %mul3A_339 : i32 to index
        %get3A_716 = tpu.vector_load %arg12[%get3A_714, %get3A_715] {strides = array<i32>} : memref<512x128xf32, #tpu.memory_space<vmem>>, vector<1x16xf32>,
        %get3A_717 = vector.shape_cast %get3A_716 : vector<1x16xf32> to vector<16xf32>
        %add3A_718 = arith.addf %add3A_694, %get3A_717 : vector<16xf32>
        %add3A_719 = arith.addf %add3A_700, %add3A_706 : vector<16xf32>
        %add3A_720 = arith.addf %add3A_712, %add3A_718 : vector<16xf32>
        %add3A_721 = arith.addf %add3A_719, %add3A_720 : vector<16xf32>
        %add3A_722 = arith.constant 0 : i32
        %add3A_723 = arith.addi %mul3A_214, %add3A_722 : i32
        %swap3A = arith.index_cast %add3A_723 : i32 to index
        %swap3A_724 = arith.index_cast %mul3A_339 : i32 to index
        %swap3A_725 = tpu.vector_load %arg13[%swap3A, %swap3A_724] {strides = array<i32>} : memref<64x128xf32, #tpu.memory_space<vmem>>, vector<1x16xf32>,
        %swap3A_726 = vector.shape_cast %swap3A_725 : vector<1x16xf32> to vector<16xf32>
        %swap3A_727 = vector.shape_cast %add3A_721 : vector<16xf32> to vector<1x16xf32>
        tpu.vector_store %arg13[%swap3A, %swap3A_724], %swap3A_727 {strides = array<i32>} : memref<64x128xf32, #tpu.memory_space<vmem>>, vector<1x16xf32>,
      }
      %scan3A_219 = arith.constant 8 : i32
      %add3A_220 = arith.constant 8 : i32
      %add3A_221 = arith.addi %add3A_127, %add3A_220 : i32
      %add3A_222 = arith.constant 3 : i32
      %add3A_223 = arith.addi %add3A_221, %add3A_222 : i32
      %lt3A_224 = arith.constant 64 : i32
      %lt3A_225 = arith.cmpi slt, %add3A_223, %lt3A_224 : i32
      %convert_element_type3A_226 = arith.extui %lt3A_225 : i1 to i32
      %cond3A_227 = arith.constant 0 : i32
      %cond3A_228 = arith.cmpi ne, %convert_element_type3A_226, %cond3A_227 : i32
      scf.if %cond3A_228 {
        %add3A_333 = arith.constant 8 : i32
        %add3A_334 = arith.addi %add3A_127, %add3A_333 : i32
        %add3A_335 = arith.constant 3 : i32
        %add3A_336 = arith.addi %add3A_334, %add3A_335 : i32
        %mul3A_337 = arith.constant 64 : i32
        %mul3A_338 = arith.muli %add3A_336, %mul3A_337 : i32
        %dma_start3A_339 = arith.constant 192 : i32
        %dma_start3A_340 = arith.constant 0 : i32
        %dma_start3A_341 = tpu.memref_slice %arg12[%dma_start3A_339, %dma_start3A_340] : memref<512x128xf32, #tpu.memory_space<vmem>> -> memref<64x128xf32, #tpu.memory_space<vmem>>
        %dma_start3A_342 = tpu.memref_slice %arg9[%mul3A_338] : memref<4096xi32, #tpu.memory_space<vmem>> -> memref<64xi32, #tpu.memory_space<vmem>>
        %dma_start3A_343 = arith.constant 0 : i32
        %dma_start3A_344 = arith.constant 0 : i32
        %dma_start3A_345 = tpu.memref_slice %arg2[%dma_start3A_343, %dma_start3A_344] : memref<100000x128xf32, #tpu.memory_space<hbm>> -> memref<100000x128xf32, #tpu.memory_space<hbm>>
        tpu.enqueue_indirect_dma source(%dma_start3A_345 : memref<100000x128xf32, #tpu.memory_space<hbm>>) target(%dma_start3A_341 : memref<64x128xf32, #tpu.memory_space<vmem>>) offsets(%dma_start3A_342 : memref<64xi32, #tpu.memory_space<vmem>>) semaphore(%arg19 : memref<!tpu.dma_semaphore, #tpu.memory_space<semaphore_mem>>)
      } else {
      }
      %dma_wait3A_229 = arith.constant 256 : i32
      %dma_wait3A_230 = arith.constant 0 : i32
      %dma_wait3A_231 = tpu.memref_slice %arg12[%dma_wait3A_229, %dma_wait3A_230] : memref<512x128xf32, #tpu.memory_space<vmem>> -> memref<64x128xf32, #tpu.memory_space<vmem>>
      %dma_wait3A_232 = arith.constant 0 : i32
      %dma_wait3A_233 = tpu.memref_slice %arg9[%dma_wait3A_232] : memref<4096xi32, #tpu.memory_space<vmem>> -> memref<64xi32, #tpu.memory_space<vmem>>
      %dma_wait3A_234 = arith.constant 0 : i32
      %dma_wait3A_235 = arith.constant 0 : i32
      %dma_wait3A_236 = tpu.memref_slice %arg2[%dma_wait3A_234, %dma_wait3A_235] : memref<100000x128xf32, #tpu.memory_space<hbm>> -> memref<100000x128xf32, #tpu.memory_space<hbm>>
      tpu.wait_indirect_dma semaphore(%arg20 : memref<!tpu.dma_semaphore, #tpu.memory_space<semaphore_mem>>) src(%dma_wait3A_236 : memref<100000x128xf32, #tpu.memory_space<hbm>>) dst(%dma_wait3A_231 : memref<64x128xf32, #tpu.memory_space<vmem>>)
      %add3A_237 = arith.constant 4 : i32
      %add3A_238 = arith.addi %add3A_127, %add3A_237 : i32
      %mul3A_239 = arith.constant 1 : i32
      %mul3A_240 = arith.muli %add3A_238, %mul3A_239 : i32
      %scan3A_241 = arith.constant 0 : i32
      %scan3A_242 = arith.constant 8 : i32
      %scan3A_243 = arith.addi %scan3A_241, %scan3A_242 : i32
      %scan3A_244 = arith.constant 1 : i32
      scf.for %scan3A_333 = %scan3A_241 to %scan3A_243 step %scan3A_244  : i32 {
        %mul3A_334 = arith.constant 1 : i32
        %mul3A_335 = arith.muli %scan3A_333, %mul3A_334 : i32
        %add3A_336 = arith.constant 0 : i32
        %add3A_337 = arith.addi %add3A_336, %mul3A_335 : i32
        %mul3A_338 = arith.constant 16 : i32
        %mul3A_339 = arith.muli %add3A_337, %mul3A_338 : i32
        %get3A = arith.constant 256 : i32
        %get3A_340 = arith.index_cast %get3A : i32 to index
        %get3A_341 = arith.index_cast %mul3A_339 : i32 to index
        %get3A_342 = tpu.vector_load %arg12[%get3A_340, %get3A_341] {strides = array<i32>} : memref<512x128xf32, #tpu.memory_space<vmem>>, vector<1x16xf32>,
        %get3A_343 = vector.shape_cast %get3A_342 : vector<1x16xf32> to vector<16xf32>
        %get3A_344 = arith.constant 257 : i32
        %get3A_345 = arith.index_cast %get3A_344 : i32 to index
        %get3A_346 = arith.index_cast %mul3A_339 : i32 to index
        %get3A_347 = tpu.vector_load %arg12[%get3A_345, %get3A_346] {strides = array<i32>} : memref<512x128xf32, #tpu.memory_space<vmem>>, vector<1x16xf32>,
        %get3A_348 = vector.shape_cast %get3A_347 : vector<1x16xf32> to vector<16xf32>
        %get3A_349 = arith.constant 258 : i32
        %get3A_350 = arith.index_cast %get3A_349 : i32 to index
        %get3A_351 = arith.index_cast %mul3A_339 : i32 to index
        %get3A_352 = tpu.vector_load %arg12[%get3A_350, %get3A_351] {strides = array<i32>} : memref<512x128xf32, #tpu.memory_space<vmem>>, vector<1x16xf32>,
        %get3A_353 = vector.shape_cast %get3A_352 : vector<1x16xf32> to vector<16xf32>
        %get3A_354 = arith.constant 259 : i32
        %get3A_355 = arith.index_cast %get3A_354 : i32 to index
        %get3A_356 = arith.index_cast %mul3A_339 : i32 to index
        %get3A_357 = tpu.vector_load %arg12[%get3A_355, %get3A_356] {strides = array<i32>} : memref<512x128xf32, #tpu.memory_space<vmem>>, vector<1x16xf32>,
        %get3A_358 = vector.shape_cast %get3A_357 : vector<1x16xf32> to vector<16xf32>
        %get3A_359 = arith.constant 260 : i32
        %get3A_360 = arith.index_cast %get3A_359 : i32 to index
        %get3A_361 = arith.index_cast %mul3A_339 : i32 to index
        %get3A_362 = tpu.vector_load %arg12[%get3A_360, %get3A_361] {strides = array<i32>} : memref<512x128xf32, #tpu.memory_space<vmem>>, vector<1x16xf32>,
        %get3A_363 = vector.shape_cast %get3A_362 : vector<1x16xf32> to vector<16xf32>
        %add3A_364 = arith.addf %get3A_343, %get3A_363 : vector<16xf32>
        %get3A_365 = arith.constant 261 : i32
        %get3A_366 = arith.index_cast %get3A_365 : i32 to index
        %get3A_367 = arith.index_cast %mul3A_339 : i32 to index
        %get3A_368 = tpu.vector_load %arg12[%get3A_366, %get3A_367] {strides = array<i32>} : memref<512x128xf32, #tpu.memory_space<vmem>>, vector<1x16xf32>,
        %get3A_369 = vector.shape_cast %get3A_368 : vector<1x16xf32> to vector<16xf32>
        %add3A_370 = arith.addf %get3A_348, %get3A_369 : vector<16xf32>
        %get3A_371 = arith.constant 262 : i32
        %get3A_372 = arith.index_cast %get3A_371 : i32 to index
        %get3A_373 = arith.index_cast %mul3A_339 : i32 to index
        %get3A_374 = tpu.vector_load %arg12[%get3A_372, %get3A_373] {strides = array<i32>} : memref<512x128xf32, #tpu.memory_space<vmem>>, vector<1x16xf32>,
        %get3A_375 = vector.shape_cast %get3A_374 : vector<1x16xf32> to vector<16xf32>
        %add3A_376 = arith.addf %get3A_353, %get3A_375 : vector<16xf32>
        %get3A_377 = arith.constant 263 : i32
        %get3A_378 = arith.index_cast %get3A_377 : i32 to index
        %get3A_379 = arith.index_cast %mul3A_339 : i32 to index
        %get3A_380 = tpu.vector_load %arg12[%get3A_378, %get3A_379] {strides = array<i32>} : memref<512x128xf32, #tpu.memory_space<vmem>>, vector<1x16xf32>,
        %get3A_381 = vector.shape_cast %get3A_380 : vector<1x16xf32> to vector<16xf32>
        %add3A_382 = arith.addf %get3A_358, %get3A_381 : vector<16xf32>
        %get3A_383 = arith.constant 264 : i32
        %get3A_384 = arith.index_cast %get3A_383 : i32 to index
        %get3A_385 = arith.index_cast %mul3A_339 : i32 to index
        %get3A_386 = tpu.vector_load %arg12[%get3A_384, %get3A_385] {strides = array<i32>} : memref<512x128xf32, #tpu.memory_space<vmem>>, vector<1x16xf32>,
        %get3A_387 = vector.shape_cast %get3A_386 : vector<1x16xf32> to vector<16xf32>
        %add3A_388 = arith.addf %add3A_364, %get3A_387 : vector<16xf32>
        %get3A_389 = arith.constant 265 : i32
        %get3A_390 = arith.index_cast %get3A_389 : i32 to index
        %get3A_391 = arith.index_cast %mul3A_339 : i32 to index
        %get3A_392 = tpu.vector_load %arg12[%get3A_390, %get3A_391] {strides = array<i32>} : memref<512x128xf32, #tpu.memory_space<vmem>>, vector<1x16xf32>,
        %get3A_393 = vector.shape_cast %get3A_392 : vector<1x16xf32> to vector<16xf32>
        %add3A_394 = arith.addf %add3A_370, %get3A_393 : vector<16xf32>
        %get3A_395 = arith.constant 266 : i32
        %get3A_396 = arith.index_cast %get3A_395 : i32 to index
        %get3A_397 = arith.index_cast %mul3A_339 : i32 to index
        %get3A_398 = tpu.vector_load %arg12[%get3A_396, %get3A_397] {strides = array<i32>} : memref<512x128xf32, #tpu.memory_space<vmem>>, vector<1x16xf32>,
        %get3A_399 = vector.shape_cast %get3A_398 : vector<1x16xf32> to vector<16xf32>
        %add3A_400 = arith.addf %add3A_376, %get3A_399 : vector<16xf32>
        %get3A_401 = arith.constant 267 : i32
        %get3A_402 = arith.index_cast %get3A_401 : i32 to index
        %get3A_403 = arith.index_cast %mul3A_339 : i32 to index
        %get3A_404 = tpu.vector_load %arg12[%get3A_402, %get3A_403] {strides = array<i32>} : memref<512x128xf32, #tpu.memory_space<vmem>>, vector<1x16xf32>,
        %get3A_405 = vector.shape_cast %get3A_404 : vector<1x16xf32> to vector<16xf32>
        %add3A_406 = arith.addf %add3A_382, %get3A_405 : vector<16xf32>
        %get3A_407 = arith.constant 268 : i32
        %get3A_408 = arith.index_cast %get3A_407 : i32 to index
        %get3A_409 = arith.index_cast %mul3A_339 : i32 to index
        %get3A_410 = tpu.vector_load %arg12[%get3A_408, %get3A_409] {strides = array<i32>} : memref<512x128xf32, #tpu.memory_space<vmem>>, vector<1x16xf32>,
        %get3A_411 = vector.shape_cast %get3A_410 : vector<1x16xf32> to vector<16xf32>
        %add3A_412 = arith.addf %add3A_388, %get3A_411 : vector<16xf32>
        %get3A_413 = arith.constant 269 : i32
        %get3A_414 = arith.index_cast %get3A_413 : i32 to index
        %get3A_415 = arith.index_cast %mul3A_339 : i32 to index
        %get3A_416 = tpu.vector_load %arg12[%get3A_414, %get3A_415] {strides = array<i32>} : memref<512x128xf32, #tpu.memory_space<vmem>>, vector<1x16xf32>,
        %get3A_417 = vector.shape_cast %get3A_416 : vector<1x16xf32> to vector<16xf32>
        %add3A_418 = arith.addf %add3A_394, %get3A_417 : vector<16xf32>
        %get3A_419 = arith.constant 270 : i32
        %get3A_420 = arith.index_cast %get3A_419 : i32 to index
        %get3A_421 = arith.index_cast %mul3A_339 : i32 to index
        %get3A_422 = tpu.vector_load %arg12[%get3A_420, %get3A_421] {strides = array<i32>} : memref<512x128xf32, #tpu.memory_space<vmem>>, vector<1x16xf32>,
        %get3A_423 = vector.shape_cast %get3A_422 : vector<1x16xf32> to vector<16xf32>
        %add3A_424 = arith.addf %add3A_400, %get3A_423 : vector<16xf32>
        %get3A_425 = arith.constant 271 : i32
        %get3A_426 = arith.index_cast %get3A_425 : i32 to index
        %get3A_427 = arith.index_cast %mul3A_339 : i32 to index
        %get3A_428 = tpu.vector_load %arg12[%get3A_426, %get3A_427] {strides = array<i32>} : memref<512x128xf32, #tpu.memory_space<vmem>>, vector<1x16xf32>,
        %get3A_429 = vector.shape_cast %get3A_428 : vector<1x16xf32> to vector<16xf32>
        %add3A_430 = arith.addf %add3A_406, %get3A_429 : vector<16xf32>
        %get3A_431 = arith.constant 272 : i32
        %get3A_432 = arith.index_cast %get3A_431 : i32 to index
        %get3A_433 = arith.index_cast %mul3A_339 : i32 to index
        %get3A_434 = tpu.vector_load %arg12[%get3A_432, %get3A_433] {strides = array<i32>} : memref<512x128xf32, #tpu.memory_space<vmem>>, vector<1x16xf32>,
        %get3A_435 = vector.shape_cast %get3A_434 : vector<1x16xf32> to vector<16xf32>
        %add3A_436 = arith.addf %add3A_412, %get3A_435 : vector<16xf32>
        %get3A_437 = arith.constant 273 : i32
        %get3A_438 = arith.index_cast %get3A_437 : i32 to index
        %get3A_439 = arith.index_cast %mul3A_339 : i32 to index
        %get3A_440 = tpu.vector_load %arg12[%get3A_438, %get3A_439] {strides = array<i32>} : memref<512x128xf32, #tpu.memory_space<vmem>>, vector<1x16xf32>,
        %get3A_441 = vector.shape_cast %get3A_440 : vector<1x16xf32> to vector<16xf32>
        %add3A_442 = arith.addf %add3A_418, %get3A_441 : vector<16xf32>
        %get3A_443 = arith.constant 274 : i32
        %get3A_444 = arith.index_cast %get3A_443 : i32 to index
        %get3A_445 = arith.index_cast %mul3A_339 : i32 to index
        %get3A_446 = tpu.vector_load %arg12[%get3A_444, %get3A_445] {strides = array<i32>} : memref<512x128xf32, #tpu.memory_space<vmem>>, vector<1x16xf32>,
        %get3A_447 = vector.shape_cast %get3A_446 : vector<1x16xf32> to vector<16xf32>
        %add3A_448 = arith.addf %add3A_424, %get3A_447 : vector<16xf32>
        %get3A_449 = arith.constant 275 : i32
        %get3A_450 = arith.index_cast %get3A_449 : i32 to index
        %get3A_451 = arith.index_cast %mul3A_339 : i32 to index
        %get3A_452 = tpu.vector_load %arg12[%get3A_450, %get3A_451] {strides = array<i32>} : memref<512x128xf32, #tpu.memory_space<vmem>>, vector<1x16xf32>,
        %get3A_453 = vector.shape_cast %get3A_452 : vector<1x16xf32> to vector<16xf32>
        %add3A_454 = arith.addf %add3A_430, %get3A_453 : vector<16xf32>
        %get3A_455 = arith.constant 276 : i32
        %get3A_456 = arith.index_cast %get3A_455 : i32 to index
        %get3A_457 = arith.index_cast %mul3A_339 : i32 to index
        %get3A_458 = tpu.vector_load %arg12[%get3A_456, %get3A_457] {strides = array<i32>} : memref<512x128xf32, #tpu.memory_space<vmem>>, vector<1x16xf32>,
        %get3A_459 = vector.shape_cast %get3A_458 : vector<1x16xf32> to vector<16xf32>
        %add3A_460 = arith.addf %add3A_436, %get3A_459 : vector<16xf32>
        %get3A_461 = arith.constant 277 : i32
        %get3A_462 = arith.index_cast %get3A_461 : i32 to index
        %get3A_463 = arith.index_cast %mul3A_339 : i32 to index
        %get3A_464 = tpu.vector_load %arg12[%get3A_462, %get3A_463] {strides = array<i32>} : memref<512x128xf32, #tpu.memory_space<vmem>>, vector<1x16xf32>,
        %get3A_465 = vector.shape_cast %get3A_464 : vector<1x16xf32> to vector<16xf32>
        %add3A_466 = arith.addf %add3A_442, %get3A_465 : vector<16xf32>
        %get3A_467 = arith.constant 278 : i32
        %get3A_468 = arith.index_cast %get3A_467 : i32 to index
        %get3A_469 = arith.index_cast %mul3A_339 : i32 to index
        %get3A_470 = tpu.vector_load %arg12[%get3A_468, %get3A_469] {strides = array<i32>} : memref<512x128xf32, #tpu.memory_space<vmem>>, vector<1x16xf32>,
        %get3A_471 = vector.shape_cast %get3A_470 : vector<1x16xf32> to vector<16xf32>
        %add3A_472 = arith.addf %add3A_448, %get3A_471 : vector<16xf32>
        %get3A_473 = arith.constant 279 : i32
        %get3A_474 = arith.index_cast %get3A_473 : i32 to index
        %get3A_475 = arith.index_cast %mul3A_339 : i32 to index
        %get3A_476 = tpu.vector_load %arg12[%get3A_474, %get3A_475] {strides = array<i32>} : memref<512x128xf32, #tpu.memory_space<vmem>>, vector<1x16xf32>,
        %get3A_477 = vector.shape_cast %get3A_476 : vector<1x16xf32> to vector<16xf32>
        %add3A_478 = arith.addf %add3A_454, %get3A_477 : vector<16xf32>
        %get3A_479 = arith.constant 280 : i32
        %get3A_480 = arith.index_cast %get3A_479 : i32 to index
        %get3A_481 = arith.index_cast %mul3A_339 : i32 to index
        %get3A_482 = tpu.vector_load %arg12[%get3A_480, %get3A_481] {strides = array<i32>} : memref<512x128xf32, #tpu.memory_space<vmem>>, vector<1x16xf32>,
        %get3A_483 = vector.shape_cast %get3A_482 : vector<1x16xf32> to vector<16xf32>
        %add3A_484 = arith.addf %add3A_460, %get3A_483 : vector<16xf32>
        %get3A_485 = arith.constant 281 : i32
        %get3A_486 = arith.index_cast %get3A_485 : i32 to index
        %get3A_487 = arith.index_cast %mul3A_339 : i32 to index
        %get3A_488 = tpu.vector_load %arg12[%get3A_486, %get3A_487] {strides = array<i32>} : memref<512x128xf32, #tpu.memory_space<vmem>>, vector<1x16xf32>,
        %get3A_489 = vector.shape_cast %get3A_488 : vector<1x16xf32> to vector<16xf32>
        %add3A_490 = arith.addf %add3A_466, %get3A_489 : vector<16xf32>
        %get3A_491 = arith.constant 282 : i32
        %get3A_492 = arith.index_cast %get3A_491 : i32 to index
        %get3A_493 = arith.index_cast %mul3A_339 : i32 to index
        %get3A_494 = tpu.vector_load %arg12[%get3A_492, %get3A_493] {strides = array<i32>} : memref<512x128xf32, #tpu.memory_space<vmem>>, vector<1x16xf32>,
        %get3A_495 = vector.shape_cast %get3A_494 : vector<1x16xf32> to vector<16xf32>
        %add3A_496 = arith.addf %add3A_472, %get3A_495 : vector<16xf32>
        %get3A_497 = arith.constant 283 : i32
        %get3A_498 = arith.index_cast %get3A_497 : i32 to index
        %get3A_499 = arith.index_cast %mul3A_339 : i32 to index
        %get3A_500 = tpu.vector_load %arg12[%get3A_498, %get3A_499] {strides = array<i32>} : memref<512x128xf32, #tpu.memory_space<vmem>>, vector<1x16xf32>,
        %get3A_501 = vector.shape_cast %get3A_500 : vector<1x16xf32> to vector<16xf32>
        %add3A_502 = arith.addf %add3A_478, %get3A_501 : vector<16xf32>
        %get3A_503 = arith.constant 284 : i32
        %get3A_504 = arith.index_cast %get3A_503 : i32 to index
        %get3A_505 = arith.index_cast %mul3A_339 : i32 to index
        %get3A_506 = tpu.vector_load %arg12[%get3A_504, %get3A_505] {strides = array<i32>} : memref<512x128xf32, #tpu.memory_space<vmem>>, vector<1x16xf32>,
        %get3A_507 = vector.shape_cast %get3A_506 : vector<1x16xf32> to vector<16xf32>
        %add3A_508 = arith.addf %add3A_484, %get3A_507 : vector<16xf32>
        %get3A_509 = arith.constant 285 : i32
        %get3A_510 = arith.index_cast %get3A_509 : i32 to index
        %get3A_511 = arith.index_cast %mul3A_339 : i32 to index
        %get3A_512 = tpu.vector_load %arg12[%get3A_510, %get3A_511] {strides = array<i32>} : memref<512x128xf32, #tpu.memory_space<vmem>>, vector<1x16xf32>,
        %get3A_513 = vector.shape_cast %get3A_512 : vector<1x16xf32> to vector<16xf32>
        %add3A_514 = arith.addf %add3A_490, %get3A_513 : vector<16xf32>
        %get3A_515 = arith.constant 286 : i32
        %get3A_516 = arith.index_cast %get3A_515 : i32 to index
        %get3A_517 = arith.index_cast %mul3A_339 : i32 to index
        %get3A_518 = tpu.vector_load %arg12[%get3A_516, %get3A_517] {strides = array<i32>} : memref<512x128xf32, #tpu.memory_space<vmem>>, vector<1x16xf32>,
        %get3A_519 = vector.shape_cast %get3A_518 : vector<1x16xf32> to vector<16xf32>
        %add3A_520 = arith.addf %add3A_496, %get3A_519 : vector<16xf32>
        %get3A_521 = arith.constant 287 : i32
        %get3A_522 = arith.index_cast %get3A_521 : i32 to index
        %get3A_523 = arith.index_cast %mul3A_339 : i32 to index
        %get3A_524 = tpu.vector_load %arg12[%get3A_522, %get3A_523] {strides = array<i32>} : memref<512x128xf32, #tpu.memory_space<vmem>>, vector<1x16xf32>,
        %get3A_525 = vector.shape_cast %get3A_524 : vector<1x16xf32> to vector<16xf32>
        %add3A_526 = arith.addf %add3A_502, %get3A_525 : vector<16xf32>
        %get3A_527 = arith.constant 288 : i32
        %get3A_528 = arith.index_cast %get3A_527 : i32 to index
        %get3A_529 = arith.index_cast %mul3A_339 : i32 to index
        %get3A_530 = tpu.vector_load %arg12[%get3A_528, %get3A_529] {strides = array<i32>} : memref<512x128xf32, #tpu.memory_space<vmem>>, vector<1x16xf32>,
        %get3A_531 = vector.shape_cast %get3A_530 : vector<1x16xf32> to vector<16xf32>
        %add3A_532 = arith.addf %add3A_508, %get3A_531 : vector<16xf32>
        %get3A_533 = arith.constant 289 : i32
        %get3A_534 = arith.index_cast %get3A_533 : i32 to index
        %get3A_535 = arith.index_cast %mul3A_339 : i32 to index
        %get3A_536 = tpu.vector_load %arg12[%get3A_534, %get3A_535] {strides = array<i32>} : memref<512x128xf32, #tpu.memory_space<vmem>>, vector<1x16xf32>,
        %get3A_537 = vector.shape_cast %get3A_536 : vector<1x16xf32> to vector<16xf32>
        %add3A_538 = arith.addf %add3A_514, %get3A_537 : vector<16xf32>
        %get3A_539 = arith.constant 290 : i32
        %get3A_540 = arith.index_cast %get3A_539 : i32 to index
        %get3A_541 = arith.index_cast %mul3A_339 : i32 to index
        %get3A_542 = tpu.vector_load %arg12[%get3A_540, %get3A_541] {strides = array<i32>} : memref<512x128xf32, #tpu.memory_space<vmem>>, vector<1x16xf32>,
        %get3A_543 = vector.shape_cast %get3A_542 : vector<1x16xf32> to vector<16xf32>
        %add3A_544 = arith.addf %add3A_520, %get3A_543 : vector<16xf32>
        %get3A_545 = arith.constant 291 : i32
        %get3A_546 = arith.index_cast %get3A_545 : i32 to index
        %get3A_547 = arith.index_cast %mul3A_339 : i32 to index
        %get3A_548 = tpu.vector_load %arg12[%get3A_546, %get3A_547] {strides = array<i32>} : memref<512x128xf32, #tpu.memory_space<vmem>>, vector<1x16xf32>,
        %get3A_549 = vector.shape_cast %get3A_548 : vector<1x16xf32> to vector<16xf32>
        %add3A_550 = arith.addf %add3A_526, %get3A_549 : vector<16xf32>
        %get3A_551 = arith.constant 292 : i32
        %get3A_552 = arith.index_cast %get3A_551 : i32 to index
        %get3A_553 = arith.index_cast %mul3A_339 : i32 to index
        %get3A_554 = tpu.vector_load %arg12[%get3A_552, %get3A_553] {strides = array<i32>} : memref<512x128xf32, #tpu.memory_space<vmem>>, vector<1x16xf32>,
        %get3A_555 = vector.shape_cast %get3A_554 : vector<1x16xf32> to vector<16xf32>
        %add3A_556 = arith.addf %add3A_532, %get3A_555 : vector<16xf32>
        %get3A_557 = arith.constant 293 : i32
        %get3A_558 = arith.index_cast %get3A_557 : i32 to index
        %get3A_559 = arith.index_cast %mul3A_339 : i32 to index
        %get3A_560 = tpu.vector_load %arg12[%get3A_558, %get3A_559] {strides = array<i32>} : memref<512x128xf32, #tpu.memory_space<vmem>>, vector<1x16xf32>,
        %get3A_561 = vector.shape_cast %get3A_560 : vector<1x16xf32> to vector<16xf32>
        %add3A_562 = arith.addf %add3A_538, %get3A_561 : vector<16xf32>
        %get3A_563 = arith.constant 294 : i32
        %get3A_564 = arith.index_cast %get3A_563 : i32 to index
        %get3A_565 = arith.index_cast %mul3A_339 : i32 to index
        %get3A_566 = tpu.vector_load %arg12[%get3A_564, %get3A_565] {strides = array<i32>} : memref<512x128xf32, #tpu.memory_space<vmem>>, vector<1x16xf32>,
        %get3A_567 = vector.shape_cast %get3A_566 : vector<1x16xf32> to vector<16xf32>
        %add3A_568 = arith.addf %add3A_544, %get3A_567 : vector<16xf32>
        %get3A_569 = arith.constant 295 : i32
        %get3A_570 = arith.index_cast %get3A_569 : i32 to index
        %get3A_571 = arith.index_cast %mul3A_339 : i32 to index
        %get3A_572 = tpu.vector_load %arg12[%get3A_570, %get3A_571] {strides = array<i32>} : memref<512x128xf32, #tpu.memory_space<vmem>>, vector<1x16xf32>,
        %get3A_573 = vector.shape_cast %get3A_572 : vector<1x16xf32> to vector<16xf32>
        %add3A_574 = arith.addf %add3A_550, %get3A_573 : vector<16xf32>
        %get3A_575 = arith.constant 296 : i32
        %get3A_576 = arith.index_cast %get3A_575 : i32 to index
        %get3A_577 = arith.index_cast %mul3A_339 : i32 to index
        %get3A_578 = tpu.vector_load %arg12[%get3A_576, %get3A_577] {strides = array<i32>} : memref<512x128xf32, #tpu.memory_space<vmem>>, vector<1x16xf32>,
        %get3A_579 = vector.shape_cast %get3A_578 : vector<1x16xf32> to vector<16xf32>
        %add3A_580 = arith.addf %add3A_556, %get3A_579 : vector<16xf32>
        %get3A_581 = arith.constant 297 : i32
        %get3A_582 = arith.index_cast %get3A_581 : i32 to index
        %get3A_583 = arith.index_cast %mul3A_339 : i32 to index
        %get3A_584 = tpu.vector_load %arg12[%get3A_582, %get3A_583] {strides = array<i32>} : memref<512x128xf32, #tpu.memory_space<vmem>>, vector<1x16xf32>,
        %get3A_585 = vector.shape_cast %get3A_584 : vector<1x16xf32> to vector<16xf32>
        %add3A_586 = arith.addf %add3A_562, %get3A_585 : vector<16xf32>
        %get3A_587 = arith.constant 298 : i32
        %get3A_588 = arith.index_cast %get3A_587 : i32 to index
        %get3A_589 = arith.index_cast %mul3A_339 : i32 to index
        %get3A_590 = tpu.vector_load %arg12[%get3A_588, %get3A_589] {strides = array<i32>} : memref<512x128xf32, #tpu.memory_space<vmem>>, vector<1x16xf32>,
        %get3A_591 = vector.shape_cast %get3A_590 : vector<1x16xf32> to vector<16xf32>
        %add3A_592 = arith.addf %add3A_568, %get3A_591 : vector<16xf32>
        %get3A_593 = arith.constant 299 : i32
        %get3A_594 = arith.index_cast %get3A_593 : i32 to index
        %get3A_595 = arith.index_cast %mul3A_339 : i32 to index
        %get3A_596 = tpu.vector_load %arg12[%get3A_594, %get3A_595] {strides = array<i32>} : memref<512x128xf32, #tpu.memory_space<vmem>>, vector<1x16xf32>,
        %get3A_597 = vector.shape_cast %get3A_596 : vector<1x16xf32> to vector<16xf32>
        %add3A_598 = arith.addf %add3A_574, %get3A_597 : vector<16xf32>
        %get3A_599 = arith.constant 300 : i32
        %get3A_600 = arith.index_cast %get3A_599 : i32 to index
        %get3A_601 = arith.index_cast %mul3A_339 : i32 to index
        %get3A_602 = tpu.vector_load %arg12[%get3A_600, %get3A_601] {strides = array<i32>} : memref<512x128xf32, #tpu.memory_space<vmem>>, vector<1x16xf32>,
        %get3A_603 = vector.shape_cast %get3A_602 : vector<1x16xf32> to vector<16xf32>
        %add3A_604 = arith.addf %add3A_580, %get3A_603 : vector<16xf32>
        %get3A_605 = arith.constant 301 : i32
        %get3A_606 = arith.index_cast %get3A_605 : i32 to index
        %get3A_607 = arith.index_cast %mul3A_339 : i32 to index
        %get3A_608 = tpu.vector_load %arg12[%get3A_606, %get3A_607] {strides = array<i32>} : memref<512x128xf32, #tpu.memory_space<vmem>>, vector<1x16xf32>,
        %get3A_609 = vector.shape_cast %get3A_608 : vector<1x16xf32> to vector<16xf32>
        %add3A_610 = arith.addf %add3A_586, %get3A_609 : vector<16xf32>
        %get3A_611 = arith.constant 302 : i32
        %get3A_612 = arith.index_cast %get3A_611 : i32 to index
        %get3A_613 = arith.index_cast %mul3A_339 : i32 to index
        %get3A_614 = tpu.vector_load %arg12[%get3A_612, %get3A_613] {strides = array<i32>} : memref<512x128xf32, #tpu.memory_space<vmem>>, vector<1x16xf32>,
        %get3A_615 = vector.shape_cast %get3A_614 : vector<1x16xf32> to vector<16xf32>
        %add3A_616 = arith.addf %add3A_592, %get3A_615 : vector<16xf32>
        %get3A_617 = arith.constant 303 : i32
        %get3A_618 = arith.index_cast %get3A_617 : i32 to index
        %get3A_619 = arith.index_cast %mul3A_339 : i32 to index
        %get3A_620 = tpu.vector_load %arg12[%get3A_618, %get3A_619] {strides = array<i32>} : memref<512x128xf32, #tpu.memory_space<vmem>>, vector<1x16xf32>,
        %get3A_621 = vector.shape_cast %get3A_620 : vector<1x16xf32> to vector<16xf32>
        %add3A_622 = arith.addf %add3A_598, %get3A_621 : vector<16xf32>
        %get3A_623 = arith.constant 304 : i32
        %get3A_624 = arith.index_cast %get3A_623 : i32 to index
        %get3A_625 = arith.index_cast %mul3A_339 : i32 to index
        %get3A_626 = tpu.vector_load %arg12[%get3A_624, %get3A_625] {strides = array<i32>} : memref<512x128xf32, #tpu.memory_space<vmem>>, vector<1x16xf32>,
        %get3A_627 = vector.shape_cast %get3A_626 : vector<1x16xf32> to vector<16xf32>
        %add3A_628 = arith.addf %add3A_604, %get3A_627 : vector<16xf32>
        %get3A_629 = arith.constant 305 : i32
        %get3A_630 = arith.index_cast %get3A_629 : i32 to index
        %get3A_631 = arith.index_cast %mul3A_339 : i32 to index
        %get3A_632 = tpu.vector_load %arg12[%get3A_630, %get3A_631] {strides = array<i32>} : memref<512x128xf32, #tpu.memory_space<vmem>>, vector<1x16xf32>,
        %get3A_633 = vector.shape_cast %get3A_632 : vector<1x16xf32> to vector<16xf32>
        %add3A_634 = arith.addf %add3A_610, %get3A_633 : vector<16xf32>
        %get3A_635 = arith.constant 306 : i32
        %get3A_636 = arith.index_cast %get3A_635 : i32 to index
        %get3A_637 = arith.index_cast %mul3A_339 : i32 to index
        %get3A_638 = tpu.vector_load %arg12[%get3A_636, %get3A_637] {strides = array<i32>} : memref<512x128xf32, #tpu.memory_space<vmem>>, vector<1x16xf32>,
        %get3A_639 = vector.shape_cast %get3A_638 : vector<1x16xf32> to vector<16xf32>
        %add3A_640 = arith.addf %add3A_616, %get3A_639 : vector<16xf32>
        %get3A_641 = arith.constant 307 : i32
        %get3A_642 = arith.index_cast %get3A_641 : i32 to index
        %get3A_643 = arith.index_cast %mul3A_339 : i32 to index
        %get3A_644 = tpu.vector_load %arg12[%get3A_642, %get3A_643] {strides = array<i32>} : memref<512x128xf32, #tpu.memory_space<vmem>>, vector<1x16xf32>,
        %get3A_645 = vector.shape_cast %get3A_644 : vector<1x16xf32> to vector<16xf32>
        %add3A_646 = arith.addf %add3A_622, %get3A_645 : vector<16xf32>
        %get3A_647 = arith.constant 308 : i32
        %get3A_648 = arith.index_cast %get3A_647 : i32 to index
        %get3A_649 = arith.index_cast %mul3A_339 : i32 to index
        %get3A_650 = tpu.vector_load %arg12[%get3A_648, %get3A_649] {strides = array<i32>} : memref<512x128xf32, #tpu.memory_space<vmem>>, vector<1x16xf32>,
        %get3A_651 = vector.shape_cast %get3A_650 : vector<1x16xf32> to vector<16xf32>
        %add3A_652 = arith.addf %add3A_628, %get3A_651 : vector<16xf32>
        %get3A_653 = arith.constant 309 : i32
        %get3A_654 = arith.index_cast %get3A_653 : i32 to index
        %get3A_655 = arith.index_cast %mul3A_339 : i32 to index
        %get3A_656 = tpu.vector_load %arg12[%get3A_654, %get3A_655] {strides = array<i32>} : memref<512x128xf32, #tpu.memory_space<vmem>>, vector<1x16xf32>,
        %get3A_657 = vector.shape_cast %get3A_656 : vector<1x16xf32> to vector<16xf32>
        %add3A_658 = arith.addf %add3A_634, %get3A_657 : vector<16xf32>
        %get3A_659 = arith.constant 310 : i32
        %get3A_660 = arith.index_cast %get3A_659 : i32 to index
        %get3A_661 = arith.index_cast %mul3A_339 : i32 to index
        %get3A_662 = tpu.vector_load %arg12[%get3A_660, %get3A_661] {strides = array<i32>} : memref<512x128xf32, #tpu.memory_space<vmem>>, vector<1x16xf32>,
        %get3A_663 = vector.shape_cast %get3A_662 : vector<1x16xf32> to vector<16xf32>
        %add3A_664 = arith.addf %add3A_640, %get3A_663 : vector<16xf32>
        %get3A_665 = arith.constant 311 : i32
        %get3A_666 = arith.index_cast %get3A_665 : i32 to index
        %get3A_667 = arith.index_cast %mul3A_339 : i32 to index
        %get3A_668 = tpu.vector_load %arg12[%get3A_666, %get3A_667] {strides = array<i32>} : memref<512x128xf32, #tpu.memory_space<vmem>>, vector<1x16xf32>,
        %get3A_669 = vector.shape_cast %get3A_668 : vector<1x16xf32> to vector<16xf32>
        %add3A_670 = arith.addf %add3A_646, %get3A_669 : vector<16xf32>
        %get3A_671 = arith.constant 312 : i32
        %get3A_672 = arith.index_cast %get3A_671 : i32 to index
        %get3A_673 = arith.index_cast %mul3A_339 : i32 to index
        %get3A_674 = tpu.vector_load %arg12[%get3A_672, %get3A_673] {strides = array<i32>} : memref<512x128xf32, #tpu.memory_space<vmem>>, vector<1x16xf32>,
        %get3A_675 = vector.shape_cast %get3A_674 : vector<1x16xf32> to vector<16xf32>
        %add3A_676 = arith.addf %add3A_652, %get3A_675 : vector<16xf32>
        %get3A_677 = arith.constant 313 : i32
        %get3A_678 = arith.index_cast %get3A_677 : i32 to index
        %get3A_679 = arith.index_cast %mul3A_339 : i32 to index
        %get3A_680 = tpu.vector_load %arg12[%get3A_678, %get3A_679] {strides = array<i32>} : memref<512x128xf32, #tpu.memory_space<vmem>>, vector<1x16xf32>,
        %get3A_681 = vector.shape_cast %get3A_680 : vector<1x16xf32> to vector<16xf32>
        %add3A_682 = arith.addf %add3A_658, %get3A_681 : vector<16xf32>
        %get3A_683 = arith.constant 314 : i32
        %get3A_684 = arith.index_cast %get3A_683 : i32 to index
        %get3A_685 = arith.index_cast %mul3A_339 : i32 to index
        %get3A_686 = tpu.vector_load %arg12[%get3A_684, %get3A_685] {strides = array<i32>} : memref<512x128xf32, #tpu.memory_space<vmem>>, vector<1x16xf32>,
        %get3A_687 = vector.shape_cast %get3A_686 : vector<1x16xf32> to vector<16xf32>
        %add3A_688 = arith.addf %add3A_664, %get3A_687 : vector<16xf32>
        %get3A_689 = arith.constant 315 : i32
        %get3A_690 = arith.index_cast %get3A_689 : i32 to index
        %get3A_691 = arith.index_cast %mul3A_339 : i32 to index
        %get3A_692 = tpu.vector_load %arg12[%get3A_690, %get3A_691] {strides = array<i32>} : memref<512x128xf32, #tpu.memory_space<vmem>>, vector<1x16xf32>,
        %get3A_693 = vector.shape_cast %get3A_692 : vector<1x16xf32> to vector<16xf32>
        %add3A_694 = arith.addf %add3A_670, %get3A_693 : vector<16xf32>
        %get3A_695 = arith.constant 316 : i32
        %get3A_696 = arith.index_cast %get3A_695 : i32 to index
        %get3A_697 = arith.index_cast %mul3A_339 : i32 to index
        %get3A_698 = tpu.vector_load %arg12[%get3A_696, %get3A_697] {strides = array<i32>} : memref<512x128xf32, #tpu.memory_space<vmem>>, vector<1x16xf32>,
        %get3A_699 = vector.shape_cast %get3A_698 : vector<1x16xf32> to vector<16xf32>
        %add3A_700 = arith.addf %add3A_676, %get3A_699 : vector<16xf32>
        %get3A_701 = arith.constant 317 : i32
        %get3A_702 = arith.index_cast %get3A_701 : i32 to index
        %get3A_703 = arith.index_cast %mul3A_339 : i32 to index
        %get3A_704 = tpu.vector_load %arg12[%get3A_702, %get3A_703] {strides = array<i32>} : memref<512x128xf32, #tpu.memory_space<vmem>>, vector<1x16xf32>,
        %get3A_705 = vector.shape_cast %get3A_704 : vector<1x16xf32> to vector<16xf32>
        %add3A_706 = arith.addf %add3A_682, %get3A_705 : vector<16xf32>
        %get3A_707 = arith.constant 318 : i32
        %get3A_708 = arith.index_cast %get3A_707 : i32 to index
        %get3A_709 = arith.index_cast %mul3A_339 : i32 to index
        %get3A_710 = tpu.vector_load %arg12[%get3A_708, %get3A_709] {strides = array<i32>} : memref<512x128xf32, #tpu.memory_space<vmem>>, vector<1x16xf32>,
        %get3A_711 = vector.shape_cast %get3A_710 : vector<1x16xf32> to vector<16xf32>
        %add3A_712 = arith.addf %add3A_688, %get3A_711 : vector<16xf32>
        %get3A_713 = arith.constant 319 : i32
        %get3A_714 = arith.index_cast %get3A_713 : i32 to index
        %get3A_715 = arith.index_cast %mul3A_339 : i32 to index
        %get3A_716 = tpu.vector_load %arg12[%get3A_714, %get3A_715] {strides = array<i32>} : memref<512x128xf32, #tpu.memory_space<vmem>>, vector<1x16xf32>,
        %get3A_717 = vector.shape_cast %get3A_716 : vector<1x16xf32> to vector<16xf32>
        %add3A_718 = arith.addf %add3A_694, %get3A_717 : vector<16xf32>
        %add3A_719 = arith.addf %add3A_700, %add3A_706 : vector<16xf32>
        %add3A_720 = arith.addf %add3A_712, %add3A_718 : vector<16xf32>
        %add3A_721 = arith.addf %add3A_719, %add3A_720 : vector<16xf32>
        %add3A_722 = arith.constant 0 : i32
        %add3A_723 = arith.addi %mul3A_240, %add3A_722 : i32
        %swap3A = arith.index_cast %add3A_723 : i32 to index
        %swap3A_724 = arith.index_cast %mul3A_339 : i32 to index
        %swap3A_725 = tpu.vector_load %arg13[%swap3A, %swap3A_724] {strides = array<i32>} : memref<64x128xf32, #tpu.memory_space<vmem>>, vector<1x16xf32>,
        %swap3A_726 = vector.shape_cast %swap3A_725 : vector<1x16xf32> to vector<16xf32>
        %swap3A_727 = vector.shape_cast %add3A_721 : vector<16xf32> to vector<1x16xf32>
        tpu.vector_store %arg13[%swap3A, %swap3A_724], %swap3A_727 {strides = array<i32>} : memref<64x128xf32, #tpu.memory_space<vmem>>, vector<1x16xf32>,
      }
      %scan3A_245 = arith.constant 8 : i32
      %add3A_246 = arith.constant 8 : i32
      %add3A_247 = arith.addi %add3A_127, %add3A_246 : i32
      %add3A_248 = arith.constant 4 : i32
      %add3A_249 = arith.addi %add3A_247, %add3A_248 : i32
      %lt3A_250 = arith.constant 64 : i32
      %lt3A_251 = arith.cmpi slt, %add3A_249, %lt3A_250 : i32
      %convert_element_type3A_252 = arith.extui %lt3A_251 : i1 to i32
      %cond3A_253 = arith.constant 0 : i32
      %cond3A_254 = arith.cmpi ne, %convert_element_type3A_252, %cond3A_253 : i32
      scf.if %cond3A_254 {
        %add3A_333 = arith.constant 8 : i32
        %add3A_334 = arith.addi %add3A_127, %add3A_333 : i32
        %add3A_335 = arith.constant 4 : i32
        %add3A_336 = arith.addi %add3A_334, %add3A_335 : i32
        %mul3A_337 = arith.constant 64 : i32
        %mul3A_338 = arith.muli %add3A_336, %mul3A_337 : i32
        %dma_start3A_339 = arith.constant 256 : i32
        %dma_start3A_340 = arith.constant 0 : i32
        %dma_start3A_341 = tpu.memref_slice %arg12[%dma_start3A_339, %dma_start3A_340] : memref<512x128xf32, #tpu.memory_space<vmem>> -> memref<64x128xf32, #tpu.memory_space<vmem>>
        %dma_start3A_342 = tpu.memref_slice %arg9[%mul3A_338] : memref<4096xi32, #tpu.memory_space<vmem>> -> memref<64xi32, #tpu.memory_space<vmem>>
        %dma_start3A_343 = arith.constant 0 : i32
        %dma_start3A_344 = arith.constant 0 : i32
        %dma_start3A_345 = tpu.memref_slice %arg2[%dma_start3A_343, %dma_start3A_344] : memref<100000x128xf32, #tpu.memory_space<hbm>> -> memref<100000x128xf32, #tpu.memory_space<hbm>>
        tpu.enqueue_indirect_dma source(%dma_start3A_345 : memref<100000x128xf32, #tpu.memory_space<hbm>>) target(%dma_start3A_341 : memref<64x128xf32, #tpu.memory_space<vmem>>) offsets(%dma_start3A_342 : memref<64xi32, #tpu.memory_space<vmem>>) semaphore(%arg20 : memref<!tpu.dma_semaphore, #tpu.memory_space<semaphore_mem>>)
      } else {
      }
      %dma_wait3A_255 = arith.constant 320 : i32
      %dma_wait3A_256 = arith.constant 0 : i32
      %dma_wait3A_257 = tpu.memref_slice %arg12[%dma_wait3A_255, %dma_wait3A_256] : memref<512x128xf32, #tpu.memory_space<vmem>> -> memref<64x128xf32, #tpu.memory_space<vmem>>
      %dma_wait3A_258 = arith.constant 0 : i32
      %dma_wait3A_259 = tpu.memref_slice %arg9[%dma_wait3A_258] : memref<4096xi32, #tpu.memory_space<vmem>> -> memref<64xi32, #tpu.memory_space<vmem>>
      %dma_wait3A_260 = arith.constant 0 : i32
      %dma_wait3A_261 = arith.constant 0 : i32
      %dma_wait3A_262 = tpu.memref_slice %arg2[%dma_wait3A_260, %dma_wait3A_261] : memref<100000x128xf32, #tpu.memory_space<hbm>> -> memref<100000x128xf32, #tpu.memory_space<hbm>>
      tpu.wait_indirect_dma semaphore(%arg21 : memref<!tpu.dma_semaphore, #tpu.memory_space<semaphore_mem>>) src(%dma_wait3A_262 : memref<100000x128xf32, #tpu.memory_space<hbm>>) dst(%dma_wait3A_257 : memref<64x128xf32, #tpu.memory_space<vmem>>)
      %add3A_263 = arith.constant 5 : i32
      %add3A_264 = arith.addi %add3A_127, %add3A_263 : i32
      %mul3A_265 = arith.constant 1 : i32
      %mul3A_266 = arith.muli %add3A_264, %mul3A_265 : i32
      %scan3A_267 = arith.constant 0 : i32
      %scan3A_268 = arith.constant 8 : i32
      %scan3A_269 = arith.addi %scan3A_267, %scan3A_268 : i32
      %scan3A_270 = arith.constant 1 : i32
      scf.for %scan3A_333 = %scan3A_267 to %scan3A_269 step %scan3A_270  : i32 {
        %mul3A_334 = arith.constant 1 : i32
        %mul3A_335 = arith.muli %scan3A_333, %mul3A_334 : i32
        %add3A_336 = arith.constant 0 : i32
        %add3A_337 = arith.addi %add3A_336, %mul3A_335 : i32
        %mul3A_338 = arith.constant 16 : i32
        %mul3A_339 = arith.muli %add3A_337, %mul3A_338 : i32
        %get3A = arith.constant 320 : i32
        %get3A_340 = arith.index_cast %get3A : i32 to index
        %get3A_341 = arith.index_cast %mul3A_339 : i32 to index
        %get3A_342 = tpu.vector_load %arg12[%get3A_340, %get3A_341] {strides = array<i32>} : memref<512x128xf32, #tpu.memory_space<vmem>>, vector<1x16xf32>,
        %get3A_343 = vector.shape_cast %get3A_342 : vector<1x16xf32> to vector<16xf32>
        %get3A_344 = arith.constant 321 : i32
        %get3A_345 = arith.index_cast %get3A_344 : i32 to index
        %get3A_346 = arith.index_cast %mul3A_339 : i32 to index
        %get3A_347 = tpu.vector_load %arg12[%get3A_345, %get3A_346] {strides = array<i32>} : memref<512x128xf32, #tpu.memory_space<vmem>>, vector<1x16xf32>,
        %get3A_348 = vector.shape_cast %get3A_347 : vector<1x16xf32> to vector<16xf32>
        %get3A_349 = arith.constant 322 : i32
        %get3A_350 = arith.index_cast %get3A_349 : i32 to index
        %get3A_351 = arith.index_cast %mul3A_339 : i32 to index
        %get3A_352 = tpu.vector_load %arg12[%get3A_350, %get3A_351] {strides = array<i32>} : memref<512x128xf32, #tpu.memory_space<vmem>>, vector<1x16xf32>,
        %get3A_353 = vector.shape_cast %get3A_352 : vector<1x16xf32> to vector<16xf32>
        %get3A_354 = arith.constant 323 : i32
        %get3A_355 = arith.index_cast %get3A_354 : i32 to index
        %get3A_356 = arith.index_cast %mul3A_339 : i32 to index
        %get3A_357 = tpu.vector_load %arg12[%get3A_355, %get3A_356] {strides = array<i32>} : memref<512x128xf32, #tpu.memory_space<vmem>>, vector<1x16xf32>,
        %get3A_358 = vector.shape_cast %get3A_357 : vector<1x16xf32> to vector<16xf32>
        %get3A_359 = arith.constant 324 : i32
        %get3A_360 = arith.index_cast %get3A_359 : i32 to index
        %get3A_361 = arith.index_cast %mul3A_339 : i32 to index
        %get3A_362 = tpu.vector_load %arg12[%get3A_360, %get3A_361] {strides = array<i32>} : memref<512x128xf32, #tpu.memory_space<vmem>>, vector<1x16xf32>,
        %get3A_363 = vector.shape_cast %get3A_362 : vector<1x16xf32> to vector<16xf32>
        %add3A_364 = arith.addf %get3A_343, %get3A_363 : vector<16xf32>
        %get3A_365 = arith.constant 325 : i32
        %get3A_366 = arith.index_cast %get3A_365 : i32 to index
        %get3A_367 = arith.index_cast %mul3A_339 : i32 to index
        %get3A_368 = tpu.vector_load %arg12[%get3A_366, %get3A_367] {strides = array<i32>} : memref<512x128xf32, #tpu.memory_space<vmem>>, vector<1x16xf32>,
        %get3A_369 = vector.shape_cast %get3A_368 : vector<1x16xf32> to vector<16xf32>
        %add3A_370 = arith.addf %get3A_348, %get3A_369 : vector<16xf32>
        %get3A_371 = arith.constant 326 : i32
        %get3A_372 = arith.index_cast %get3A_371 : i32 to index
        %get3A_373 = arith.index_cast %mul3A_339 : i32 to index
        %get3A_374 = tpu.vector_load %arg12[%get3A_372, %get3A_373] {strides = array<i32>} : memref<512x128xf32, #tpu.memory_space<vmem>>, vector<1x16xf32>,
        %get3A_375 = vector.shape_cast %get3A_374 : vector<1x16xf32> to vector<16xf32>
        %add3A_376 = arith.addf %get3A_353, %get3A_375 : vector<16xf32>
        %get3A_377 = arith.constant 327 : i32
        %get3A_378 = arith.index_cast %get3A_377 : i32 to index
        %get3A_379 = arith.index_cast %mul3A_339 : i32 to index
        %get3A_380 = tpu.vector_load %arg12[%get3A_378, %get3A_379] {strides = array<i32>} : memref<512x128xf32, #tpu.memory_space<vmem>>, vector<1x16xf32>,
        %get3A_381 = vector.shape_cast %get3A_380 : vector<1x16xf32> to vector<16xf32>
        %add3A_382 = arith.addf %get3A_358, %get3A_381 : vector<16xf32>
        %get3A_383 = arith.constant 328 : i32
        %get3A_384 = arith.index_cast %get3A_383 : i32 to index
        %get3A_385 = arith.index_cast %mul3A_339 : i32 to index
        %get3A_386 = tpu.vector_load %arg12[%get3A_384, %get3A_385] {strides = array<i32>} : memref<512x128xf32, #tpu.memory_space<vmem>>, vector<1x16xf32>,
        %get3A_387 = vector.shape_cast %get3A_386 : vector<1x16xf32> to vector<16xf32>
        %add3A_388 = arith.addf %add3A_364, %get3A_387 : vector<16xf32>
        %get3A_389 = arith.constant 329 : i32
        %get3A_390 = arith.index_cast %get3A_389 : i32 to index
        %get3A_391 = arith.index_cast %mul3A_339 : i32 to index
        %get3A_392 = tpu.vector_load %arg12[%get3A_390, %get3A_391] {strides = array<i32>} : memref<512x128xf32, #tpu.memory_space<vmem>>, vector<1x16xf32>,
        %get3A_393 = vector.shape_cast %get3A_392 : vector<1x16xf32> to vector<16xf32>
        %add3A_394 = arith.addf %add3A_370, %get3A_393 : vector<16xf32>
        %get3A_395 = arith.constant 330 : i32
        %get3A_396 = arith.index_cast %get3A_395 : i32 to index
        %get3A_397 = arith.index_cast %mul3A_339 : i32 to index
        %get3A_398 = tpu.vector_load %arg12[%get3A_396, %get3A_397] {strides = array<i32>} : memref<512x128xf32, #tpu.memory_space<vmem>>, vector<1x16xf32>,
        %get3A_399 = vector.shape_cast %get3A_398 : vector<1x16xf32> to vector<16xf32>
        %add3A_400 = arith.addf %add3A_376, %get3A_399 : vector<16xf32>
        %get3A_401 = arith.constant 331 : i32
        %get3A_402 = arith.index_cast %get3A_401 : i32 to index
        %get3A_403 = arith.index_cast %mul3A_339 : i32 to index
        %get3A_404 = tpu.vector_load %arg12[%get3A_402, %get3A_403] {strides = array<i32>} : memref<512x128xf32, #tpu.memory_space<vmem>>, vector<1x16xf32>,
        %get3A_405 = vector.shape_cast %get3A_404 : vector<1x16xf32> to vector<16xf32>
        %add3A_406 = arith.addf %add3A_382, %get3A_405 : vector<16xf32>
        %get3A_407 = arith.constant 332 : i32
        %get3A_408 = arith.index_cast %get3A_407 : i32 to index
        %get3A_409 = arith.index_cast %mul3A_339 : i32 to index
        %get3A_410 = tpu.vector_load %arg12[%get3A_408, %get3A_409] {strides = array<i32>} : memref<512x128xf32, #tpu.memory_space<vmem>>, vector<1x16xf32>,
        %get3A_411 = vector.shape_cast %get3A_410 : vector<1x16xf32> to vector<16xf32>
        %add3A_412 = arith.addf %add3A_388, %get3A_411 : vector<16xf32>
        %get3A_413 = arith.constant 333 : i32
        %get3A_414 = arith.index_cast %get3A_413 : i32 to index
        %get3A_415 = arith.index_cast %mul3A_339 : i32 to index
        %get3A_416 = tpu.vector_load %arg12[%get3A_414, %get3A_415] {strides = array<i32>} : memref<512x128xf32, #tpu.memory_space<vmem>>, vector<1x16xf32>,
        %get3A_417 = vector.shape_cast %get3A_416 : vector<1x16xf32> to vector<16xf32>
        %add3A_418 = arith.addf %add3A_394, %get3A_417 : vector<16xf32>
        %get3A_419 = arith.constant 334 : i32
        %get3A_420 = arith.index_cast %get3A_419 : i32 to index
        %get3A_421 = arith.index_cast %mul3A_339 : i32 to index
        %get3A_422 = tpu.vector_load %arg12[%get3A_420, %get3A_421] {strides = array<i32>} : memref<512x128xf32, #tpu.memory_space<vmem>>, vector<1x16xf32>,
        %get3A_423 = vector.shape_cast %get3A_422 : vector<1x16xf32> to vector<16xf32>
        %add3A_424 = arith.addf %add3A_400, %get3A_423 : vector<16xf32>
        %get3A_425 = arith.constant 335 : i32
        %get3A_426 = arith.index_cast %get3A_425 : i32 to index
        %get3A_427 = arith.index_cast %mul3A_339 : i32 to index
        %get3A_428 = tpu.vector_load %arg12[%get3A_426, %get3A_427] {strides = array<i32>} : memref<512x128xf32, #tpu.memory_space<vmem>>, vector<1x16xf32>,
        %get3A_429 = vector.shape_cast %get3A_428 : vector<1x16xf32> to vector<16xf32>
        %add3A_430 = arith.addf %add3A_406, %get3A_429 : vector<16xf32>
        %get3A_431 = arith.constant 336 : i32
        %get3A_432 = arith.index_cast %get3A_431 : i32 to index
        %get3A_433 = arith.index_cast %mul3A_339 : i32 to index
        %get3A_434 = tpu.vector_load %arg12[%get3A_432, %get3A_433] {strides = array<i32>} : memref<512x128xf32, #tpu.memory_space<vmem>>, vector<1x16xf32>,
        %get3A_435 = vector.shape_cast %get3A_434 : vector<1x16xf32> to vector<16xf32>
        %add3A_436 = arith.addf %add3A_412, %get3A_435 : vector<16xf32>
        %get3A_437 = arith.constant 337 : i32
        %get3A_438 = arith.index_cast %get3A_437 : i32 to index
        %get3A_439 = arith.index_cast %mul3A_339 : i32 to index
        %get3A_440 = tpu.vector_load %arg12[%get3A_438, %get3A_439] {strides = array<i32>} : memref<512x128xf32, #tpu.memory_space<vmem>>, vector<1x16xf32>,
        %get3A_441 = vector.shape_cast %get3A_440 : vector<1x16xf32> to vector<16xf32>
        %add3A_442 = arith.addf %add3A_418, %get3A_441 : vector<16xf32>
        %get3A_443 = arith.constant 338 : i32
        %get3A_444 = arith.index_cast %get3A_443 : i32 to index
        %get3A_445 = arith.index_cast %mul3A_339 : i32 to index
        %get3A_446 = tpu.vector_load %arg12[%get3A_444, %get3A_445] {strides = array<i32>} : memref<512x128xf32, #tpu.memory_space<vmem>>, vector<1x16xf32>,
        %get3A_447 = vector.shape_cast %get3A_446 : vector<1x16xf32> to vector<16xf32>
        %add3A_448 = arith.addf %add3A_424, %get3A_447 : vector<16xf32>
        %get3A_449 = arith.constant 339 : i32
        %get3A_450 = arith.index_cast %get3A_449 : i32 to index
        %get3A_451 = arith.index_cast %mul3A_339 : i32 to index
        %get3A_452 = tpu.vector_load %arg12[%get3A_450, %get3A_451] {strides = array<i32>} : memref<512x128xf32, #tpu.memory_space<vmem>>, vector<1x16xf32>,
        %get3A_453 = vector.shape_cast %get3A_452 : vector<1x16xf32> to vector<16xf32>
        %add3A_454 = arith.addf %add3A_430, %get3A_453 : vector<16xf32>
        %get3A_455 = arith.constant 340 : i32
        %get3A_456 = arith.index_cast %get3A_455 : i32 to index
        %get3A_457 = arith.index_cast %mul3A_339 : i32 to index
        %get3A_458 = tpu.vector_load %arg12[%get3A_456, %get3A_457] {strides = array<i32>} : memref<512x128xf32, #tpu.memory_space<vmem>>, vector<1x16xf32>,
        %get3A_459 = vector.shape_cast %get3A_458 : vector<1x16xf32> to vector<16xf32>
        %add3A_460 = arith.addf %add3A_436, %get3A_459 : vector<16xf32>
        %get3A_461 = arith.constant 341 : i32
        %get3A_462 = arith.index_cast %get3A_461 : i32 to index
        %get3A_463 = arith.index_cast %mul3A_339 : i32 to index
        %get3A_464 = tpu.vector_load %arg12[%get3A_462, %get3A_463] {strides = array<i32>} : memref<512x128xf32, #tpu.memory_space<vmem>>, vector<1x16xf32>,
        %get3A_465 = vector.shape_cast %get3A_464 : vector<1x16xf32> to vector<16xf32>
        %add3A_466 = arith.addf %add3A_442, %get3A_465 : vector<16xf32>
        %get3A_467 = arith.constant 342 : i32
        %get3A_468 = arith.index_cast %get3A_467 : i32 to index
        %get3A_469 = arith.index_cast %mul3A_339 : i32 to index
        %get3A_470 = tpu.vector_load %arg12[%get3A_468, %get3A_469] {strides = array<i32>} : memref<512x128xf32, #tpu.memory_space<vmem>>, vector<1x16xf32>,
        %get3A_471 = vector.shape_cast %get3A_470 : vector<1x16xf32> to vector<16xf32>
        %add3A_472 = arith.addf %add3A_448, %get3A_471 : vector<16xf32>
        %get3A_473 = arith.constant 343 : i32
        %get3A_474 = arith.index_cast %get3A_473 : i32 to index
        %get3A_475 = arith.index_cast %mul3A_339 : i32 to index
        %get3A_476 = tpu.vector_load %arg12[%get3A_474, %get3A_475] {strides = array<i32>} : memref<512x128xf32, #tpu.memory_space<vmem>>, vector<1x16xf32>,
        %get3A_477 = vector.shape_cast %get3A_476 : vector<1x16xf32> to vector<16xf32>
        %add3A_478 = arith.addf %add3A_454, %get3A_477 : vector<16xf32>
        %get3A_479 = arith.constant 344 : i32
        %get3A_480 = arith.index_cast %get3A_479 : i32 to index
        %get3A_481 = arith.index_cast %mul3A_339 : i32 to index
        %get3A_482 = tpu.vector_load %arg12[%get3A_480, %get3A_481] {strides = array<i32>} : memref<512x128xf32, #tpu.memory_space<vmem>>, vector<1x16xf32>,
        %get3A_483 = vector.shape_cast %get3A_482 : vector<1x16xf32> to vector<16xf32>
        %add3A_484 = arith.addf %add3A_460, %get3A_483 : vector<16xf32>
        %get3A_485 = arith.constant 345 : i32
        %get3A_486 = arith.index_cast %get3A_485 : i32 to index
        %get3A_487 = arith.index_cast %mul3A_339 : i32 to index
        %get3A_488 = tpu.vector_load %arg12[%get3A_486, %get3A_487] {strides = array<i32>} : memref<512x128xf32, #tpu.memory_space<vmem>>, vector<1x16xf32>,
        %get3A_489 = vector.shape_cast %get3A_488 : vector<1x16xf32> to vector<16xf32>
        %add3A_490 = arith.addf %add3A_466, %get3A_489 : vector<16xf32>
        %get3A_491 = arith.constant 346 : i32
        %get3A_492 = arith.index_cast %get3A_491 : i32 to index
        %get3A_493 = arith.index_cast %mul3A_339 : i32 to index
        %get3A_494 = tpu.vector_load %arg12[%get3A_492, %get3A_493] {strides = array<i32>} : memref<512x128xf32, #tpu.memory_space<vmem>>, vector<1x16xf32>,
        %get3A_495 = vector.shape_cast %get3A_494 : vector<1x16xf32> to vector<16xf32>
        %add3A_496 = arith.addf %add3A_472, %get3A_495 : vector<16xf32>
        %get3A_497 = arith.constant 347 : i32
        %get3A_498 = arith.index_cast %get3A_497 : i32 to index
        %get3A_499 = arith.index_cast %mul3A_339 : i32 to index
        %get3A_500 = tpu.vector_load %arg12[%get3A_498, %get3A_499] {strides = array<i32>} : memref<512x128xf32, #tpu.memory_space<vmem>>, vector<1x16xf32>,
        %get3A_501 = vector.shape_cast %get3A_500 : vector<1x16xf32> to vector<16xf32>
        %add3A_502 = arith.addf %add3A_478, %get3A_501 : vector<16xf32>
        %get3A_503 = arith.constant 348 : i32
        %get3A_504 = arith.index_cast %get3A_503 : i32 to index
        %get3A_505 = arith.index_cast %mul3A_339 : i32 to index
        %get3A_506 = tpu.vector_load %arg12[%get3A_504, %get3A_505] {strides = array<i32>} : memref<512x128xf32, #tpu.memory_space<vmem>>, vector<1x16xf32>,
        %get3A_507 = vector.shape_cast %get3A_506 : vector<1x16xf32> to vector<16xf32>
        %add3A_508 = arith.addf %add3A_484, %get3A_507 : vector<16xf32>
        %get3A_509 = arith.constant 349 : i32
        %get3A_510 = arith.index_cast %get3A_509 : i32 to index
        %get3A_511 = arith.index_cast %mul3A_339 : i32 to index
        %get3A_512 = tpu.vector_load %arg12[%get3A_510, %get3A_511] {strides = array<i32>} : memref<512x128xf32, #tpu.memory_space<vmem>>, vector<1x16xf32>,
        %get3A_513 = vector.shape_cast %get3A_512 : vector<1x16xf32> to vector<16xf32>
        %add3A_514 = arith.addf %add3A_490, %get3A_513 : vector<16xf32>
        %get3A_515 = arith.constant 350 : i32
        %get3A_516 = arith.index_cast %get3A_515 : i32 to index
        %get3A_517 = arith.index_cast %mul3A_339 : i32 to index
        %get3A_518 = tpu.vector_load %arg12[%get3A_516, %get3A_517] {strides = array<i32>} : memref<512x128xf32, #tpu.memory_space<vmem>>, vector<1x16xf32>,
        %get3A_519 = vector.shape_cast %get3A_518 : vector<1x16xf32> to vector<16xf32>
        %add3A_520 = arith.addf %add3A_496, %get3A_519 : vector<16xf32>
        %get3A_521 = arith.constant 351 : i32
        %get3A_522 = arith.index_cast %get3A_521 : i32 to index
        %get3A_523 = arith.index_cast %mul3A_339 : i32 to index
        %get3A_524 = tpu.vector_load %arg12[%get3A_522, %get3A_523] {strides = array<i32>} : memref<512x128xf32, #tpu.memory_space<vmem>>, vector<1x16xf32>,
        %get3A_525 = vector.shape_cast %get3A_524 : vector<1x16xf32> to vector<16xf32>
        %add3A_526 = arith.addf %add3A_502, %get3A_525 : vector<16xf32>
        %get3A_527 = arith.constant 352 : i32
        %get3A_528 = arith.index_cast %get3A_527 : i32 to index
        %get3A_529 = arith.index_cast %mul3A_339 : i32 to index
        %get3A_530 = tpu.vector_load %arg12[%get3A_528, %get3A_529] {strides = array<i32>} : memref<512x128xf32, #tpu.memory_space<vmem>>, vector<1x16xf32>,
        %get3A_531 = vector.shape_cast %get3A_530 : vector<1x16xf32> to vector<16xf32>
        %add3A_532 = arith.addf %add3A_508, %get3A_531 : vector<16xf32>
        %get3A_533 = arith.constant 353 : i32
        %get3A_534 = arith.index_cast %get3A_533 : i32 to index
        %get3A_535 = arith.index_cast %mul3A_339 : i32 to index
        %get3A_536 = tpu.vector_load %arg12[%get3A_534, %get3A_535] {strides = array<i32>} : memref<512x128xf32, #tpu.memory_space<vmem>>, vector<1x16xf32>,
        %get3A_537 = vector.shape_cast %get3A_536 : vector<1x16xf32> to vector<16xf32>
        %add3A_538 = arith.addf %add3A_514, %get3A_537 : vector<16xf32>
        %get3A_539 = arith.constant 354 : i32
        %get3A_540 = arith.index_cast %get3A_539 : i32 to index
        %get3A_541 = arith.index_cast %mul3A_339 : i32 to index
        %get3A_542 = tpu.vector_load %arg12[%get3A_540, %get3A_541] {strides = array<i32>} : memref<512x128xf32, #tpu.memory_space<vmem>>, vector<1x16xf32>,
        %get3A_543 = vector.shape_cast %get3A_542 : vector<1x16xf32> to vector<16xf32>
        %add3A_544 = arith.addf %add3A_520, %get3A_543 : vector<16xf32>
        %get3A_545 = arith.constant 355 : i32
        %get3A_546 = arith.index_cast %get3A_545 : i32 to index
        %get3A_547 = arith.index_cast %mul3A_339 : i32 to index
        %get3A_548 = tpu.vector_load %arg12[%get3A_546, %get3A_547] {strides = array<i32>} : memref<512x128xf32, #tpu.memory_space<vmem>>, vector<1x16xf32>,
        %get3A_549 = vector.shape_cast %get3A_548 : vector<1x16xf32> to vector<16xf32>
        %add3A_550 = arith.addf %add3A_526, %get3A_549 : vector<16xf32>
        %get3A_551 = arith.constant 356 : i32
        %get3A_552 = arith.index_cast %get3A_551 : i32 to index
        %get3A_553 = arith.index_cast %mul3A_339 : i32 to index
        %get3A_554 = tpu.vector_load %arg12[%get3A_552, %get3A_553] {strides = array<i32>} : memref<512x128xf32, #tpu.memory_space<vmem>>, vector<1x16xf32>,
        %get3A_555 = vector.shape_cast %get3A_554 : vector<1x16xf32> to vector<16xf32>
        %add3A_556 = arith.addf %add3A_532, %get3A_555 : vector<16xf32>
        %get3A_557 = arith.constant 357 : i32
        %get3A_558 = arith.index_cast %get3A_557 : i32 to index
        %get3A_559 = arith.index_cast %mul3A_339 : i32 to index
        %get3A_560 = tpu.vector_load %arg12[%get3A_558, %get3A_559] {strides = array<i32>} : memref<512x128xf32, #tpu.memory_space<vmem>>, vector<1x16xf32>,
        %get3A_561 = vector.shape_cast %get3A_560 : vector<1x16xf32> to vector<16xf32>
        %add3A_562 = arith.addf %add3A_538, %get3A_561 : vector<16xf32>
        %get3A_563 = arith.constant 358 : i32
        %get3A_564 = arith.index_cast %get3A_563 : i32 to index
        %get3A_565 = arith.index_cast %mul3A_339 : i32 to index
        %get3A_566 = tpu.vector_load %arg12[%get3A_564, %get3A_565] {strides = array<i32>} : memref<512x128xf32, #tpu.memory_space<vmem>>, vector<1x16xf32>,
        %get3A_567 = vector.shape_cast %get3A_566 : vector<1x16xf32> to vector<16xf32>
        %add3A_568 = arith.addf %add3A_544, %get3A_567 : vector<16xf32>
        %get3A_569 = arith.constant 359 : i32
        %get3A_570 = arith.index_cast %get3A_569 : i32 to index
        %get3A_571 = arith.index_cast %mul3A_339 : i32 to index
        %get3A_572 = tpu.vector_load %arg12[%get3A_570, %get3A_571] {strides = array<i32>} : memref<512x128xf32, #tpu.memory_space<vmem>>, vector<1x16xf32>,
        %get3A_573 = vector.shape_cast %get3A_572 : vector<1x16xf32> to vector<16xf32>
        %add3A_574 = arith.addf %add3A_550, %get3A_573 : vector<16xf32>
        %get3A_575 = arith.constant 360 : i32
        %get3A_576 = arith.index_cast %get3A_575 : i32 to index
        %get3A_577 = arith.index_cast %mul3A_339 : i32 to index
        %get3A_578 = tpu.vector_load %arg12[%get3A_576, %get3A_577] {strides = array<i32>} : memref<512x128xf32, #tpu.memory_space<vmem>>, vector<1x16xf32>,
        %get3A_579 = vector.shape_cast %get3A_578 : vector<1x16xf32> to vector<16xf32>
        %add3A_580 = arith.addf %add3A_556, %get3A_579 : vector<16xf32>
        %get3A_581 = arith.constant 361 : i32
        %get3A_582 = arith.index_cast %get3A_581 : i32 to index
        %get3A_583 = arith.index_cast %mul3A_339 : i32 to index
        %get3A_584 = tpu.vector_load %arg12[%get3A_582, %get3A_583] {strides = array<i32>} : memref<512x128xf32, #tpu.memory_space<vmem>>, vector<1x16xf32>,
        %get3A_585 = vector.shape_cast %get3A_584 : vector<1x16xf32> to vector<16xf32>
        %add3A_586 = arith.addf %add3A_562, %get3A_585 : vector<16xf32>
        %get3A_587 = arith.constant 362 : i32
        %get3A_588 = arith.index_cast %get3A_587 : i32 to index
        %get3A_589 = arith.index_cast %mul3A_339 : i32 to index
        %get3A_590 = tpu.vector_load %arg12[%get3A_588, %get3A_589] {strides = array<i32>} : memref<512x128xf32, #tpu.memory_space<vmem>>, vector<1x16xf32>,
        %get3A_591 = vector.shape_cast %get3A_590 : vector<1x16xf32> to vector<16xf32>
        %add3A_592 = arith.addf %add3A_568, %get3A_591 : vector<16xf32>
        %get3A_593 = arith.constant 363 : i32
        %get3A_594 = arith.index_cast %get3A_593 : i32 to index
        %get3A_595 = arith.index_cast %mul3A_339 : i32 to index
        %get3A_596 = tpu.vector_load %arg12[%get3A_594, %get3A_595] {strides = array<i32>} : memref<512x128xf32, #tpu.memory_space<vmem>>, vector<1x16xf32>,
        %get3A_597 = vector.shape_cast %get3A_596 : vector<1x16xf32> to vector<16xf32>
        %add3A_598 = arith.addf %add3A_574, %get3A_597 : vector<16xf32>
        %get3A_599 = arith.constant 364 : i32
        %get3A_600 = arith.index_cast %get3A_599 : i32 to index
        %get3A_601 = arith.index_cast %mul3A_339 : i32 to index
        %get3A_602 = tpu.vector_load %arg12[%get3A_600, %get3A_601] {strides = array<i32>} : memref<512x128xf32, #tpu.memory_space<vmem>>, vector<1x16xf32>,
        %get3A_603 = vector.shape_cast %get3A_602 : vector<1x16xf32> to vector<16xf32>
        %add3A_604 = arith.addf %add3A_580, %get3A_603 : vector<16xf32>
        %get3A_605 = arith.constant 365 : i32
        %get3A_606 = arith.index_cast %get3A_605 : i32 to index
        %get3A_607 = arith.index_cast %mul3A_339 : i32 to index
        %get3A_608 = tpu.vector_load %arg12[%get3A_606, %get3A_607] {strides = array<i32>} : memref<512x128xf32, #tpu.memory_space<vmem>>, vector<1x16xf32>,
        %get3A_609 = vector.shape_cast %get3A_608 : vector<1x16xf32> to vector<16xf32>
        %add3A_610 = arith.addf %add3A_586, %get3A_609 : vector<16xf32>
        %get3A_611 = arith.constant 366 : i32
        %get3A_612 = arith.index_cast %get3A_611 : i32 to index
        %get3A_613 = arith.index_cast %mul3A_339 : i32 to index
        %get3A_614 = tpu.vector_load %arg12[%get3A_612, %get3A_613] {strides = array<i32>} : memref<512x128xf32, #tpu.memory_space<vmem>>, vector<1x16xf32>,
        %get3A_615 = vector.shape_cast %get3A_614 : vector<1x16xf32> to vector<16xf32>
        %add3A_616 = arith.addf %add3A_592, %get3A_615 : vector<16xf32>
        %get3A_617 = arith.constant 367 : i32
        %get3A_618 = arith.index_cast %get3A_617 : i32 to index
        %get3A_619 = arith.index_cast %mul3A_339 : i32 to index
        %get3A_620 = tpu.vector_load %arg12[%get3A_618, %get3A_619] {strides = array<i32>} : memref<512x128xf32, #tpu.memory_space<vmem>>, vector<1x16xf32>,
        %get3A_621 = vector.shape_cast %get3A_620 : vector<1x16xf32> to vector<16xf32>
        %add3A_622 = arith.addf %add3A_598, %get3A_621 : vector<16xf32>
        %get3A_623 = arith.constant 368 : i32
        %get3A_624 = arith.index_cast %get3A_623 : i32 to index
        %get3A_625 = arith.index_cast %mul3A_339 : i32 to index
        %get3A_626 = tpu.vector_load %arg12[%get3A_624, %get3A_625] {strides = array<i32>} : memref<512x128xf32, #tpu.memory_space<vmem>>, vector<1x16xf32>,
        %get3A_627 = vector.shape_cast %get3A_626 : vector<1x16xf32> to vector<16xf32>
        %add3A_628 = arith.addf %add3A_604, %get3A_627 : vector<16xf32>
        %get3A_629 = arith.constant 369 : i32
        %get3A_630 = arith.index_cast %get3A_629 : i32 to index
        %get3A_631 = arith.index_cast %mul3A_339 : i32 to index
        %get3A_632 = tpu.vector_load %arg12[%get3A_630, %get3A_631] {strides = array<i32>} : memref<512x128xf32, #tpu.memory_space<vmem>>, vector<1x16xf32>,
        %get3A_633 = vector.shape_cast %get3A_632 : vector<1x16xf32> to vector<16xf32>
        %add3A_634 = arith.addf %add3A_610, %get3A_633 : vector<16xf32>
        %get3A_635 = arith.constant 370 : i32
        %get3A_636 = arith.index_cast %get3A_635 : i32 to index
        %get3A_637 = arith.index_cast %mul3A_339 : i32 to index
        %get3A_638 = tpu.vector_load %arg12[%get3A_636, %get3A_637] {strides = array<i32>} : memref<512x128xf32, #tpu.memory_space<vmem>>, vector<1x16xf32>,
        %get3A_639 = vector.shape_cast %get3A_638 : vector<1x16xf32> to vector<16xf32>
        %add3A_640 = arith.addf %add3A_616, %get3A_639 : vector<16xf32>
        %get3A_641 = arith.constant 371 : i32
        %get3A_642 = arith.index_cast %get3A_641 : i32 to index
        %get3A_643 = arith.index_cast %mul3A_339 : i32 to index
        %get3A_644 = tpu.vector_load %arg12[%get3A_642, %get3A_643] {strides = array<i32>} : memref<512x128xf32, #tpu.memory_space<vmem>>, vector<1x16xf32>,
        %get3A_645 = vector.shape_cast %get3A_644 : vector<1x16xf32> to vector<16xf32>
        %add3A_646 = arith.addf %add3A_622, %get3A_645 : vector<16xf32>
        %get3A_647 = arith.constant 372 : i32
        %get3A_648 = arith.index_cast %get3A_647 : i32 to index
        %get3A_649 = arith.index_cast %mul3A_339 : i32 to index
        %get3A_650 = tpu.vector_load %arg12[%get3A_648, %get3A_649] {strides = array<i32>} : memref<512x128xf32, #tpu.memory_space<vmem>>, vector<1x16xf32>,
        %get3A_651 = vector.shape_cast %get3A_650 : vector<1x16xf32> to vector<16xf32>
        %add3A_652 = arith.addf %add3A_628, %get3A_651 : vector<16xf32>
        %get3A_653 = arith.constant 373 : i32
        %get3A_654 = arith.index_cast %get3A_653 : i32 to index
        %get3A_655 = arith.index_cast %mul3A_339 : i32 to index
        %get3A_656 = tpu.vector_load %arg12[%get3A_654, %get3A_655] {strides = array<i32>} : memref<512x128xf32, #tpu.memory_space<vmem>>, vector<1x16xf32>,
        %get3A_657 = vector.shape_cast %get3A_656 : vector<1x16xf32> to vector<16xf32>
        %add3A_658 = arith.addf %add3A_634, %get3A_657 : vector<16xf32>
        %get3A_659 = arith.constant 374 : i32
        %get3A_660 = arith.index_cast %get3A_659 : i32 to index
        %get3A_661 = arith.index_cast %mul3A_339 : i32 to index
        %get3A_662 = tpu.vector_load %arg12[%get3A_660, %get3A_661] {strides = array<i32>} : memref<512x128xf32, #tpu.memory_space<vmem>>, vector<1x16xf32>,
        %get3A_663 = vector.shape_cast %get3A_662 : vector<1x16xf32> to vector<16xf32>
        %add3A_664 = arith.addf %add3A_640, %get3A_663 : vector<16xf32>
        %get3A_665 = arith.constant 375 : i32
        %get3A_666 = arith.index_cast %get3A_665 : i32 to index
        %get3A_667 = arith.index_cast %mul3A_339 : i32 to index
        %get3A_668 = tpu.vector_load %arg12[%get3A_666, %get3A_667] {strides = array<i32>} : memref<512x128xf32, #tpu.memory_space<vmem>>, vector<1x16xf32>,
        %get3A_669 = vector.shape_cast %get3A_668 : vector<1x16xf32> to vector<16xf32>
        %add3A_670 = arith.addf %add3A_646, %get3A_669 : vector<16xf32>
        %get3A_671 = arith.constant 376 : i32
        %get3A_672 = arith.index_cast %get3A_671 : i32 to index
        %get3A_673 = arith.index_cast %mul3A_339 : i32 to index
        %get3A_674 = tpu.vector_load %arg12[%get3A_672, %get3A_673] {strides = array<i32>} : memref<512x128xf32, #tpu.memory_space<vmem>>, vector<1x16xf32>,
        %get3A_675 = vector.shape_cast %get3A_674 : vector<1x16xf32> to vector<16xf32>
        %add3A_676 = arith.addf %add3A_652, %get3A_675 : vector<16xf32>
        %get3A_677 = arith.constant 377 : i32
        %get3A_678 = arith.index_cast %get3A_677 : i32 to index
        %get3A_679 = arith.index_cast %mul3A_339 : i32 to index
        %get3A_680 = tpu.vector_load %arg12[%get3A_678, %get3A_679] {strides = array<i32>} : memref<512x128xf32, #tpu.memory_space<vmem>>, vector<1x16xf32>,
        %get3A_681 = vector.shape_cast %get3A_680 : vector<1x16xf32> to vector<16xf32>
        %add3A_682 = arith.addf %add3A_658, %get3A_681 : vector<16xf32>
        %get3A_683 = arith.constant 378 : i32
        %get3A_684 = arith.index_cast %get3A_683 : i32 to index
        %get3A_685 = arith.index_cast %mul3A_339 : i32 to index
        %get3A_686 = tpu.vector_load %arg12[%get3A_684, %get3A_685] {strides = array<i32>} : memref<512x128xf32, #tpu.memory_space<vmem>>, vector<1x16xf32>,
        %get3A_687 = vector.shape_cast %get3A_686 : vector<1x16xf32> to vector<16xf32>
        %add3A_688 = arith.addf %add3A_664, %get3A_687 : vector<16xf32>
        %get3A_689 = arith.constant 379 : i32
        %get3A_690 = arith.index_cast %get3A_689 : i32 to index
        %get3A_691 = arith.index_cast %mul3A_339 : i32 to index
        %get3A_692 = tpu.vector_load %arg12[%get3A_690, %get3A_691] {strides = array<i32>} : memref<512x128xf32, #tpu.memory_space<vmem>>, vector<1x16xf32>,
        %get3A_693 = vector.shape_cast %get3A_692 : vector<1x16xf32> to vector<16xf32>
        %add3A_694 = arith.addf %add3A_670, %get3A_693 : vector<16xf32>
        %get3A_695 = arith.constant 380 : i32
        %get3A_696 = arith.index_cast %get3A_695 : i32 to index
        %get3A_697 = arith.index_cast %mul3A_339 : i32 to index
        %get3A_698 = tpu.vector_load %arg12[%get3A_696, %get3A_697] {strides = array<i32>} : memref<512x128xf32, #tpu.memory_space<vmem>>, vector<1x16xf32>,
        %get3A_699 = vector.shape_cast %get3A_698 : vector<1x16xf32> to vector<16xf32>
        %add3A_700 = arith.addf %add3A_676, %get3A_699 : vector<16xf32>
        %get3A_701 = arith.constant 381 : i32
        %get3A_702 = arith.index_cast %get3A_701 : i32 to index
        %get3A_703 = arith.index_cast %mul3A_339 : i32 to index
        %get3A_704 = tpu.vector_load %arg12[%get3A_702, %get3A_703] {strides = array<i32>} : memref<512x128xf32, #tpu.memory_space<vmem>>, vector<1x16xf32>,
        %get3A_705 = vector.shape_cast %get3A_704 : vector<1x16xf32> to vector<16xf32>
        %add3A_706 = arith.addf %add3A_682, %get3A_705 : vector<16xf32>
        %get3A_707 = arith.constant 382 : i32
        %get3A_708 = arith.index_cast %get3A_707 : i32 to index
        %get3A_709 = arith.index_cast %mul3A_339 : i32 to index
        %get3A_710 = tpu.vector_load %arg12[%get3A_708, %get3A_709] {strides = array<i32>} : memref<512x128xf32, #tpu.memory_space<vmem>>, vector<1x16xf32>,
        %get3A_711 = vector.shape_cast %get3A_710 : vector<1x16xf32> to vector<16xf32>
        %add3A_712 = arith.addf %add3A_688, %get3A_711 : vector<16xf32>
        %get3A_713 = arith.constant 383 : i32
        %get3A_714 = arith.index_cast %get3A_713 : i32 to index
        %get3A_715 = arith.index_cast %mul3A_339 : i32 to index
        %get3A_716 = tpu.vector_load %arg12[%get3A_714, %get3A_715] {strides = array<i32>} : memref<512x128xf32, #tpu.memory_space<vmem>>, vector<1x16xf32>,
        %get3A_717 = vector.shape_cast %get3A_716 : vector<1x16xf32> to vector<16xf32>
        %add3A_718 = arith.addf %add3A_694, %get3A_717 : vector<16xf32>
        %add3A_719 = arith.addf %add3A_700, %add3A_706 : vector<16xf32>
        %add3A_720 = arith.addf %add3A_712, %add3A_718 : vector<16xf32>
        %add3A_721 = arith.addf %add3A_719, %add3A_720 : vector<16xf32>
        %add3A_722 = arith.constant 0 : i32
        %add3A_723 = arith.addi %mul3A_266, %add3A_722 : i32
        %swap3A = arith.index_cast %add3A_723 : i32 to index
        %swap3A_724 = arith.index_cast %mul3A_339 : i32 to index
        %swap3A_725 = tpu.vector_load %arg13[%swap3A, %swap3A_724] {strides = array<i32>} : memref<64x128xf32, #tpu.memory_space<vmem>>, vector<1x16xf32>,
        %swap3A_726 = vector.shape_cast %swap3A_725 : vector<1x16xf32> to vector<16xf32>
        %swap3A_727 = vector.shape_cast %add3A_721 : vector<16xf32> to vector<1x16xf32>
        tpu.vector_store %arg13[%swap3A, %swap3A_724], %swap3A_727 {strides = array<i32>} : memref<64x128xf32, #tpu.memory_space<vmem>>, vector<1x16xf32>,
      }
      %scan3A_271 = arith.constant 8 : i32
      %add3A_272 = arith.constant 8 : i32
      %add3A_273 = arith.addi %add3A_127, %add3A_272 : i32
      %add3A_274 = arith.constant 5 : i32
      %add3A_275 = arith.addi %add3A_273, %add3A_274 : i32
      %lt3A_276 = arith.constant 64 : i32
      %lt3A_277 = arith.cmpi slt, %add3A_275, %lt3A_276 : i32
      %convert_element_type3A_278 = arith.extui %lt3A_277 : i1 to i32
      %cond3A_279 = arith.constant 0 : i32
      %cond3A_280 = arith.cmpi ne, %convert_element_type3A_278, %cond3A_279 : i32
      scf.if %cond3A_280 {
        %add3A_333 = arith.constant 8 : i32
        %add3A_334 = arith.addi %add3A_127, %add3A_333 : i32
        %add3A_335 = arith.constant 5 : i32
        %add3A_336 = arith.addi %add3A_334, %add3A_335 : i32
        %mul3A_337 = arith.constant 64 : i32
        %mul3A_338 = arith.muli %add3A_336, %mul3A_337 : i32
        %dma_start3A_339 = arith.constant 320 : i32
        %dma_start3A_340 = arith.constant 0 : i32
        %dma_start3A_341 = tpu.memref_slice %arg12[%dma_start3A_339, %dma_start3A_340] : memref<512x128xf32, #tpu.memory_space<vmem>> -> memref<64x128xf32, #tpu.memory_space<vmem>>
        %dma_start3A_342 = tpu.memref_slice %arg9[%mul3A_338] : memref<4096xi32, #tpu.memory_space<vmem>> -> memref<64xi32, #tpu.memory_space<vmem>>
        %dma_start3A_343 = arith.constant 0 : i32
        %dma_start3A_344 = arith.constant 0 : i32
        %dma_start3A_345 = tpu.memref_slice %arg2[%dma_start3A_343, %dma_start3A_344] : memref<100000x128xf32, #tpu.memory_space<hbm>> -> memref<100000x128xf32, #tpu.memory_space<hbm>>
        tpu.enqueue_indirect_dma source(%dma_start3A_345 : memref<100000x128xf32, #tpu.memory_space<hbm>>) target(%dma_start3A_341 : memref<64x128xf32, #tpu.memory_space<vmem>>) offsets(%dma_start3A_342 : memref<64xi32, #tpu.memory_space<vmem>>) semaphore(%arg21 : memref<!tpu.dma_semaphore, #tpu.memory_space<semaphore_mem>>)
      } else {
      }
      %dma_wait3A_281 = arith.constant 384 : i32
      %dma_wait3A_282 = arith.constant 0 : i32
      %dma_wait3A_283 = tpu.memref_slice %arg12[%dma_wait3A_281, %dma_wait3A_282] : memref<512x128xf32, #tpu.memory_space<vmem>> -> memref<64x128xf32, #tpu.memory_space<vmem>>
      %dma_wait3A_284 = arith.constant 0 : i32
      %dma_wait3A_285 = tpu.memref_slice %arg9[%dma_wait3A_284] : memref<4096xi32, #tpu.memory_space<vmem>> -> memref<64xi32, #tpu.memory_space<vmem>>
      %dma_wait3A_286 = arith.constant 0 : i32
      %dma_wait3A_287 = arith.constant 0 : i32
      %dma_wait3A_288 = tpu.memref_slice %arg2[%dma_wait3A_286, %dma_wait3A_287] : memref<100000x128xf32, #tpu.memory_space<hbm>> -> memref<100000x128xf32, #tpu.memory_space<hbm>>
      tpu.wait_indirect_dma semaphore(%arg22 : memref<!tpu.dma_semaphore, #tpu.memory_space<semaphore_mem>>) src(%dma_wait3A_288 : memref<100000x128xf32, #tpu.memory_space<hbm>>) dst(%dma_wait3A_283 : memref<64x128xf32, #tpu.memory_space<vmem>>)
      %add3A_289 = arith.constant 6 : i32
      %add3A_290 = arith.addi %add3A_127, %add3A_289 : i32
      %mul3A_291 = arith.constant 1 : i32
      %mul3A_292 = arith.muli %add3A_290, %mul3A_291 : i32
      %scan3A_293 = arith.constant 0 : i32
      %scan3A_294 = arith.constant 8 : i32
      %scan3A_295 = arith.addi %scan3A_293, %scan3A_294 : i32
      %scan3A_296 = arith.constant 1 : i32
      scf.for %scan3A_333 = %scan3A_293 to %scan3A_295 step %scan3A_296  : i32 {
        %mul3A_334 = arith.constant 1 : i32
        %mul3A_335 = arith.muli %scan3A_333, %mul3A_334 : i32
        %add3A_336 = arith.constant 0 : i32
        %add3A_337 = arith.addi %add3A_336, %mul3A_335 : i32
        %mul3A_338 = arith.constant 16 : i32
        %mul3A_339 = arith.muli %add3A_337, %mul3A_338 : i32
        %get3A = arith.constant 384 : i32
        %get3A_340 = arith.index_cast %get3A : i32 to index
        %get3A_341 = arith.index_cast %mul3A_339 : i32 to index
        %get3A_342 = tpu.vector_load %arg12[%get3A_340, %get3A_341] {strides = array<i32>} : memref<512x128xf32, #tpu.memory_space<vmem>>, vector<1x16xf32>,
        %get3A_343 = vector.shape_cast %get3A_342 : vector<1x16xf32> to vector<16xf32>
        %get3A_344 = arith.constant 385 : i32
        %get3A_345 = arith.index_cast %get3A_344 : i32 to index
        %get3A_346 = arith.index_cast %mul3A_339 : i32 to index
        %get3A_347 = tpu.vector_load %arg12[%get3A_345, %get3A_346] {strides = array<i32>} : memref<512x128xf32, #tpu.memory_space<vmem>>, vector<1x16xf32>,
        %get3A_348 = vector.shape_cast %get3A_347 : vector<1x16xf32> to vector<16xf32>
        %get3A_349 = arith.constant 386 : i32
        %get3A_350 = arith.index_cast %get3A_349 : i32 to index
        %get3A_351 = arith.index_cast %mul3A_339 : i32 to index
        %get3A_352 = tpu.vector_load %arg12[%get3A_350, %get3A_351] {strides = array<i32>} : memref<512x128xf32, #tpu.memory_space<vmem>>, vector<1x16xf32>,
        %get3A_353 = vector.shape_cast %get3A_352 : vector<1x16xf32> to vector<16xf32>
        %get3A_354 = arith.constant 387 : i32
        %get3A_355 = arith.index_cast %get3A_354 : i32 to index
        %get3A_356 = arith.index_cast %mul3A_339 : i32 to index
        %get3A_357 = tpu.vector_load %arg12[%get3A_355, %get3A_356] {strides = array<i32>} : memref<512x128xf32, #tpu.memory_space<vmem>>, vector<1x16xf32>,
        %get3A_358 = vector.shape_cast %get3A_357 : vector<1x16xf32> to vector<16xf32>
        %get3A_359 = arith.constant 388 : i32
        %get3A_360 = arith.index_cast %get3A_359 : i32 to index
        %get3A_361 = arith.index_cast %mul3A_339 : i32 to index
        %get3A_362 = tpu.vector_load %arg12[%get3A_360, %get3A_361] {strides = array<i32>} : memref<512x128xf32, #tpu.memory_space<vmem>>, vector<1x16xf32>,
        %get3A_363 = vector.shape_cast %get3A_362 : vector<1x16xf32> to vector<16xf32>
        %add3A_364 = arith.addf %get3A_343, %get3A_363 : vector<16xf32>
        %get3A_365 = arith.constant 389 : i32
        %get3A_366 = arith.index_cast %get3A_365 : i32 to index
        %get3A_367 = arith.index_cast %mul3A_339 : i32 to index
        %get3A_368 = tpu.vector_load %arg12[%get3A_366, %get3A_367] {strides = array<i32>} : memref<512x128xf32, #tpu.memory_space<vmem>>, vector<1x16xf32>,
        %get3A_369 = vector.shape_cast %get3A_368 : vector<1x16xf32> to vector<16xf32>
        %add3A_370 = arith.addf %get3A_348, %get3A_369 : vector<16xf32>
        %get3A_371 = arith.constant 390 : i32
        %get3A_372 = arith.index_cast %get3A_371 : i32 to index
        %get3A_373 = arith.index_cast %mul3A_339 : i32 to index
        %get3A_374 = tpu.vector_load %arg12[%get3A_372, %get3A_373] {strides = array<i32>} : memref<512x128xf32, #tpu.memory_space<vmem>>, vector<1x16xf32>,
        %get3A_375 = vector.shape_cast %get3A_374 : vector<1x16xf32> to vector<16xf32>
        %add3A_376 = arith.addf %get3A_353, %get3A_375 : vector<16xf32>
        %get3A_377 = arith.constant 391 : i32
        %get3A_378 = arith.index_cast %get3A_377 : i32 to index
        %get3A_379 = arith.index_cast %mul3A_339 : i32 to index
        %get3A_380 = tpu.vector_load %arg12[%get3A_378, %get3A_379] {strides = array<i32>} : memref<512x128xf32, #tpu.memory_space<vmem>>, vector<1x16xf32>,
        %get3A_381 = vector.shape_cast %get3A_380 : vector<1x16xf32> to vector<16xf32>
        %add3A_382 = arith.addf %get3A_358, %get3A_381 : vector<16xf32>
        %get3A_383 = arith.constant 392 : i32
        %get3A_384 = arith.index_cast %get3A_383 : i32 to index
        %get3A_385 = arith.index_cast %mul3A_339 : i32 to index
        %get3A_386 = tpu.vector_load %arg12[%get3A_384, %get3A_385] {strides = array<i32>} : memref<512x128xf32, #tpu.memory_space<vmem>>, vector<1x16xf32>,
        %get3A_387 = vector.shape_cast %get3A_386 : vector<1x16xf32> to vector<16xf32>
        %add3A_388 = arith.addf %add3A_364, %get3A_387 : vector<16xf32>
        %get3A_389 = arith.constant 393 : i32
        %get3A_390 = arith.index_cast %get3A_389 : i32 to index
        %get3A_391 = arith.index_cast %mul3A_339 : i32 to index
        %get3A_392 = tpu.vector_load %arg12[%get3A_390, %get3A_391] {strides = array<i32>} : memref<512x128xf32, #tpu.memory_space<vmem>>, vector<1x16xf32>,
        %get3A_393 = vector.shape_cast %get3A_392 : vector<1x16xf32> to vector<16xf32>
        %add3A_394 = arith.addf %add3A_370, %get3A_393 : vector<16xf32>
        %get3A_395 = arith.constant 394 : i32
        %get3A_396 = arith.index_cast %get3A_395 : i32 to index
        %get3A_397 = arith.index_cast %mul3A_339 : i32 to index
        %get3A_398 = tpu.vector_load %arg12[%get3A_396, %get3A_397] {strides = array<i32>} : memref<512x128xf32, #tpu.memory_space<vmem>>, vector<1x16xf32>,
        %get3A_399 = vector.shape_cast %get3A_398 : vector<1x16xf32> to vector<16xf32>
        %add3A_400 = arith.addf %add3A_376, %get3A_399 : vector<16xf32>
        %get3A_401 = arith.constant 395 : i32
        %get3A_402 = arith.index_cast %get3A_401 : i32 to index
        %get3A_403 = arith.index_cast %mul3A_339 : i32 to index
        %get3A_404 = tpu.vector_load %arg12[%get3A_402, %get3A_403] {strides = array<i32>} : memref<512x128xf32, #tpu.memory_space<vmem>>, vector<1x16xf32>,
        %get3A_405 = vector.shape_cast %get3A_404 : vector<1x16xf32> to vector<16xf32>
        %add3A_406 = arith.addf %add3A_382, %get3A_405 : vector<16xf32>
        %get3A_407 = arith.constant 396 : i32
        %get3A_408 = arith.index_cast %get3A_407 : i32 to index
        %get3A_409 = arith.index_cast %mul3A_339 : i32 to index
        %get3A_410 = tpu.vector_load %arg12[%get3A_408, %get3A_409] {strides = array<i32>} : memref<512x128xf32, #tpu.memory_space<vmem>>, vector<1x16xf32>,
        %get3A_411 = vector.shape_cast %get3A_410 : vector<1x16xf32> to vector<16xf32>
        %add3A_412 = arith.addf %add3A_388, %get3A_411 : vector<16xf32>
        %get3A_413 = arith.constant 397 : i32
        %get3A_414 = arith.index_cast %get3A_413 : i32 to index
        %get3A_415 = arith.index_cast %mul3A_339 : i32 to index
        %get3A_416 = tpu.vector_load %arg12[%get3A_414, %get3A_415] {strides = array<i32>} : memref<512x128xf32, #tpu.memory_space<vmem>>, vector<1x16xf32>,
        %get3A_417 = vector.shape_cast %get3A_416 : vector<1x16xf32> to vector<16xf32>
        %add3A_418 = arith.addf %add3A_394, %get3A_417 : vector<16xf32>
        %get3A_419 = arith.constant 398 : i32
        %get3A_420 = arith.index_cast %get3A_419 : i32 to index
        %get3A_421 = arith.index_cast %mul3A_339 : i32 to index
        %get3A_422 = tpu.vector_load %arg12[%get3A_420, %get3A_421] {strides = array<i32>} : memref<512x128xf32, #tpu.memory_space<vmem>>, vector<1x16xf32>,
        %get3A_423 = vector.shape_cast %get3A_422 : vector<1x16xf32> to vector<16xf32>
        %add3A_424 = arith.addf %add3A_400, %get3A_423 : vector<16xf32>
        %get3A_425 = arith.constant 399 : i32
        %get3A_426 = arith.index_cast %get3A_425 : i32 to index
        %get3A_427 = arith.index_cast %mul3A_339 : i32 to index
        %get3A_428 = tpu.vector_load %arg12[%get3A_426, %get3A_427] {strides = array<i32>} : memref<512x128xf32, #tpu.memory_space<vmem>>, vector<1x16xf32>,
        %get3A_429 = vector.shape_cast %get3A_428 : vector<1x16xf32> to vector<16xf32>
        %add3A_430 = arith.addf %add3A_406, %get3A_429 : vector<16xf32>
        %get3A_431 = arith.constant 400 : i32
        %get3A_432 = arith.index_cast %get3A_431 : i32 to index
        %get3A_433 = arith.index_cast %mul3A_339 : i32 to index
        %get3A_434 = tpu.vector_load %arg12[%get3A_432, %get3A_433] {strides = array<i32>} : memref<512x128xf32, #tpu.memory_space<vmem>>, vector<1x16xf32>,
        %get3A_435 = vector.shape_cast %get3A_434 : vector<1x16xf32> to vector<16xf32>
        %add3A_436 = arith.addf %add3A_412, %get3A_435 : vector<16xf32>
        %get3A_437 = arith.constant 401 : i32
        %get3A_438 = arith.index_cast %get3A_437 : i32 to index
        %get3A_439 = arith.index_cast %mul3A_339 : i32 to index
        %get3A_440 = tpu.vector_load %arg12[%get3A_438, %get3A_439] {strides = array<i32>} : memref<512x128xf32, #tpu.memory_space<vmem>>, vector<1x16xf32>,
        %get3A_441 = vector.shape_cast %get3A_440 : vector<1x16xf32> to vector<16xf32>
        %add3A_442 = arith.addf %add3A_418, %get3A_441 : vector<16xf32>
        %get3A_443 = arith.constant 402 : i32
        %get3A_444 = arith.index_cast %get3A_443 : i32 to index
        %get3A_445 = arith.index_cast %mul3A_339 : i32 to index
        %get3A_446 = tpu.vector_load %arg12[%get3A_444, %get3A_445] {strides = array<i32>} : memref<512x128xf32, #tpu.memory_space<vmem>>, vector<1x16xf32>,
        %get3A_447 = vector.shape_cast %get3A_446 : vector<1x16xf32> to vector<16xf32>
        %add3A_448 = arith.addf %add3A_424, %get3A_447 : vector<16xf32>
        %get3A_449 = arith.constant 403 : i32
        %get3A_450 = arith.index_cast %get3A_449 : i32 to index
        %get3A_451 = arith.index_cast %mul3A_339 : i32 to index
        %get3A_452 = tpu.vector_load %arg12[%get3A_450, %get3A_451] {strides = array<i32>} : memref<512x128xf32, #tpu.memory_space<vmem>>, vector<1x16xf32>,
        %get3A_453 = vector.shape_cast %get3A_452 : vector<1x16xf32> to vector<16xf32>
        %add3A_454 = arith.addf %add3A_430, %get3A_453 : vector<16xf32>
        %get3A_455 = arith.constant 404 : i32
        %get3A_456 = arith.index_cast %get3A_455 : i32 to index
        %get3A_457 = arith.index_cast %mul3A_339 : i32 to index
        %get3A_458 = tpu.vector_load %arg12[%get3A_456, %get3A_457] {strides = array<i32>} : memref<512x128xf32, #tpu.memory_space<vmem>>, vector<1x16xf32>,
        %get3A_459 = vector.shape_cast %get3A_458 : vector<1x16xf32> to vector<16xf32>
        %add3A_460 = arith.addf %add3A_436, %get3A_459 : vector<16xf32>
        %get3A_461 = arith.constant 405 : i32
        %get3A_462 = arith.index_cast %get3A_461 : i32 to index
        %get3A_463 = arith.index_cast %mul3A_339 : i32 to index
        %get3A_464 = tpu.vector_load %arg12[%get3A_462, %get3A_463] {strides = array<i32>} : memref<512x128xf32, #tpu.memory_space<vmem>>, vector<1x16xf32>,
        %get3A_465 = vector.shape_cast %get3A_464 : vector<1x16xf32> to vector<16xf32>
        %add3A_466 = arith.addf %add3A_442, %get3A_465 : vector<16xf32>
        %get3A_467 = arith.constant 406 : i32
        %get3A_468 = arith.index_cast %get3A_467 : i32 to index
        %get3A_469 = arith.index_cast %mul3A_339 : i32 to index
        %get3A_470 = tpu.vector_load %arg12[%get3A_468, %get3A_469] {strides = array<i32>} : memref<512x128xf32, #tpu.memory_space<vmem>>, vector<1x16xf32>,
        %get3A_471 = vector.shape_cast %get3A_470 : vector<1x16xf32> to vector<16xf32>
        %add3A_472 = arith.addf %add3A_448, %get3A_471 : vector<16xf32>
        %get3A_473 = arith.constant 407 : i32
        %get3A_474 = arith.index_cast %get3A_473 : i32 to index
        %get3A_475 = arith.index_cast %mul3A_339 : i32 to index
        %get3A_476 = tpu.vector_load %arg12[%get3A_474, %get3A_475] {strides = array<i32>} : memref<512x128xf32, #tpu.memory_space<vmem>>, vector<1x16xf32>,
        %get3A_477 = vector.shape_cast %get3A_476 : vector<1x16xf32> to vector<16xf32>
        %add3A_478 = arith.addf %add3A_454, %get3A_477 : vector<16xf32>
        %get3A_479 = arith.constant 408 : i32
        %get3A_480 = arith.index_cast %get3A_479 : i32 to index
        %get3A_481 = arith.index_cast %mul3A_339 : i32 to index
        %get3A_482 = tpu.vector_load %arg12[%get3A_480, %get3A_481] {strides = array<i32>} : memref<512x128xf32, #tpu.memory_space<vmem>>, vector<1x16xf32>,
        %get3A_483 = vector.shape_cast %get3A_482 : vector<1x16xf32> to vector<16xf32>
        %add3A_484 = arith.addf %add3A_460, %get3A_483 : vector<16xf32>
        %get3A_485 = arith.constant 409 : i32
        %get3A_486 = arith.index_cast %get3A_485 : i32 to index
        %get3A_487 = arith.index_cast %mul3A_339 : i32 to index
        %get3A_488 = tpu.vector_load %arg12[%get3A_486, %get3A_487] {strides = array<i32>} : memref<512x128xf32, #tpu.memory_space<vmem>>, vector<1x16xf32>,
        %get3A_489 = vector.shape_cast %get3A_488 : vector<1x16xf32> to vector<16xf32>
        %add3A_490 = arith.addf %add3A_466, %get3A_489 : vector<16xf32>
        %get3A_491 = arith.constant 410 : i32
        %get3A_492 = arith.index_cast %get3A_491 : i32 to index
        %get3A_493 = arith.index_cast %mul3A_339 : i32 to index
        %get3A_494 = tpu.vector_load %arg12[%get3A_492, %get3A_493] {strides = array<i32>} : memref<512x128xf32, #tpu.memory_space<vmem>>, vector<1x16xf32>,
        %get3A_495 = vector.shape_cast %get3A_494 : vector<1x16xf32> to vector<16xf32>
        %add3A_496 = arith.addf %add3A_472, %get3A_495 : vector<16xf32>
        %get3A_497 = arith.constant 411 : i32
        %get3A_498 = arith.index_cast %get3A_497 : i32 to index
        %get3A_499 = arith.index_cast %mul3A_339 : i32 to index
        %get3A_500 = tpu.vector_load %arg12[%get3A_498, %get3A_499] {strides = array<i32>} : memref<512x128xf32, #tpu.memory_space<vmem>>, vector<1x16xf32>,
        %get3A_501 = vector.shape_cast %get3A_500 : vector<1x16xf32> to vector<16xf32>
        %add3A_502 = arith.addf %add3A_478, %get3A_501 : vector<16xf32>
        %get3A_503 = arith.constant 412 : i32
        %get3A_504 = arith.index_cast %get3A_503 : i32 to index
        %get3A_505 = arith.index_cast %mul3A_339 : i32 to index
        %get3A_506 = tpu.vector_load %arg12[%get3A_504, %get3A_505] {strides = array<i32>} : memref<512x128xf32, #tpu.memory_space<vmem>>, vector<1x16xf32>,
        %get3A_507 = vector.shape_cast %get3A_506 : vector<1x16xf32> to vector<16xf32>
        %add3A_508 = arith.addf %add3A_484, %get3A_507 : vector<16xf32>
        %get3A_509 = arith.constant 413 : i32
        %get3A_510 = arith.index_cast %get3A_509 : i32 to index
        %get3A_511 = arith.index_cast %mul3A_339 : i32 to index
        %get3A_512 = tpu.vector_load %arg12[%get3A_510, %get3A_511] {strides = array<i32>} : memref<512x128xf32, #tpu.memory_space<vmem>>, vector<1x16xf32>,
        %get3A_513 = vector.shape_cast %get3A_512 : vector<1x16xf32> to vector<16xf32>
        %add3A_514 = arith.addf %add3A_490, %get3A_513 : vector<16xf32>
        %get3A_515 = arith.constant 414 : i32
        %get3A_516 = arith.index_cast %get3A_515 : i32 to index
        %get3A_517 = arith.index_cast %mul3A_339 : i32 to index
        %get3A_518 = tpu.vector_load %arg12[%get3A_516, %get3A_517] {strides = array<i32>} : memref<512x128xf32, #tpu.memory_space<vmem>>, vector<1x16xf32>,
        %get3A_519 = vector.shape_cast %get3A_518 : vector<1x16xf32> to vector<16xf32>
        %add3A_520 = arith.addf %add3A_496, %get3A_519 : vector<16xf32>
        %get3A_521 = arith.constant 415 : i32
        %get3A_522 = arith.index_cast %get3A_521 : i32 to index
        %get3A_523 = arith.index_cast %mul3A_339 : i32 to index
        %get3A_524 = tpu.vector_load %arg12[%get3A_522, %get3A_523] {strides = array<i32>} : memref<512x128xf32, #tpu.memory_space<vmem>>, vector<1x16xf32>,
        %get3A_525 = vector.shape_cast %get3A_524 : vector<1x16xf32> to vector<16xf32>
        %add3A_526 = arith.addf %add3A_502, %get3A_525 : vector<16xf32>
        %get3A_527 = arith.constant 416 : i32
        %get3A_528 = arith.index_cast %get3A_527 : i32 to index
        %get3A_529 = arith.index_cast %mul3A_339 : i32 to index
        %get3A_530 = tpu.vector_load %arg12[%get3A_528, %get3A_529] {strides = array<i32>} : memref<512x128xf32, #tpu.memory_space<vmem>>, vector<1x16xf32>,
        %get3A_531 = vector.shape_cast %get3A_530 : vector<1x16xf32> to vector<16xf32>
        %add3A_532 = arith.addf %add3A_508, %get3A_531 : vector<16xf32>
        %get3A_533 = arith.constant 417 : i32
        %get3A_534 = arith.index_cast %get3A_533 : i32 to index
        %get3A_535 = arith.index_cast %mul3A_339 : i32 to index
        %get3A_536 = tpu.vector_load %arg12[%get3A_534, %get3A_535] {strides = array<i32>} : memref<512x128xf32, #tpu.memory_space<vmem>>, vector<1x16xf32>,
        %get3A_537 = vector.shape_cast %get3A_536 : vector<1x16xf32> to vector<16xf32>
        %add3A_538 = arith.addf %add3A_514, %get3A_537 : vector<16xf32>
        %get3A_539 = arith.constant 418 : i32
        %get3A_540 = arith.index_cast %get3A_539 : i32 to index
        %get3A_541 = arith.index_cast %mul3A_339 : i32 to index
        %get3A_542 = tpu.vector_load %arg12[%get3A_540, %get3A_541] {strides = array<i32>} : memref<512x128xf32, #tpu.memory_space<vmem>>, vector<1x16xf32>,
        %get3A_543 = vector.shape_cast %get3A_542 : vector<1x16xf32> to vector<16xf32>
        %add3A_544 = arith.addf %add3A_520, %get3A_543 : vector<16xf32>
        %get3A_545 = arith.constant 419 : i32
        %get3A_546 = arith.index_cast %get3A_545 : i32 to index
        %get3A_547 = arith.index_cast %mul3A_339 : i32 to index
        %get3A_548 = tpu.vector_load %arg12[%get3A_546, %get3A_547] {strides = array<i32>} : memref<512x128xf32, #tpu.memory_space<vmem>>, vector<1x16xf32>,
        %get3A_549 = vector.shape_cast %get3A_548 : vector<1x16xf32> to vector<16xf32>
        %add3A_550 = arith.addf %add3A_526, %get3A_549 : vector<16xf32>
        %get3A_551 = arith.constant 420 : i32
        %get3A_552 = arith.index_cast %get3A_551 : i32 to index
        %get3A_553 = arith.index_cast %mul3A_339 : i32 to index
        %get3A_554 = tpu.vector_load %arg12[%get3A_552, %get3A_553] {strides = array<i32>} : memref<512x128xf32, #tpu.memory_space<vmem>>, vector<1x16xf32>,
        %get3A_555 = vector.shape_cast %get3A_554 : vector<1x16xf32> to vector<16xf32>
        %add3A_556 = arith.addf %add3A_532, %get3A_555 : vector<16xf32>
        %get3A_557 = arith.constant 421 : i32
        %get3A_558 = arith.index_cast %get3A_557 : i32 to index
        %get3A_559 = arith.index_cast %mul3A_339 : i32 to index
        %get3A_560 = tpu.vector_load %arg12[%get3A_558, %get3A_559] {strides = array<i32>} : memref<512x128xf32, #tpu.memory_space<vmem>>, vector<1x16xf32>,
        %get3A_561 = vector.shape_cast %get3A_560 : vector<1x16xf32> to vector<16xf32>
        %add3A_562 = arith.addf %add3A_538, %get3A_561 : vector<16xf32>
        %get3A_563 = arith.constant 422 : i32
        %get3A_564 = arith.index_cast %get3A_563 : i32 to index
        %get3A_565 = arith.index_cast %mul3A_339 : i32 to index
        %get3A_566 = tpu.vector_load %arg12[%get3A_564, %get3A_565] {strides = array<i32>} : memref<512x128xf32, #tpu.memory_space<vmem>>, vector<1x16xf32>,
        %get3A_567 = vector.shape_cast %get3A_566 : vector<1x16xf32> to vector<16xf32>
        %add3A_568 = arith.addf %add3A_544, %get3A_567 : vector<16xf32>
        %get3A_569 = arith.constant 423 : i32
        %get3A_570 = arith.index_cast %get3A_569 : i32 to index
        %get3A_571 = arith.index_cast %mul3A_339 : i32 to index
        %get3A_572 = tpu.vector_load %arg12[%get3A_570, %get3A_571] {strides = array<i32>} : memref<512x128xf32, #tpu.memory_space<vmem>>, vector<1x16xf32>,
        %get3A_573 = vector.shape_cast %get3A_572 : vector<1x16xf32> to vector<16xf32>
        %add3A_574 = arith.addf %add3A_550, %get3A_573 : vector<16xf32>
        %get3A_575 = arith.constant 424 : i32
        %get3A_576 = arith.index_cast %get3A_575 : i32 to index
        %get3A_577 = arith.index_cast %mul3A_339 : i32 to index
        %get3A_578 = tpu.vector_load %arg12[%get3A_576, %get3A_577] {strides = array<i32>} : memref<512x128xf32, #tpu.memory_space<vmem>>, vector<1x16xf32>,
        %get3A_579 = vector.shape_cast %get3A_578 : vector<1x16xf32> to vector<16xf32>
        %add3A_580 = arith.addf %add3A_556, %get3A_579 : vector<16xf32>
        %get3A_581 = arith.constant 425 : i32
        %get3A_582 = arith.index_cast %get3A_581 : i32 to index
        %get3A_583 = arith.index_cast %mul3A_339 : i32 to index
        %get3A_584 = tpu.vector_load %arg12[%get3A_582, %get3A_583] {strides = array<i32>} : memref<512x128xf32, #tpu.memory_space<vmem>>, vector<1x16xf32>,
        %get3A_585 = vector.shape_cast %get3A_584 : vector<1x16xf32> to vector<16xf32>
        %add3A_586 = arith.addf %add3A_562, %get3A_585 : vector<16xf32>
        %get3A_587 = arith.constant 426 : i32
        %get3A_588 = arith.index_cast %get3A_587 : i32 to index
        %get3A_589 = arith.index_cast %mul3A_339 : i32 to index
        %get3A_590 = tpu.vector_load %arg12[%get3A_588, %get3A_589] {strides = array<i32>} : memref<512x128xf32, #tpu.memory_space<vmem>>, vector<1x16xf32>,
        %get3A_591 = vector.shape_cast %get3A_590 : vector<1x16xf32> to vector<16xf32>
        %add3A_592 = arith.addf %add3A_568, %get3A_591 : vector<16xf32>
        %get3A_593 = arith.constant 427 : i32
        %get3A_594 = arith.index_cast %get3A_593 : i32 to index
        %get3A_595 = arith.index_cast %mul3A_339 : i32 to index
        %get3A_596 = tpu.vector_load %arg12[%get3A_594, %get3A_595] {strides = array<i32>} : memref<512x128xf32, #tpu.memory_space<vmem>>, vector<1x16xf32>,
        %get3A_597 = vector.shape_cast %get3A_596 : vector<1x16xf32> to vector<16xf32>
        %add3A_598 = arith.addf %add3A_574, %get3A_597 : vector<16xf32>
        %get3A_599 = arith.constant 428 : i32
        %get3A_600 = arith.index_cast %get3A_599 : i32 to index
        %get3A_601 = arith.index_cast %mul3A_339 : i32 to index
        %get3A_602 = tpu.vector_load %arg12[%get3A_600, %get3A_601] {strides = array<i32>} : memref<512x128xf32, #tpu.memory_space<vmem>>, vector<1x16xf32>,
        %get3A_603 = vector.shape_cast %get3A_602 : vector<1x16xf32> to vector<16xf32>
        %add3A_604 = arith.addf %add3A_580, %get3A_603 : vector<16xf32>
        %get3A_605 = arith.constant 429 : i32
        %get3A_606 = arith.index_cast %get3A_605 : i32 to index
        %get3A_607 = arith.index_cast %mul3A_339 : i32 to index
        %get3A_608 = tpu.vector_load %arg12[%get3A_606, %get3A_607] {strides = array<i32>} : memref<512x128xf32, #tpu.memory_space<vmem>>, vector<1x16xf32>,
        %get3A_609 = vector.shape_cast %get3A_608 : vector<1x16xf32> to vector<16xf32>
        %add3A_610 = arith.addf %add3A_586, %get3A_609 : vector<16xf32>
        %get3A_611 = arith.constant 430 : i32
        %get3A_612 = arith.index_cast %get3A_611 : i32 to index
        %get3A_613 = arith.index_cast %mul3A_339 : i32 to index
        %get3A_614 = tpu.vector_load %arg12[%get3A_612, %get3A_613] {strides = array<i32>} : memref<512x128xf32, #tpu.memory_space<vmem>>, vector<1x16xf32>,
        %get3A_615 = vector.shape_cast %get3A_614 : vector<1x16xf32> to vector<16xf32>
        %add3A_616 = arith.addf %add3A_592, %get3A_615 : vector<16xf32>
        %get3A_617 = arith.constant 431 : i32
        %get3A_618 = arith.index_cast %get3A_617 : i32 to index
        %get3A_619 = arith.index_cast %mul3A_339 : i32 to index
        %get3A_620 = tpu.vector_load %arg12[%get3A_618, %get3A_619] {strides = array<i32>} : memref<512x128xf32, #tpu.memory_space<vmem>>, vector<1x16xf32>,
        %get3A_621 = vector.shape_cast %get3A_620 : vector<1x16xf32> to vector<16xf32>
        %add3A_622 = arith.addf %add3A_598, %get3A_621 : vector<16xf32>
        %get3A_623 = arith.constant 432 : i32
        %get3A_624 = arith.index_cast %get3A_623 : i32 to index
        %get3A_625 = arith.index_cast %mul3A_339 : i32 to index
        %get3A_626 = tpu.vector_load %arg12[%get3A_624, %get3A_625] {strides = array<i32>} : memref<512x128xf32, #tpu.memory_space<vmem>>, vector<1x16xf32>,
        %get3A_627 = vector.shape_cast %get3A_626 : vector<1x16xf32> to vector<16xf32>
        %add3A_628 = arith.addf %add3A_604, %get3A_627 : vector<16xf32>
        %get3A_629 = arith.constant 433 : i32
        %get3A_630 = arith.index_cast %get3A_629 : i32 to index
        %get3A_631 = arith.index_cast %mul3A_339 : i32 to index
        %get3A_632 = tpu.vector_load %arg12[%get3A_630, %get3A_631] {strides = array<i32>} : memref<512x128xf32, #tpu.memory_space<vmem>>, vector<1x16xf32>,
        %get3A_633 = vector.shape_cast %get3A_632 : vector<1x16xf32> to vector<16xf32>
        %add3A_634 = arith.addf %add3A_610, %get3A_633 : vector<16xf32>
        %get3A_635 = arith.constant 434 : i32
        %get3A_636 = arith.index_cast %get3A_635 : i32 to index
        %get3A_637 = arith.index_cast %mul3A_339 : i32 to index
        %get3A_638 = tpu.vector_load %arg12[%get3A_636, %get3A_637] {strides = array<i32>} : memref<512x128xf32, #tpu.memory_space<vmem>>, vector<1x16xf32>,
        %get3A_639 = vector.shape_cast %get3A_638 : vector<1x16xf32> to vector<16xf32>
        %add3A_640 = arith.addf %add3A_616, %get3A_639 : vector<16xf32>
        %get3A_641 = arith.constant 435 : i32
        %get3A_642 = arith.index_cast %get3A_641 : i32 to index
        %get3A_643 = arith.index_cast %mul3A_339 : i32 to index
        %get3A_644 = tpu.vector_load %arg12[%get3A_642, %get3A_643] {strides = array<i32>} : memref<512x128xf32, #tpu.memory_space<vmem>>, vector<1x16xf32>,
        %get3A_645 = vector.shape_cast %get3A_644 : vector<1x16xf32> to vector<16xf32>
        %add3A_646 = arith.addf %add3A_622, %get3A_645 : vector<16xf32>
        %get3A_647 = arith.constant 436 : i32
        %get3A_648 = arith.index_cast %get3A_647 : i32 to index
        %get3A_649 = arith.index_cast %mul3A_339 : i32 to index
        %get3A_650 = tpu.vector_load %arg12[%get3A_648, %get3A_649] {strides = array<i32>} : memref<512x128xf32, #tpu.memory_space<vmem>>, vector<1x16xf32>,
        %get3A_651 = vector.shape_cast %get3A_650 : vector<1x16xf32> to vector<16xf32>
        %add3A_652 = arith.addf %add3A_628, %get3A_651 : vector<16xf32>
        %get3A_653 = arith.constant 437 : i32
        %get3A_654 = arith.index_cast %get3A_653 : i32 to index
        %get3A_655 = arith.index_cast %mul3A_339 : i32 to index
        %get3A_656 = tpu.vector_load %arg12[%get3A_654, %get3A_655] {strides = array<i32>} : memref<512x128xf32, #tpu.memory_space<vmem>>, vector<1x16xf32>,
        %get3A_657 = vector.shape_cast %get3A_656 : vector<1x16xf32> to vector<16xf32>
        %add3A_658 = arith.addf %add3A_634, %get3A_657 : vector<16xf32>
        %get3A_659 = arith.constant 438 : i32
        %get3A_660 = arith.index_cast %get3A_659 : i32 to index
        %get3A_661 = arith.index_cast %mul3A_339 : i32 to index
        %get3A_662 = tpu.vector_load %arg12[%get3A_660, %get3A_661] {strides = array<i32>} : memref<512x128xf32, #tpu.memory_space<vmem>>, vector<1x16xf32>,
        %get3A_663 = vector.shape_cast %get3A_662 : vector<1x16xf32> to vector<16xf32>
        %add3A_664 = arith.addf %add3A_640, %get3A_663 : vector<16xf32>
        %get3A_665 = arith.constant 439 : i32
        %get3A_666 = arith.index_cast %get3A_665 : i32 to index
        %get3A_667 = arith.index_cast %mul3A_339 : i32 to index
        %get3A_668 = tpu.vector_load %arg12[%get3A_666, %get3A_667] {strides = array<i32>} : memref<512x128xf32, #tpu.memory_space<vmem>>, vector<1x16xf32>,
        %get3A_669 = vector.shape_cast %get3A_668 : vector<1x16xf32> to vector<16xf32>
        %add3A_670 = arith.addf %add3A_646, %get3A_669 : vector<16xf32>
        %get3A_671 = arith.constant 440 : i32
        %get3A_672 = arith.index_cast %get3A_671 : i32 to index
        %get3A_673 = arith.index_cast %mul3A_339 : i32 to index
        %get3A_674 = tpu.vector_load %arg12[%get3A_672, %get3A_673] {strides = array<i32>} : memref<512x128xf32, #tpu.memory_space<vmem>>, vector<1x16xf32>,
        %get3A_675 = vector.shape_cast %get3A_674 : vector<1x16xf32> to vector<16xf32>
        %add3A_676 = arith.addf %add3A_652, %get3A_675 : vector<16xf32>
        %get3A_677 = arith.constant 441 : i32
        %get3A_678 = arith.index_cast %get3A_677 : i32 to index
        %get3A_679 = arith.index_cast %mul3A_339 : i32 to index
        %get3A_680 = tpu.vector_load %arg12[%get3A_678, %get3A_679] {strides = array<i32>} : memref<512x128xf32, #tpu.memory_space<vmem>>, vector<1x16xf32>,
        %get3A_681 = vector.shape_cast %get3A_680 : vector<1x16xf32> to vector<16xf32>
        %add3A_682 = arith.addf %add3A_658, %get3A_681 : vector<16xf32>
        %get3A_683 = arith.constant 442 : i32
        %get3A_684 = arith.index_cast %get3A_683 : i32 to index
        %get3A_685 = arith.index_cast %mul3A_339 : i32 to index
        %get3A_686 = tpu.vector_load %arg12[%get3A_684, %get3A_685] {strides = array<i32>} : memref<512x128xf32, #tpu.memory_space<vmem>>, vector<1x16xf32>,
        %get3A_687 = vector.shape_cast %get3A_686 : vector<1x16xf32> to vector<16xf32>
        %add3A_688 = arith.addf %add3A_664, %get3A_687 : vector<16xf32>
        %get3A_689 = arith.constant 443 : i32
        %get3A_690 = arith.index_cast %get3A_689 : i32 to index
        %get3A_691 = arith.index_cast %mul3A_339 : i32 to index
        %get3A_692 = tpu.vector_load %arg12[%get3A_690, %get3A_691] {strides = array<i32>} : memref<512x128xf32, #tpu.memory_space<vmem>>, vector<1x16xf32>,
        %get3A_693 = vector.shape_cast %get3A_692 : vector<1x16xf32> to vector<16xf32>
        %add3A_694 = arith.addf %add3A_670, %get3A_693 : vector<16xf32>
        %get3A_695 = arith.constant 444 : i32
        %get3A_696 = arith.index_cast %get3A_695 : i32 to index
        %get3A_697 = arith.index_cast %mul3A_339 : i32 to index
        %get3A_698 = tpu.vector_load %arg12[%get3A_696, %get3A_697] {strides = array<i32>} : memref<512x128xf32, #tpu.memory_space<vmem>>, vector<1x16xf32>,
        %get3A_699 = vector.shape_cast %get3A_698 : vector<1x16xf32> to vector<16xf32>
        %add3A_700 = arith.addf %add3A_676, %get3A_699 : vector<16xf32>
        %get3A_701 = arith.constant 445 : i32
        %get3A_702 = arith.index_cast %get3A_701 : i32 to index
        %get3A_703 = arith.index_cast %mul3A_339 : i32 to index
        %get3A_704 = tpu.vector_load %arg12[%get3A_702, %get3A_703] {strides = array<i32>} : memref<512x128xf32, #tpu.memory_space<vmem>>, vector<1x16xf32>,
        %get3A_705 = vector.shape_cast %get3A_704 : vector<1x16xf32> to vector<16xf32>
        %add3A_706 = arith.addf %add3A_682, %get3A_705 : vector<16xf32>
        %get3A_707 = arith.constant 446 : i32
        %get3A_708 = arith.index_cast %get3A_707 : i32 to index
        %get3A_709 = arith.index_cast %mul3A_339 : i32 to index
        %get3A_710 = tpu.vector_load %arg12[%get3A_708, %get3A_709] {strides = array<i32>} : memref<512x128xf32, #tpu.memory_space<vmem>>, vector<1x16xf32>,
        %get3A_711 = vector.shape_cast %get3A_710 : vector<1x16xf32> to vector<16xf32>
        %add3A_712 = arith.addf %add3A_688, %get3A_711 : vector<16xf32>
        %get3A_713 = arith.constant 447 : i32
        %get3A_714 = arith.index_cast %get3A_713 : i32 to index
        %get3A_715 = arith.index_cast %mul3A_339 : i32 to index
        %get3A_716 = tpu.vector_load %arg12[%get3A_714, %get3A_715] {strides = array<i32>} : memref<512x128xf32, #tpu.memory_space<vmem>>, vector<1x16xf32>,
        %get3A_717 = vector.shape_cast %get3A_716 : vector<1x16xf32> to vector<16xf32>
        %add3A_718 = arith.addf %add3A_694, %get3A_717 : vector<16xf32>
        %add3A_719 = arith.addf %add3A_700, %add3A_706 : vector<16xf32>
        %add3A_720 = arith.addf %add3A_712, %add3A_718 : vector<16xf32>
        %add3A_721 = arith.addf %add3A_719, %add3A_720 : vector<16xf32>
        %add3A_722 = arith.constant 0 : i32
        %add3A_723 = arith.addi %mul3A_292, %add3A_722 : i32
        %swap3A = arith.index_cast %add3A_723 : i32 to index
        %swap3A_724 = arith.index_cast %mul3A_339 : i32 to index
        %swap3A_725 = tpu.vector_load %arg13[%swap3A, %swap3A_724] {strides = array<i32>} : memref<64x128xf32, #tpu.memory_space<vmem>>, vector<1x16xf32>,
        %swap3A_726 = vector.shape_cast %swap3A_725 : vector<1x16xf32> to vector<16xf32>
        %swap3A_727 = vector.shape_cast %add3A_721 : vector<16xf32> to vector<1x16xf32>
        tpu.vector_store %arg13[%swap3A, %swap3A_724], %swap3A_727 {strides = array<i32>} : memref<64x128xf32, #tpu.memory_space<vmem>>, vector<1x16xf32>,
      }
      %scan3A_297 = arith.constant 8 : i32
      %add3A_298 = arith.constant 8 : i32
      %add3A_299 = arith.addi %add3A_127, %add3A_298 : i32
      %add3A_300 = arith.constant 6 : i32
      %add3A_301 = arith.addi %add3A_299, %add3A_300 : i32
      %lt3A_302 = arith.constant 64 : i32
      %lt3A_303 = arith.cmpi slt, %add3A_301, %lt3A_302 : i32
      %convert_element_type3A_304 = arith.extui %lt3A_303 : i1 to i32
      %cond3A_305 = arith.constant 0 : i32
      %cond3A_306 = arith.cmpi ne, %convert_element_type3A_304, %cond3A_305 : i32
      scf.if %cond3A_306 {
        %add3A_333 = arith.constant 8 : i32
        %add3A_334 = arith.addi %add3A_127, %add3A_333 : i32
        %add3A_335 = arith.constant 6 : i32
        %add3A_336 = arith.addi %add3A_334, %add3A_335 : i32
        %mul3A_337 = arith.constant 64 : i32
        %mul3A_338 = arith.muli %add3A_336, %mul3A_337 : i32
        %dma_start3A_339 = arith.constant 384 : i32
        %dma_start3A_340 = arith.constant 0 : i32
        %dma_start3A_341 = tpu.memref_slice %arg12[%dma_start3A_339, %dma_start3A_340] : memref<512x128xf32, #tpu.memory_space<vmem>> -> memref<64x128xf32, #tpu.memory_space<vmem>>
        %dma_start3A_342 = tpu.memref_slice %arg9[%mul3A_338] : memref<4096xi32, #tpu.memory_space<vmem>> -> memref<64xi32, #tpu.memory_space<vmem>>
        %dma_start3A_343 = arith.constant 0 : i32
        %dma_start3A_344 = arith.constant 0 : i32
        %dma_start3A_345 = tpu.memref_slice %arg2[%dma_start3A_343, %dma_start3A_344] : memref<100000x128xf32, #tpu.memory_space<hbm>> -> memref<100000x128xf32, #tpu.memory_space<hbm>>
        tpu.enqueue_indirect_dma source(%dma_start3A_345 : memref<100000x128xf32, #tpu.memory_space<hbm>>) target(%dma_start3A_341 : memref<64x128xf32, #tpu.memory_space<vmem>>) offsets(%dma_start3A_342 : memref<64xi32, #tpu.memory_space<vmem>>) semaphore(%arg22 : memref<!tpu.dma_semaphore, #tpu.memory_space<semaphore_mem>>)
      } else {
      }
      %dma_wait3A_307 = arith.constant 448 : i32
      %dma_wait3A_308 = arith.constant 0 : i32
      %dma_wait3A_309 = tpu.memref_slice %arg12[%dma_wait3A_307, %dma_wait3A_308] : memref<512x128xf32, #tpu.memory_space<vmem>> -> memref<64x128xf32, #tpu.memory_space<vmem>>
      %dma_wait3A_310 = arith.constant 0 : i32
      %dma_wait3A_311 = tpu.memref_slice %arg9[%dma_wait3A_310] : memref<4096xi32, #tpu.memory_space<vmem>> -> memref<64xi32, #tpu.memory_space<vmem>>
      %dma_wait3A_312 = arith.constant 0 : i32
      %dma_wait3A_313 = arith.constant 0 : i32
      %dma_wait3A_314 = tpu.memref_slice %arg2[%dma_wait3A_312, %dma_wait3A_313] : memref<100000x128xf32, #tpu.memory_space<hbm>> -> memref<100000x128xf32, #tpu.memory_space<hbm>>
      tpu.wait_indirect_dma semaphore(%arg23 : memref<!tpu.dma_semaphore, #tpu.memory_space<semaphore_mem>>) src(%dma_wait3A_314 : memref<100000x128xf32, #tpu.memory_space<hbm>>) dst(%dma_wait3A_309 : memref<64x128xf32, #tpu.memory_space<vmem>>)
      %add3A_315 = arith.constant 7 : i32
      %add3A_316 = arith.addi %add3A_127, %add3A_315 : i32
      %mul3A_317 = arith.constant 1 : i32
      %mul3A_318 = arith.muli %add3A_316, %mul3A_317 : i32
      %scan3A_319 = arith.constant 0 : i32
      %scan3A_320 = arith.constant 8 : i32
      %scan3A_321 = arith.addi %scan3A_319, %scan3A_320 : i32
      %scan3A_322 = arith.constant 1 : i32
      scf.for %scan3A_333 = %scan3A_319 to %scan3A_321 step %scan3A_322  : i32 {
        %mul3A_334 = arith.constant 1 : i32
        %mul3A_335 = arith.muli %scan3A_333, %mul3A_334 : i32
        %add3A_336 = arith.constant 0 : i32
        %add3A_337 = arith.addi %add3A_336, %mul3A_335 : i32
        %mul3A_338 = arith.constant 16 : i32
        %mul3A_339 = arith.muli %add3A_337, %mul3A_338 : i32
        %get3A = arith.constant 448 : i32
        %get3A_340 = arith.index_cast %get3A : i32 to index
        %get3A_341 = arith.index_cast %mul3A_339 : i32 to index
        %get3A_342 = tpu.vector_load %arg12[%get3A_340, %get3A_341] {strides = array<i32>} : memref<512x128xf32, #tpu.memory_space<vmem>>, vector<1x16xf32>,
        %get3A_343 = vector.shape_cast %get3A_342 : vector<1x16xf32> to vector<16xf32>
        %get3A_344 = arith.constant 449 : i32
        %get3A_345 = arith.index_cast %get3A_344 : i32 to index
        %get3A_346 = arith.index_cast %mul3A_339 : i32 to index
        %get3A_347 = tpu.vector_load %arg12[%get3A_345, %get3A_346] {strides = array<i32>} : memref<512x128xf32, #tpu.memory_space<vmem>>, vector<1x16xf32>,
        %get3A_348 = vector.shape_cast %get3A_347 : vector<1x16xf32> to vector<16xf32>
        %get3A_349 = arith.constant 450 : i32
        %get3A_350 = arith.index_cast %get3A_349 : i32 to index
        %get3A_351 = arith.index_cast %mul3A_339 : i32 to index
        %get3A_352 = tpu.vector_load %arg12[%get3A_350, %get3A_351] {strides = array<i32>} : memref<512x128xf32, #tpu.memory_space<vmem>>, vector<1x16xf32>,
        %get3A_353 = vector.shape_cast %get3A_352 : vector<1x16xf32> to vector<16xf32>
        %get3A_354 = arith.constant 451 : i32
        %get3A_355 = arith.index_cast %get3A_354 : i32 to index
        %get3A_356 = arith.index_cast %mul3A_339 : i32 to index
        %get3A_357 = tpu.vector_load %arg12[%get3A_355, %get3A_356] {strides = array<i32>} : memref<512x128xf32, #tpu.memory_space<vmem>>, vector<1x16xf32>,
        %get3A_358 = vector.shape_cast %get3A_357 : vector<1x16xf32> to vector<16xf32>
        %get3A_359 = arith.constant 452 : i32
        %get3A_360 = arith.index_cast %get3A_359 : i32 to index
        %get3A_361 = arith.index_cast %mul3A_339 : i32 to index
        %get3A_362 = tpu.vector_load %arg12[%get3A_360, %get3A_361] {strides = array<i32>} : memref<512x128xf32, #tpu.memory_space<vmem>>, vector<1x16xf32>,
        %get3A_363 = vector.shape_cast %get3A_362 : vector<1x16xf32> to vector<16xf32>
        %add3A_364 = arith.addf %get3A_343, %get3A_363 : vector<16xf32>
        %get3A_365 = arith.constant 453 : i32
        %get3A_366 = arith.index_cast %get3A_365 : i32 to index
        %get3A_367 = arith.index_cast %mul3A_339 : i32 to index
        %get3A_368 = tpu.vector_load %arg12[%get3A_366, %get3A_367] {strides = array<i32>} : memref<512x128xf32, #tpu.memory_space<vmem>>, vector<1x16xf32>,
        %get3A_369 = vector.shape_cast %get3A_368 : vector<1x16xf32> to vector<16xf32>
        %add3A_370 = arith.addf %get3A_348, %get3A_369 : vector<16xf32>
        %get3A_371 = arith.constant 454 : i32
        %get3A_372 = arith.index_cast %get3A_371 : i32 to index
        %get3A_373 = arith.index_cast %mul3A_339 : i32 to index
        %get3A_374 = tpu.vector_load %arg12[%get3A_372, %get3A_373] {strides = array<i32>} : memref<512x128xf32, #tpu.memory_space<vmem>>, vector<1x16xf32>,
        %get3A_375 = vector.shape_cast %get3A_374 : vector<1x16xf32> to vector<16xf32>
        %add3A_376 = arith.addf %get3A_353, %get3A_375 : vector<16xf32>
        %get3A_377 = arith.constant 455 : i32
        %get3A_378 = arith.index_cast %get3A_377 : i32 to index
        %get3A_379 = arith.index_cast %mul3A_339 : i32 to index
        %get3A_380 = tpu.vector_load %arg12[%get3A_378, %get3A_379] {strides = array<i32>} : memref<512x128xf32, #tpu.memory_space<vmem>>, vector<1x16xf32>,
        %get3A_381 = vector.shape_cast %get3A_380 : vector<1x16xf32> to vector<16xf32>
        %add3A_382 = arith.addf %get3A_358, %get3A_381 : vector<16xf32>
        %get3A_383 = arith.constant 456 : i32
        %get3A_384 = arith.index_cast %get3A_383 : i32 to index
        %get3A_385 = arith.index_cast %mul3A_339 : i32 to index
        %get3A_386 = tpu.vector_load %arg12[%get3A_384, %get3A_385] {strides = array<i32>} : memref<512x128xf32, #tpu.memory_space<vmem>>, vector<1x16xf32>,
        %get3A_387 = vector.shape_cast %get3A_386 : vector<1x16xf32> to vector<16xf32>
        %add3A_388 = arith.addf %add3A_364, %get3A_387 : vector<16xf32>
        %get3A_389 = arith.constant 457 : i32
        %get3A_390 = arith.index_cast %get3A_389 : i32 to index
        %get3A_391 = arith.index_cast %mul3A_339 : i32 to index
        %get3A_392 = tpu.vector_load %arg12[%get3A_390, %get3A_391] {strides = array<i32>} : memref<512x128xf32, #tpu.memory_space<vmem>>, vector<1x16xf32>,
        %get3A_393 = vector.shape_cast %get3A_392 : vector<1x16xf32> to vector<16xf32>
        %add3A_394 = arith.addf %add3A_370, %get3A_393 : vector<16xf32>
        %get3A_395 = arith.constant 458 : i32
        %get3A_396 = arith.index_cast %get3A_395 : i32 to index
        %get3A_397 = arith.index_cast %mul3A_339 : i32 to index
        %get3A_398 = tpu.vector_load %arg12[%get3A_396, %get3A_397] {strides = array<i32>} : memref<512x128xf32, #tpu.memory_space<vmem>>, vector<1x16xf32>,
        %get3A_399 = vector.shape_cast %get3A_398 : vector<1x16xf32> to vector<16xf32>
        %add3A_400 = arith.addf %add3A_376, %get3A_399 : vector<16xf32>
        %get3A_401 = arith.constant 459 : i32
        %get3A_402 = arith.index_cast %get3A_401 : i32 to index
        %get3A_403 = arith.index_cast %mul3A_339 : i32 to index
        %get3A_404 = tpu.vector_load %arg12[%get3A_402, %get3A_403] {strides = array<i32>} : memref<512x128xf32, #tpu.memory_space<vmem>>, vector<1x16xf32>,
        %get3A_405 = vector.shape_cast %get3A_404 : vector<1x16xf32> to vector<16xf32>
        %add3A_406 = arith.addf %add3A_382, %get3A_405 : vector<16xf32>
        %get3A_407 = arith.constant 460 : i32
        %get3A_408 = arith.index_cast %get3A_407 : i32 to index
        %get3A_409 = arith.index_cast %mul3A_339 : i32 to index
        %get3A_410 = tpu.vector_load %arg12[%get3A_408, %get3A_409] {strides = array<i32>} : memref<512x128xf32, #tpu.memory_space<vmem>>, vector<1x16xf32>,
        %get3A_411 = vector.shape_cast %get3A_410 : vector<1x16xf32> to vector<16xf32>
        %add3A_412 = arith.addf %add3A_388, %get3A_411 : vector<16xf32>
        %get3A_413 = arith.constant 461 : i32
        %get3A_414 = arith.index_cast %get3A_413 : i32 to index
        %get3A_415 = arith.index_cast %mul3A_339 : i32 to index
        %get3A_416 = tpu.vector_load %arg12[%get3A_414, %get3A_415] {strides = array<i32>} : memref<512x128xf32, #tpu.memory_space<vmem>>, vector<1x16xf32>,
        %get3A_417 = vector.shape_cast %get3A_416 : vector<1x16xf32> to vector<16xf32>
        %add3A_418 = arith.addf %add3A_394, %get3A_417 : vector<16xf32>
        %get3A_419 = arith.constant 462 : i32
        %get3A_420 = arith.index_cast %get3A_419 : i32 to index
        %get3A_421 = arith.index_cast %mul3A_339 : i32 to index
        %get3A_422 = tpu.vector_load %arg12[%get3A_420, %get3A_421] {strides = array<i32>} : memref<512x128xf32, #tpu.memory_space<vmem>>, vector<1x16xf32>,
        %get3A_423 = vector.shape_cast %get3A_422 : vector<1x16xf32> to vector<16xf32>
        %add3A_424 = arith.addf %add3A_400, %get3A_423 : vector<16xf32>
        %get3A_425 = arith.constant 463 : i32
        %get3A_426 = arith.index_cast %get3A_425 : i32 to index
        %get3A_427 = arith.index_cast %mul3A_339 : i32 to index
        %get3A_428 = tpu.vector_load %arg12[%get3A_426, %get3A_427] {strides = array<i32>} : memref<512x128xf32, #tpu.memory_space<vmem>>, vector<1x16xf32>,
        %get3A_429 = vector.shape_cast %get3A_428 : vector<1x16xf32> to vector<16xf32>
        %add3A_430 = arith.addf %add3A_406, %get3A_429 : vector<16xf32>
        %get3A_431 = arith.constant 464 : i32
        %get3A_432 = arith.index_cast %get3A_431 : i32 to index
        %get3A_433 = arith.index_cast %mul3A_339 : i32 to index
        %get3A_434 = tpu.vector_load %arg12[%get3A_432, %get3A_433] {strides = array<i32>} : memref<512x128xf32, #tpu.memory_space<vmem>>, vector<1x16xf32>,
        %get3A_435 = vector.shape_cast %get3A_434 : vector<1x16xf32> to vector<16xf32>
        %add3A_436 = arith.addf %add3A_412, %get3A_435 : vector<16xf32>
        %get3A_437 = arith.constant 465 : i32
        %get3A_438 = arith.index_cast %get3A_437 : i32 to index
        %get3A_439 = arith.index_cast %mul3A_339 : i32 to index
        %get3A_440 = tpu.vector_load %arg12[%get3A_438, %get3A_439] {strides = array<i32>} : memref<512x128xf32, #tpu.memory_space<vmem>>, vector<1x16xf32>,
        %get3A_441 = vector.shape_cast %get3A_440 : vector<1x16xf32> to vector<16xf32>
        %add3A_442 = arith.addf %add3A_418, %get3A_441 : vector<16xf32>
        %get3A_443 = arith.constant 466 : i32
        %get3A_444 = arith.index_cast %get3A_443 : i32 to index
        %get3A_445 = arith.index_cast %mul3A_339 : i32 to index
        %get3A_446 = tpu.vector_load %arg12[%get3A_444, %get3A_445] {strides = array<i32>} : memref<512x128xf32, #tpu.memory_space<vmem>>, vector<1x16xf32>,
        %get3A_447 = vector.shape_cast %get3A_446 : vector<1x16xf32> to vector<16xf32>
        %add3A_448 = arith.addf %add3A_424, %get3A_447 : vector<16xf32>
        %get3A_449 = arith.constant 467 : i32
        %get3A_450 = arith.index_cast %get3A_449 : i32 to index
        %get3A_451 = arith.index_cast %mul3A_339 : i32 to index
        %get3A_452 = tpu.vector_load %arg12[%get3A_450, %get3A_451] {strides = array<i32>} : memref<512x128xf32, #tpu.memory_space<vmem>>, vector<1x16xf32>,
        %get3A_453 = vector.shape_cast %get3A_452 : vector<1x16xf32> to vector<16xf32>
        %add3A_454 = arith.addf %add3A_430, %get3A_453 : vector<16xf32>
        %get3A_455 = arith.constant 468 : i32
        %get3A_456 = arith.index_cast %get3A_455 : i32 to index
        %get3A_457 = arith.index_cast %mul3A_339 : i32 to index
        %get3A_458 = tpu.vector_load %arg12[%get3A_456, %get3A_457] {strides = array<i32>} : memref<512x128xf32, #tpu.memory_space<vmem>>, vector<1x16xf32>,
        %get3A_459 = vector.shape_cast %get3A_458 : vector<1x16xf32> to vector<16xf32>
        %add3A_460 = arith.addf %add3A_436, %get3A_459 : vector<16xf32>
        %get3A_461 = arith.constant 469 : i32
        %get3A_462 = arith.index_cast %get3A_461 : i32 to index
        %get3A_463 = arith.index_cast %mul3A_339 : i32 to index
        %get3A_464 = tpu.vector_load %arg12[%get3A_462, %get3A_463] {strides = array<i32>} : memref<512x128xf32, #tpu.memory_space<vmem>>, vector<1x16xf32>,
        %get3A_465 = vector.shape_cast %get3A_464 : vector<1x16xf32> to vector<16xf32>
        %add3A_466 = arith.addf %add3A_442, %get3A_465 : vector<16xf32>
        %get3A_467 = arith.constant 470 : i32
        %get3A_468 = arith.index_cast %get3A_467 : i32 to index
        %get3A_469 = arith.index_cast %mul3A_339 : i32 to index
        %get3A_470 = tpu.vector_load %arg12[%get3A_468, %get3A_469] {strides = array<i32>} : memref<512x128xf32, #tpu.memory_space<vmem>>, vector<1x16xf32>,
        %get3A_471 = vector.shape_cast %get3A_470 : vector<1x16xf32> to vector<16xf32>
        %add3A_472 = arith.addf %add3A_448, %get3A_471 : vector<16xf32>
        %get3A_473 = arith.constant 471 : i32
        %get3A_474 = arith.index_cast %get3A_473 : i32 to index
        %get3A_475 = arith.index_cast %mul3A_339 : i32 to index
        %get3A_476 = tpu.vector_load %arg12[%get3A_474, %get3A_475] {strides = array<i32>} : memref<512x128xf32, #tpu.memory_space<vmem>>, vector<1x16xf32>,
        %get3A_477 = vector.shape_cast %get3A_476 : vector<1x16xf32> to vector<16xf32>
        %add3A_478 = arith.addf %add3A_454, %get3A_477 : vector<16xf32>
        %get3A_479 = arith.constant 472 : i32
        %get3A_480 = arith.index_cast %get3A_479 : i32 to index
        %get3A_481 = arith.index_cast %mul3A_339 : i32 to index
        %get3A_482 = tpu.vector_load %arg12[%get3A_480, %get3A_481] {strides = array<i32>} : memref<512x128xf32, #tpu.memory_space<vmem>>, vector<1x16xf32>,
        %get3A_483 = vector.shape_cast %get3A_482 : vector<1x16xf32> to vector<16xf32>
        %add3A_484 = arith.addf %add3A_460, %get3A_483 : vector<16xf32>
        %get3A_485 = arith.constant 473 : i32
        %get3A_486 = arith.index_cast %get3A_485 : i32 to index
        %get3A_487 = arith.index_cast %mul3A_339 : i32 to index
        %get3A_488 = tpu.vector_load %arg12[%get3A_486, %get3A_487] {strides = array<i32>} : memref<512x128xf32, #tpu.memory_space<vmem>>, vector<1x16xf32>,
        %get3A_489 = vector.shape_cast %get3A_488 : vector<1x16xf32> to vector<16xf32>
        %add3A_490 = arith.addf %add3A_466, %get3A_489 : vector<16xf32>
        %get3A_491 = arith.constant 474 : i32
        %get3A_492 = arith.index_cast %get3A_491 : i32 to index
        %get3A_493 = arith.index_cast %mul3A_339 : i32 to index
        %get3A_494 = tpu.vector_load %arg12[%get3A_492, %get3A_493] {strides = array<i32>} : memref<512x128xf32, #tpu.memory_space<vmem>>, vector<1x16xf32>,
        %get3A_495 = vector.shape_cast %get3A_494 : vector<1x16xf32> to vector<16xf32>
        %add3A_496 = arith.addf %add3A_472, %get3A_495 : vector<16xf32>
        %get3A_497 = arith.constant 475 : i32
        %get3A_498 = arith.index_cast %get3A_497 : i32 to index
        %get3A_499 = arith.index_cast %mul3A_339 : i32 to index
        %get3A_500 = tpu.vector_load %arg12[%get3A_498, %get3A_499] {strides = array<i32>} : memref<512x128xf32, #tpu.memory_space<vmem>>, vector<1x16xf32>,
        %get3A_501 = vector.shape_cast %get3A_500 : vector<1x16xf32> to vector<16xf32>
        %add3A_502 = arith.addf %add3A_478, %get3A_501 : vector<16xf32>
        %get3A_503 = arith.constant 476 : i32
        %get3A_504 = arith.index_cast %get3A_503 : i32 to index
        %get3A_505 = arith.index_cast %mul3A_339 : i32 to index
        %get3A_506 = tpu.vector_load %arg12[%get3A_504, %get3A_505] {strides = array<i32>} : memref<512x128xf32, #tpu.memory_space<vmem>>, vector<1x16xf32>,
        %get3A_507 = vector.shape_cast %get3A_506 : vector<1x16xf32> to vector<16xf32>
        %add3A_508 = arith.addf %add3A_484, %get3A_507 : vector<16xf32>
        %get3A_509 = arith.constant 477 : i32
        %get3A_510 = arith.index_cast %get3A_509 : i32 to index
        %get3A_511 = arith.index_cast %mul3A_339 : i32 to index
        %get3A_512 = tpu.vector_load %arg12[%get3A_510, %get3A_511] {strides = array<i32>} : memref<512x128xf32, #tpu.memory_space<vmem>>, vector<1x16xf32>,
        %get3A_513 = vector.shape_cast %get3A_512 : vector<1x16xf32> to vector<16xf32>
        %add3A_514 = arith.addf %add3A_490, %get3A_513 : vector<16xf32>
        %get3A_515 = arith.constant 478 : i32
        %get3A_516 = arith.index_cast %get3A_515 : i32 to index
        %get3A_517 = arith.index_cast %mul3A_339 : i32 to index
        %get3A_518 = tpu.vector_load %arg12[%get3A_516, %get3A_517] {strides = array<i32>} : memref<512x128xf32, #tpu.memory_space<vmem>>, vector<1x16xf32>,
        %get3A_519 = vector.shape_cast %get3A_518 : vector<1x16xf32> to vector<16xf32>
        %add3A_520 = arith.addf %add3A_496, %get3A_519 : vector<16xf32>
        %get3A_521 = arith.constant 479 : i32
        %get3A_522 = arith.index_cast %get3A_521 : i32 to index
        %get3A_523 = arith.index_cast %mul3A_339 : i32 to index
        %get3A_524 = tpu.vector_load %arg12[%get3A_522, %get3A_523] {strides = array<i32>} : memref<512x128xf32, #tpu.memory_space<vmem>>, vector<1x16xf32>,
        %get3A_525 = vector.shape_cast %get3A_524 : vector<1x16xf32> to vector<16xf32>
        %add3A_526 = arith.addf %add3A_502, %get3A_525 : vector<16xf32>
        %get3A_527 = arith.constant 480 : i32
        %get3A_528 = arith.index_cast %get3A_527 : i32 to index
        %get3A_529 = arith.index_cast %mul3A_339 : i32 to index
        %get3A_530 = tpu.vector_load %arg12[%get3A_528, %get3A_529] {strides = array<i32>} : memref<512x128xf32, #tpu.memory_space<vmem>>, vector<1x16xf32>,
        %get3A_531 = vector.shape_cast %get3A_530 : vector<1x16xf32> to vector<16xf32>
        %add3A_532 = arith.addf %add3A_508, %get3A_531 : vector<16xf32>
        %get3A_533 = arith.constant 481 : i32
        %get3A_534 = arith.index_cast %get3A_533 : i32 to index
        %get3A_535 = arith.index_cast %mul3A_339 : i32 to index
        %get3A_536 = tpu.vector_load %arg12[%get3A_534, %get3A_535] {strides = array<i32>} : memref<512x128xf32, #tpu.memory_space<vmem>>, vector<1x16xf32>,
        %get3A_537 = vector.shape_cast %get3A_536 : vector<1x16xf32> to vector<16xf32>
        %add3A_538 = arith.addf %add3A_514, %get3A_537 : vector<16xf32>
        %get3A_539 = arith.constant 482 : i32
        %get3A_540 = arith.index_cast %get3A_539 : i32 to index
        %get3A_541 = arith.index_cast %mul3A_339 : i32 to index
        %get3A_542 = tpu.vector_load %arg12[%get3A_540, %get3A_541] {strides = array<i32>} : memref<512x128xf32, #tpu.memory_space<vmem>>, vector<1x16xf32>,
        %get3A_543 = vector.shape_cast %get3A_542 : vector<1x16xf32> to vector<16xf32>
        %add3A_544 = arith.addf %add3A_520, %get3A_543 : vector<16xf32>
        %get3A_545 = arith.constant 483 : i32
        %get3A_546 = arith.index_cast %get3A_545 : i32 to index
        %get3A_547 = arith.index_cast %mul3A_339 : i32 to index
        %get3A_548 = tpu.vector_load %arg12[%get3A_546, %get3A_547] {strides = array<i32>} : memref<512x128xf32, #tpu.memory_space<vmem>>, vector<1x16xf32>,
        %get3A_549 = vector.shape_cast %get3A_548 : vector<1x16xf32> to vector<16xf32>
        %add3A_550 = arith.addf %add3A_526, %get3A_549 : vector<16xf32>
        %get3A_551 = arith.constant 484 : i32
        %get3A_552 = arith.index_cast %get3A_551 : i32 to index
        %get3A_553 = arith.index_cast %mul3A_339 : i32 to index
        %get3A_554 = tpu.vector_load %arg12[%get3A_552, %get3A_553] {strides = array<i32>} : memref<512x128xf32, #tpu.memory_space<vmem>>, vector<1x16xf32>,
        %get3A_555 = vector.shape_cast %get3A_554 : vector<1x16xf32> to vector<16xf32>
        %add3A_556 = arith.addf %add3A_532, %get3A_555 : vector<16xf32>
        %get3A_557 = arith.constant 485 : i32
        %get3A_558 = arith.index_cast %get3A_557 : i32 to index
        %get3A_559 = arith.index_cast %mul3A_339 : i32 to index
        %get3A_560 = tpu.vector_load %arg12[%get3A_558, %get3A_559] {strides = array<i32>} : memref<512x128xf32, #tpu.memory_space<vmem>>, vector<1x16xf32>,
        %get3A_561 = vector.shape_cast %get3A_560 : vector<1x16xf32> to vector<16xf32>
        %add3A_562 = arith.addf %add3A_538, %get3A_561 : vector<16xf32>
        %get3A_563 = arith.constant 486 : i32
        %get3A_564 = arith.index_cast %get3A_563 : i32 to index
        %get3A_565 = arith.index_cast %mul3A_339 : i32 to index
        %get3A_566 = tpu.vector_load %arg12[%get3A_564, %get3A_565] {strides = array<i32>} : memref<512x128xf32, #tpu.memory_space<vmem>>, vector<1x16xf32>,
        %get3A_567 = vector.shape_cast %get3A_566 : vector<1x16xf32> to vector<16xf32>
        %add3A_568 = arith.addf %add3A_544, %get3A_567 : vector<16xf32>
        %get3A_569 = arith.constant 487 : i32
        %get3A_570 = arith.index_cast %get3A_569 : i32 to index
        %get3A_571 = arith.index_cast %mul3A_339 : i32 to index
        %get3A_572 = tpu.vector_load %arg12[%get3A_570, %get3A_571] {strides = array<i32>} : memref<512x128xf32, #tpu.memory_space<vmem>>, vector<1x16xf32>,
        %get3A_573 = vector.shape_cast %get3A_572 : vector<1x16xf32> to vector<16xf32>
        %add3A_574 = arith.addf %add3A_550, %get3A_573 : vector<16xf32>
        %get3A_575 = arith.constant 488 : i32
        %get3A_576 = arith.index_cast %get3A_575 : i32 to index
        %get3A_577 = arith.index_cast %mul3A_339 : i32 to index
        %get3A_578 = tpu.vector_load %arg12[%get3A_576, %get3A_577] {strides = array<i32>} : memref<512x128xf32, #tpu.memory_space<vmem>>, vector<1x16xf32>,
        %get3A_579 = vector.shape_cast %get3A_578 : vector<1x16xf32> to vector<16xf32>
        %add3A_580 = arith.addf %add3A_556, %get3A_579 : vector<16xf32>
        %get3A_581 = arith.constant 489 : i32
        %get3A_582 = arith.index_cast %get3A_581 : i32 to index
        %get3A_583 = arith.index_cast %mul3A_339 : i32 to index
        %get3A_584 = tpu.vector_load %arg12[%get3A_582, %get3A_583] {strides = array<i32>} : memref<512x128xf32, #tpu.memory_space<vmem>>, vector<1x16xf32>,
        %get3A_585 = vector.shape_cast %get3A_584 : vector<1x16xf32> to vector<16xf32>
        %add3A_586 = arith.addf %add3A_562, %get3A_585 : vector<16xf32>
        %get3A_587 = arith.constant 490 : i32
        %get3A_588 = arith.index_cast %get3A_587 : i32 to index
        %get3A_589 = arith.index_cast %mul3A_339 : i32 to index
        %get3A_590 = tpu.vector_load %arg12[%get3A_588, %get3A_589] {strides = array<i32>} : memref<512x128xf32, #tpu.memory_space<vmem>>, vector<1x16xf32>,
        %get3A_591 = vector.shape_cast %get3A_590 : vector<1x16xf32> to vector<16xf32>
        %add3A_592 = arith.addf %add3A_568, %get3A_591 : vector<16xf32>
        %get3A_593 = arith.constant 491 : i32
        %get3A_594 = arith.index_cast %get3A_593 : i32 to index
        %get3A_595 = arith.index_cast %mul3A_339 : i32 to index
        %get3A_596 = tpu.vector_load %arg12[%get3A_594, %get3A_595] {strides = array<i32>} : memref<512x128xf32, #tpu.memory_space<vmem>>, vector<1x16xf32>,
        %get3A_597 = vector.shape_cast %get3A_596 : vector<1x16xf32> to vector<16xf32>
        %add3A_598 = arith.addf %add3A_574, %get3A_597 : vector<16xf32>
        %get3A_599 = arith.constant 492 : i32
        %get3A_600 = arith.index_cast %get3A_599 : i32 to index
        %get3A_601 = arith.index_cast %mul3A_339 : i32 to index
        %get3A_602 = tpu.vector_load %arg12[%get3A_600, %get3A_601] {strides = array<i32>} : memref<512x128xf32, #tpu.memory_space<vmem>>, vector<1x16xf32>,
        %get3A_603 = vector.shape_cast %get3A_602 : vector<1x16xf32> to vector<16xf32>
        %add3A_604 = arith.addf %add3A_580, %get3A_603 : vector<16xf32>
        %get3A_605 = arith.constant 493 : i32
        %get3A_606 = arith.index_cast %get3A_605 : i32 to index
        %get3A_607 = arith.index_cast %mul3A_339 : i32 to index
        %get3A_608 = tpu.vector_load %arg12[%get3A_606, %get3A_607] {strides = array<i32>} : memref<512x128xf32, #tpu.memory_space<vmem>>, vector<1x16xf32>,
        %get3A_609 = vector.shape_cast %get3A_608 : vector<1x16xf32> to vector<16xf32>
        %add3A_610 = arith.addf %add3A_586, %get3A_609 : vector<16xf32>
        %get3A_611 = arith.constant 494 : i32
        %get3A_612 = arith.index_cast %get3A_611 : i32 to index
        %get3A_613 = arith.index_cast %mul3A_339 : i32 to index
        %get3A_614 = tpu.vector_load %arg12[%get3A_612, %get3A_613] {strides = array<i32>} : memref<512x128xf32, #tpu.memory_space<vmem>>, vector<1x16xf32>,
        %get3A_615 = vector.shape_cast %get3A_614 : vector<1x16xf32> to vector<16xf32>
        %add3A_616 = arith.addf %add3A_592, %get3A_615 : vector<16xf32>
        %get3A_617 = arith.constant 495 : i32
        %get3A_618 = arith.index_cast %get3A_617 : i32 to index
        %get3A_619 = arith.index_cast %mul3A_339 : i32 to index
        %get3A_620 = tpu.vector_load %arg12[%get3A_618, %get3A_619] {strides = array<i32>} : memref<512x128xf32, #tpu.memory_space<vmem>>, vector<1x16xf32>,
        %get3A_621 = vector.shape_cast %get3A_620 : vector<1x16xf32> to vector<16xf32>
        %add3A_622 = arith.addf %add3A_598, %get3A_621 : vector<16xf32>
        %get3A_623 = arith.constant 496 : i32
        %get3A_624 = arith.index_cast %get3A_623 : i32 to index
        %get3A_625 = arith.index_cast %mul3A_339 : i32 to index
        %get3A_626 = tpu.vector_load %arg12[%get3A_624, %get3A_625] {strides = array<i32>} : memref<512x128xf32, #tpu.memory_space<vmem>>, vector<1x16xf32>,
        %get3A_627 = vector.shape_cast %get3A_626 : vector<1x16xf32> to vector<16xf32>
        %add3A_628 = arith.addf %add3A_604, %get3A_627 : vector<16xf32>
        %get3A_629 = arith.constant 497 : i32
        %get3A_630 = arith.index_cast %get3A_629 : i32 to index
        %get3A_631 = arith.index_cast %mul3A_339 : i32 to index
        %get3A_632 = tpu.vector_load %arg12[%get3A_630, %get3A_631] {strides = array<i32>} : memref<512x128xf32, #tpu.memory_space<vmem>>, vector<1x16xf32>,
        %get3A_633 = vector.shape_cast %get3A_632 : vector<1x16xf32> to vector<16xf32>
        %add3A_634 = arith.addf %add3A_610, %get3A_633 : vector<16xf32>
        %get3A_635 = arith.constant 498 : i32
        %get3A_636 = arith.index_cast %get3A_635 : i32 to index
        %get3A_637 = arith.index_cast %mul3A_339 : i32 to index
        %get3A_638 = tpu.vector_load %arg12[%get3A_636, %get3A_637] {strides = array<i32>} : memref<512x128xf32, #tpu.memory_space<vmem>>, vector<1x16xf32>,
        %get3A_639 = vector.shape_cast %get3A_638 : vector<1x16xf32> to vector<16xf32>
        %add3A_640 = arith.addf %add3A_616, %get3A_639 : vector<16xf32>
        %get3A_641 = arith.constant 499 : i32
        %get3A_642 = arith.index_cast %get3A_641 : i32 to index
        %get3A_643 = arith.index_cast %mul3A_339 : i32 to index
        %get3A_644 = tpu.vector_load %arg12[%get3A_642, %get3A_643] {strides = array<i32>} : memref<512x128xf32, #tpu.memory_space<vmem>>, vector<1x16xf32>,
        %get3A_645 = vector.shape_cast %get3A_644 : vector<1x16xf32> to vector<16xf32>
        %add3A_646 = arith.addf %add3A_622, %get3A_645 : vector<16xf32>
        %get3A_647 = arith.constant 500 : i32
        %get3A_648 = arith.index_cast %get3A_647 : i32 to index
        %get3A_649 = arith.index_cast %mul3A_339 : i32 to index
        %get3A_650 = tpu.vector_load %arg12[%get3A_648, %get3A_649] {strides = array<i32>} : memref<512x128xf32, #tpu.memory_space<vmem>>, vector<1x16xf32>,
        %get3A_651 = vector.shape_cast %get3A_650 : vector<1x16xf32> to vector<16xf32>
        %add3A_652 = arith.addf %add3A_628, %get3A_651 : vector<16xf32>
        %get3A_653 = arith.constant 501 : i32
        %get3A_654 = arith.index_cast %get3A_653 : i32 to index
        %get3A_655 = arith.index_cast %mul3A_339 : i32 to index
        %get3A_656 = tpu.vector_load %arg12[%get3A_654, %get3A_655] {strides = array<i32>} : memref<512x128xf32, #tpu.memory_space<vmem>>, vector<1x16xf32>,
        %get3A_657 = vector.shape_cast %get3A_656 : vector<1x16xf32> to vector<16xf32>
        %add3A_658 = arith.addf %add3A_634, %get3A_657 : vector<16xf32>
        %get3A_659 = arith.constant 502 : i32
        %get3A_660 = arith.index_cast %get3A_659 : i32 to index
        %get3A_661 = arith.index_cast %mul3A_339 : i32 to index
        %get3A_662 = tpu.vector_load %arg12[%get3A_660, %get3A_661] {strides = array<i32>} : memref<512x128xf32, #tpu.memory_space<vmem>>, vector<1x16xf32>,
        %get3A_663 = vector.shape_cast %get3A_662 : vector<1x16xf32> to vector<16xf32>
        %add3A_664 = arith.addf %add3A_640, %get3A_663 : vector<16xf32>
        %get3A_665 = arith.constant 503 : i32
        %get3A_666 = arith.index_cast %get3A_665 : i32 to index
        %get3A_667 = arith.index_cast %mul3A_339 : i32 to index
        %get3A_668 = tpu.vector_load %arg12[%get3A_666, %get3A_667] {strides = array<i32>} : memref<512x128xf32, #tpu.memory_space<vmem>>, vector<1x16xf32>,
        %get3A_669 = vector.shape_cast %get3A_668 : vector<1x16xf32> to vector<16xf32>
        %add3A_670 = arith.addf %add3A_646, %get3A_669 : vector<16xf32>
        %get3A_671 = arith.constant 504 : i32
        %get3A_672 = arith.index_cast %get3A_671 : i32 to index
        %get3A_673 = arith.index_cast %mul3A_339 : i32 to index
        %get3A_674 = tpu.vector_load %arg12[%get3A_672, %get3A_673] {strides = array<i32>} : memref<512x128xf32, #tpu.memory_space<vmem>>, vector<1x16xf32>,
        %get3A_675 = vector.shape_cast %get3A_674 : vector<1x16xf32> to vector<16xf32>
        %add3A_676 = arith.addf %add3A_652, %get3A_675 : vector<16xf32>
        %get3A_677 = arith.constant 505 : i32
        %get3A_678 = arith.index_cast %get3A_677 : i32 to index
        %get3A_679 = arith.index_cast %mul3A_339 : i32 to index
        %get3A_680 = tpu.vector_load %arg12[%get3A_678, %get3A_679] {strides = array<i32>} : memref<512x128xf32, #tpu.memory_space<vmem>>, vector<1x16xf32>,
        %get3A_681 = vector.shape_cast %get3A_680 : vector<1x16xf32> to vector<16xf32>
        %add3A_682 = arith.addf %add3A_658, %get3A_681 : vector<16xf32>
        %get3A_683 = arith.constant 506 : i32
        %get3A_684 = arith.index_cast %get3A_683 : i32 to index
        %get3A_685 = arith.index_cast %mul3A_339 : i32 to index
        %get3A_686 = tpu.vector_load %arg12[%get3A_684, %get3A_685] {strides = array<i32>} : memref<512x128xf32, #tpu.memory_space<vmem>>, vector<1x16xf32>,
        %get3A_687 = vector.shape_cast %get3A_686 : vector<1x16xf32> to vector<16xf32>
        %add3A_688 = arith.addf %add3A_664, %get3A_687 : vector<16xf32>
        %get3A_689 = arith.constant 507 : i32
        %get3A_690 = arith.index_cast %get3A_689 : i32 to index
        %get3A_691 = arith.index_cast %mul3A_339 : i32 to index
        %get3A_692 = tpu.vector_load %arg12[%get3A_690, %get3A_691] {strides = array<i32>} : memref<512x128xf32, #tpu.memory_space<vmem>>, vector<1x16xf32>,
        %get3A_693 = vector.shape_cast %get3A_692 : vector<1x16xf32> to vector<16xf32>
        %add3A_694 = arith.addf %add3A_670, %get3A_693 : vector<16xf32>
        %get3A_695 = arith.constant 508 : i32
        %get3A_696 = arith.index_cast %get3A_695 : i32 to index
        %get3A_697 = arith.index_cast %mul3A_339 : i32 to index
        %get3A_698 = tpu.vector_load %arg12[%get3A_696, %get3A_697] {strides = array<i32>} : memref<512x128xf32, #tpu.memory_space<vmem>>, vector<1x16xf32>,
        %get3A_699 = vector.shape_cast %get3A_698 : vector<1x16xf32> to vector<16xf32>
        %add3A_700 = arith.addf %add3A_676, %get3A_699 : vector<16xf32>
        %get3A_701 = arith.constant 509 : i32
        %get3A_702 = arith.index_cast %get3A_701 : i32 to index
        %get3A_703 = arith.index_cast %mul3A_339 : i32 to index
        %get3A_704 = tpu.vector_load %arg12[%get3A_702, %get3A_703] {strides = array<i32>} : memref<512x128xf32, #tpu.memory_space<vmem>>, vector<1x16xf32>,
        %get3A_705 = vector.shape_cast %get3A_704 : vector<1x16xf32> to vector<16xf32>
        %add3A_706 = arith.addf %add3A_682, %get3A_705 : vector<16xf32>
        %get3A_707 = arith.constant 510 : i32
        %get3A_708 = arith.index_cast %get3A_707 : i32 to index
        %get3A_709 = arith.index_cast %mul3A_339 : i32 to index
        %get3A_710 = tpu.vector_load %arg12[%get3A_708, %get3A_709] {strides = array<i32>} : memref<512x128xf32, #tpu.memory_space<vmem>>, vector<1x16xf32>,
        %get3A_711 = vector.shape_cast %get3A_710 : vector<1x16xf32> to vector<16xf32>
        %add3A_712 = arith.addf %add3A_688, %get3A_711 : vector<16xf32>
        %get3A_713 = arith.constant 511 : i32
        %get3A_714 = arith.index_cast %get3A_713 : i32 to index
        %get3A_715 = arith.index_cast %mul3A_339 : i32 to index
        %get3A_716 = tpu.vector_load %arg12[%get3A_714, %get3A_715] {strides = array<i32>} : memref<512x128xf32, #tpu.memory_space<vmem>>, vector<1x16xf32>,
        %get3A_717 = vector.shape_cast %get3A_716 : vector<1x16xf32> to vector<16xf32>
        %add3A_718 = arith.addf %add3A_694, %get3A_717 : vector<16xf32>
        %add3A_719 = arith.addf %add3A_700, %add3A_706 : vector<16xf32>
        %add3A_720 = arith.addf %add3A_712, %add3A_718 : vector<16xf32>
        %add3A_721 = arith.addf %add3A_719, %add3A_720 : vector<16xf32>
        %add3A_722 = arith.constant 0 : i32
        %add3A_723 = arith.addi %mul3A_318, %add3A_722 : i32
        %swap3A = arith.index_cast %add3A_723 : i32 to index
        %swap3A_724 = arith.index_cast %mul3A_339 : i32 to index
        %swap3A_725 = tpu.vector_load %arg13[%swap3A, %swap3A_724] {strides = array<i32>} : memref<64x128xf32, #tpu.memory_space<vmem>>, vector<1x16xf32>,
        %swap3A_726 = vector.shape_cast %swap3A_725 : vector<1x16xf32> to vector<16xf32>
        %swap3A_727 = vector.shape_cast %add3A_721 : vector<16xf32> to vector<1x16xf32>
        tpu.vector_store %arg13[%swap3A, %swap3A_724], %swap3A_727 {strides = array<i32>} : memref<64x128xf32, #tpu.memory_space<vmem>>, vector<1x16xf32>,
      }
      %scan3A_323 = arith.constant 8 : i32
      %add3A_324 = arith.constant 8 : i32
      %add3A_325 = arith.addi %add3A_127, %add3A_324 : i32
      %add3A_326 = arith.constant 7 : i32
      %add3A_327 = arith.addi %add3A_325, %add3A_326 : i32
      %lt3A_328 = arith.constant 64 : i32
      %lt3A_329 = arith.cmpi slt, %add3A_327, %lt3A_328 : i32
      %convert_element_type3A_330 = arith.extui %lt3A_329 : i1 to i32
      %cond3A_331 = arith.constant 0 : i32
      %cond3A_332 = arith.cmpi ne, %convert_element_type3A_330, %cond3A_331 : i32
      scf.if %cond3A_332 {
        %add3A_333 = arith.constant 8 : i32
        %add3A_334 = arith.addi %add3A_127, %add3A_333 : i32
        %add3A_335 = arith.constant 7 : i32
        %add3A_336 = arith.addi %add3A_334, %add3A_335 : i32
        %mul3A_337 = arith.constant 64 : i32
        %mul3A_338 = arith.muli %add3A_336, %mul3A_337 : i32
        %dma_start3A_339 = arith.constant 448 : i32
        %dma_start3A_340 = arith.constant 0 : i32
        %dma_start3A_341 = tpu.memref_slice %arg12[%dma_start3A_339, %dma_start3A_340] : memref<512x128xf32, #tpu.memory_space<vmem>> -> memref<64x128xf32, #tpu.memory_space<vmem>>
        %dma_start3A_342 = tpu.memref_slice %arg9[%mul3A_338] : memref<4096xi32, #tpu.memory_space<vmem>> -> memref<64xi32, #tpu.memory_space<vmem>>
        %dma_start3A_343 = arith.constant 0 : i32
        %dma_start3A_344 = arith.constant 0 : i32
        %dma_start3A_345 = tpu.memref_slice %arg2[%dma_start3A_343, %dma_start3A_344] : memref<100000x128xf32, #tpu.memory_space<hbm>> -> memref<100000x128xf32, #tpu.memory_space<hbm>>
        tpu.enqueue_indirect_dma source(%dma_start3A_345 : memref<100000x128xf32, #tpu.memory_space<hbm>>) target(%dma_start3A_341 : memref<64x128xf32, #tpu.memory_space<vmem>>) offsets(%dma_start3A_342 : memref<64xi32, #tpu.memory_space<vmem>>) semaphore(%arg23 : memref<!tpu.dma_semaphore, #tpu.memory_space<semaphore_mem>>)
      } else {
      }
    }
    %scan3A_88 = arith.constant 8 : i32
    %add3A_89 = arith.constant 4096 : i32
    %add3A_90 = arith.addi %add3A_89, %mul3A_2 : i32
    %dma_start3A_91 = arith.constant 0 : i32
    %dma_start3A_92 = tpu.memref_slice %arg6[%add3A_90, %dma_start3A_91] : memref<6144x128xf32, #tpu.memory_space<hbm>> -> memref<64x128xf32, #tpu.memory_space<hbm>>
    %dma_start3A_93 = arith.constant 0 : i32
    %dma_start3A_94 = tpu.memref_slice %arg6[%add3A_90, %dma_start3A_93] : memref<6144x128xf32, #tpu.memory_space<hbm>> -> memref<64x128xf32, #tpu.memory_space<hbm>>
    tpu.enqueue_dma source(%arg13 : memref<64x128xf32, #tpu.memory_space<vmem>>) target(%dma_start3A_94 : memref<64x128xf32, #tpu.memory_space<hbm>>) target_semaphore(%arg14 : memref<!tpu.dma_semaphore, #tpu.memory_space<semaphore_mem>>)
    %dma_wait3A_95 = arith.constant 0 : i32
    %dma_wait3A_96 = arith.constant 0 : i32
    %dma_wait3A_97 = tpu.memref_slice %arg2[%dma_wait3A_95, %dma_wait3A_96] : memref<100000x128xf32, #tpu.memory_space<hbm>> -> memref<100000x128xf32, #tpu.memory_space<hbm>>
    tpu.wait_indirect_dma semaphore(%arg15 : memref<!tpu.dma_semaphore, #tpu.memory_space<semaphore_mem>>) src(%dma_wait3A_97 : memref<100000x128xf32, #tpu.memory_space<hbm>>) dst(%arg10 : memref<64x128xf32, #tpu.memory_space<vmem>>)
    %dma_wait3A_98 = arith.constant 0 : i32
    %dma_wait3A_99 = arith.constant 0 : i32
    %dma_wait3A_100 = tpu.memref_slice %arg2[%dma_wait3A_98, %dma_wait3A_99] : memref<100000x128xf32, #tpu.memory_space<hbm>> -> memref<100000x128xf32, #tpu.memory_space<hbm>>
    tpu.wait_indirect_dma semaphore(%arg15 : memref<!tpu.dma_semaphore, #tpu.memory_space<semaphore_mem>>) src(%dma_wait3A_100 : memref<100000x128xf32, #tpu.memory_space<hbm>>) dst(%arg11 : memref<64x128xf32, #tpu.memory_space<vmem>>)
    %dma_start3A_101 = arith.constant 0 : i32
    %dma_start3A_102 = tpu.memref_slice %arg6[%mul3A_2, %dma_start3A_101] : memref<6144x128xf32, #tpu.memory_space<hbm>> -> memref<64x128xf32, #tpu.memory_space<hbm>>
    %dma_start3A_103 = arith.constant 0 : i32
    %dma_start3A_104 = tpu.memref_slice %arg6[%mul3A_2, %dma_start3A_103] : memref<6144x128xf32, #tpu.memory_space<hbm>> -> memref<64x128xf32, #tpu.memory_space<hbm>>
    tpu.enqueue_dma source(%arg10 : memref<64x128xf32, #tpu.memory_space<vmem>>) target(%dma_start3A_104 : memref<64x128xf32, #tpu.memory_space<hbm>>) target_semaphore(%arg14 : memref<!tpu.dma_semaphore, #tpu.memory_space<semaphore_mem>>)
    %add3A_105 = arith.constant 2048 : i32
    %add3A_106 = arith.addi %add3A_105, %mul3A_2 : i32
    %dma_start3A_107 = arith.constant 0 : i32
    %dma_start3A_108 = tpu.memref_slice %arg6[%add3A_106, %dma_start3A_107] : memref<6144x128xf32, #tpu.memory_space<hbm>> -> memref<64x128xf32, #tpu.memory_space<hbm>>
    %dma_start3A_109 = arith.constant 0 : i32
    %dma_start3A_110 = tpu.memref_slice %arg6[%add3A_106, %dma_start3A_109] : memref<6144x128xf32, #tpu.memory_space<hbm>> -> memref<64x128xf32, #tpu.memory_space<hbm>>
    tpu.enqueue_dma source(%arg11 : memref<64x128xf32, #tpu.memory_space<vmem>>) target(%dma_start3A_110 : memref<64x128xf32, #tpu.memory_space<hbm>>) target_semaphore(%arg14 : memref<!tpu.dma_semaphore, #tpu.memory_space<semaphore_mem>>)
    %dma_wait3A_111 = arith.constant 0 : i32
    %dma_wait3A_112 = tpu.memref_slice %arg6[%add3A_90, %dma_wait3A_111] : memref<6144x128xf32, #tpu.memory_space<hbm>> -> memref<64x128xf32, #tpu.memory_space<hbm>>
    %dma_wait3A_113 = arith.constant 0 : i32
    %dma_wait3A_114 = tpu.memref_slice %arg6[%add3A_90, %dma_wait3A_113] : memref<6144x128xf32, #tpu.memory_space<hbm>> -> memref<64x128xf32, #tpu.memory_space<hbm>>
    tpu.wait_dma2 semaphore(%arg14 : memref<!tpu.dma_semaphore, #tpu.memory_space<semaphore_mem>>) src(%arg13 : memref<64x128xf32, #tpu.memory_space<vmem>>) dst(%dma_wait3A_114 : memref<64x128xf32, #tpu.memory_space<hbm>>)
    %dma_wait3A_115 = arith.constant 0 : i32
    %dma_wait3A_116 = tpu.memref_slice %arg6[%mul3A_2, %dma_wait3A_115] : memref<6144x128xf32, #tpu.memory_space<hbm>> -> memref<64x128xf32, #tpu.memory_space<hbm>>
    %dma_wait3A_117 = arith.constant 0 : i32
    %dma_wait3A_118 = tpu.memref_slice %arg6[%mul3A_2, %dma_wait3A_117] : memref<6144x128xf32, #tpu.memory_space<hbm>> -> memref<64x128xf32, #tpu.memory_space<hbm>>
    tpu.wait_dma2 semaphore(%arg14 : memref<!tpu.dma_semaphore, #tpu.memory_space<semaphore_mem>>) src(%arg10 : memref<64x128xf32, #tpu.memory_space<vmem>>) dst(%dma_wait3A_118 : memref<64x128xf32, #tpu.memory_space<hbm>>)
    %dma_wait3A_119 = arith.constant 0 : i32
    %dma_wait3A_120 = tpu.memref_slice %arg6[%add3A_106, %dma_wait3A_119] : memref<6144x128xf32, #tpu.memory_space<hbm>> -> memref<64x128xf32, #tpu.memory_space<hbm>>
    %dma_wait3A_121 = arith.constant 0 : i32
    %dma_wait3A_122 = tpu.memref_slice %arg6[%add3A_106, %dma_wait3A_121] : memref<6144x128xf32, #tpu.memory_space<hbm>> -> memref<64x128xf32, #tpu.memory_space<hbm>>
    tpu.wait_dma2 semaphore(%arg14 : memref<!tpu.dma_semaphore, #tpu.memory_space<semaphore_mem>>) src(%arg11 : memref<64x128xf32, #tpu.memory_space<vmem>>) dst(%dma_wait3A_122 : memref<64x128xf32, #tpu.memory_space<hbm>>)
    return
  }
}

module attributes {stable_mosaic.version = 14 : i64} {
  func.func @_tc_body(%arg0: memref<6144x128xf32, #tpu.memory_space<vmem>>, %arg1: memref<512x128xf32, #tpu.memory_space<vmem>>, %arg2: memref<1x1xf32, #tpu.memory_space<vmem>>, %arg3: memref<2048x1xi32, #tpu.memory_space<vmem>>) attributes {dimension_semantics = [], scalar_prefetch = 0 : i64, scratch_operands = 0 : i64, tpu.core_type = #tpu.core_type<tc>} {
    %get3A = arith.constant 0 : index
    %get3A_0 = arith.constant 0 : index
    %get3A_1 = vector.load %arg0[%get3A, %get3A_0] : memref<6144x128xf32, #tpu.memory_space<vmem>>, vector<2048x128xf32>
    %get3A_2 = arith.constant 2048 : index
    %get3A_3 = arith.constant 0 : index
    %get3A_4 = vector.load %arg0[%get3A_2, %get3A_3] : memref<6144x128xf32, #tpu.memory_space<vmem>>, vector<2048x128xf32>
    %get3A_5 = arith.constant 4096 : index
    %get3A_6 = arith.constant 0 : index
    %get3A_7 = vector.load %arg0[%get3A_5, %get3A_6] : memref<6144x128xf32, #tpu.memory_space<vmem>>, vector<2048x128xf32>
    %get3A_8 = arith.constant 0 : index
    %get3A_9 = arith.constant 0 : index
    %get3A_10 = vector.load %arg1[%get3A_8, %get3A_9] : memref<512x128xf32, #tpu.memory_space<vmem>>, vector<512x128xf32>
    %mul3A = arith.mulf %get3A_1, %get3A_4 : vector<2048x128xf32>
    %reduce_sum3A = arith.constant dense<0.000000e+00> : vector<2048xf32>
    %reduce_sum3A_11 = vector.multi_reduction <add>, %mul3A, %reduce_sum3A [1] : vector<2048x128xf32> to vector<2048xf32>
    %broadcast_in_dim3A = vector.shape_cast %reduce_sum3A_11 : vector<2048xf32> to vector<2048x1xf32>
    %mul3A_12 = arith.mulf %get3A_7, %get3A_1 : vector<2048x128xf32>
    %reduce_sum3A_13 = arith.constant dense<0.000000e+00> : vector<2048xf32>
    %reduce_sum3A_14 = vector.multi_reduction <add>, %mul3A_12, %reduce_sum3A_13 [1] : vector<2048x128xf32> to vector<2048xf32>
    %broadcast_in_dim3A_15 = vector.shape_cast %reduce_sum3A_14 : vector<2048xf32> to vector<2048x1xf32>
    %neg3A = arith.constant 0.000000e+00 : f32
    %neg3A_16 = vector.broadcast %neg3A : f32 to vector<2048x1xf32>
    %neg3A_17 = arith.subf %neg3A_16, %broadcast_in_dim3A_15 : vector<2048x1xf32>
    %min3A = arith.constant 0.000000e+00 : f32
    %min3A_18 = vector.broadcast %min3A : f32 to vector<2048x1xf32>
    %min3A_19 = arith.minimumf %broadcast_in_dim3A, %min3A_18 : vector<2048x1xf32>
    %abs3A = math.absf %broadcast_in_dim3A : vector<2048x1xf32>
    %neg3A_20 = arith.constant 0.000000e+00 : f32
    %neg3A_21 = vector.broadcast %neg3A_20 : f32 to vector<2048x1xf32>
    %neg3A_22 = arith.subf %neg3A_21, %abs3A : vector<2048x1xf32>
    %exp3A = math.exp %neg3A_22 : vector<2048x1xf32>
    %log1p3A = math.log1p %exp3A : vector<2048x1xf32>
    %sub3A = arith.subf %min3A_19, %log1p3A : vector<2048x1xf32>
    %min3A_23 = arith.constant 0.000000e+00 : f32
    %min3A_24 = vector.broadcast %min3A_23 : f32 to vector<2048x1xf32>
    %min3A_25 = arith.minimumf %neg3A_17, %min3A_24 : vector<2048x1xf32>
    %abs3A_26 = math.absf %neg3A_17 : vector<2048x1xf32>
    %neg3A_27 = arith.constant 0.000000e+00 : f32
    %neg3A_28 = vector.broadcast %neg3A_27 : f32 to vector<2048x1xf32>
    %neg3A_29 = arith.subf %neg3A_28, %abs3A_26 : vector<2048x1xf32>
    %exp3A_30 = math.exp %neg3A_29 : vector<2048x1xf32>
    %log1p3A_31 = math.log1p %exp3A_30 : vector<2048x1xf32>
    %sub3A_32 = arith.subf %min3A_25, %log1p3A_31 : vector<2048x1xf32>
    %add3A = arith.addf %sub3A, %sub3A_32 : vector<2048x1xf32>
    %reduce_sum3A_33 = vector.shape_cast %add3A : vector<2048x1xf32> to vector<1x2048x1xf32>
    %reduce_sum3A_34 = arith.constant dense<0.000000e+00> : vector<1xf32>
    %reduce_sum3A_35 = vector.multi_reduction <add>, %reduce_sum3A_33, %reduce_sum3A_34 [1, 2] : vector<1x2048x1xf32> to vector<1xf32>
    %reduce_sum3A_36 = vector.shape_cast %reduce_sum3A_35 : vector<1xf32> to vector<1x1x1xf32>
    %reduce_sum3A_37 = vector.extract %reduce_sum3A_36[0, 0, 0] : f32 from vector<1x1x1xf32>
    %broadcast_in_dim3A_38 = vector.broadcast %reduce_sum3A_37 : f32 to vector<1x1xf32>
    %neg3A_39 = arith.constant 0.000000e+00 : f32
    %neg3A_40 = vector.broadcast %neg3A_39 : f32 to vector<1x1xf32>
    %neg3A_41 = arith.subf %neg3A_40, %broadcast_in_dim3A_38 : vector<1x1xf32>
    %div3A = arith.constant 2.048000e+03 : f32
    %div3A_42 = vector.broadcast %div3A : f32 to vector<1x1xf32>
    %div3A_43 = arith.divf %neg3A_41, %div3A_42 : vector<1x1xf32>
    %dot_general3A = arith.constant dense<0.000000e+00> : vector<2048x512xf32>
    %dot_general3A_44 = tpu.matmul %get3A_1, %get3A_10, %dot_general3A {dimension_numbers = #tpu.dot_dimension_numbers<[1], [1], [0], [0], [0, 0, 1, 0], [], []>, precision = #tpu.contract_precision<fp32>, transpose_lhs_hint = false} : vector<2048x128xf32>, vector<512x128xf32>, vector<2048x512xf32> -> vector<2048x512xf32>
    %mul3A_45 = arith.mulf %get3A_1, %get3A_1 : vector<2048x128xf32>
    %reduce_sum3A_46 = arith.constant dense<0.000000e+00> : vector<2048xf32>
    %reduce_sum3A_47 = vector.multi_reduction <add>, %mul3A_45, %reduce_sum3A_46 [1] : vector<2048x128xf32> to vector<2048xf32>
    %broadcast_in_dim3A_48 = vector.shape_cast %reduce_sum3A_47 : vector<2048xf32> to vector<2048x1xf32>
    %mul3A_49 = arith.mulf %get3A_10, %get3A_10 : vector<512x128xf32>
    %reduce_sum3A_50 = arith.constant dense<0.000000e+00> : vector<512xf32>
    %reduce_sum3A_51 = vector.multi_reduction <add>, %mul3A_49, %reduce_sum3A_50 [1] : vector<512x128xf32> to vector<512xf32>
    %broadcast_in_dim3A_52 = vector.shape_cast %reduce_sum3A_51 : vector<512xf32> to vector<1x512xf32>
    %mul3A_53 = arith.constant 2.000000e+00 : f32
    %mul3A_54 = vector.broadcast %mul3A_53 : f32 to vector<2048x512xf32>
    %mul3A_55 = arith.mulf %mul3A_54, %dot_general3A_44 : vector<2048x512xf32>
    %sub3A_56 = vector.broadcast %broadcast_in_dim3A_48 : vector<2048x1xf32> to vector<2048x512xf32>
    %sub3A_57 = arith.subf %sub3A_56, %mul3A_55 : vector<2048x512xf32>
    %add3A_58 = vector.broadcast %broadcast_in_dim3A_52 : vector<1x512xf32> to vector<2048x512xf32>
    %add3A_59 = arith.addf %sub3A_57, %add3A_58 : vector<2048x512xf32>
    %reduce_min3A = arith.constant dense<0x7F800000> : vector<2048xf32>
    %reduce_min3A_60 = vector.multi_reduction <minimumf>, %add3A_59, %reduce_min3A [1] : vector<2048x512xf32> to vector<2048xf32>
    %broadcast_in_dim3A_61 = vector.shape_cast %reduce_min3A_60 : vector<2048xf32> to vector<2048x1xf32>
    %max3A = arith.constant 0.000000e+00 : f32
    %max3A_62 = vector.broadcast %max3A : f32 to vector<2048x1xf32>
    %max3A_63 = arith.maximumf %broadcast_in_dim3A_61, %max3A_62 : vector<2048x1xf32>
    %reduce_sum3A_64 = vector.shape_cast %max3A_63 : vector<2048x1xf32> to vector<1x2048x1xf32>
    %reduce_sum3A_65 = arith.constant dense<0.000000e+00> : vector<1xf32>
    %reduce_sum3A_66 = vector.multi_reduction <add>, %reduce_sum3A_64, %reduce_sum3A_65 [1, 2] : vector<1x2048x1xf32> to vector<1xf32>
    %reduce_sum3A_67 = vector.shape_cast %reduce_sum3A_66 : vector<1xf32> to vector<1x1x1xf32>
    %reduce_sum3A_68 = vector.extract %reduce_sum3A_67[0, 0, 0] : f32 from vector<1x1x1xf32>
    %broadcast_in_dim3A_69 = vector.broadcast %reduce_sum3A_68 : f32 to vector<1x1xf32>
    %div3A_70 = arith.constant 2.048000e+03 : f32
    %div3A_71 = vector.broadcast %div3A_70 : f32 to vector<1x1xf32>
    %div3A_72 = arith.divf %broadcast_in_dim3A_69, %div3A_71 : vector<1x1xf32>
    %add3A_73 = arith.addf %div3A_43, %div3A_72 : vector<1x1xf32>
    %swap3A = arith.constant 0 : index
    %swap3A_74 = arith.constant 0 : index
    %swap3A_75 = vector.load %arg2[%swap3A, %swap3A_74] : memref<1x1xf32, #tpu.memory_space<vmem>>, vector<1x1xf32>
    tpu.vector_store %arg2[%swap3A, %swap3A_74], %add3A_73 {strides = array<i32>} : memref<1x1xf32, #tpu.memory_space<vmem>>, vector<1x1xf32>,
    %iota3A = tpu.iota {dimensions = array<i32: 1>} : vector<2048x512xi32>
    %le3A = vector.broadcast %broadcast_in_dim3A_61 : vector<2048x1xf32> to vector<2048x512xf32>
    %le3A_76 = arith.cmpf ole, %add3A_59, %le3A : vector<2048x512xf32>
    %jit3A = arith.constant 512 : i32
    %broadcast_in_dim3A_77 = vector.broadcast %jit3A : i32 to vector<2048x512xi32>
    %select_n3A = arith.select %le3A_76, %iota3A, %broadcast_in_dim3A_77 : vector<2048x512xi1>, vector<2048x512xi32>
    %reduce_min3A_78 = arith.constant dense<2147483647> : vector<2048xi32>
    %reduce_min3A_79 = vector.multi_reduction <minsi>, %select_n3A, %reduce_min3A_78 [1] : vector<2048x512xi32> to vector<2048xi32>
    %broadcast_in_dim3A_80 = vector.shape_cast %reduce_min3A_79 : vector<2048xi32> to vector<2048x1xi32>
    %swap3A_81 = arith.constant 0 : index
    %swap3A_82 = arith.constant 0 : index
    %swap3A_83 = vector.load %arg3[%swap3A_81, %swap3A_82] : memref<2048x1xi32, #tpu.memory_space<vmem>>, vector<2048x1xi32>
    tpu.vector_store %arg3[%swap3A_81, %swap3A_82], %broadcast_in_dim3A_80 {strides = array<i32>} : memref<2048x1xi32, #tpu.memory_space<vmem>>, vector<2048x1xi32>,
    return
  }
}

</mosaic_0001>

<sc_bundles>
// kernel: kernel.4.cloned.1.call-start
scs
__scs_entry_jumppad:
0x0: {  	(pc) =	sbr.rel $0x88, $3  }
0x1: {  	(tag) =	ssettag $0x0;
	lr =	simm.s32 $0x1  }
0x2: {  	[smem:$0x3F9C] =	sst lr;
	_ =	strace $0xD0000000  }
0x3: {  	_ = 	snop  }
0x4: {  	_ = 	snop  }
0x5: {  	_ = 	snop  }
0x6: {  	_ = 	snop  }
0x7: {  	_ = 	snop  }
__scs_overlays_trampoline_lowered:
0x8: {  	[smem:$0x3FAB] =	sst s0  }
0x9: {  	[smem:$0x3FAC] =	sst s1  }
0xa: {  	[smem:$0x3FAD] =	sst s2  }
0xb: {  	[smem:$0x3FAE] =	sst s3  }
0xc: {  	[smem:$0x3FAF] =	sst s4  }
0xd: {  	[smem:$0x3FB0] =	sst s5  }
0xe: {  	[smem:$0x3FB1] =	sst s6  }
0xf: {  	[smem:$0x3FB2] =	sst s7  }
0x10: {  	[smem:$0x3FB3] =	sst s8  }
0x11: {  	[smem:$0x3FB4] =	sst s9;
	s0 =	simm.s32 @!p0 $0x0  }
0x12: {  	s1 =	sld [smem:$0x3F9A];
	s0 =	simm.s32 @p0 $0x1  }
0x13: {  	[smem:$0x3FB5] =	sst s0;
	s0 =	simm.s32 @!p1 $0x0  }
0x14: {  	s2 =	sld [smem:$0x3F99];
	s0 =	simm.s32 @p1 $0x1  }
0x15: {  	[smem:$0x3FB6] =	sst s0;
	s0 =	simm.s32 @!p2 $0x0  }
0x16: {  	s3 =	sld [smem:$0x3FDB];
	s0 =	simm.s32 @p2 $0x1  }
0x17: {  	s4 =	simm.s32 $0x1BF5;
	[smem:$0x3FB8] =	sst s0  }
0x18: {  	s0 =	sld [smem:$0x3F9B];
	_ =	swait.ge [sflag:s4], $0x0  }
0x19: {  	s7 =	sld [smem:$0x3F9C]  }
0x1a: {  	s8 =	sadd.s32 $0xFFFFE003, lr  }
0x1b: {  	s9 =	sadd.s32 $0xFFFFFEF7, lr;
	s5 =	simm.s32 $0xFFFFFFFF;
	p2 =	slt.u32 s8, $0xFFFFF086  }
0x1c: {  	p1 =	slt.u32 s9, $0xF7A;
	s5 =	simm.s32 @!p2 $0x0  }
0x1d: {  	s5 =	simm.s32 @p1 $0x1;
	p0 =	seq.s32 s7, s2  }
0x1e: {  	s7 =	smul.u32 @!p0 $0xF7A, s2;
	p2 =	seq.s32 @!p0 s5, $0x0  }
0x1f: {  	s9 =	smul.u32 $0xF7A, s1;
	s8 =	simm.s32 @!p0 $0x1BF5;
	p2 =	por !p2, p0  }
0x20: {  	[sflag:s8] =	ssyncset.s32 @!p0 $0xFFFFF086;
	s6 =	sadd.s32 @!p0 s3, s7;
	s7 =	simm.s32 @!p0 $0x108  }
0x21: {  	s3 =	sadd.s32 s3, s9;
	s6 =	sadd.s32 @!p0 $0x88, s6;
	s7 =	simm.s32 @p2 $0x1082  }
0x22: {  	[simem:s7], [sflag:s8] =	dma.local @!p0 [hbm:s6], $0xF7A  }
0x23: {  	s9 =	sor.u32 $0xD0000000, s2;
	s6 =	simm.s32 $0x108;
	_ =	swait.ge @!p0 [sflag:s8], $0x0  }
0x24: {  	s3 =	sadd.s32 $0x88, s3;
	s6 =	simm.s32 @!p1 $0x1082;
	[sflag:s4] =	ssyncset.s32 $0xFFFFF086  }
0x25: {  	[simem:s6], [sflag:s4] =	dma.local [hbm:s3], $0xF7A  }
0x26: {  	[smem:$0x3F9C] =	sst s1;
	(tag) =	ssettag s2;
	_ =	strace s9  }
0x27: {  	s1 =	sld [smem:$0x3FAC]  }
0x28: {  	s2 =	sld [smem:$0x3FAD]  }
0x29: {  	s4 =	sld [smem:$0x3FAF]  }
0x2a: {  	p0 =	seq.s32 s5, $0x0;
	s5 =	sld [smem:$0x3FB0]  }
0x2b: {  	s6 =	sld [smem:$0x3FB1]  }
0x2c: {  	s7 =	sld [smem:$0x3FB2]  }
0x2d: {  	s3 =	simm.s32 $0x108;
	s8 =	sld [smem:$0x3FB3]  }
0x2e: {  	s3 =	simm.s32 @!p0 $0x1082;
	s9 =	sld [smem:$0x3FB4]  }
0x2f: {  	lr =	sadd.s32 s0, s3;
	s0 =	sld [smem:$0x3FAB]  }
0x30: {  	s3 =	sld [smem:$0x3FAE]  }
0x31: {  	[smem:$0x3FB7] =	sst s10  }
0x32: {  	s10 =	sld [smem:$0x3FB5];
	_ =	sdelay $0x3  }
0x33: {  	p0 =	seq.s32 s10, $0x1;
	s10 =	sld [smem:$0x3FB7];
	_ =	sdelay $0x3  }
0x34: {  	[smem:$0x3FB7] =	sst s10  }
0x35: {  	s10 =	sld [smem:$0x3FB6];
	_ =	sdelay $0x3  }
0x36: {  	p1 =	seq.s32 s10, $0x1;
	s10 =	sld [smem:$0x3FB7];
	_ =	sdelay $0x3  }
0x37: {  	[smem:$0x3FB7] =	sst s10  }
0x38: {  	s10 =	sld [smem:$0x3FB8]  }
0x39: {  	_ = 	snop;
	(pc) =	sbr.ind lr, $3  }
0x3a: {  	_ = 	snop  }
0x3b: {  	_ = 	snop  }
0x3c: {  	p2 =	seq.s32 s10, $0x1;
	s10 =	sld [smem:$0x3FB7]  }
0x3d: {  	_ =	shalt  }
0x3e: {  	_ =	shalt  }
0x3f: {  	_ =	shalt  }
0x40: {  	_ =	shalt  }
0x41: {  	_ =	shalt  }
0x42: {  	_ =	shalt  }
0x43: {  	_ =	shalt  }
0x44: {  	_ =	shalt  }
0x45: {  	_ =	shalt  }
0x46: {  	_ =	shalt  }
0x47: {  	_ =	shalt  }
0x48: {  	_ =	shalt  }
0x49: {  	_ =	shalt  }
0x4a: {  	_ =	shalt  }
0x4b: {  	_ =	shalt  }
0x4c: {  	_ =	shalt  }
0x4d: {  	_ =	shalt  }
0x4e: {  	_ =	shalt  }
0x4f: {  	_ =	shalt  }
0x50: {  	_ =	shalt  }
0x51: {  	_ =	shalt  }
0x52: {  	_ =	shalt  }
0x53: {  	_ =	shalt  }
0x54: {  	_ =	shalt  }
0x55: {  	_ =	shalt  }
0x56: {  	_ =	shalt  }
0x57: {  	_ =	shalt  }
0x58: {  	_ =	shalt  }
0x59: {  	_ =	shalt  }
0x5a: {  	_ =	shalt  }
0x5b: {  	_ =	shalt  }
0x5c: {  	_ =	shalt  }
0x5d: {  	_ =	shalt  }
0x5e: {  	_ =	shalt  }
0x5f: {  	_ =	shalt  }
0x60: {  	_ =	shalt  }
0x61: {  	_ =	shalt  }
0x62: {  	_ =	shalt  }
0x63: {  	_ =	shalt  }
0x64: {  	_ =	shalt  }
0x65: {  	_ =	shalt  }
0x66: {  	_ =	shalt  }
0x67: {  	_ =	shalt  }
0x68: {  	_ =	shalt  }
0x69: {  	_ =	shalt  }
0x6a: {  	_ =	shalt  }
0x6b: {  	_ =	shalt  }
0x6c: {  	_ =	shalt  }
0x6d: {  	_ =	shalt  }
0x6e: {  	_ =	shalt  }
0x6f: {  	_ =	shalt  }
0x70: {  	_ =	shalt  }
0x71: {  	_ =	shalt  }
0x72: {  	_ =	shalt  }
0x73: {  	_ =	shalt  }
0x74: {  	_ =	shalt  }
0x75: {  	_ =	shalt  }
0x76: {  	_ =	shalt  }
0x77: {  	_ =	shalt  }
0x78: {  	_ =	shalt  }
0x79: {  	_ =	shalt  }
0x7a: {  	_ =	shalt  }
0x7b: {  	_ =	shalt  }
0x7c: {  	_ =	shalt  }
0x7d: {  	_ =	shalt  }
0x7e: {  	_ =	shalt  }
0x7f: {  	_ =	shalt  }
0x80: {  	_ =	shalt  }
0x81: {  	_ =	shalt  }
0x82: {  	_ =	shalt  }
0x83: {  	_ =	shalt  }
0x84: {  	_ =	shalt  }
0x85: {  	_ =	shalt  }
0x86: {  	_ =	shalt  }
0x87: {  	_ =	shalt  }
.Lfunc_end0:
.L_simem_size_0:
called_computation_lowered:
.L_overlay_start_0:
0x88: {  	s2 =	sld [smem:$0x3FD9]  }
0x89: {  	s3 =	sld [smem:$0x3FFE];
	_ =	sdelay $0x1  }
0x8a: {  	s1 =	srdreg.scid  }
0x8b: {  	s0 =	sand.u32 $0x1, s1  }
0x8c: {  	s17 =	sshll.u32 s0, $0xA;
	s2 =	sadd.s32 s3, s2  }
0x8d: {  	s2 =	sadd.s32 s2, s17  }
0x8e: {  	[smem:$0x3FC3] =	sst s2  }
0x8f: {  	_ = 	snop  }
0x90: {  	s2 =	sld [smem:$0x3FC9]  }
0x91: {  	s18 =	sld [smem:$0x3FC8]  }
0x92: {  	s4 =	sld [smem:$0x3FC6];
	(tm) =	ssettm $0x1  }
0x93: {  	s5 =	sld [smem:$0x3FFB];
	_ =	sdelay $0x3  }
0x94: {  	_ =	strace s5  }
0x95: {  	s5 =	sld [smem:$0x3FFC];
	_ =	sdelay $0x3  }
0x96: {  	_ =	strace s5  }
0x97: {  	s5 =	sld [smem:$0x3FFD];
	_ =	sdelay $0x3  }
0x98: {  	_ =	strace s5  }
0x99: {  	_ =	strace $0x8FFFFFFF  }
0x9a: {  	s19 =	sld [smem:$0x3FDB];
	_ =	sdelay $0x1  }
0x9b: {  	s6 =	simm.s32 $_scs_section_size  }
0x9c: {  	s7 =	simm.s32 $_size__tile_overlayer_lowered;
	s8 =	simm.s32 $_tile_overlayer_lowered  }
0x9d: {  	s22 =	simm.s32 $0x1BFF;
	s21 =	sshll.u32 s8, $0x1;
	s5 =	sadd.s32 s6, s19  }
0x9e: {  	s9 =	simm.s32 $0x0;
	s20 =	sshll.u32 s7, $0x1;
	s7 =	sadd.s32 s21, s5  }
0x9f: {  	[timem:s9], [sflag:s22] =	dma.local [hbm:s7], s20  }
0xa0: {  	_ =	swait.ge [sflag:s22], s20  }
0xa1: {  	s6 =	ssub.s32 $0x0, s20;
	[sflag:s22] =	ssyncset.done $0x0  }
0xa2: {  	[sflag:s22] =	ssyncadd.s32 s6;
	_ =	sdelay $0x1  }
0xa3: {  	s23 =	simm.s32 $0x1B8B  }
0xa4: {  	_ =	swait.ge [sflag:s23], $0x1  }
0xa5: {  	[sflag:s23] =	ssyncset.done $0x0  }
0xa6: {  	s25 =	simm.s32 $0x1B8E;
	s24 =	sld [smem:$0x3FFE];
	[sflag:s23] =	ssyncadd.s32 $0xFFFFFFFF  }
0xa7: {  	s26 =	simm.s32 $execute0_lowered;
	[smem:$0x3FD2] =	sst s25  }
0xa8: {  	s7 =	sshll.u32 s26, $0x1;
	_ =	strace $0x80000046;
	[dreg:$0x1] =	wrdreg $0xFFFFFFFF  }
0xa9: {  	s28 =	simm.s32 $_size_execute0_lowered;
	s5 =	sadd.s32 s5, s7;
	[dreg:$0x0] =	wrdreg $0x0  }
0xaa: {  	s7 =	sshll.u32 s28, $0x1;
	[dreg:$0x2] =	wrdreg s5  }
0xab: {  	[dreg:$0x3] =	wrdreg s7  }
0xac: {  	[dreg:$0x4] =	wrdreg $0xC0  }
0xad: {  	_ =	task [dreg:s9], $0x5FFFF  }
0xae: {  	[dreg:$0x1] =	wrdreg $0xFFFFFFFF  }
0xaf: {  	[dreg:$0x0] =	wrdreg $0x60  }
0xb0: {  	[dreg:$0x2] =	wrdreg s4  }
0xb1: {  	[dreg:$0x3] =	wrdreg s2  }
0xb2: {  	[dreg:$0x4] =	wrdreg s18  }
0xb3: {  	[dreg:$0x5] =	wrdreg s24  }
0xb4: {  	[dreg:$0x6] =	wrdreg $0x9  }
0xb5: {  	_ =	task.clear_ibuf [dreg:s9], $0x7FFFF;
	_ =	strace $0x90000046  }
0xb6: {  	s29 =	simm.s32 $0x9;
	_ =	strace $0x80000048  }
0xb7: {  	_ =	swait.ge [sflag:s29], $0x1  }
0xb8: {  	[sflag:s29] =	ssyncadd.s32 $0xFFFFFFFF  }
0xb9: {  	_ =	strace $0x90000048  }
0xba: {  	_ =	sfence  }
0xbb: {  	s30 =	sld [smem:$0x0];
	_ =	sdelay $0x2  }
0xbc: {  	s31 =	sshll.u32 s1, $0xD;
	s1 =	sshrl.u32 s1, $0x2  }
0xbd: {  	s3 =	sand.u32 $0x4000, s31;
	s1 =	sadd.s32 s1, s30  }
0xbe: {  	s0 =	sor.u32 s3, s0;
	s1 =	sshll.u32 s1, $0x11  }
0xbf: {  	s0 =	sor.u32 s1, s0  }
0xc0: {  	s0 =	sadd.s32 $0x8F2B, s0  }
0xc1: {  	[sflag:s0] =	ssyncadd.remote.s32 $0x1  }
0xc2: {  	_ =	sfence.sel $0xFFFF  }
0xc3: {  	[dreg:$0x0] =	wrdreg $0xFFFFFFFF;
	(pc) =	sbr.abs _section_cstart, $3  }
0xc4: {  	[dreg:$0x1] =	wrdreg $0xFFFFFFFF  }
0xc5: {  	_ =	task.clear_ibuf [dreg:s9], $0x2FFFF;
	_ =	strace $0x9FFFFFFF  }
0xc6: {  	(tm) =	ssettm $0x7FFFFFFF  }
0xc7: {  	_ =	shalt  }
tec
execute0_lowered:
.L_overlay_start_1:
0x0: {  	(tag) =	ssettag $0x1  }
0x1: {  	s1 =	rddreg [dreg:$0x0]  }
0x2: {  	s0 =	rddreg [dreg:$0x1]  }
0x3: {  	s2 =	rddreg [dreg:$0x2]  }
0x4: {  	s4 =	rddreg [dreg:$0x3]  }
0x5: {  	s5 =	srdreg.scid;
	s6 =	stileid.u32  }
0x6: {  	s3 =	simm.s32 $0x0;
	s13 =	simm.s32 $0x1;
	s14 =	simm.s32 $0x40  }
0x7: {  	s17 =	simm.s32 $0x4;
	s18 =	simm.s32 $0x5;
	s19 =	simm.s32 $0x6  }
0x8: {  	s20 =	simm.s32 $0x7;
	s21 =	simm.s32 $0x8;
	s22 =	simm.s32 $0x9  }
0x9: {  	s23 =	simm.s32 $0xA;
	s25 =	simm.s32 $0x2;
	s26 =	simm.s32 $0x0  }
0xa: {  	s5 =	sand.u32 $0x1, s5;
	s6 =	sshll.u32 s6, $0x1;
	[smem:$0x7FF] =	sst s3  }
0xb: {  	s6 =	sor.u32 s5, s6;
	_ =	strace $0x80000047;
	s5 =	ssub.s32 $0x2, s5  }
0xc: {  	s7 =	sshll.u32 s6, $0x9;
	s8 =	sshll.u32 s6, $0xA;
	s9 =	sshrl.u32 s5, $0x1  }
0xd: {  	s6 =	sshll.u32 s6, $0x3;
	s7 =	sadd.s32 s7, s4;
	s4 =	sadd.s32 s8, s4  }
0xe: {  	s5 =	ssub.s32 s5, s9;
	s0 =	sadd.s32 s0, s6;
	s28 =	sadd.s32 s2, s6  }
.Ltmp0:
0xf: {  	s8 =	simm.s32 $0x3100;
	[dreg:$0x5] =	wrdreg s0;
	(pc) =	sbr.rel .LBB2_1-.Ltmp0, $4  }
0x10: {  	s2 =	simm.s32 $0x3;
	[dreg:$0x6] =	wrdreg s28;
	s29 =	sadd.s32 $0x600, s7  }
0x11: {  	s30 =	sadd.s32 $0x14600, s4;
	s31 =	sadd.s32 $0x4600, s4;
	[dreg:$0x7] =	wrdreg s29  }
0x12: {  	s9 =	sadd.s32 $0xC600, s4;
	s10 =	smax.u32 s5, $0x1;
	[dreg:$0x8] =	wrdreg s30  }
0x13: {  	s7 =	simm.s32 $0x1100;
	s0 =	simm.s32 $0x13100;
	[dreg:$0x9] =	wrdreg s31  }
.LBB2_20:
0x14: {  	s4 =	rddreg [dreg:$0x8];
	s5 =	simm.s32 $0x15100  }
0x15: {  	[hbm4b:s4+s3] =	stream.linear.scatter [tilespmem:s5], [sflag:$0x1], $0x2000, $0x38;
	[tilespmem:$0x17100] =	vst v63  }
0x16: {  	_ =	swait.ge [sflag:s25], $0x2000  }
0x17: {  	[sflag:s25] =	ssyncset.done $0x0  }
0x18: {  	[sflag:s25] =	ssyncadd.s32 $0xFFFFE000  }
0x19: {  	_ =	swait.ge [sflag:s25], $0x2000  }
0x1a: {  	[sflag:s25] =	ssyncset.done $0x0  }
0x1b: {  	s7 =	simm.s32 $0x1100;
	s31 =	rddreg [dreg:$0x9];
	[sflag:s25] =	ssyncadd.s32 $0xFFFFE000  }
0x1c: {  	[hbm4b:s31+s3] =	stream.linear.scatter [tilespmem:s7], [sflag:$0x1], $0x2000, $0x38;
	[tilespmem:$0x17100] =	vst v63  }
0x1d: {  	s8 =	simm.s32 $0x3100  }
0x1e: {  	[hbm4b:s9+s3] =	stream.linear.scatter [tilespmem:s8], [sflag:$0x1], $0x2000, $0x38;
	[tilespmem:$0x17100] =	vst v63  }
0x1f: {  	_ =	swait.ge [sflag:s13], $0x2000  }
0x20: {  	[sflag:s13] =	ssyncset.done $0x0  }
0x21: {  	s26 =	sadd.s32 $0x1, s26;
	[sflag:s13] =	ssyncadd.s32 $0xFFFFE000  }
0x22: {  	p0 =	sne.s32 s26, s10;
	_ =	swait.ge [sflag:s13], $0x2000  }
.Ltmp1:
0x23: {  	[sflag:s13] =	ssyncset.done $0x0;
	(pc) =	sbr.rel @!p0 .LBB2_21-.Ltmp1, $4  }
0x24: {  	[sflag:s13] =	ssyncadd.s32 $0xFFFFE000  }
0x25: {  	_ =	swait.ge [sflag:s13], $0x2000  }
0x26: {  	[sflag:s13] =	ssyncset.done $0x0  }
0x27: {  	[sflag:s13] =	ssyncadd.s32 $0xFFFFE000  }
.LBB2_1:
0x28: {  	s4 =	rddreg [dreg:$0x5]  }
0x29: {  	[tilespmem:s3], [sflag:$0x1] =	stream.linear.gather [hbm4b:s4+s3], $0x40, $0x38;
	[tilespmem:$0x17100] =	vst v63  }
0x2a: {  	s16 =	rddreg [dreg:$0x6];
	s5 =	simm.s32 $0x80  }
0x2b: {  	[tilespmem:s5], [sflag:$0x1] =	stream.linear.gather [hbm4b:s16+s3], $0x40, $0x38;
	[tilespmem:$0x17100] =	vst v63  }
0x2c: {  	s24 =	rddreg [dreg:$0x7];
	s6 =	simm.s32 $0x100  }
0x2d: {  	[tilespmem:s6], [sflag:$0x1] =	stream.linear.gather [hbm4b:s24+s3], $0x1000, $0x38;
	[tilespmem:$0x17100] =	vst v63  }
0x2e: {  	_ =	swait.ge [sflag:s13], $0x40  }
0x2f: {  	[sflag:s13] =	ssyncset.done $0x0  }
0x30: {  	[sflag:s13] =	ssyncadd.s32 $0xFFFFFFC0  }
0x31: {  	_ =	swait.ge [sflag:s13], $0x40  }
0x32: {  	[sflag:s13] =	ssyncset.done $0x0  }
0x33: {  	[sflag:s13] =	ssyncadd.s32 $0xFFFFFFC0  }
0x34: {  	_ =	swait.ge [sflag:s13], $0x1000  }
0x35: {  	[sflag:s13] =	ssyncset.done $0x0  }
0x36: {  	[sflag:s13] =	ssyncadd.s32 $0xFFFFF000  }
0x37: {  	[tilespmem:s7], [sflag:$0x2] =	stream.indirect.gather [hbm4b:s1+s14], $0x80, s3, s14, $0xb8;
	[tilespmem:$0x17100] =	vst v63  }
0x38: {  	_ = 	snop  }
0x39: {  	[tilespmem:s8], [sflag:$0x2] =	stream.indirect.gather [hbm4b:s1+s14], $0x80, s5, s14, $0xb8;
	[tilespmem:$0x17100] =	vst v63  }
0x3a: {  	s11 =	simm.s32 $0x5100  }
0x3b: {  	[tilespmem:s11], [sflag:$0x3] =	stream.indirect.gather [hbm4b:s1+s14], $0x80, s6, s14, $0xb8;
	[tilespmem:$0x17100] =	vst v63  }
0x3c: {  	s12 =	simm.s32 $0x140;
	s15 =	simm.s32 $0x7100  }
0x3d: {  	[tilespmem:s15], [sflag:$0x4] =	stream.indirect.gather [hbm4b:s1+s14], $0x80, s12, s14, $0xb8;
	[tilespmem:$0x17100] =	vst v63  }
0x3e: {  	s16 =	simm.s32 $0x180;
	s24 =	simm.s32 $0x9100  }
0x3f: {  	[tilespmem:s24], [sflag:$0x5] =	stream.indirect.gather [hbm4b:s1+s14], $0x80, s16, s14, $0xb8;
	[tilespmem:$0x17100] =	vst v63  }
0x40: {  	s28 =	simm.s32 $0x15180;
	s5 =	simm.s32 $0x1C0;
	s6 =	simm.s32 $0xB100  }
0x41: {  	[tilespmem:s6], [sflag:$0x6] =	stream.indirect.gather [hbm4b:s1+s14], $0x80, s5, s14, $0xb8;
	[tilespmem:$0x17100] =	vst v63  }
0x42: {  	s29 =	simm.s32 $0x15200;
	s7 =	simm.s32 $0x200;
	s8 =	simm.s32 $0xD100  }
0x43: {  	[tilespmem:s8], [sflag:$0x7] =	stream.indirect.gather [hbm4b:s1+s14], $0x80, s7, s14, $0xb8;
	[tilespmem:$0x17100] =	vst v63  }
0x44: {  	s30 =	simm.s32 $0x15280;
	s11 =	simm.s32 $0x240;
	s12 =	simm.s32 $0xF100  }
0x45: {  	[tilespmem:s12], [sflag:$0x8] =	stream.indirect.gather [hbm4b:s1+s14], $0x80, s11, s14, $0xb8;
	[tilespmem:$0x17100] =	vst v63  }
0x46: {  	s31 =	simm.s32 $0x15300;
	s15 =	simm.s32 $0x280;
	s16 =	simm.s32 $0x11100  }
0x47: {  	[tilespmem:s16], [sflag:$0x9] =	stream.indirect.gather [hbm4b:s1+s14], $0x80, s15, s14, $0xb8;
	[tilespmem:$0x17100] =	vst v63  }
0x48: {  	s24 =	simm.s32 $0x2C0;
	s11 =	simm.s32 $0x15400;
	s12 =	simm.s32 $0x15480  }
0x49: {  	[tilespmem:s0], [sflag:$0xA] =	stream.indirect.gather [hbm4b:s1+s14], $0x80, s24, s14, $0xb8;
	[tilespmem:$0x17100] =	vst v63  }
0x4a: {  	s15 =	simm.s32 $0x15100;
	s16 =	simm.s32 $0x0;
	s24 =	simm.s32 $0x15380  }
.LBB2_2:
0x4b: {  	_ =	swait.ge [sflag:s2], $0x2000  }
0x4c: {  	[sflag:s2] =	ssyncset.done $0x0  }
0x4d: {  	s6 =	simm.s32 $0x0;
	[sflag:s2] =	ssyncadd.s32 $0xFFFFE000  }
0x4e: {  	v0 =	vld [tilespmem:s6+$0x6F00]  }
0x4f: {  	v1 =	vld [tilespmem:s6+$0x6F80]  }
0x50: {  	v3 =	vld [tilespmem:s6+$0x6D00]  }
0x51: {  	v4 =	vld [tilespmem:s6+$0x6D80]  }
0x52: {  	v5 =	vld [tilespmem:s6+$0x6B00]  }
0x53: {  	v6 =	vld [tilespmem:s6+$0x6B80]  }
0x54: {  	v7 =	vld [tilespmem:s6+$0x6900]  }
0x55: {  	v8 =	vld [tilespmem:s6+$0x6980]  }
0x56: {  	v9 =	vld [tilespmem:s6+$0x6700]  }
0x57: {  	v10 =	vld [tilespmem:s6+$0x6780]  }
0x58: {  	v11 =	vld [tilespmem:s6+$0x6500]  }
0x59: {  	v12 =	vld [tilespmem:s6+$0x6580]  }
0x5a: {  	v13 =	vld [tilespmem:s6+$0x6300]  }
0x5b: {  	v14 =	vld [tilespmem:s6+$0x6380]  }
0x5c: {  	v15 =	vld [tilespmem:s6+$0x6100]  }
0x5d: {  	v16 =	vld [tilespmem:s6+$0x6180]  }
0x5e: {  	v17 =	vld [tilespmem:s6+$0x5F00]  }
0x5f: {  	v18 =	vld [tilespmem:s6+$0x5F80]  }
0x60: {  	v19 =	vld [tilespmem:s6+$0x5D00]  }
0x61: {  	v20 =	vld [tilespmem:s6+$0x5D80]  }
0x62: {  	v21 =	vld [tilespmem:s6+$0x5B00]  }
0x63: {  	v22 =	vld [tilespmem:s6+$0x5B80]  }
0x64: {  	v23 =	vld [tilespmem:s6+$0x5900]  }
0x65: {  	v24 =	vld [tilespmem:s6+$0x5980]  }
0x66: {  	v25 =	vld [tilespmem:s6+$0x5700]  }
0x67: {  	v26 =	vld [tilespmem:s6+$0x5780]  }
0x68: {  	v27 =	vld [tilespmem:s6+$0x5500]  }
0x69: {  	v28 =	vld [tilespmem:s6+$0x5580]  }
0x6a: {  	v29 =	vld [tilespmem:s6+$0x5300]  }
0x6b: {  	v30 =	vld [tilespmem:s6+$0x5100]  }
0x6c: {  	v31 =	vld [tilespmem:s6+$0x5180]  }
0x6d: {  	v33 =	vld [tilespmem:s6+$0x5380]  }
0x6e: {  	v32 =	vld [tilespmem:s6+$0x5200]  }
0x6f: {  	v34 =	vld [tilespmem:s6+$0x5400]  }
0x70: {  	v2 =	vmov s15;
	s4 =	simm.s32 $0x40;
	v35 =	vld [tilespmem:s6+$0x5280]  }
.LBB2_3:
0x71: {  	p0 =	sne.s32 s4, $0x1C0;
	v36 =	vld [tilespmem:s6+$0x5480]  }
0x72: {  	v37 =	vld [tilespmem:s6+$0x5600]  }
0x73: {  	v38 =	vld [tilespmem:s6+$0x5680]  }
0x74: {  	v39 =	vld [tilespmem:s6+$0x5800]  }
0x75: {  	v29 =	vadd.f32 v29, v30;
	v30 =	vadd.f32 v33, v31;
	v31 =	vld [tilespmem:s6+$0x5880]  }
0x76: {  	v32 =	vadd.f32 v34, v32;
	v33 =	vadd.f32 v36, v35;
	v34 =	vld [tilespmem:s6+$0x5A00]  }
0x77: {  	v27 =	vadd.f32 v27, v29;
	v28 =	vadd.f32 v28, v30;
	v29 =	vld [tilespmem:s6+$0x5A80]  }
0x78: {  	v30 =	vadd.f32 v37, v32;
	v32 =	vadd.f32 v38, v33;
	v33 =	vld [tilespmem:s6+$0x5C00]  }
0x79: {  	v25 =	vadd.f32 v25, v27;
	v26 =	vadd.f32 v26, v28;
	v27 =	vld [tilespmem:s6+$0x5C80]  }
0x7a: {  	v28 =	vadd.f32 v39, v30;
	v30 =	vadd.f32 v31, v32;
	v31 =	vld [tilespmem:s6+$0x5E00]  }
0x7b: {  	v23 =	vadd.f32 v23, v25;
	v24 =	vadd.f32 v24, v26;
	v25 =	vld [tilespmem:s6+$0x5E80]  }
0x7c: {  	v26 =	vadd.f32 v34, v28;
	v28 =	vadd.f32 v29, v30;
	v29 =	vld [tilespmem:s6+$0x6000]  }
0x7d: {  	v21 =	vadd.f32 v21, v23;
	v22 =	vadd.f32 v22, v24;
	v23 =	vld [tilespmem:s6+$0x6080]  }
0x7e: {  	v24 =	vadd.f32 v33, v26;
	v26 =	vadd.f32 v27, v28;
	v27 =	vld [tilespmem:s6+$0x6200]  }
0x7f: {  	v19 =	vadd.f32 v19, v21;
	v20 =	vadd.f32 v20, v22;
	v21 =	vld [tilespmem:s6+$0x6280]  }
0x80: {  	v22 =	vadd.f32 v31, v24;
	v24 =	vadd.f32 v25, v26;
	v25 =	vld [tilespmem:s6+$0x6400]  }
0x81: {  	v17 =	vadd.f32 v17, v19;
	v18 =	vadd.f32 v18, v20;
	v19 =	vld [tilespmem:s6+$0x6480]  }
0x82: {  	v20 =	vadd.f32 v29, v22;
	v22 =	vadd.f32 v23, v24;
	v23 =	vld [tilespmem:s6+$0x6600]  }
0x83: {  	v15 =	vadd.f32 v15, v17;
	v16 =	vadd.f32 v16, v18;
	v17 =	vld [tilespmem:s6+$0x6680]  }
0x84: {  	v18 =	vadd.f32 v27, v20;
	v20 =	vadd.f32 v21, v22;
	v21 =	vld [tilespmem:s6+$0x6800]  }
0x85: {  	v13 =	vadd.f32 v13, v15;
	v14 =	vadd.f32 v14, v16;
	v15 =	vld [tilespmem:s6+$0x6880]  }
0x86: {  	v16 =	vadd.f32 v25, v18;
	v18 =	vadd.f32 v19, v20;
	v19 =	vld [tilespmem:s6+$0x6A00]  }
0x87: {  	v11 =	vadd.f32 v11, v13;
	v12 =	vadd.f32 v12, v14;
	v13 =	vld [tilespmem:s6+$0x6A80]  }
0x88: {  	v14 =	vadd.f32 v23, v16;
	v16 =	vadd.f32 v17, v18;
	v17 =	vld [tilespmem:s6+$0x6C00]  }
0x89: {  	v9 =	vadd.f32 v9, v11;
	v10 =	vadd.f32 v10, v12;
	v11 =	vld [tilespmem:s6+$0x6C80]  }
0x8a: {  	v12 =	vadd.f32 v21, v14;
	v14 =	vadd.f32 v15, v16;
	v15 =	vld [tilespmem:s6+$0x6E00]  }
0x8b: {  	v7 =	vadd.f32 v7, v9;
	v8 =	vadd.f32 v8, v10;
	v9 =	vld [tilespmem:s6+$0x6E80]  }
0x8c: {  	v10 =	vadd.f32 v19, v12;
	v12 =	vadd.f32 v13, v14;
	v13 =	vld [tilespmem:s6+$0x7000]  }
0x8d: {  	v5 =	vadd.f32 v5, v7;
	v6 =	vadd.f32 v6, v8;
	v7 =	vld [tilespmem:s6+$0x7080]  }
0x8e: {  	v8 =	vadd.f32 v17, v10;
	v10 =	vadd.f32 v11, v12  }
0x8f: {  	v3 =	vadd.f32 v3, v5;
	v4 =	vadd.f32 v4, v6  }
0x90: {  	v5 =	vadd.f32 v15, v8;
	v6 =	vadd.f32 v9, v10  }
0x91: {  	v0 =	vadd.f32 v0, v3;
	v1 =	vadd.f32 v1, v4  }
0x92: {  	v3 =	vadd.f32 v13, v5;
	v4 =	vadd.f32 v7, v6;
	_ =	sdelay $0x1  }
0x93: {  	v0 =	vadd.f32 v1, v0;
	v1 =	vadd.f32 v4, v3;
	_ =	sdelay $0x1  }
0x94: {  	v0 =	vadd.f32 v1, v0;
	_ =	sdelay $0x1  }
0x95: {  	[tilespmem:v2+s6+$0x0 ss:$0x1] =	vst.idx.msk $0xffff, v0;
	s6 =	sshra.s32 s4, $0x2  }
0x96: {  	v0 =	vld [tilespmem:s6+$0x6F00]  }
0x97: {  	v1 =	vld [tilespmem:s6+$0x6F80]  }
0x98: {  	v3 =	vld [tilespmem:s6+$0x6D00]  }
0x99: {  	v4 =	vld [tilespmem:s6+$0x6D80]  }
0x9a: {  	v5 =	vld [tilespmem:s6+$0x6B00]  }
0x9b: {  	v6 =	vld [tilespmem:s6+$0x6B80]  }
0x9c: {  	v7 =	vld [tilespmem:s6+$0x6900]  }
0x9d: {  	v8 =	vld [tilespmem:s6+$0x6980]  }
0x9e: {  	v9 =	vld [tilespmem:s6+$0x6700]  }
0x9f: {  	v10 =	vld [tilespmem:s6+$0x6780]  }
0xa0: {  	v11 =	vld [tilespmem:s6+$0x6500]  }
0xa1: {  	v12 =	vld [tilespmem:s6+$0x6580]  }
0xa2: {  	v13 =	vld [tilespmem:s6+$0x6300]  }
0xa3: {  	v14 =	vld [tilespmem:s6+$0x6380]  }
0xa4: {  	v15 =	vld [tilespmem:s6+$0x6100]  }
0xa5: {  	v16 =	vld [tilespmem:s6+$0x6180]  }
0xa6: {  	v17 =	vld [tilespmem:s6+$0x5F00]  }
0xa7: {  	v18 =	vld [tilespmem:s6+$0x5F80]  }
0xa8: {  	v19 =	vld [tilespmem:s6+$0x5D00]  }
0xa9: {  	v20 =	vld [tilespmem:s6+$0x5D80]  }
0xaa: {  	v21 =	vld [tilespmem:s6+$0x5B00]  }
0xab: {  	v22 =	vld [tilespmem:s6+$0x5B80]  }
0xac: {  	v23 =	vld [tilespmem:s6+$0x5900]  }
0xad: {  	v24 =	vld [tilespmem:s6+$0x5980]  }
0xae: {  	v25 =	vld [tilespmem:s6+$0x5700]  }
0xaf: {  	v26 =	vld [tilespmem:s6+$0x5780]  }
0xb0: {  	v27 =	vld [tilespmem:s6+$0x5500]  }
0xb1: {  	v28 =	vld [tilespmem:s6+$0x5580]  }
0xb2: {  	v29 =	vld [tilespmem:s6+$0x5300]  }
0xb3: {  	v30 =	vld [tilespmem:s6+$0x5100]  }
.Ltmp2:
0xb4: {  	v31 =	vld [tilespmem:s6+$0x5180];
	(pc) =	sbr.rel @p0 .LBB2_3-.Ltmp2, $4  }
0xb5: {  	v33 =	vld [tilespmem:s6+$0x5380]  }
0xb6: {  	v32 =	vld [tilespmem:s6+$0x5200]  }
0xb7: {  	v34 =	vld [tilespmem:s6+$0x5400]  }
0xb8: {  	s4 =	sadd.s32 $0x40, s4;
	v35 =	vld [tilespmem:s6+$0x5280]  }
0xb9: {  	v36 =	vld [tilespmem:s6+$0x5480]  }
0xba: {  	v37 =	vld [tilespmem:s6+$0x5600]  }
0xbb: {  	v38 =	vld [tilespmem:s6+$0x5680];
	v29 =	vadd.f32 v29, v30  }
0xbc: {  	v39 =	vld [tilespmem:s6+$0x5800]  }
0xbd: {  	v30 =	vadd.f32 v33, v31;
	v31 =	vld [tilespmem:s6+$0x5880];
	v27 =	vadd.f32 v27, v29  }
0xbe: {  	v61 =	vld [tilespmem:s6+$0x5A00];
	v32 =	vadd.f32 v34, v32;
	v60 =	vadd.f32 v36, v35  }
0xbf: {  	v29 =	vld [tilespmem:s6+$0x5A80];
	v28 =	vadd.f32 v28, v30;
	v25 =	vadd.f32 v25, v27  }
0xc0: {  	v63 =	vld [tilespmem:s6+$0x5C00];
	v30 =	vadd.f32 v37, v32;
	v62 =	vadd.f32 v38, v60  }
0xc1: {  	v27 =	vld [tilespmem:s6+$0x5C80];
	v26 =	vadd.f32 v26, v28;
	v23 =	vadd.f32 v23, v25  }
0xc2: {  	v25 =	vld [tilespmem:s6+$0x5E80];
	v28 =	vadd.f32 v39, v30;
	v30 =	vadd.f32 v31, v62  }
0xc3: {  	v24 =	vadd.f32 v24, v26;
	v21 =	vadd.f32 v21, v23;
	v31 =	vld [tilespmem:s6+$0x5E00]  }
0xc4: {  	v23 =	vld [tilespmem:s6+$0x6080];
	v26 =	vadd.f32 v61, v28;
	v28 =	vadd.f32 v29, v30  }
0xc5: {  	v22 =	vadd.f32 v22, v24;
	v19 =	vadd.f32 v19, v21;
	v29 =	vld [tilespmem:s6+$0x6000]  }
0xc6: {  	v21 =	vld [tilespmem:s6+$0x6280];
	v24 =	vadd.f32 v63, v26;
	v26 =	vadd.f32 v27, v28  }
0xc7: {  	v20 =	vadd.f32 v20, v22;
	v17 =	vadd.f32 v17, v19;
	v27 =	vld [tilespmem:s6+$0x6200]  }
0xc8: {  	v19 =	vld [tilespmem:s6+$0x6480];
	v22 =	vadd.f32 v31, v24;
	v24 =	vadd.f32 v25, v26  }
0xc9: {  	v18 =	vadd.f32 v18, v20;
	v15 =	vadd.f32 v15, v17;
	v25 =	vld [tilespmem:s6+$0x6400]  }
0xca: {  	v17 =	vld [tilespmem:s6+$0x6680];
	v20 =	vadd.f32 v29, v22;
	v22 =	vadd.f32 v23, v24  }
0xcb: {  	v16 =	vadd.f32 v16, v18;
	v13 =	vadd.f32 v13, v15;
	v23 =	vld [tilespmem:s6+$0x6600]  }
0xcc: {  	v15 =	vld [tilespmem:s6+$0x6880];
	v18 =	vadd.f32 v27, v20;
	v20 =	vadd.f32 v21, v22  }
0xcd: {  	v14 =	vadd.f32 v14, v16;
	v11 =	vadd.f32 v11, v13;
	v21 =	vld [tilespmem:s6+$0x6800]  }
0xce: {  	v13 =	vld [tilespmem:s6+$0x6A80];
	v16 =	vadd.f32 v25, v18;
	v18 =	vadd.f32 v19, v20  }
0xcf: {  	v12 =	vadd.f32 v12, v14;
	v9 =	vadd.f32 v9, v11;
	v19 =	vld [tilespmem:s6+$0x6A00]  }
0xd0: {  	v11 =	vld [tilespmem:s6+$0x6C80];
	v14 =	vadd.f32 v23, v16;
	v16 =	vadd.f32 v17, v18  }
0xd1: {  	v10 =	vadd.f32 v10, v12;
	v7 =	vadd.f32 v7, v9;
	v17 =	vld [tilespmem:s6+$0x6C00]  }
0xd2: {  	v9 =	vld [tilespmem:s6+$0x6E80];
	v12 =	vadd.f32 v21, v14;
	v14 =	vadd.f32 v15, v16  }
0xd3: {  	v8 =	vadd.f32 v8, v10;
	v5 =	vadd.f32 v5, v7;
	v15 =	vld [tilespmem:s6+$0x6E00]  }
0xd4: {  	v7 =	vld [tilespmem:s6+$0x7080];
	v10 =	vadd.f32 v19, v12;
	v12 =	vadd.f32 v13, v14  }
0xd5: {  	v6 =	vadd.f32 v6, v8;
	v13 =	vld [tilespmem:s6+$0x7000]  }
0xd6: {  	v8 =	vadd.f32 v17, v10;
	v10 =	vadd.f32 v11, v12  }
0xd7: {  	v3 =	vadd.f32 v3, v5;
	v4 =	vadd.f32 v4, v6  }
0xd8: {  	v5 =	vadd.f32 v15, v8;
	v6 =	vadd.f32 v9, v10  }
0xd9: {  	v0 =	vadd.f32 v0, v3;
	v1 =	vadd.f32 v1, v4  }
0xda: {  	v3 =	vadd.f32 v13, v5;
	v4 =	vadd.f32 v7, v6;
	_ =	sdelay $0x1  }
0xdb: {  	v0 =	vadd.f32 v1, v0;
	v1 =	vadd.f32 v4, v3;
	_ =	sdelay $0x1  }
0xdc: {  	s4 =	sshll.u32 s16, $0xB;
	p0 =	seq.s32 s16, $0x7;
	v0 =	vadd.f32 v1, v0  }
0xdd: {  	s5 =	sshrl.u32 @!p0 s4, $0x2  }
0xde: {  	s7 =	simm.s32 @!p0 $0x40;
	s8 =	simm.s32 @!p0 $0x5100;
	[tilespmem:v2+s6+$0x0 ss:$0x1] =	vst.idx.msk $0xffff, v0;
	s6 =	sadd.s32 @!p0 $0x300, s5  }
0xdf: {  	[tilespmem:s8], [sflag:$0x3] =	stream.indirect.gather @!p0 [hbm4b:s1+s7], $0x80, s6, s7, $0xb8;
	[tilespmem:$0x17100] =	vst v63  }
0xe0: {  	_ =	swait.ge [sflag:s17], $0x2000  }
0xe1: {  	[sflag:s17] =	ssyncset.done $0x0  }
0xe2: {  	s6 =	simm.s32 $0x0;
	[sflag:s17] =	ssyncadd.s32 $0xFFFFE000  }
0xe3: {  	v0 =	vld [tilespmem:s6+$0x8F00]  }
0xe4: {  	v1 =	vld [tilespmem:s6+$0x8F80]  }
0xe5: {  	v3 =	vld [tilespmem:s6+$0x8D00]  }
0xe6: {  	v4 =	vld [tilespmem:s6+$0x8D80]  }
0xe7: {  	v5 =	vld [tilespmem:s6+$0x8B00]  }
0xe8: {  	v6 =	vld [tilespmem:s6+$0x8B80]  }
0xe9: {  	v7 =	vld [tilespmem:s6+$0x8900]  }
0xea: {  	v8 =	vld [tilespmem:s6+$0x8980]  }
0xeb: {  	v9 =	vld [tilespmem:s6+$0x8700]  }
0xec: {  	v10 =	vld [tilespmem:s6+$0x8780]  }
0xed: {  	v11 =	vld [tilespmem:s6+$0x8500]  }
0xee: {  	v12 =	vld [tilespmem:s6+$0x8580]  }
0xef: {  	v13 =	vld [tilespmem:s6+$0x8300]  }
0xf0: {  	v14 =	vld [tilespmem:s6+$0x8380]  }
0xf1: {  	v15 =	vld [tilespmem:s6+$0x8100]  }
0xf2: {  	v16 =	vld [tilespmem:s6+$0x8180]  }
0xf3: {  	v17 =	vld [tilespmem:s6+$0x7F00]  }
0xf4: {  	v18 =	vld [tilespmem:s6+$0x7F80]  }
0xf5: {  	v19 =	vld [tilespmem:s6+$0x7D00]  }
0xf6: {  	v20 =	vld [tilespmem:s6+$0x7D80]  }
0xf7: {  	v21 =	vld [tilespmem:s6+$0x7B00]  }
0xf8: {  	v22 =	vld [tilespmem:s6+$0x7B80]  }
0xf9: {  	v23 =	vld [tilespmem:s6+$0x7900]  }
0xfa: {  	v24 =	vld [tilespmem:s6+$0x7980]  }
0xfb: {  	v25 =	vld [tilespmem:s6+$0x7700]  }
0xfc: {  	v26 =	vld [tilespmem:s6+$0x7780]  }
0xfd: {  	v27 =	vld [tilespmem:s6+$0x7500]  }
0xfe: {  	v28 =	vld [tilespmem:s6+$0x7580]  }
0xff: {  	v29 =	vld [tilespmem:s6+$0x7300]  }
0x100: {  	v30 =	vld [tilespmem:s6+$0x7100]  }
0x101: {  	v31 =	vld [tilespmem:s6+$0x7180]  }
0x102: {  	v33 =	vld [tilespmem:s6+$0x7380]  }
0x103: {  	v32 =	vld [tilespmem:s6+$0x7200]  }
0x104: {  	v34 =	vld [tilespmem:s6+$0x7400]  }
0x105: {  	v2 =	vmov s28;
	s7 =	simm.s32 $0x40;
	v35 =	vld [tilespmem:s6+$0x7280]  }
.LBB2_5:
0x106: {  	p1 =	sne.s32 s7, $0x1C0;
	v36 =	vld [tilespmem:s6+$0x7480]  }
0x107: {  	v37 =	vld [tilespmem:s6+$0x7600]  }
0x108: {  	v38 =	vld [tilespmem:s6+$0x7680]  }
0x109: {  	v39 =	vld [tilespmem:s6+$0x7800]  }
0x10a: {  	v29 =	vadd.f32 v29, v30;
	v30 =	vadd.f32 v33, v31;
	v31 =	vld [tilespmem:s6+$0x7880]  }
0x10b: {  	v32 =	vadd.f32 v34, v32;
	v33 =	vadd.f32 v36, v35;
	v34 =	vld [tilespmem:s6+$0x7A00]  }
0x10c: {  	v27 =	vadd.f32 v27, v29;
	v28 =	vadd.f32 v28, v30;
	v29 =	vld [tilespmem:s6+$0x7A80]  }
0x10d: {  	v30 =	vadd.f32 v37, v32;
	v32 =	vadd.f32 v38, v33;
	v33 =	vld [tilespmem:s6+$0x7C00]  }
0x10e: {  	v25 =	vadd.f32 v25, v27;
	v26 =	vadd.f32 v26, v28;
	v27 =	vld [tilespmem:s6+$0x7C80]  }
0x10f: {  	v28 =	vadd.f32 v39, v30;
	v30 =	vadd.f32 v31, v32;
	v31 =	vld [tilespmem:s6+$0x7E00]  }
0x110: {  	v23 =	vadd.f32 v23, v25;
	v24 =	vadd.f32 v24, v26;
	v25 =	vld [tilespmem:s6+$0x7E80]  }
0x111: {  	v26 =	vadd.f32 v34, v28;
	v28 =	vadd.f32 v29, v30;
	v29 =	vld [tilespmem:s6+$0x8000]  }
0x112: {  	v21 =	vadd.f32 v21, v23;
	v22 =	vadd.f32 v22, v24;
	v23 =	vld [tilespmem:s6+$0x8080]  }
0x113: {  	v24 =	vadd.f32 v33, v26;
	v26 =	vadd.f32 v27, v28;
	v27 =	vld [tilespmem:s6+$0x8200]  }
0x114: {  	v19 =	vadd.f32 v19, v21;
	v20 =	vadd.f32 v20, v22;
	v21 =	vld [tilespmem:s6+$0x8280]  }
0x115: {  	v22 =	vadd.f32 v31, v24;
	v24 =	vadd.f32 v25, v26;
	v25 =	vld [tilespmem:s6+$0x8400]  }
0x116: {  	v17 =	vadd.f32 v17, v19;
	v18 =	vadd.f32 v18, v20;
	v19 =	vld [tilespmem:s6+$0x8480]  }
0x117: {  	v20 =	vadd.f32 v29, v22;
	v22 =	vadd.f32 v23, v24;
	v23 =	vld [tilespmem:s6+$0x8600]  }
0x118: {  	v15 =	vadd.f32 v15, v17;
	v16 =	vadd.f32 v16, v18;
	v17 =	vld [tilespmem:s6+$0x8680]  }
0x119: {  	v18 =	vadd.f32 v27, v20;
	v20 =	vadd.f32 v21, v22;
	v21 =	vld [tilespmem:s6+$0x8800]  }
0x11a: {  	v13 =	vadd.f32 v13, v15;
	v14 =	vadd.f32 v14, v16;
	v15 =	vld [tilespmem:s6+$0x8880]  }
0x11b: {  	v16 =	vadd.f32 v25, v18;
	v18 =	vadd.f32 v19, v20;
	v19 =	vld [tilespmem:s6+$0x8A00]  }
0x11c: {  	v11 =	vadd.f32 v11, v13;
	v12 =	vadd.f32 v12, v14;
	v13 =	vld [tilespmem:s6+$0x8A80]  }
0x11d: {  	v14 =	vadd.f32 v23, v16;
	v16 =	vadd.f32 v17, v18;
	v17 =	vld [tilespmem:s6+$0x8C00]  }
0x11e: {  	v9 =	vadd.f32 v9, v11;
	v10 =	vadd.f32 v10, v12;
	v11 =	vld [tilespmem:s6+$0x8C80]  }
0x11f: {  	v12 =	vadd.f32 v21, v14;
	v14 =	vadd.f32 v15, v16;
	v15 =	vld [tilespmem:s6+$0x8E00]  }
0x120: {  	v7 =	vadd.f32 v7, v9;
	v8 =	vadd.f32 v8, v10;
	v9 =	vld [tilespmem:s6+$0x8E80]  }
0x121: {  	v10 =	vadd.f32 v19, v12;
	v12 =	vadd.f32 v13, v14;
	v13 =	vld [tilespmem:s6+$0x9000]  }
0x122: {  	v5 =	vadd.f32 v5, v7;
	v6 =	vadd.f32 v6, v8;
	v7 =	vld [tilespmem:s6+$0x9080]  }
0x123: {  	v8 =	vadd.f32 v17, v10;
	v10 =	vadd.f32 v11, v12  }
0x124: {  	v3 =	vadd.f32 v3, v5;
	v4 =	vadd.f32 v4, v6  }
0x125: {  	v5 =	vadd.f32 v15, v8;
	v6 =	vadd.f32 v9, v10  }
0x126: {  	v0 =	vadd.f32 v0, v3;
	v1 =	vadd.f32 v1, v4  }
0x127: {  	v3 =	vadd.f32 v13, v5;
	v4 =	vadd.f32 v7, v6;
	_ =	sdelay $0x1  }
0x128: {  	v0 =	vadd.f32 v1, v0;
	v1 =	vadd.f32 v4, v3;
	_ =	sdelay $0x1  }
0x129: {  	v0 =	vadd.f32 v1, v0;
	_ =	sdelay $0x1  }
0x12a: {  	[tilespmem:v2+s6+$0x0 ss:$0x1] =	vst.idx.msk $0xffff, v0;
	s6 =	sshra.s32 s7, $0x2  }
0x12b: {  	v0 =	vld [tilespmem:s6+$0x8F00]  }
0x12c: {  	v1 =	vld [tilespmem:s6+$0x8F80]  }
0x12d: {  	v3 =	vld [tilespmem:s6+$0x8D00]  }
0x12e: {  	v4 =	vld [tilespmem:s6+$0x8D80]  }
0x12f: {  	v5 =	vld [tilespmem:s6+$0x8B00]  }
0x130: {  	v6 =	vld [tilespmem:s6+$0x8B80]  }
0x131: {  	v7 =	vld [tilespmem:s6+$0x8900]  }
0x132: {  	v8 =	vld [tilespmem:s6+$0x8980]  }
0x133: {  	v9 =	vld [tilespmem:s6+$0x8700]  }
0x134: {  	v10 =	vld [tilespmem:s6+$0x8780]  }
0x135: {  	v11 =	vld [tilespmem:s6+$0x8500]  }
0x136: {  	v12 =	vld [tilespmem:s6+$0x8580]  }
0x137: {  	v13 =	vld [tilespmem:s6+$0x8300]  }
0x138: {  	v14 =	vld [tilespmem:s6+$0x8380]  }
0x139: {  	v15 =	vld [tilespmem:s6+$0x8100]  }
0x13a: {  	v16 =	vld [tilespmem:s6+$0x8180]  }
0x13b: {  	v17 =	vld [tilespmem:s6+$0x7F00]  }
0x13c: {  	v18 =	vld [tilespmem:s6+$0x7F80]  }
0x13d: {  	v19 =	vld [tilespmem:s6+$0x7D00]  }
0x13e: {  	v20 =	vld [tilespmem:s6+$0x7D80]  }
0x13f: {  	v21 =	vld [tilespmem:s6+$0x7B00]  }
0x140: {  	v22 =	vld [tilespmem:s6+$0x7B80]  }
0x141: {  	v23 =	vld [tilespmem:s6+$0x7900]  }
0x142: {  	v24 =	vld [tilespmem:s6+$0x7980]  }
0x143: {  	v25 =	vld [tilespmem:s6+$0x7700]  }
0x144: {  	v26 =	vld [tilespmem:s6+$0x7780]  }
0x145: {  	v27 =	vld [tilespmem:s6+$0x7500]  }
0x146: {  	v28 =	vld [tilespmem:s6+$0x7580]  }
0x147: {  	v29 =	vld [tilespmem:s6+$0x7300]  }
0x148: {  	v30 =	vld [tilespmem:s6+$0x7100]  }
.Ltmp3:
0x149: {  	v31 =	vld [tilespmem:s6+$0x7180];
	(pc) =	sbr.rel @p1 .LBB2_5-.Ltmp3, $4  }
0x14a: {  	v33 =	vld [tilespmem:s6+$0x7380]  }
0x14b: {  	v32 =	vld [tilespmem:s6+$0x7200]  }
0x14c: {  	v34 =	vld [tilespmem:s6+$0x7400]  }
0x14d: {  	s7 =	sadd.s32 $0x40, s7;
	v35 =	vld [tilespmem:s6+$0x7280]  }
0x14e: {  	v36 =	vld [tilespmem:s6+$0x7480]  }
0x14f: {  	v37 =	vld [tilespmem:s6+$0x7600]  }
0x150: {  	v38 =	vld [tilespmem:s6+$0x7680];
	v29 =	vadd.f32 v29, v30  }
0x151: {  	v39 =	vld [tilespmem:s6+$0x7800]  }
0x152: {  	v30 =	vadd.f32 v33, v31;
	v31 =	vld [tilespmem:s6+$0x7880];
	v27 =	vadd.f32 v27, v29  }
0x153: {  	v61 =	vld [tilespmem:s6+$0x7A00];
	v32 =	vadd.f32 v34, v32;
	v60 =	vadd.f32 v36, v35  }
0x154: {  	v29 =	vld [tilespmem:s6+$0x7A80];
	v28 =	vadd.f32 v28, v30;
	v25 =	vadd.f32 v25, v27  }
0x155: {  	v63 =	vld [tilespmem:s6+$0x7C00];
	v30 =	vadd.f32 v37, v32;
	v62 =	vadd.f32 v38, v60  }
0x156: {  	v27 =	vld [tilespmem:s6+$0x7C80];
	v26 =	vadd.f32 v26, v28;
	v23 =	vadd.f32 v23, v25  }
0x157: {  	v25 =	vld [tilespmem:s6+$0x7E80];
	v28 =	vadd.f32 v39, v30;
	v30 =	vadd.f32 v31, v62  }
0x158: {  	v24 =	vadd.f32 v24, v26;
	v21 =	vadd.f32 v21, v23;
	v31 =	vld [tilespmem:s6+$0x7E00]  }
0x159: {  	v23 =	vld [tilespmem:s6+$0x8080];
	v26 =	vadd.f32 v61, v28;
	v28 =	vadd.f32 v29, v30  }
0x15a: {  	v22 =	vadd.f32 v22, v24;
	v19 =	vadd.f32 v19, v21;
	v29 =	vld [tilespmem:s6+$0x8000]  }
0x15b: {  	v21 =	vld [tilespmem:s6+$0x8280];
	v24 =	vadd.f32 v63, v26;
	v26 =	vadd.f32 v27, v28  }
0x15c: {  	v20 =	vadd.f32 v20, v22;
	v17 =	vadd.f32 v17, v19;
	v27 =	vld [tilespmem:s6+$0x8200]  }
0x15d: {  	v19 =	vld [tilespmem:s6+$0x8480];
	v22 =	vadd.f32 v31, v24;
	v24 =	vadd.f32 v25, v26  }
0x15e: {  	v18 =	vadd.f32 v18, v20;
	v15 =	vadd.f32 v15, v17;
	v25 =	vld [tilespmem:s6+$0x8400]  }
0x15f: {  	v17 =	vld [tilespmem:s6+$0x8680];
	v20 =	vadd.f32 v29, v22;
	v22 =	vadd.f32 v23, v24  }
0x160: {  	v16 =	vadd.f32 v16, v18;
	v13 =	vadd.f32 v13, v15;
	v23 =	vld [tilespmem:s6+$0x8600]  }
0x161: {  	v15 =	vld [tilespmem:s6+$0x8880];
	v18 =	vadd.f32 v27, v20;
	v20 =	vadd.f32 v21, v22  }
0x162: {  	v14 =	vadd.f32 v14, v16;
	v11 =	vadd.f32 v11, v13;
	v21 =	vld [tilespmem:s6+$0x8800]  }
0x163: {  	v13 =	vld [tilespmem:s6+$0x8A80];
	v16 =	vadd.f32 v25, v18;
	v18 =	vadd.f32 v19, v20  }
0x164: {  	v12 =	vadd.f32 v12, v14;
	v9 =	vadd.f32 v9, v11;
	v19 =	vld [tilespmem:s6+$0x8A00]  }
0x165: {  	v11 =	vld [tilespmem:s6+$0x8C80];
	v14 =	vadd.f32 v23, v16;
	v16 =	vadd.f32 v17, v18  }
0x166: {  	v10 =	vadd.f32 v10, v12;
	v7 =	vadd.f32 v7, v9;
	v17 =	vld [tilespmem:s6+$0x8C00]  }
0x167: {  	v9 =	vld [tilespmem:s6+$0x8E80];
	v12 =	vadd.f32 v21, v14;
	v14 =	vadd.f32 v15, v16  }
0x168: {  	v8 =	vadd.f32 v8, v10;
	v5 =	vadd.f32 v5, v7;
	v15 =	vld [tilespmem:s6+$0x8E00]  }
0x169: {  	v7 =	vld [tilespmem:s6+$0x9080];
	v10 =	vadd.f32 v19, v12;
	v12 =	vadd.f32 v13, v14  }
0x16a: {  	v6 =	vadd.f32 v6, v8;
	v13 =	vld [tilespmem:s6+$0x9000]  }
0x16b: {  	v8 =	vadd.f32 v17, v10;
	v10 =	vadd.f32 v11, v12  }
0x16c: {  	v3 =	vadd.f32 v3, v5;
	v4 =	vadd.f32 v4, v6  }
0x16d: {  	v5 =	vadd.f32 v15, v8;
	v6 =	vadd.f32 v9, v10  }
0x16e: {  	v0 =	vadd.f32 v0, v3;
	v1 =	vadd.f32 v1, v4  }
0x16f: {  	v3 =	vadd.f32 v13, v5;
	v4 =	vadd.f32 v7, v6;
	_ =	sdelay $0x1  }
0x170: {  	v0 =	vadd.f32 v1, v0;
	v1 =	vadd.f32 v4, v3;
	_ =	sdelay $0x1  }
0x171: {  	v0 =	vadd.f32 v1, v0;
	_ =	sdelay $0x1  }
0x172: {  	s7 =	simm.s32 @!p0 $0x40;
	s8 =	simm.s32 @!p0 $0x7100;
	[tilespmem:v2+s6+$0x0 ss:$0x1] =	vst.idx.msk $0xffff, v0;
	s6 =	sadd.s32 @!p0 $0x340, s5  }
0x173: {  	[tilespmem:s8], [sflag:$0x4] =	stream.indirect.gather @!p0 [hbm4b:s1+s7], $0x80, s6, s7, $0xb8;
	[tilespmem:$0x17100] =	vst v63  }
0x174: {  	_ =	swait.ge [sflag:s18], $0x2000  }
0x175: {  	[sflag:s18] =	ssyncset.done $0x0  }
0x176: {  	s6 =	simm.s32 $0x0;
	[sflag:s18] =	ssyncadd.s32 $0xFFFFE000  }
0x177: {  	v0 =	vld [tilespmem:s6+$0xAF00]  }
0x178: {  	v1 =	vld [tilespmem:s6+$0xAF80]  }
0x179: {  	v3 =	vld [tilespmem:s6+$0xAD00]  }
0x17a: {  	v4 =	vld [tilespmem:s6+$0xAD80]  }
0x17b: {  	v5 =	vld [tilespmem:s6+$0xAB00]  }
0x17c: {  	v6 =	vld [tilespmem:s6+$0xAB80]  }
0x17d: {  	v7 =	vld [tilespmem:s6+$0xA900]  }
0x17e: {  	v8 =	vld [tilespmem:s6+$0xA980]  }
0x17f: {  	v9 =	vld [tilespmem:s6+$0xA700]  }
0x180: {  	v10 =	vld [tilespmem:s6+$0xA780]  }
0x181: {  	v11 =	vld [tilespmem:s6+$0xA500]  }
0x182: {  	v12 =	vld [tilespmem:s6+$0xA580]  }
0x183: {  	v13 =	vld [tilespmem:s6+$0xA300]  }
0x184: {  	v14 =	vld [tilespmem:s6+$0xA380]  }
0x185: {  	v15 =	vld [tilespmem:s6+$0xA100]  }
0x186: {  	v16 =	vld [tilespmem:s6+$0xA180]  }
0x187: {  	v17 =	vld [tilespmem:s6+$0x9F00]  }
0x188: {  	v18 =	vld [tilespmem:s6+$0x9F80]  }
0x189: {  	v19 =	vld [tilespmem:s6+$0x9D00]  }
0x18a: {  	v20 =	vld [tilespmem:s6+$0x9D80]  }
0x18b: {  	v21 =	vld [tilespmem:s6+$0x9B00]  }
0x18c: {  	v22 =	vld [tilespmem:s6+$0x9B80]  }
0x18d: {  	v23 =	vld [tilespmem:s6+$0x9900]  }
0x18e: {  	v24 =	vld [tilespmem:s6+$0x9980]  }
0x18f: {  	v25 =	vld [tilespmem:s6+$0x9700]  }
0x190: {  	v26 =	vld [tilespmem:s6+$0x9780]  }
0x191: {  	v27 =	vld [tilespmem:s6+$0x9500]  }
0x192: {  	v28 =	vld [tilespmem:s6+$0x9580]  }
0x193: {  	v29 =	vld [tilespmem:s6+$0x9300]  }
0x194: {  	v30 =	vld [tilespmem:s6+$0x9100]  }
0x195: {  	v31 =	vld [tilespmem:s6+$0x9180]  }
0x196: {  	v33 =	vld [tilespmem:s6+$0x9380]  }
0x197: {  	v32 =	vld [tilespmem:s6+$0x9200]  }
0x198: {  	v34 =	vld [tilespmem:s6+$0x9400]  }
0x199: {  	v2 =	vmov s29;
	s7 =	simm.s32 $0x40;
	v35 =	vld [tilespmem:s6+$0x9280]  }
.LBB2_7:
0x19a: {  	p1 =	sne.s32 s7, $0x1C0;
	v36 =	vld [tilespmem:s6+$0x9480]  }
0x19b: {  	v37 =	vld [tilespmem:s6+$0x9600]  }
0x19c: {  	v38 =	vld [tilespmem:s6+$0x9680]  }
0x19d: {  	v39 =	vld [tilespmem:s6+$0x9800]  }
0x19e: {  	v29 =	vadd.f32 v29, v30;
	v30 =	vadd.f32 v33, v31;
	v31 =	vld [tilespmem:s6+$0x9880]  }
0x19f: {  	v32 =	vadd.f32 v34, v32;
	v33 =	vadd.f32 v36, v35;
	v34 =	vld [tilespmem:s6+$0x9A00]  }
0x1a0: {  	v27 =	vadd.f32 v27, v29;
	v28 =	vadd.f32 v28, v30;
	v29 =	vld [tilespmem:s6+$0x9A80]  }
0x1a1: {  	v30 =	vadd.f32 v37, v32;
	v32 =	vadd.f32 v38, v33;
	v33 =	vld [tilespmem:s6+$0x9C00]  }
0x1a2: {  	v25 =	vadd.f32 v25, v27;
	v26 =	vadd.f32 v26, v28;
	v27 =	vld [tilespmem:s6+$0x9C80]  }
0x1a3: {  	v28 =	vadd.f32 v39, v30;
	v30 =	vadd.f32 v31, v32;
	v31 =	vld [tilespmem:s6+$0x9E00]  }
0x1a4: {  	v23 =	vadd.f32 v23, v25;
	v24 =	vadd.f32 v24, v26;
	v25 =	vld [tilespmem:s6+$0x9E80]  }
0x1a5: {  	v26 =	vadd.f32 v34, v28;
	v28 =	vadd.f32 v29, v30;
	v29 =	vld [tilespmem:s6+$0xA000]  }
0x1a6: {  	v21 =	vadd.f32 v21, v23;
	v22 =	vadd.f32 v22, v24;
	v23 =	vld [tilespmem:s6+$0xA080]  }
0x1a7: {  	v24 =	vadd.f32 v33, v26;
	v26 =	vadd.f32 v27, v28;
	v27 =	vld [tilespmem:s6+$0xA200]  }
0x1a8: {  	v19 =	vadd.f32 v19, v21;
	v20 =	vadd.f32 v20, v22;
	v21 =	vld [tilespmem:s6+$0xA280]  }
0x1a9: {  	v22 =	vadd.f32 v31, v24;
	v24 =	vadd.f32 v25, v26;
	v25 =	vld [tilespmem:s6+$0xA400]  }
0x1aa: {  	v17 =	vadd.f32 v17, v19;
	v18 =	vadd.f32 v18, v20;
	v19 =	vld [tilespmem:s6+$0xA480]  }
0x1ab: {  	v20 =	vadd.f32 v29, v22;
	v22 =	vadd.f32 v23, v24;
	v23 =	vld [tilespmem:s6+$0xA600]  }
0x1ac: {  	v15 =	vadd.f32 v15, v17;
	v16 =	vadd.f32 v16, v18;
	v17 =	vld [tilespmem:s6+$0xA680]  }
0x1ad: {  	v18 =	vadd.f32 v27, v20;
	v20 =	vadd.f32 v21, v22;
	v21 =	vld [tilespmem:s6+$0xA800]  }
0x1ae: {  	v13 =	vadd.f32 v13, v15;
	v14 =	vadd.f32 v14, v16;
	v15 =	vld [tilespmem:s6+$0xA880]  }
0x1af: {  	v16 =	vadd.f32 v25, v18;
	v18 =	vadd.f32 v19, v20;
	v19 =	vld [tilespmem:s6+$0xAA00]  }
0x1b0: {  	v11 =	vadd.f32 v11, v13;
	v12 =	vadd.f32 v12, v14;
	v13 =	vld [tilespmem:s6+$0xAA80]  }
0x1b1: {  	v14 =	vadd.f32 v23, v16;
	v16 =	vadd.f32 v17, v18;
	v17 =	vld [tilespmem:s6+$0xAC00]  }
0x1b2: {  	v9 =	vadd.f32 v9, v11;
	v10 =	vadd.f32 v10, v12;
	v11 =	vld [tilespmem:s6+$0xAC80]  }
0x1b3: {  	v12 =	vadd.f32 v21, v14;
	v14 =	vadd.f32 v15, v16;
	v15 =	vld [tilespmem:s6+$0xAE00]  }
0x1b4: {  	v7 =	vadd.f32 v7, v9;
	v8 =	vadd.f32 v8, v10;
	v9 =	vld [tilespmem:s6+$0xAE80]  }
0x1b5: {  	v10 =	vadd.f32 v19, v12;
	v12 =	vadd.f32 v13, v14;
	v13 =	vld [tilespmem:s6+$0xB000]  }
0x1b6: {  	v5 =	vadd.f32 v5, v7;
	v6 =	vadd.f32 v6, v8;
	v7 =	vld [tilespmem:s6+$0xB080]  }
0x1b7: {  	v8 =	vadd.f32 v17, v10;
	v10 =	vadd.f32 v11, v12  }
0x1b8: {  	v3 =	vadd.f32 v3, v5;
	v4 =	vadd.f32 v4, v6  }
0x1b9: {  	v5 =	vadd.f32 v15, v8;
	v6 =	vadd.f32 v9, v10  }
0x1ba: {  	v0 =	vadd.f32 v0, v3;
	v1 =	vadd.f32 v1, v4  }
0x1bb: {  	v3 =	vadd.f32 v13, v5;
	v4 =	vadd.f32 v7, v6;
	_ =	sdelay $0x1  }
0x1bc: {  	v0 =	vadd.f32 v1, v0;
	v1 =	vadd.f32 v4, v3;
	_ =	sdelay $0x1  }
0x1bd: {  	v0 =	vadd.f32 v1, v0;
	_ =	sdelay $0x1  }
0x1be: {  	[tilespmem:v2+s6+$0x0 ss:$0x1] =	vst.idx.msk $0xffff, v0;
	s6 =	sshra.s32 s7, $0x2  }
0x1bf: {  	v0 =	vld [tilespmem:s6+$0xAF00]  }
0x1c0: {  	v1 =	vld [tilespmem:s6+$0xAF80]  }
0x1c1: {  	v3 =	vld [tilespmem:s6+$0xAD00]  }
0x1c2: {  	v4 =	vld [tilespmem:s6+$0xAD80]  }
0x1c3: {  	v5 =	vld [tilespmem:s6+$0xAB00]  }
0x1c4: {  	v6 =	vld [tilespmem:s6+$0xAB80]  }
0x1c5: {  	v7 =	vld [tilespmem:s6+$0xA900]  }
0x1c6: {  	v8 =	vld [tilespmem:s6+$0xA980]  }
0x1c7: {  	v9 =	vld [tilespmem:s6+$0xA700]  }
0x1c8: {  	v10 =	vld [tilespmem:s6+$0xA780]  }
0x1c9: {  	v11 =	vld [tilespmem:s6+$0xA500]  }
0x1ca: {  	v12 =	vld [tilespmem:s6+$0xA580]  }
0x1cb: {  	v13 =	vld [tilespmem:s6+$0xA300]  }
0x1cc: {  	v14 =	vld [tilespmem:s6+$0xA380]  }
0x1cd: {  	v15 =	vld [tilespmem:s6+$0xA100]  }
0x1ce: {  	v16 =	vld [tilespmem:s6+$0xA180]  }
0x1cf: {  	v17 =	vld [tilespmem:s6+$0x9F00]  }
0x1d0: {  	v18 =	vld [tilespmem:s6+$0x9F80]  }
0x1d1: {  	v19 =	vld [tilespmem:s6+$0x9D00]  }
0x1d2: {  	v20 =	vld [tilespmem:s6+$0x9D80]  }
0x1d3: {  	v21 =	vld [tilespmem:s6+$0x9B00]  }
0x1d4: {  	v22 =	vld [tilespmem:s6+$0x9B80]  }
0x1d5: {  	v23 =	vld [tilespmem:s6+$0x9900]  }
0x1d6: {  	v24 =	vld [tilespmem:s6+$0x9980]  }
0x1d7: {  	v25 =	vld [tilespmem:s6+$0x9700]  }
0x1d8: {  	v26 =	vld [tilespmem:s6+$0x9780]  }
0x1d9: {  	v27 =	vld [tilespmem:s6+$0x9500]  }
0x1da: {  	v28 =	vld [tilespmem:s6+$0x9580]  }
0x1db: {  	v29 =	vld [tilespmem:s6+$0x9300]  }
0x1dc: {  	v30 =	vld [tilespmem:s6+$0x9100]  }
.Ltmp4:
0x1dd: {  	v31 =	vld [tilespmem:s6+$0x9180];
	(pc) =	sbr.rel @p1 .LBB2_7-.Ltmp4, $4  }
0x1de: {  	v33 =	vld [tilespmem:s6+$0x9380]  }
0x1df: {  	v32 =	vld [tilespmem:s6+$0x9200]  }
0x1e0: {  	v34 =	vld [tilespmem:s6+$0x9400]  }
0x1e1: {  	s7 =	sadd.s32 $0x40, s7;
	v35 =	vld [tilespmem:s6+$0x9280]  }
0x1e2: {  	v36 =	vld [tilespmem:s6+$0x9480]  }
0x1e3: {  	v37 =	vld [tilespmem:s6+$0x9600]  }
0x1e4: {  	v38 =	vld [tilespmem:s6+$0x9680];
	v29 =	vadd.f32 v29, v30  }
0x1e5: {  	v39 =	vld [tilespmem:s6+$0x9800]  }
0x1e6: {  	v30 =	vadd.f32 v33, v31;
	v31 =	vld [tilespmem:s6+$0x9880];
	v27 =	vadd.f32 v27, v29  }
0x1e7: {  	v61 =	vld [tilespmem:s6+$0x9A00];
	v32 =	vadd.f32 v34, v32;
	v60 =	vadd.f32 v36, v35  }
0x1e8: {  	v29 =	vld [tilespmem:s6+$0x9A80];
	v28 =	vadd.f32 v28, v30;
	v25 =	vadd.f32 v25, v27  }
0x1e9: {  	v63 =	vld [tilespmem:s6+$0x9C00];
	v30 =	vadd.f32 v37, v32;
	v62 =	vadd.f32 v38, v60  }
0x1ea: {  	v27 =	vld [tilespmem:s6+$0x9C80];
	v26 =	vadd.f32 v26, v28;
	v23 =	vadd.f32 v23, v25  }
0x1eb: {  	v25 =	vld [tilespmem:s6+$0x9E80];
	v28 =	vadd.f32 v39, v30;
	v30 =	vadd.f32 v31, v62  }
0x1ec: {  	v24 =	vadd.f32 v24, v26;
	v21 =	vadd.f32 v21, v23;
	v31 =	vld [tilespmem:s6+$0x9E00]  }
0x1ed: {  	v23 =	vld [tilespmem:s6+$0xA080];
	v26 =	vadd.f32 v61, v28;
	v28 =	vadd.f32 v29, v30  }
0x1ee: {  	v22 =	vadd.f32 v22, v24;
	v19 =	vadd.f32 v19, v21;
	v29 =	vld [tilespmem:s6+$0xA000]  }
0x1ef: {  	v21 =	vld [tilespmem:s6+$0xA280];
	v24 =	vadd.f32 v63, v26;
	v26 =	vadd.f32 v27, v28  }
0x1f0: {  	v20 =	vadd.f32 v20, v22;
	v17 =	vadd.f32 v17, v19;
	v27 =	vld [tilespmem:s6+$0xA200]  }
0x1f1: {  	v19 =	vld [tilespmem:s6+$0xA480];
	v22 =	vadd.f32 v31, v24;
	v24 =	vadd.f32 v25, v26  }
0x1f2: {  	v18 =	vadd.f32 v18, v20;
	v15 =	vadd.f32 v15, v17;
	v25 =	vld [tilespmem:s6+$0xA400]  }
0x1f3: {  	v17 =	vld [tilespmem:s6+$0xA680];
	v20 =	vadd.f32 v29, v22;
	v22 =	vadd.f32 v23, v24  }
0x1f4: {  	v16 =	vadd.f32 v16, v18;
	v13 =	vadd.f32 v13, v15;
	v23 =	vld [tilespmem:s6+$0xA600]  }
0x1f5: {  	v15 =	vld [tilespmem:s6+$0xA880];
	v18 =	vadd.f32 v27, v20;
	v20 =	vadd.f32 v21, v22  }
0x1f6: {  	v14 =	vadd.f32 v14, v16;
	v11 =	vadd.f32 v11, v13;
	v21 =	vld [tilespmem:s6+$0xA800]  }
0x1f7: {  	v13 =	vld [tilespmem:s6+$0xAA80];
	v16 =	vadd.f32 v25, v18;
	v18 =	vadd.f32 v19, v20  }
0x1f8: {  	v12 =	vadd.f32 v12, v14;
	v9 =	vadd.f32 v9, v11;
	v19 =	vld [tilespmem:s6+$0xAA00]  }
0x1f9: {  	v11 =	vld [tilespmem:s6+$0xAC80];
	v14 =	vadd.f32 v23, v16;
	v16 =	vadd.f32 v17, v18  }
0x1fa: {  	v10 =	vadd.f32 v10, v12;
	v7 =	vadd.f32 v7, v9;
	v17 =	vld [tilespmem:s6+$0xAC00]  }
0x1fb: {  	v9 =	vld [tilespmem:s6+$0xAE80];
	v12 =	vadd.f32 v21, v14;
	v14 =	vadd.f32 v15, v16  }
0x1fc: {  	v8 =	vadd.f32 v8, v10;
	v5 =	vadd.f32 v5, v7;
	v15 =	vld [tilespmem:s6+$0xAE00]  }
0x1fd: {  	v7 =	vld [tilespmem:s6+$0xB080];
	v10 =	vadd.f32 v19, v12;
	v12 =	vadd.f32 v13, v14  }
0x1fe: {  	v6 =	vadd.f32 v6, v8;
	v13 =	vld [tilespmem:s6+$0xB000]  }
0x1ff: {  	v8 =	vadd.f32 v17, v10;
	v10 =	vadd.f32 v11, v12  }
0x200: {  	v3 =	vadd.f32 v3, v5;
	v4 =	vadd.f32 v4, v6  }
0x201: {  	v5 =	vadd.f32 v15, v8;
	v6 =	vadd.f32 v9, v10  }
0x202: {  	v0 =	vadd.f32 v0, v3;
	v1 =	vadd.f32 v1, v4  }
0x203: {  	v3 =	vadd.f32 v13, v5;
	v4 =	vadd.f32 v7, v6;
	_ =	sdelay $0x1  }
0x204: {  	v0 =	vadd.f32 v1, v0;
	v1 =	vadd.f32 v4, v3;
	_ =	sdelay $0x1  }
0x205: {  	v0 =	vadd.f32 v1, v0;
	_ =	sdelay $0x1  }
0x206: {  	s7 =	simm.s32 @!p0 $0x40;
	s8 =	simm.s32 @!p0 $0x9100;
	[tilespmem:v2+s6+$0x0 ss:$0x1] =	vst.idx.msk $0xffff, v0;
	s6 =	sadd.s32 @!p0 $0x380, s5  }
0x207: {  	[tilespmem:s8], [sflag:$0x5] =	stream.indirect.gather @!p0 [hbm4b:s1+s7], $0x80, s6, s7, $0xb8;
	[tilespmem:$0x17100] =	vst v63  }
0x208: {  	_ =	swait.ge [sflag:s19], $0x2000  }
0x209: {  	[sflag:s19] =	ssyncset.done $0x0  }
0x20a: {  	s6 =	simm.s32 $0x0;
	[sflag:s19] =	ssyncadd.s32 $0xFFFFE000  }
0x20b: {  	v0 =	vld [tilespmem:s6+$0xCF00]  }
0x20c: {  	v1 =	vld [tilespmem:s6+$0xCF80]  }
0x20d: {  	v3 =	vld [tilespmem:s6+$0xCD00]  }
0x20e: {  	v4 =	vld [tilespmem:s6+$0xCD80]  }
0x20f: {  	v5 =	vld [tilespmem:s6+$0xCB00]  }
0x210: {  	v6 =	vld [tilespmem:s6+$0xCB80]  }
0x211: {  	v7 =	vld [tilespmem:s6+$0xC900]  }
0x212: {  	v8 =	vld [tilespmem:s6+$0xC980]  }
0x213: {  	v9 =	vld [tilespmem:s6+$0xC700]  }
0x214: {  	v10 =	vld [tilespmem:s6+$0xC780]  }
0x215: {  	v11 =	vld [tilespmem:s6+$0xC500]  }
0x216: {  	v12 =	vld [tilespmem:s6+$0xC580]  }
0x217: {  	v13 =	vld [tilespmem:s6+$0xC300]  }
0x218: {  	v14 =	vld [tilespmem:s6+$0xC380]  }
0x219: {  	v15 =	vld [tilespmem:s6+$0xC100]  }
0x21a: {  	v16 =	vld [tilespmem:s6+$0xC180]  }
0x21b: {  	v17 =	vld [tilespmem:s6+$0xBF00]  }
0x21c: {  	v18 =	vld [tilespmem:s6+$0xBF80]  }
0x21d: {  	v19 =	vld [tilespmem:s6+$0xBD00]  }
0x21e: {  	v20 =	vld [tilespmem:s6+$0xBD80]  }
0x21f: {  	v21 =	vld [tilespmem:s6+$0xBB00]  }
0x220: {  	v22 =	vld [tilespmem:s6+$0xBB80]  }
0x221: {  	v23 =	vld [tilespmem:s6+$0xB900]  }
0x222: {  	v24 =	vld [tilespmem:s6+$0xB980]  }
0x223: {  	v25 =	vld [tilespmem:s6+$0xB700]  }
0x224: {  	v26 =	vld [tilespmem:s6+$0xB780]  }
0x225: {  	v27 =	vld [tilespmem:s6+$0xB500]  }
0x226: {  	v28 =	vld [tilespmem:s6+$0xB580]  }
0x227: {  	v29 =	vld [tilespmem:s6+$0xB300]  }
0x228: {  	v30 =	vld [tilespmem:s6+$0xB100]  }
0x229: {  	v31 =	vld [tilespmem:s6+$0xB180]  }
0x22a: {  	v33 =	vld [tilespmem:s6+$0xB380]  }
0x22b: {  	v32 =	vld [tilespmem:s6+$0xB200]  }
0x22c: {  	v34 =	vld [tilespmem:s6+$0xB400]  }
0x22d: {  	v2 =	vmov s30;
	s7 =	simm.s32 $0x40;
	v35 =	vld [tilespmem:s6+$0xB280]  }
.LBB2_9:
0x22e: {  	p1 =	sne.s32 s7, $0x1C0;
	v36 =	vld [tilespmem:s6+$0xB480]  }
0x22f: {  	v37 =	vld [tilespmem:s6+$0xB600]  }
0x230: {  	v38 =	vld [tilespmem:s6+$0xB680]  }
0x231: {  	v39 =	vld [tilespmem:s6+$0xB800]  }
0x232: {  	v29 =	vadd.f32 v29, v30;
	v30 =	vadd.f32 v33, v31;
	v31 =	vld [tilespmem:s6+$0xB880]  }
0x233: {  	v32 =	vadd.f32 v34, v32;
	v33 =	vadd.f32 v36, v35;
	v34 =	vld [tilespmem:s6+$0xBA00]  }
0x234: {  	v27 =	vadd.f32 v27, v29;
	v28 =	vadd.f32 v28, v30;
	v29 =	vld [tilespmem:s6+$0xBA80]  }
0x235: {  	v30 =	vadd.f32 v37, v32;
	v32 =	vadd.f32 v38, v33;
	v33 =	vld [tilespmem:s6+$0xBC00]  }
0x236: {  	v25 =	vadd.f32 v25, v27;
	v26 =	vadd.f32 v26, v28;
	v27 =	vld [tilespmem:s6+$0xBC80]  }
0x237: {  	v28 =	vadd.f32 v39, v30;
	v30 =	vadd.f32 v31, v32;
	v31 =	vld [tilespmem:s6+$0xBE00]  }
0x238: {  	v23 =	vadd.f32 v23, v25;
	v24 =	vadd.f32 v24, v26;
	v25 =	vld [tilespmem:s6+$0xBE80]  }
0x239: {  	v26 =	vadd.f32 v34, v28;
	v28 =	vadd.f32 v29, v30;
	v29 =	vld [tilespmem:s6+$0xC000]  }
0x23a: {  	v21 =	vadd.f32 v21, v23;
	v22 =	vadd.f32 v22, v24;
	v23 =	vld [tilespmem:s6+$0xC080]  }
0x23b: {  	v24 =	vadd.f32 v33, v26;
	v26 =	vadd.f32 v27, v28;
	v27 =	vld [tilespmem:s6+$0xC200]  }
0x23c: {  	v19 =	vadd.f32 v19, v21;
	v20 =	vadd.f32 v20, v22;
	v21 =	vld [tilespmem:s6+$0xC280]  }
0x23d: {  	v22 =	vadd.f32 v31, v24;
	v24 =	vadd.f32 v25, v26;
	v25 =	vld [tilespmem:s6+$0xC400]  }
0x23e: {  	v17 =	vadd.f32 v17, v19;
	v18 =	vadd.f32 v18, v20;
	v19 =	vld [tilespmem:s6+$0xC480]  }
0x23f: {  	v20 =	vadd.f32 v29, v22;
	v22 =	vadd.f32 v23, v24;
	v23 =	vld [tilespmem:s6+$0xC600]  }
0x240: {  	v15 =	vadd.f32 v15, v17;
	v16 =	vadd.f32 v16, v18;
	v17 =	vld [tilespmem:s6+$0xC680]  }
0x241: {  	v18 =	vadd.f32 v27, v20;
	v20 =	vadd.f32 v21, v22;
	v21 =	vld [tilespmem:s6+$0xC800]  }
0x242: {  	v13 =	vadd.f32 v13, v15;
	v14 =	vadd.f32 v14, v16;
	v15 =	vld [tilespmem:s6+$0xC880]  }
0x243: {  	v16 =	vadd.f32 v25, v18;
	v18 =	vadd.f32 v19, v20;
	v19 =	vld [tilespmem:s6+$0xCA00]  }
0x244: {  	v11 =	vadd.f32 v11, v13;
	v12 =	vadd.f32 v12, v14;
	v13 =	vld [tilespmem:s6+$0xCA80]  }
0x245: {  	v14 =	vadd.f32 v23, v16;
	v16 =	vadd.f32 v17, v18;
	v17 =	vld [tilespmem:s6+$0xCC00]  }
0x246: {  	v9 =	vadd.f32 v9, v11;
	v10 =	vadd.f32 v10, v12;
	v11 =	vld [tilespmem:s6+$0xCC80]  }
0x247: {  	v12 =	vadd.f32 v21, v14;
	v14 =	vadd.f32 v15, v16;
	v15 =	vld [tilespmem:s6+$0xCE00]  }
0x248: {  	v7 =	vadd.f32 v7, v9;
	v8 =	vadd.f32 v8, v10;
	v9 =	vld [tilespmem:s6+$0xCE80]  }
0x249: {  	v10 =	vadd.f32 v19, v12;
	v12 =	vadd.f32 v13, v14;
	v13 =	vld [tilespmem:s6+$0xD000]  }
0x24a: {  	v5 =	vadd.f32 v5, v7;
	v6 =	vadd.f32 v6, v8;
	v7 =	vld [tilespmem:s6+$0xD080]  }
0x24b: {  	v8 =	vadd.f32 v17, v10;
	v10 =	vadd.f32 v11, v12  }
0x24c: {  	v3 =	vadd.f32 v3, v5;
	v4 =	vadd.f32 v4, v6  }
0x24d: {  	v5 =	vadd.f32 v15, v8;
	v6 =	vadd.f32 v9, v10  }
0x24e: {  	v0 =	vadd.f32 v0, v3;
	v1 =	vadd.f32 v1, v4  }
0x24f: {  	v3 =	vadd.f32 v13, v5;
	v4 =	vadd.f32 v7, v6;
	_ =	sdelay $0x1  }
0x250: {  	v0 =	vadd.f32 v1, v0;
	v1 =	vadd.f32 v4, v3;
	_ =	sdelay $0x1  }
0x251: {  	v0 =	vadd.f32 v1, v0;
	_ =	sdelay $0x1  }
0x252: {  	[tilespmem:v2+s6+$0x0 ss:$0x1] =	vst.idx.msk $0xffff, v0;
	s6 =	sshra.s32 s7, $0x2  }
0x253: {  	v0 =	vld [tilespmem:s6+$0xCF00]  }
0x254: {  	v1 =	vld [tilespmem:s6+$0xCF80]  }
0x255: {  	v3 =	vld [tilespmem:s6+$0xCD00]  }
0x256: {  	v4 =	vld [tilespmem:s6+$0xCD80]  }
0x257: {  	v5 =	vld [tilespmem:s6+$0xCB00]  }
0x258: {  	v6 =	vld [tilespmem:s6+$0xCB80]  }
0x259: {  	v7 =	vld [tilespmem:s6+$0xC900]  }
0x25a: {  	v8 =	vld [tilespmem:s6+$0xC980]  }
0x25b: {  	v9 =	vld [tilespmem:s6+$0xC700]  }
0x25c: {  	v10 =	vld [tilespmem:s6+$0xC780]  }
0x25d: {  	v11 =	vld [tilespmem:s6+$0xC500]  }
0x25e: {  	v12 =	vld [tilespmem:s6+$0xC580]  }
0x25f: {  	v13 =	vld [tilespmem:s6+$0xC300]  }
0x260: {  	v14 =	vld [tilespmem:s6+$0xC380]  }
0x261: {  	v15 =	vld [tilespmem:s6+$0xC100]  }
0x262: {  	v16 =	vld [tilespmem:s6+$0xC180]  }
0x263: {  	v17 =	vld [tilespmem:s6+$0xBF00]  }
0x264: {  	v18 =	vld [tilespmem:s6+$0xBF80]  }
0x265: {  	v19 =	vld [tilespmem:s6+$0xBD00]  }
0x266: {  	v20 =	vld [tilespmem:s6+$0xBD80]  }
0x267: {  	v21 =	vld [tilespmem:s6+$0xBB00]  }
0x268: {  	v22 =	vld [tilespmem:s6+$0xBB80]  }
0x269: {  	v23 =	vld [tilespmem:s6+$0xB900]  }
0x26a: {  	v24 =	vld [tilespmem:s6+$0xB980]  }
0x26b: {  	v25 =	vld [tilespmem:s6+$0xB700]  }
0x26c: {  	v26 =	vld [tilespmem:s6+$0xB780]  }
0x26d: {  	v27 =	vld [tilespmem:s6+$0xB500]  }
0x26e: {  	v28 =	vld [tilespmem:s6+$0xB580]  }
0x26f: {  	v29 =	vld [tilespmem:s6+$0xB300]  }
0x270: {  	v30 =	vld [tilespmem:s6+$0xB100]  }
.Ltmp5:
0x271: {  	v31 =	vld [tilespmem:s6+$0xB180];
	(pc) =	sbr.rel @p1 .LBB2_9-.Ltmp5, $4  }
0x272: {  	v33 =	vld [tilespmem:s6+$0xB380]  }
0x273: {  	v32 =	vld [tilespmem:s6+$0xB200]  }
0x274: {  	v34 =	vld [tilespmem:s6+$0xB400]  }
0x275: {  	s7 =	sadd.s32 $0x40, s7;
	v35 =	vld [tilespmem:s6+$0xB280]  }
0x276: {  	v36 =	vld [tilespmem:s6+$0xB480]  }
0x277: {  	v37 =	vld [tilespmem:s6+$0xB600]  }
0x278: {  	v38 =	vld [tilespmem:s6+$0xB680];
	v29 =	vadd.f32 v29, v30  }
0x279: {  	v39 =	vld [tilespmem:s6+$0xB800]  }
0x27a: {  	v30 =	vadd.f32 v33, v31;
	v31 =	vld [tilespmem:s6+$0xB880];
	v27 =	vadd.f32 v27, v29  }
0x27b: {  	v61 =	vld [tilespmem:s6+$0xBA00];
	v32 =	vadd.f32 v34, v32;
	v60 =	vadd.f32 v36, v35  }
0x27c: {  	v29 =	vld [tilespmem:s6+$0xBA80];
	v28 =	vadd.f32 v28, v30;
	v25 =	vadd.f32 v25, v27  }
0x27d: {  	v63 =	vld [tilespmem:s6+$0xBC00];
	v30 =	vadd.f32 v37, v32;
	v62 =	vadd.f32 v38, v60  }
0x27e: {  	v27 =	vld [tilespmem:s6+$0xBC80];
	v26 =	vadd.f32 v26, v28;
	v23 =	vadd.f32 v23, v25  }
0x27f: {  	v25 =	vld [tilespmem:s6+$0xBE80];
	v28 =	vadd.f32 v39, v30;
	v30 =	vadd.f32 v31, v62  }
0x280: {  	v24 =	vadd.f32 v24, v26;
	v21 =	vadd.f32 v21, v23;
	v31 =	vld [tilespmem:s6+$0xBE00]  }
0x281: {  	v23 =	vld [tilespmem:s6+$0xC080];
	v26 =	vadd.f32 v61, v28;
	v28 =	vadd.f32 v29, v30  }
0x282: {  	v22 =	vadd.f32 v22, v24;
	v19 =	vadd.f32 v19, v21;
	v29 =	vld [tilespmem:s6+$0xC000]  }
0x283: {  	v21 =	vld [tilespmem:s6+$0xC280];
	v24 =	vadd.f32 v63, v26;
	v26 =	vadd.f32 v27, v28  }
0x284: {  	v20 =	vadd.f32 v20, v22;
	v17 =	vadd.f32 v17, v19;
	v27 =	vld [tilespmem:s6+$0xC200]  }
0x285: {  	v19 =	vld [tilespmem:s6+$0xC480];
	v22 =	vadd.f32 v31, v24;
	v24 =	vadd.f32 v25, v26  }
0x286: {  	v18 =	vadd.f32 v18, v20;
	v15 =	vadd.f32 v15, v17;
	v25 =	vld [tilespmem:s6+$0xC400]  }
0x287: {  	v17 =	vld [tilespmem:s6+$0xC680];
	v20 =	vadd.f32 v29, v22;
	v22 =	vadd.f32 v23, v24  }
0x288: {  	v16 =	vadd.f32 v16, v18;
	v13 =	vadd.f32 v13, v15;
	v23 =	vld [tilespmem:s6+$0xC600]  }
0x289: {  	v15 =	vld [tilespmem:s6+$0xC880];
	v18 =	vadd.f32 v27, v20;
	v20 =	vadd.f32 v21, v22  }
0x28a: {  	v14 =	vadd.f32 v14, v16;
	v11 =	vadd.f32 v11, v13;
	v21 =	vld [tilespmem:s6+$0xC800]  }
0x28b: {  	v13 =	vld [tilespmem:s6+$0xCA80];
	v16 =	vadd.f32 v25, v18;
	v18 =	vadd.f32 v19, v20  }
0x28c: {  	v12 =	vadd.f32 v12, v14;
	v9 =	vadd.f32 v9, v11;
	v19 =	vld [tilespmem:s6+$0xCA00]  }
0x28d: {  	v11 =	vld [tilespmem:s6+$0xCC80];
	v14 =	vadd.f32 v23, v16;
	v16 =	vadd.f32 v17, v18  }
0x28e: {  	v10 =	vadd.f32 v10, v12;
	v7 =	vadd.f32 v7, v9;
	v17 =	vld [tilespmem:s6+$0xCC00]  }
0x28f: {  	v9 =	vld [tilespmem:s6+$0xCE80];
	v12 =	vadd.f32 v21, v14;
	v14 =	vadd.f32 v15, v16  }
0x290: {  	v8 =	vadd.f32 v8, v10;
	v5 =	vadd.f32 v5, v7;
	v15 =	vld [tilespmem:s6+$0xCE00]  }
0x291: {  	v7 =	vld [tilespmem:s6+$0xD080];
	v10 =	vadd.f32 v19, v12;
	v12 =	vadd.f32 v13, v14  }
0x292: {  	v6 =	vadd.f32 v6, v8;
	v13 =	vld [tilespmem:s6+$0xD000]  }
0x293: {  	v8 =	vadd.f32 v17, v10;
	v10 =	vadd.f32 v11, v12  }
0x294: {  	v3 =	vadd.f32 v3, v5;
	v4 =	vadd.f32 v4, v6  }
0x295: {  	v5 =	vadd.f32 v15, v8;
	v6 =	vadd.f32 v9, v10  }
0x296: {  	v0 =	vadd.f32 v0, v3;
	v1 =	vadd.f32 v1, v4  }
0x297: {  	v3 =	vadd.f32 v13, v5;
	v4 =	vadd.f32 v7, v6;
	_ =	sdelay $0x1  }
0x298: {  	v0 =	vadd.f32 v1, v0;
	v1 =	vadd.f32 v4, v3;
	_ =	sdelay $0x1  }
0x299: {  	v0 =	vadd.f32 v1, v0;
	_ =	sdelay $0x1  }
0x29a: {  	s7 =	simm.s32 @!p0 $0x40;
	s8 =	simm.s32 @!p0 $0xB100;
	[tilespmem:v2+s6+$0x0 ss:$0x1] =	vst.idx.msk $0xffff, v0;
	s6 =	sadd.s32 @!p0 $0x3C0, s5  }
0x29b: {  	[tilespmem:s8], [sflag:$0x6] =	stream.indirect.gather @!p0 [hbm4b:s1+s7], $0x80, s6, s7, $0xb8;
	[tilespmem:$0x17100] =	vst v63  }
0x29c: {  	_ =	swait.ge [sflag:s20], $0x2000  }
0x29d: {  	[sflag:s20] =	ssyncset.done $0x0  }
0x29e: {  	s6 =	simm.s32 $0x0;
	[sflag:s20] =	ssyncadd.s32 $0xFFFFE000  }
0x29f: {  	v0 =	vld [tilespmem:s6+$0xEF00]  }
0x2a0: {  	v1 =	vld [tilespmem:s6+$0xEF80]  }
0x2a1: {  	v3 =	vld [tilespmem:s6+$0xED00]  }
0x2a2: {  	v4 =	vld [tilespmem:s6+$0xED80]  }
0x2a3: {  	v5 =	vld [tilespmem:s6+$0xEB00]  }
0x2a4: {  	v6 =	vld [tilespmem:s6+$0xEB80]  }
0x2a5: {  	v7 =	vld [tilespmem:s6+$0xE900]  }
0x2a6: {  	v8 =	vld [tilespmem:s6+$0xE980]  }
0x2a7: {  	v9 =	vld [tilespmem:s6+$0xE700]  }
0x2a8: {  	v10 =	vld [tilespmem:s6+$0xE780]  }
0x2a9: {  	v11 =	vld [tilespmem:s6+$0xE500]  }
0x2aa: {  	v12 =	vld [tilespmem:s6+$0xE580]  }
0x2ab: {  	v13 =	vld [tilespmem:s6+$0xE300]  }
0x2ac: {  	v14 =	vld [tilespmem:s6+$0xE380]  }
0x2ad: {  	v15 =	vld [tilespmem:s6+$0xE100]  }
0x2ae: {  	v16 =	vld [tilespmem:s6+$0xE180]  }
0x2af: {  	v17 =	vld [tilespmem:s6+$0xDF00]  }
0x2b0: {  	v18 =	vld [tilespmem:s6+$0xDF80]  }
0x2b1: {  	v19 =	vld [tilespmem:s6+$0xDD00]  }
0x2b2: {  	v20 =	vld [tilespmem:s6+$0xDD80]  }
0x2b3: {  	v21 =	vld [tilespmem:s6+$0xDB00]  }
0x2b4: {  	v22 =	vld [tilespmem:s6+$0xDB80]  }
0x2b5: {  	v23 =	vld [tilespmem:s6+$0xD900]  }
0x2b6: {  	v24 =	vld [tilespmem:s6+$0xD980]  }
0x2b7: {  	v25 =	vld [tilespmem:s6+$0xD700]  }
0x2b8: {  	v26 =	vld [tilespmem:s6+$0xD780]  }
0x2b9: {  	v27 =	vld [tilespmem:s6+$0xD500]  }
0x2ba: {  	v28 =	vld [tilespmem:s6+$0xD580]  }
0x2bb: {  	v29 =	vld [tilespmem:s6+$0xD300]  }
0x2bc: {  	v30 =	vld [tilespmem:s6+$0xD100]  }
0x2bd: {  	v31 =	vld [tilespmem:s6+$0xD180]  }
0x2be: {  	v33 =	vld [tilespmem:s6+$0xD380]  }
0x2bf: {  	v32 =	vld [tilespmem:s6+$0xD200]  }
0x2c0: {  	v34 =	vld [tilespmem:s6+$0xD400]  }
0x2c1: {  	v2 =	vmov s31;
	s7 =	simm.s32 $0x40;
	v35 =	vld [tilespmem:s6+$0xD280]  }
.LBB2_11:
0x2c2: {  	p1 =	sne.s32 s7, $0x1C0;
	v36 =	vld [tilespmem:s6+$0xD480]  }
0x2c3: {  	v37 =	vld [tilespmem:s6+$0xD600]  }
0x2c4: {  	v38 =	vld [tilespmem:s6+$0xD680]  }
0x2c5: {  	v39 =	vld [tilespmem:s6+$0xD800]  }
0x2c6: {  	v29 =	vadd.f32 v29, v30;
	v30 =	vadd.f32 v33, v31;
	v31 =	vld [tilespmem:s6+$0xD880]  }
0x2c7: {  	v32 =	vadd.f32 v34, v32;
	v33 =	vadd.f32 v36, v35;
	v34 =	vld [tilespmem:s6+$0xDA00]  }
0x2c8: {  	v27 =	vadd.f32 v27, v29;
	v28 =	vadd.f32 v28, v30;
	v29 =	vld [tilespmem:s6+$0xDA80]  }
0x2c9: {  	v30 =	vadd.f32 v37, v32;
	v32 =	vadd.f32 v38, v33;
	v33 =	vld [tilespmem:s6+$0xDC00]  }
0x2ca: {  	v25 =	vadd.f32 v25, v27;
	v26 =	vadd.f32 v26, v28;
	v27 =	vld [tilespmem:s6+$0xDC80]  }
0x2cb: {  	v28 =	vadd.f32 v39, v30;
	v30 =	vadd.f32 v31, v32;
	v31 =	vld [tilespmem:s6+$0xDE00]  }
0x2cc: {  	v23 =	vadd.f32 v23, v25;
	v24 =	vadd.f32 v24, v26;
	v25 =	vld [tilespmem:s6+$0xDE80]  }
0x2cd: {  	v26 =	vadd.f32 v34, v28;
	v28 =	vadd.f32 v29, v30;
	v29 =	vld [tilespmem:s6+$0xE000]  }
0x2ce: {  	v21 =	vadd.f32 v21, v23;
	v22 =	vadd.f32 v22, v24;
	v23 =	vld [tilespmem:s6+$0xE080]  }
0x2cf: {  	v24 =	vadd.f32 v33, v26;
	v26 =	vadd.f32 v27, v28;
	v27 =	vld [tilespmem:s6+$0xE200]  }
0x2d0: {  	v19 =	vadd.f32 v19, v21;
	v20 =	vadd.f32 v20, v22;
	v21 =	vld [tilespmem:s6+$0xE280]  }
0x2d1: {  	v22 =	vadd.f32 v31, v24;
	v24 =	vadd.f32 v25, v26;
	v25 =	vld [tilespmem:s6+$0xE400]  }
0x2d2: {  	v17 =	vadd.f32 v17, v19;
	v18 =	vadd.f32 v18, v20;
	v19 =	vld [tilespmem:s6+$0xE480]  }
0x2d3: {  	v20 =	vadd.f32 v29, v22;
	v22 =	vadd.f32 v23, v24;
	v23 =	vld [tilespmem:s6+$0xE600]  }
0x2d4: {  	v15 =	vadd.f32 v15, v17;
	v16 =	vadd.f32 v16, v18;
	v17 =	vld [tilespmem:s6+$0xE680]  }
0x2d5: {  	v18 =	vadd.f32 v27, v20;
	v20 =	vadd.f32 v21, v22;
	v21 =	vld [tilespmem:s6+$0xE800]  }
0x2d6: {  	v13 =	vadd.f32 v13, v15;
	v14 =	vadd.f32 v14, v16;
	v15 =	vld [tilespmem:s6+$0xE880]  }
0x2d7: {  	v16 =	vadd.f32 v25, v18;
	v18 =	vadd.f32 v19, v20;
	v19 =	vld [tilespmem:s6+$0xEA00]  }
0x2d8: {  	v11 =	vadd.f32 v11, v13;
	v12 =	vadd.f32 v12, v14;
	v13 =	vld [tilespmem:s6+$0xEA80]  }
0x2d9: {  	v14 =	vadd.f32 v23, v16;
	v16 =	vadd.f32 v17, v18;
	v17 =	vld [tilespmem:s6+$0xEC00]  }
0x2da: {  	v9 =	vadd.f32 v9, v11;
	v10 =	vadd.f32 v10, v12;
	v11 =	vld [tilespmem:s6+$0xEC80]  }
0x2db: {  	v12 =	vadd.f32 v21, v14;
	v14 =	vadd.f32 v15, v16;
	v15 =	vld [tilespmem:s6+$0xEE00]  }
0x2dc: {  	v7 =	vadd.f32 v7, v9;
	v8 =	vadd.f32 v8, v10;
	v9 =	vld [tilespmem:s6+$0xEE80]  }
0x2dd: {  	v10 =	vadd.f32 v19, v12;
	v12 =	vadd.f32 v13, v14;
	v13 =	vld [tilespmem:s6+$0xF000]  }
0x2de: {  	v5 =	vadd.f32 v5, v7;
	v6 =	vadd.f32 v6, v8;
	v7 =	vld [tilespmem:s6+$0xF080]  }
0x2df: {  	v8 =	vadd.f32 v17, v10;
	v10 =	vadd.f32 v11, v12  }
0x2e0: {  	v3 =	vadd.f32 v3, v5;
	v4 =	vadd.f32 v4, v6  }
0x2e1: {  	v5 =	vadd.f32 v15, v8;
	v6 =	vadd.f32 v9, v10  }
0x2e2: {  	v0 =	vadd.f32 v0, v3;
	v1 =	vadd.f32 v1, v4  }
0x2e3: {  	v3 =	vadd.f32 v13, v5;
	v4 =	vadd.f32 v7, v6;
	_ =	sdelay $0x1  }
0x2e4: {  	v0 =	vadd.f32 v1, v0;
	v1 =	vadd.f32 v4, v3;
	_ =	sdelay $0x1  }
0x2e5: {  	v0 =	vadd.f32 v1, v0;
	_ =	sdelay $0x1  }
0x2e6: {  	[tilespmem:v2+s6+$0x0 ss:$0x1] =	vst.idx.msk $0xffff, v0;
	s6 =	sshra.s32 s7, $0x2  }
0x2e7: {  	v0 =	vld [tilespmem:s6+$0xEF00]  }
0x2e8: {  	v1 =	vld [tilespmem:s6+$0xEF80]  }
0x2e9: {  	v3 =	vld [tilespmem:s6+$0xED00]  }
0x2ea: {  	v4 =	vld [tilespmem:s6+$0xED80]  }
0x2eb: {  	v5 =	vld [tilespmem:s6+$0xEB00]  }
0x2ec: {  	v6 =	vld [tilespmem:s6+$0xEB80]  }
0x2ed: {  	v7 =	vld [tilespmem:s6+$0xE900]  }
0x2ee: {  	v8 =	vld [tilespmem:s6+$0xE980]  }
0x2ef: {  	v9 =	vld [tilespmem:s6+$0xE700]  }
0x2f0: {  	v10 =	vld [tilespmem:s6+$0xE780]  }
0x2f1: {  	v11 =	vld [tilespmem:s6+$0xE500]  }
0x2f2: {  	v12 =	vld [tilespmem:s6+$0xE580]  }
0x2f3: {  	v13 =	vld [tilespmem:s6+$0xE300]  }
0x2f4: {  	v14 =	vld [tilespmem:s6+$0xE380]  }
0x2f5: {  	v15 =	vld [tilespmem:s6+$0xE100]  }
0x2f6: {  	v16 =	vld [tilespmem:s6+$0xE180]  }
0x2f7: {  	v17 =	vld [tilespmem:s6+$0xDF00]  }
0x2f8: {  	v18 =	vld [tilespmem:s6+$0xDF80]  }
0x2f9: {  	v19 =	vld [tilespmem:s6+$0xDD00]  }
0x2fa: {  	v20 =	vld [tilespmem:s6+$0xDD80]  }
0x2fb: {  	v21 =	vld [tilespmem:s6+$0xDB00]  }
0x2fc: {  	v22 =	vld [tilespmem:s6+$0xDB80]  }
0x2fd: {  	v23 =	vld [tilespmem:s6+$0xD900]  }
0x2fe: {  	v24 =	vld [tilespmem:s6+$0xD980]  }
0x2ff: {  	v25 =	vld [tilespmem:s6+$0xD700]  }
0x300: {  	v26 =	vld [tilespmem:s6+$0xD780]  }
0x301: {  	v27 =	vld [tilespmem:s6+$0xD500]  }
0x302: {  	v28 =	vld [tilespmem:s6+$0xD580]  }
0x303: {  	v29 =	vld [tilespmem:s6+$0xD300]  }
0x304: {  	v30 =	vld [tilespmem:s6+$0xD100]  }
.Ltmp6:
0x305: {  	v31 =	vld [tilespmem:s6+$0xD180];
	(pc) =	sbr.rel @p1 .LBB2_11-.Ltmp6, $4  }
0x306: {  	v33 =	vld [tilespmem:s6+$0xD380]  }
0x307: {  	v32 =	vld [tilespmem:s6+$0xD200]  }
0x308: {  	v34 =	vld [tilespmem:s6+$0xD400]  }
0x309: {  	s7 =	sadd.s32 $0x40, s7;
	v35 =	vld [tilespmem:s6+$0xD280]  }
0x30a: {  	v36 =	vld [tilespmem:s6+$0xD480]  }
0x30b: {  	v37 =	vld [tilespmem:s6+$0xD600]  }
0x30c: {  	v38 =	vld [tilespmem:s6+$0xD680];
	v29 =	vadd.f32 v29, v30  }
0x30d: {  	v39 =	vld [tilespmem:s6+$0xD800]  }
0x30e: {  	v30 =	vadd.f32 v33, v31;
	v31 =	vld [tilespmem:s6+$0xD880];
	v27 =	vadd.f32 v27, v29  }
0x30f: {  	v61 =	vld [tilespmem:s6+$0xDA00];
	v32 =	vadd.f32 v34, v32;
	v60 =	vadd.f32 v36, v35  }
0x310: {  	v29 =	vld [tilespmem:s6+$0xDA80];
	v28 =	vadd.f32 v28, v30;
	v25 =	vadd.f32 v25, v27  }
0x311: {  	v63 =	vld [tilespmem:s6+$0xDC00];
	v30 =	vadd.f32 v37, v32;
	v62 =	vadd.f32 v38, v60  }
0x312: {  	v27 =	vld [tilespmem:s6+$0xDC80];
	v26 =	vadd.f32 v26, v28;
	v23 =	vadd.f32 v23, v25  }
0x313: {  	v25 =	vld [tilespmem:s6+$0xDE80];
	v28 =	vadd.f32 v39, v30;
	v30 =	vadd.f32 v31, v62  }
0x314: {  	v24 =	vadd.f32 v24, v26;
	v21 =	vadd.f32 v21, v23;
	v31 =	vld [tilespmem:s6+$0xDE00]  }
0x315: {  	v23 =	vld [tilespmem:s6+$0xE080];
	v26 =	vadd.f32 v61, v28;
	v28 =	vadd.f32 v29, v30  }
0x316: {  	v22 =	vadd.f32 v22, v24;
	v19 =	vadd.f32 v19, v21;
	v29 =	vld [tilespmem:s6+$0xE000]  }
0x317: {  	v21 =	vld [tilespmem:s6+$0xE280];
	v24 =	vadd.f32 v63, v26;
	v26 =	vadd.f32 v27, v28  }
0x318: {  	v20 =	vadd.f32 v20, v22;
	v17 =	vadd.f32 v17, v19;
	v27 =	vld [tilespmem:s6+$0xE200]  }
0x319: {  	v19 =	vld [tilespmem:s6+$0xE480];
	v22 =	vadd.f32 v31, v24;
	v24 =	vadd.f32 v25, v26  }
0x31a: {  	v18 =	vadd.f32 v18, v20;
	v15 =	vadd.f32 v15, v17;
	v25 =	vld [tilespmem:s6+$0xE400]  }
0x31b: {  	v17 =	vld [tilespmem:s6+$0xE680];
	v20 =	vadd.f32 v29, v22;
	v22 =	vadd.f32 v23, v24  }
0x31c: {  	v16 =	vadd.f32 v16, v18;
	v13 =	vadd.f32 v13, v15;
	v23 =	vld [tilespmem:s6+$0xE600]  }
0x31d: {  	v15 =	vld [tilespmem:s6+$0xE880];
	v18 =	vadd.f32 v27, v20;
	v20 =	vadd.f32 v21, v22  }
0x31e: {  	v14 =	vadd.f32 v14, v16;
	v11 =	vadd.f32 v11, v13;
	v21 =	vld [tilespmem:s6+$0xE800]  }
0x31f: {  	v13 =	vld [tilespmem:s6+$0xEA80];
	v16 =	vadd.f32 v25, v18;
	v18 =	vadd.f32 v19, v20  }
0x320: {  	v12 =	vadd.f32 v12, v14;
	v9 =	vadd.f32 v9, v11;
	v19 =	vld [tilespmem:s6+$0xEA00]  }
0x321: {  	v11 =	vld [tilespmem:s6+$0xEC80];
	v14 =	vadd.f32 v23, v16;
	v16 =	vadd.f32 v17, v18  }
0x322: {  	v10 =	vadd.f32 v10, v12;
	v7 =	vadd.f32 v7, v9;
	v17 =	vld [tilespmem:s6+$0xEC00]  }
0x323: {  	v9 =	vld [tilespmem:s6+$0xEE80];
	v12 =	vadd.f32 v21, v14;
	v14 =	vadd.f32 v15, v16  }
0x324: {  	v8 =	vadd.f32 v8, v10;
	v5 =	vadd.f32 v5, v7;
	v15 =	vld [tilespmem:s6+$0xEE00]  }
0x325: {  	v7 =	vld [tilespmem:s6+$0xF080];
	v10 =	vadd.f32 v19, v12;
	v12 =	vadd.f32 v13, v14  }
0x326: {  	v6 =	vadd.f32 v6, v8;
	v13 =	vld [tilespmem:s6+$0xF000]  }
0x327: {  	v8 =	vadd.f32 v17, v10;
	v10 =	vadd.f32 v11, v12  }
0x328: {  	v3 =	vadd.f32 v3, v5;
	v4 =	vadd.f32 v4, v6  }
0x329: {  	v5 =	vadd.f32 v15, v8;
	v6 =	vadd.f32 v9, v10  }
0x32a: {  	v0 =	vadd.f32 v0, v3;
	v1 =	vadd.f32 v1, v4  }
0x32b: {  	v3 =	vadd.f32 v13, v5;
	v4 =	vadd.f32 v7, v6;
	_ =	sdelay $0x1  }
0x32c: {  	v0 =	vadd.f32 v1, v0;
	v1 =	vadd.f32 v4, v3;
	_ =	sdelay $0x1  }
0x32d: {  	v0 =	vadd.f32 v1, v0;
	_ =	sdelay $0x1  }
0x32e: {  	s7 =	simm.s32 @!p0 $0x40;
	s8 =	simm.s32 @!p0 $0xD100;
	[tilespmem:v2+s6+$0x0 ss:$0x1] =	vst.idx.msk $0xffff, v0;
	s6 =	sadd.s32 @!p0 $0x400, s5  }
0x32f: {  	[tilespmem:s8], [sflag:$0x7] =	stream.indirect.gather @!p0 [hbm4b:s1+s7], $0x80, s6, s7, $0xb8;
	[tilespmem:$0x17100] =	vst v63  }
0x330: {  	_ =	swait.ge [sflag:s21], $0x2000  }
0x331: {  	[sflag:s21] =	ssyncset.done $0x0  }
0x332: {  	s6 =	simm.s32 $0x0;
	[sflag:s21] =	ssyncadd.s32 $0xFFFFE000  }
0x333: {  	v0 =	vld [tilespmem:s6+$0x10F00]  }
0x334: {  	v1 =	vld [tilespmem:s6+$0x10F80]  }
0x335: {  	v3 =	vld [tilespmem:s6+$0x10D00]  }
0x336: {  	v4 =	vld [tilespmem:s6+$0x10D80]  }
0x337: {  	v5 =	vld [tilespmem:s6+$0x10B00]  }
0x338: {  	v6 =	vld [tilespmem:s6+$0x10B80]  }
0x339: {  	v7 =	vld [tilespmem:s6+$0x10900]  }
0x33a: {  	v8 =	vld [tilespmem:s6+$0x10980]  }
0x33b: {  	v9 =	vld [tilespmem:s6+$0x10700]  }
0x33c: {  	v10 =	vld [tilespmem:s6+$0x10780]  }
0x33d: {  	v11 =	vld [tilespmem:s6+$0x10500]  }
0x33e: {  	v12 =	vld [tilespmem:s6+$0x10580]  }
0x33f: {  	v13 =	vld [tilespmem:s6+$0x10300]  }
0x340: {  	v14 =	vld [tilespmem:s6+$0x10380]  }
0x341: {  	v15 =	vld [tilespmem:s6+$0x10100]  }
0x342: {  	v16 =	vld [tilespmem:s6+$0x10180]  }
0x343: {  	v17 =	vld [tilespmem:s6+$0xFF00]  }
0x344: {  	v18 =	vld [tilespmem:s6+$0xFF80]  }
0x345: {  	v19 =	vld [tilespmem:s6+$0xFD00]  }
0x346: {  	v20 =	vld [tilespmem:s6+$0xFD80]  }
0x347: {  	v21 =	vld [tilespmem:s6+$0xFB00]  }
0x348: {  	v22 =	vld [tilespmem:s6+$0xFB80]  }
0x349: {  	v23 =	vld [tilespmem:s6+$0xF900]  }
0x34a: {  	v24 =	vld [tilespmem:s6+$0xF980]  }
0x34b: {  	v25 =	vld [tilespmem:s6+$0xF700]  }
0x34c: {  	v26 =	vld [tilespmem:s6+$0xF780]  }
0x34d: {  	v27 =	vld [tilespmem:s6+$0xF500]  }
0x34e: {  	v28 =	vld [tilespmem:s6+$0xF580]  }
0x34f: {  	v29 =	vld [tilespmem:s6+$0xF300]  }
0x350: {  	v30 =	vld [tilespmem:s6+$0xF100]  }
0x351: {  	v31 =	vld [tilespmem:s6+$0xF180]  }
0x352: {  	v33 =	vld [tilespmem:s6+$0xF380]  }
0x353: {  	v32 =	vld [tilespmem:s6+$0xF200]  }
0x354: {  	v34 =	vld [tilespmem:s6+$0xF400]  }
0x355: {  	v2 =	vmov s24;
	s7 =	simm.s32 $0x40;
	v35 =	vld [tilespmem:s6+$0xF280]  }
.LBB2_13:
0x356: {  	p1 =	sne.s32 s7, $0x1C0;
	v36 =	vld [tilespmem:s6+$0xF480]  }
0x357: {  	v37 =	vld [tilespmem:s6+$0xF600]  }
0x358: {  	v38 =	vld [tilespmem:s6+$0xF680]  }
0x359: {  	v39 =	vld [tilespmem:s6+$0xF800]  }
0x35a: {  	v29 =	vadd.f32 v29, v30;
	v30 =	vadd.f32 v33, v31;
	v31 =	vld [tilespmem:s6+$0xF880]  }
0x35b: {  	v32 =	vadd.f32 v34, v32;
	v33 =	vadd.f32 v36, v35;
	v34 =	vld [tilespmem:s6+$0xFA00]  }
0x35c: {  	v27 =	vadd.f32 v27, v29;
	v28 =	vadd.f32 v28, v30;
	v29 =	vld [tilespmem:s6+$0xFA80]  }
0x35d: {  	v30 =	vadd.f32 v37, v32;
	v32 =	vadd.f32 v38, v33;
	v33 =	vld [tilespmem:s6+$0xFC00]  }
0x35e: {  	v25 =	vadd.f32 v25, v27;
	v26 =	vadd.f32 v26, v28;
	v27 =	vld [tilespmem:s6+$0xFC80]  }
0x35f: {  	v28 =	vadd.f32 v39, v30;
	v30 =	vadd.f32 v31, v32;
	v31 =	vld [tilespmem:s6+$0xFE00]  }
0x360: {  	v23 =	vadd.f32 v23, v25;
	v24 =	vadd.f32 v24, v26;
	v25 =	vld [tilespmem:s6+$0xFE80]  }
0x361: {  	v26 =	vadd.f32 v34, v28;
	v28 =	vadd.f32 v29, v30;
	v29 =	vld [tilespmem:s6+$0x10000]  }
0x362: {  	v21 =	vadd.f32 v21, v23;
	v22 =	vadd.f32 v22, v24;
	v23 =	vld [tilespmem:s6+$0x10080]  }
0x363: {  	v24 =	vadd.f32 v33, v26;
	v26 =	vadd.f32 v27, v28;
	v27 =	vld [tilespmem:s6+$0x10200]  }
0x364: {  	v19 =	vadd.f32 v19, v21;
	v20 =	vadd.f32 v20, v22;
	v21 =	vld [tilespmem:s6+$0x10280]  }
0x365: {  	v22 =	vadd.f32 v31, v24;
	v24 =	vadd.f32 v25, v26;
	v25 =	vld [tilespmem:s6+$0x10400]  }
0x366: {  	v17 =	vadd.f32 v17, v19;
	v18 =	vadd.f32 v18, v20;
	v19 =	vld [tilespmem:s6+$0x10480]  }
0x367: {  	v20 =	vadd.f32 v29, v22;
	v22 =	vadd.f32 v23, v24;
	v23 =	vld [tilespmem:s6+$0x10600]  }
0x368: {  	v15 =	vadd.f32 v15, v17;
	v16 =	vadd.f32 v16, v18;
	v17 =	vld [tilespmem:s6+$0x10680]  }
0x369: {  	v18 =	vadd.f32 v27, v20;
	v20 =	vadd.f32 v21, v22;
	v21 =	vld [tilespmem:s6+$0x10800]  }
0x36a: {  	v13 =	vadd.f32 v13, v15;
	v14 =	vadd.f32 v14, v16;
	v15 =	vld [tilespmem:s6+$0x10880]  }
0x36b: {  	v16 =	vadd.f32 v25, v18;
	v18 =	vadd.f32 v19, v20;
	v19 =	vld [tilespmem:s6+$0x10A00]  }
0x36c: {  	v11 =	vadd.f32 v11, v13;
	v12 =	vadd.f32 v12, v14;
	v13 =	vld [tilespmem:s6+$0x10A80]  }
0x36d: {  	v14 =	vadd.f32 v23, v16;
	v16 =	vadd.f32 v17, v18;
	v17 =	vld [tilespmem:s6+$0x10C00]  }
0x36e: {  	v9 =	vadd.f32 v9, v11;
	v10 =	vadd.f32 v10, v12;
	v11 =	vld [tilespmem:s6+$0x10C80]  }
0x36f: {  	v12 =	vadd.f32 v21, v14;
	v14 =	vadd.f32 v15, v16;
	v15 =	vld [tilespmem:s6+$0x10E00]  }
0x370: {  	v7 =	vadd.f32 v7, v9;
	v8 =	vadd.f32 v8, v10;
	v9 =	vld [tilespmem:s6+$0x10E80]  }
0x371: {  	v10 =	vadd.f32 v19, v12;
	v12 =	vadd.f32 v13, v14;
	v13 =	vld [tilespmem:s6+$0x11000]  }
0x372: {  	v5 =	vadd.f32 v5, v7;
	v6 =	vadd.f32 v6, v8;
	v7 =	vld [tilespmem:s6+$0x11080]  }
0x373: {  	v8 =	vadd.f32 v17, v10;
	v10 =	vadd.f32 v11, v12  }
0x374: {  	v3 =	vadd.f32 v3, v5;
	v4 =	vadd.f32 v4, v6  }
0x375: {  	v5 =	vadd.f32 v15, v8;
	v6 =	vadd.f32 v9, v10  }
0x376: {  	v0 =	vadd.f32 v0, v3;
	v1 =	vadd.f32 v1, v4  }
0x377: {  	v3 =	vadd.f32 v13, v5;
	v4 =	vadd.f32 v7, v6;
	_ =	sdelay $0x1  }
0x378: {  	v0 =	vadd.f32 v1, v0;
	v1 =	vadd.f32 v4, v3;
	_ =	sdelay $0x1  }
0x379: {  	v0 =	vadd.f32 v1, v0;
	_ =	sdelay $0x1  }
0x37a: {  	[tilespmem:v2+s6+$0x0 ss:$0x1] =	vst.idx.msk $0xffff, v0;
	s6 =	sshra.s32 s7, $0x2  }
0x37b: {  	v0 =	vld [tilespmem:s6+$0x10F00]  }
0x37c: {  	v1 =	vld [tilespmem:s6+$0x10F80]  }
0x37d: {  	v3 =	vld [tilespmem:s6+$0x10D00]  }
0x37e: {  	v4 =	vld [tilespmem:s6+$0x10D80]  }
0x37f: {  	v5 =	vld [tilespmem:s6+$0x10B00]  }
0x380: {  	v6 =	vld [tilespmem:s6+$0x10B80]  }
0x381: {  	v7 =	vld [tilespmem:s6+$0x10900]  }
0x382: {  	v8 =	vld [tilespmem:s6+$0x10980]  }
0x383: {  	v9 =	vld [tilespmem:s6+$0x10700]  }
0x384: {  	v10 =	vld [tilespmem:s6+$0x10780]  }
0x385: {  	v11 =	vld [tilespmem:s6+$0x10500]  }
0x386: {  	v12 =	vld [tilespmem:s6+$0x10580]  }
0x387: {  	v13 =	vld [tilespmem:s6+$0x10300]  }
0x388: {  	v14 =	vld [tilespmem:s6+$0x10380]  }
0x389: {  	v15 =	vld [tilespmem:s6+$0x10100]  }
0x38a: {  	v16 =	vld [tilespmem:s6+$0x10180]  }
0x38b: {  	v17 =	vld [tilespmem:s6+$0xFF00]  }
0x38c: {  	v18 =	vld [tilespmem:s6+$0xFF80]  }
0x38d: {  	v19 =	vld [tilespmem:s6+$0xFD00]  }
0x38e: {  	v20 =	vld [tilespmem:s6+$0xFD80]  }
0x38f: {  	v21 =	vld [tilespmem:s6+$0xFB00]  }
0x390: {  	v22 =	vld [tilespmem:s6+$0xFB80]  }
0x391: {  	v23 =	vld [tilespmem:s6+$0xF900]  }
0x392: {  	v24 =	vld [tilespmem:s6+$0xF980]  }
0x393: {  	v25 =	vld [tilespmem:s6+$0xF700]  }
0x394: {  	v26 =	vld [tilespmem:s6+$0xF780]  }
0x395: {  	v27 =	vld [tilespmem:s6+$0xF500]  }
0x396: {  	v28 =	vld [tilespmem:s6+$0xF580]  }
0x397: {  	v29 =	vld [tilespmem:s6+$0xF300]  }
0x398: {  	v30 =	vld [tilespmem:s6+$0xF100]  }
.Ltmp7:
0x399: {  	v31 =	vld [tilespmem:s6+$0xF180];
	(pc) =	sbr.rel @p1 .LBB2_13-.Ltmp7, $4  }
0x39a: {  	v33 =	vld [tilespmem:s6+$0xF380]  }
0x39b: {  	v32 =	vld [tilespmem:s6+$0xF200]  }
0x39c: {  	v34 =	vld [tilespmem:s6+$0xF400]  }
0x39d: {  	s7 =	sadd.s32 $0x40, s7;
	v35 =	vld [tilespmem:s6+$0xF280]  }
0x39e: {  	v36 =	vld [tilespmem:s6+$0xF480]  }
0x39f: {  	v37 =	vld [tilespmem:s6+$0xF600]  }
0x3a0: {  	v38 =	vld [tilespmem:s6+$0xF680];
	v29 =	vadd.f32 v29, v30  }
0x3a1: {  	v39 =	vld [tilespmem:s6+$0xF800]  }
0x3a2: {  	v30 =	vadd.f32 v33, v31;
	v31 =	vld [tilespmem:s6+$0xF880];
	v27 =	vadd.f32 v27, v29  }
0x3a3: {  	v61 =	vld [tilespmem:s6+$0xFA00];
	v32 =	vadd.f32 v34, v32;
	v60 =	vadd.f32 v36, v35  }
0x3a4: {  	v29 =	vld [tilespmem:s6+$0xFA80];
	v28 =	vadd.f32 v28, v30;
	v25 =	vadd.f32 v25, v27  }
0x3a5: {  	v63 =	vld [tilespmem:s6+$0xFC00];
	v30 =	vadd.f32 v37, v32;
	v62 =	vadd.f32 v38, v60  }
0x3a6: {  	v27 =	vld [tilespmem:s6+$0xFC80];
	v26 =	vadd.f32 v26, v28;
	v23 =	vadd.f32 v23, v25  }
0x3a7: {  	v25 =	vld [tilespmem:s6+$0xFE80];
	v28 =	vadd.f32 v39, v30;
	v30 =	vadd.f32 v31, v62  }
0x3a8: {  	v24 =	vadd.f32 v24, v26;
	v21 =	vadd.f32 v21, v23;
	v31 =	vld [tilespmem:s6+$0xFE00]  }
0x3a9: {  	v23 =	vld [tilespmem:s6+$0x10080];
	v26 =	vadd.f32 v61, v28;
	v28 =	vadd.f32 v29, v30  }
0x3aa: {  	v22 =	vadd.f32 v22, v24;
	v19 =	vadd.f32 v19, v21;
	v29 =	vld [tilespmem:s6+$0x10000]  }
0x3ab: {  	v21 =	vld [tilespmem:s6+$0x10280];
	v24 =	vadd.f32 v63, v26;
	v26 =	vadd.f32 v27, v28  }
0x3ac: {  	v20 =	vadd.f32 v20, v22;
	v17 =	vadd.f32 v17, v19;
	v27 =	vld [tilespmem:s6+$0x10200]  }
0x3ad: {  	v19 =	vld [tilespmem:s6+$0x10480];
	v22 =	vadd.f32 v31, v24;
	v24 =	vadd.f32 v25, v26  }
0x3ae: {  	v18 =	vadd.f32 v18, v20;
	v15 =	vadd.f32 v15, v17;
	v25 =	vld [tilespmem:s6+$0x10400]  }
0x3af: {  	v17 =	vld [tilespmem:s6+$0x10680];
	v20 =	vadd.f32 v29, v22;
	v22 =	vadd.f32 v23, v24  }
0x3b0: {  	v16 =	vadd.f32 v16, v18;
	v13 =	vadd.f32 v13, v15;
	v23 =	vld [tilespmem:s6+$0x10600]  }
0x3b1: {  	v15 =	vld [tilespmem:s6+$0x10880];
	v18 =	vadd.f32 v27, v20;
	v20 =	vadd.f32 v21, v22  }
0x3b2: {  	v14 =	vadd.f32 v14, v16;
	v11 =	vadd.f32 v11, v13;
	v21 =	vld [tilespmem:s6+$0x10800]  }
0x3b3: {  	v13 =	vld [tilespmem:s6+$0x10A80];
	v16 =	vadd.f32 v25, v18;
	v18 =	vadd.f32 v19, v20  }
0x3b4: {  	v12 =	vadd.f32 v12, v14;
	v9 =	vadd.f32 v9, v11;
	v19 =	vld [tilespmem:s6+$0x10A00]  }
0x3b5: {  	v11 =	vld [tilespmem:s6+$0x10C80];
	v14 =	vadd.f32 v23, v16;
	v16 =	vadd.f32 v17, v18  }
0x3b6: {  	v10 =	vadd.f32 v10, v12;
	v7 =	vadd.f32 v7, v9;
	v17 =	vld [tilespmem:s6+$0x10C00]  }
0x3b7: {  	v9 =	vld [tilespmem:s6+$0x10E80];
	v12 =	vadd.f32 v21, v14;
	v14 =	vadd.f32 v15, v16  }
0x3b8: {  	v8 =	vadd.f32 v8, v10;
	v5 =	vadd.f32 v5, v7;
	v15 =	vld [tilespmem:s6+$0x10E00]  }
0x3b9: {  	v7 =	vld [tilespmem:s6+$0x11080];
	v10 =	vadd.f32 v19, v12;
	v12 =	vadd.f32 v13, v14  }
0x3ba: {  	v6 =	vadd.f32 v6, v8;
	v13 =	vld [tilespmem:s6+$0x11000]  }
0x3bb: {  	v8 =	vadd.f32 v17, v10;
	v10 =	vadd.f32 v11, v12  }
0x3bc: {  	v3 =	vadd.f32 v3, v5;
	v4 =	vadd.f32 v4, v6  }
0x3bd: {  	v5 =	vadd.f32 v15, v8;
	v6 =	vadd.f32 v9, v10  }
0x3be: {  	v0 =	vadd.f32 v0, v3;
	v1 =	vadd.f32 v1, v4  }
0x3bf: {  	v3 =	vadd.f32 v13, v5;
	v4 =	vadd.f32 v7, v6;
	_ =	sdelay $0x1  }
0x3c0: {  	v0 =	vadd.f32 v1, v0;
	v1 =	vadd.f32 v4, v3;
	_ =	sdelay $0x1  }
0x3c1: {  	v0 =	vadd.f32 v1, v0;
	_ =	sdelay $0x1  }
0x3c2: {  	s7 =	simm.s32 @!p0 $0x40;
	s8 =	simm.s32 @!p0 $0xF100;
	[tilespmem:v2+s6+$0x0 ss:$0x1] =	vst.idx.msk $0xffff, v0;
	s6 =	sadd.s32 @!p0 $0x440, s5  }
0x3c3: {  	[tilespmem:s8], [sflag:$0x8] =	stream.indirect.gather @!p0 [hbm4b:s1+s7], $0x80, s6, s7, $0xb8;
	[tilespmem:$0x17100] =	vst v63  }
0x3c4: {  	_ =	swait.ge [sflag:s22], $0x2000  }
0x3c5: {  	[sflag:s22] =	ssyncset.done $0x0  }
0x3c6: {  	s6 =	simm.s32 $0x0;
	[sflag:s22] =	ssyncadd.s32 $0xFFFFE000  }
0x3c7: {  	v0 =	vld [tilespmem:s6+$0x12F00]  }
0x3c8: {  	v1 =	vld [tilespmem:s6+$0x12F80]  }
0x3c9: {  	v3 =	vld [tilespmem:s6+$0x12D00]  }
0x3ca: {  	v4 =	vld [tilespmem:s6+$0x12D80]  }
0x3cb: {  	v5 =	vld [tilespmem:s6+$0x12B00]  }
0x3cc: {  	v6 =	vld [tilespmem:s6+$0x12B80]  }
0x3cd: {  	v7 =	vld [tilespmem:s6+$0x12900]  }
0x3ce: {  	v8 =	vld [tilespmem:s6+$0x12980]  }
0x3cf: {  	v9 =	vld [tilespmem:s6+$0x12700]  }
0x3d0: {  	v10 =	vld [tilespmem:s6+$0x12780]  }
0x3d1: {  	v11 =	vld [tilespmem:s6+$0x12500]  }
0x3d2: {  	v12 =	vld [tilespmem:s6+$0x12580]  }
0x3d3: {  	v13 =	vld [tilespmem:s6+$0x12300]  }
0x3d4: {  	v14 =	vld [tilespmem:s6+$0x12380]  }
0x3d5: {  	v15 =	vld [tilespmem:s6+$0x12100]  }
0x3d6: {  	v16 =	vld [tilespmem:s6+$0x12180]  }
0x3d7: {  	v17 =	vld [tilespmem:s6+$0x11F00]  }
0x3d8: {  	v18 =	vld [tilespmem:s6+$0x11F80]  }
0x3d9: {  	v19 =	vld [tilespmem:s6+$0x11D00]  }
0x3da: {  	v20 =	vld [tilespmem:s6+$0x11D80]  }
0x3db: {  	v21 =	vld [tilespmem:s6+$0x11B00]  }
0x3dc: {  	v22 =	vld [tilespmem:s6+$0x11B80]  }
0x3dd: {  	v23 =	vld [tilespmem:s6+$0x11900]  }
0x3de: {  	v24 =	vld [tilespmem:s6+$0x11980]  }
0x3df: {  	v25 =	vld [tilespmem:s6+$0x11700]  }
0x3e0: {  	v26 =	vld [tilespmem:s6+$0x11780]  }
0x3e1: {  	v27 =	vld [tilespmem:s6+$0x11500]  }
0x3e2: {  	v28 =	vld [tilespmem:s6+$0x11580]  }
0x3e3: {  	v29 =	vld [tilespmem:s6+$0x11300]  }
0x3e4: {  	v30 =	vld [tilespmem:s6+$0x11100]  }
0x3e5: {  	v31 =	vld [tilespmem:s6+$0x11180]  }
0x3e6: {  	v33 =	vld [tilespmem:s6+$0x11380]  }
0x3e7: {  	v32 =	vld [tilespmem:s6+$0x11200]  }
0x3e8: {  	v34 =	vld [tilespmem:s6+$0x11400]  }
0x3e9: {  	v2 =	vmov s11;
	s7 =	simm.s32 $0x40;
	v35 =	vld [tilespmem:s6+$0x11280]  }
.LBB2_15:
0x3ea: {  	p1 =	sne.s32 s7, $0x1C0;
	v36 =	vld [tilespmem:s6+$0x11480]  }
0x3eb: {  	v37 =	vld [tilespmem:s6+$0x11600]  }
0x3ec: {  	v38 =	vld [tilespmem:s6+$0x11680]  }
0x3ed: {  	v39 =	vld [tilespmem:s6+$0x11800]  }
0x3ee: {  	v29 =	vadd.f32 v29, v30;
	v30 =	vadd.f32 v33, v31;
	v31 =	vld [tilespmem:s6+$0x11880]  }
0x3ef: {  	v32 =	vadd.f32 v34, v32;
	v33 =	vadd.f32 v36, v35;
	v34 =	vld [tilespmem:s6+$0x11A00]  }
0x3f0: {  	v27 =	vadd.f32 v27, v29;
	v28 =	vadd.f32 v28, v30;
	v29 =	vld [tilespmem:s6+$0x11A80]  }
0x3f1: {  	v30 =	vadd.f32 v37, v32;
	v32 =	vadd.f32 v38, v33;
	v33 =	vld [tilespmem:s6+$0x11C00]  }
0x3f2: {  	v25 =	vadd.f32 v25, v27;
	v26 =	vadd.f32 v26, v28;
	v27 =	vld [tilespmem:s6+$0x11C80]  }
0x3f3: {  	v28 =	vadd.f32 v39, v30;
	v30 =	vadd.f32 v31, v32;
	v31 =	vld [tilespmem:s6+$0x11E00]  }
0x3f4: {  	v23 =	vadd.f32 v23, v25;
	v24 =	vadd.f32 v24, v26;
	v25 =	vld [tilespmem:s6+$0x11E80]  }
0x3f5: {  	v26 =	vadd.f32 v34, v28;
	v28 =	vadd.f32 v29, v30;
	v29 =	vld [tilespmem:s6+$0x12000]  }
0x3f6: {  	v21 =	vadd.f32 v21, v23;
	v22 =	vadd.f32 v22, v24;
	v23 =	vld [tilespmem:s6+$0x12080]  }
0x3f7: {  	v24 =	vadd.f32 v33, v26;
	v26 =	vadd.f32 v27, v28;
	v27 =	vld [tilespmem:s6+$0x12200]  }
0x3f8: {  	v19 =	vadd.f32 v19, v21;
	v20 =	vadd.f32 v20, v22;
	v21 =	vld [tilespmem:s6+$0x12280]  }
0x3f9: {  	v22 =	vadd.f32 v31, v24;
	v24 =	vadd.f32 v25, v26;
	v25 =	vld [tilespmem:s6+$0x12400]  }
0x3fa: {  	v17 =	vadd.f32 v17, v19;
	v18 =	vadd.f32 v18, v20;
	v19 =	vld [tilespmem:s6+$0x12480]  }
0x3fb: {  	v20 =	vadd.f32 v29, v22;
	v22 =	vadd.f32 v23, v24;
	v23 =	vld [tilespmem:s6+$0x12600]  }
0x3fc: {  	v15 =	vadd.f32 v15, v17;
	v16 =	vadd.f32 v16, v18;
	v17 =	vld [tilespmem:s6+$0x12680]  }
0x3fd: {  	v18 =	vadd.f32 v27, v20;
	v20 =	vadd.f32 v21, v22;
	v21 =	vld [tilespmem:s6+$0x12800]  }
0x3fe: {  	v13 =	vadd.f32 v13, v15;
	v14 =	vadd.f32 v14, v16;
	v15 =	vld [tilespmem:s6+$0x12880]  }
0x3ff: {  	v16 =	vadd.f32 v25, v18;
	v18 =	vadd.f32 v19, v20;
	v19 =	vld [tilespmem:s6+$0x12A00]  }
0x400: {  	v11 =	vadd.f32 v11, v13;
	v12 =	vadd.f32 v12, v14;
	v13 =	vld [tilespmem:s6+$0x12A80]  }
0x401: {  	v14 =	vadd.f32 v23, v16;
	v16 =	vadd.f32 v17, v18;
	v17 =	vld [tilespmem:s6+$0x12C00]  }
0x402: {  	v9 =	vadd.f32 v9, v11;
	v10 =	vadd.f32 v10, v12;
	v11 =	vld [tilespmem:s6+$0x12C80]  }
0x403: {  	v12 =	vadd.f32 v21, v14;
	v14 =	vadd.f32 v15, v16;
	v15 =	vld [tilespmem:s6+$0x12E00]  }
0x404: {  	v7 =	vadd.f32 v7, v9;
	v8 =	vadd.f32 v8, v10;
	v9 =	vld [tilespmem:s6+$0x12E80]  }
0x405: {  	v10 =	vadd.f32 v19, v12;
	v12 =	vadd.f32 v13, v14;
	v13 =	vld [tilespmem:s6+$0x13000]  }
0x406: {  	v5 =	vadd.f32 v5, v7;
	v6 =	vadd.f32 v6, v8;
	v7 =	vld [tilespmem:s6+$0x13080]  }
0x407: {  	v8 =	vadd.f32 v17, v10;
	v10 =	vadd.f32 v11, v12  }
0x408: {  	v3 =	vadd.f32 v3, v5;
	v4 =	vadd.f32 v4, v6  }
0x409: {  	v5 =	vadd.f32 v15, v8;
	v6 =	vadd.f32 v9, v10  }
0x40a: {  	v0 =	vadd.f32 v0, v3;
	v1 =	vadd.f32 v1, v4  }
0x40b: {  	v3 =	vadd.f32 v13, v5;
	v4 =	vadd.f32 v7, v6;
	_ =	sdelay $0x1  }
0x40c: {  	v0 =	vadd.f32 v1, v0;
	v1 =	vadd.f32 v4, v3;
	_ =	sdelay $0x1  }
0x40d: {  	v0 =	vadd.f32 v1, v0;
	_ =	sdelay $0x1  }
0x40e: {  	[tilespmem:v2+s6+$0x0 ss:$0x1] =	vst.idx.msk $0xffff, v0;
	s6 =	sshra.s32 s7, $0x2  }
0x40f: {  	v0 =	vld [tilespmem:s6+$0x12F00]  }
0x410: {  	v1 =	vld [tilespmem:s6+$0x12F80]  }
0x411: {  	v3 =	vld [tilespmem:s6+$0x12D00]  }
0x412: {  	v4 =	vld [tilespmem:s6+$0x12D80]  }
0x413: {  	v5 =	vld [tilespmem:s6+$0x12B00]  }
0x414: {  	v6 =	vld [tilespmem:s6+$0x12B80]  }
0x415: {  	v7 =	vld [tilespmem:s6+$0x12900]  }
0x416: {  	v8 =	vld [tilespmem:s6+$0x12980]  }
0x417: {  	v9 =	vld [tilespmem:s6+$0x12700]  }
0x418: {  	v10 =	vld [tilespmem:s6+$0x12780]  }
0x419: {  	v11 =	vld [tilespmem:s6+$0x12500]  }
0x41a: {  	v12 =	vld [tilespmem:s6+$0x12580]  }
0x41b: {  	v13 =	vld [tilespmem:s6+$0x12300]  }
0x41c: {  	v14 =	vld [tilespmem:s6+$0x12380]  }
0x41d: {  	v15 =	vld [tilespmem:s6+$0x12100]  }
0x41e: {  	v16 =	vld [tilespmem:s6+$0x12180]  }
0x41f: {  	v17 =	vld [tilespmem:s6+$0x11F00]  }
0x420: {  	v18 =	vld [tilespmem:s6+$0x11F80]  }
0x421: {  	v19 =	vld [tilespmem:s6+$0x11D00]  }
0x422: {  	v20 =	vld [tilespmem:s6+$0x11D80]  }
0x423: {  	v21 =	vld [tilespmem:s6+$0x11B00]  }
0x424: {  	v22 =	vld [tilespmem:s6+$0x11B80]  }
0x425: {  	v23 =	vld [tilespmem:s6+$0x11900]  }
0x426: {  	v24 =	vld [tilespmem:s6+$0x11980]  }
0x427: {  	v25 =	vld [tilespmem:s6+$0x11700]  }
0x428: {  	v26 =	vld [tilespmem:s6+$0x11780]  }
0x429: {  	v27 =	vld [tilespmem:s6+$0x11500]  }
0x42a: {  	v28 =	vld [tilespmem:s6+$0x11580]  }
0x42b: {  	v29 =	vld [tilespmem:s6+$0x11300]  }
0x42c: {  	v30 =	vld [tilespmem:s6+$0x11100]  }
.Ltmp8:
0x42d: {  	v31 =	vld [tilespmem:s6+$0x11180];
	(pc) =	sbr.rel @p1 .LBB2_15-.Ltmp8, $4  }
0x42e: {  	v33 =	vld [tilespmem:s6+$0x11380]  }
0x42f: {  	v32 =	vld [tilespmem:s6+$0x11200]  }
0x430: {  	v34 =	vld [tilespmem:s6+$0x11400]  }
0x431: {  	s7 =	sadd.s32 $0x40, s7;
	v35 =	vld [tilespmem:s6+$0x11280]  }
0x432: {  	v36 =	vld [tilespmem:s6+$0x11480]  }
0x433: {  	v37 =	vld [tilespmem:s6+$0x11600]  }
0x434: {  	v38 =	vld [tilespmem:s6+$0x11680];
	v29 =	vadd.f32 v29, v30  }
0x435: {  	v39 =	vld [tilespmem:s6+$0x11800]  }
0x436: {  	v30 =	vadd.f32 v33, v31;
	v31 =	vld [tilespmem:s6+$0x11880];
	v27 =	vadd.f32 v27, v29  }
0x437: {  	v61 =	vld [tilespmem:s6+$0x11A00];
	v32 =	vadd.f32 v34, v32;
	v60 =	vadd.f32 v36, v35  }
0x438: {  	v29 =	vld [tilespmem:s6+$0x11A80];
	v28 =	vadd.f32 v28, v30;
	v25 =	vadd.f32 v25, v27  }
0x439: {  	v63 =	vld [tilespmem:s6+$0x11C00];
	v30 =	vadd.f32 v37, v32;
	v62 =	vadd.f32 v38, v60  }
0x43a: {  	v27 =	vld [tilespmem:s6+$0x11C80];
	v26 =	vadd.f32 v26, v28;
	v23 =	vadd.f32 v23, v25  }
0x43b: {  	v25 =	vld [tilespmem:s6+$0x11E80];
	v28 =	vadd.f32 v39, v30;
	v30 =	vadd.f32 v31, v62  }
0x43c: {  	v24 =	vadd.f32 v24, v26;
	v21 =	vadd.f32 v21, v23;
	v31 =	vld [tilespmem:s6+$0x11E00]  }
0x43d: {  	v23 =	vld [tilespmem:s6+$0x12080];
	v26 =	vadd.f32 v61, v28;
	v28 =	vadd.f32 v29, v30  }
0x43e: {  	v22 =	vadd.f32 v22, v24;
	v19 =	vadd.f32 v19, v21;
	v29 =	vld [tilespmem:s6+$0x12000]  }
0x43f: {  	v21 =	vld [tilespmem:s6+$0x12280];
	v24 =	vadd.f32 v63, v26;
	v26 =	vadd.f32 v27, v28  }
0x440: {  	v20 =	vadd.f32 v20, v22;
	v17 =	vadd.f32 v17, v19;
	v27 =	vld [tilespmem:s6+$0x12200]  }
0x441: {  	v19 =	vld [tilespmem:s6+$0x12480];
	v22 =	vadd.f32 v31, v24;
	v24 =	vadd.f32 v25, v26  }
0x442: {  	v18 =	vadd.f32 v18, v20;
	v15 =	vadd.f32 v15, v17;
	v25 =	vld [tilespmem:s6+$0x12400]  }
0x443: {  	v17 =	vld [tilespmem:s6+$0x12680];
	v20 =	vadd.f32 v29, v22;
	v22 =	vadd.f32 v23, v24  }
0x444: {  	v16 =	vadd.f32 v16, v18;
	v13 =	vadd.f32 v13, v15;
	v23 =	vld [tilespmem:s6+$0x12600]  }
0x445: {  	v15 =	vld [tilespmem:s6+$0x12880];
	v18 =	vadd.f32 v27, v20;
	v20 =	vadd.f32 v21, v22  }
0x446: {  	v14 =	vadd.f32 v14, v16;
	v11 =	vadd.f32 v11, v13;
	v21 =	vld [tilespmem:s6+$0x12800]  }
0x447: {  	v13 =	vld [tilespmem:s6+$0x12A80];
	v16 =	vadd.f32 v25, v18;
	v18 =	vadd.f32 v19, v20  }
0x448: {  	v12 =	vadd.f32 v12, v14;
	v9 =	vadd.f32 v9, v11;
	v19 =	vld [tilespmem:s6+$0x12A00]  }
0x449: {  	v11 =	vld [tilespmem:s6+$0x12C80];
	v14 =	vadd.f32 v23, v16;
	v16 =	vadd.f32 v17, v18  }
0x44a: {  	v10 =	vadd.f32 v10, v12;
	v7 =	vadd.f32 v7, v9;
	v17 =	vld [tilespmem:s6+$0x12C00]  }
0x44b: {  	v9 =	vld [tilespmem:s6+$0x12E80];
	v12 =	vadd.f32 v21, v14;
	v14 =	vadd.f32 v15, v16  }
0x44c: {  	v8 =	vadd.f32 v8, v10;
	v5 =	vadd.f32 v5, v7;
	v15 =	vld [tilespmem:s6+$0x12E00]  }
0x44d: {  	v7 =	vld [tilespmem:s6+$0x13080];
	v10 =	vadd.f32 v19, v12;
	v12 =	vadd.f32 v13, v14  }
0x44e: {  	v6 =	vadd.f32 v6, v8;
	v13 =	vld [tilespmem:s6+$0x13000]  }
0x44f: {  	v8 =	vadd.f32 v17, v10;
	v10 =	vadd.f32 v11, v12  }
0x450: {  	v3 =	vadd.f32 v3, v5;
	v4 =	vadd.f32 v4, v6  }
0x451: {  	v5 =	vadd.f32 v15, v8;
	v6 =	vadd.f32 v9, v10  }
0x452: {  	v0 =	vadd.f32 v0, v3;
	v1 =	vadd.f32 v1, v4  }
0x453: {  	v3 =	vadd.f32 v13, v5;
	v4 =	vadd.f32 v7, v6;
	_ =	sdelay $0x1  }
0x454: {  	v0 =	vadd.f32 v1, v0;
	v1 =	vadd.f32 v4, v3;
	_ =	sdelay $0x1  }
0x455: {  	v0 =	vadd.f32 v1, v0;
	_ =	sdelay $0x1  }
0x456: {  	s5 =	sadd.s32 @!p0 $0x480, s5;
	s7 =	simm.s32 @!p0 $0x11100;
	[tilespmem:v2+s6+$0x0 ss:$0x1] =	vst.idx.msk $0xffff, v0;
	s6 =	simm.s32 @!p0 $0x40  }
0x457: {  	[tilespmem:s7], [sflag:$0x9] =	stream.indirect.gather @!p0 [hbm4b:s1+s6], $0x80, s5, s6, $0xb8;
	[tilespmem:$0x17100] =	vst v63  }
0x458: {  	_ =	swait.ge [sflag:s23], $0x2000  }
0x459: {  	[sflag:s23] =	ssyncset.done $0x0  }
0x45a: {  	s5 =	simm.s32 $0x0;
	[sflag:s23] =	ssyncadd.s32 $0xFFFFE000  }
0x45b: {  	v0 =	vld [tilespmem:s5+$0x14F00]  }
0x45c: {  	v1 =	vld [tilespmem:s5+$0x14F80]  }
0x45d: {  	v3 =	vld [tilespmem:s5+$0x14D00]  }
0x45e: {  	v4 =	vld [tilespmem:s5+$0x14D80]  }
0x45f: {  	v5 =	vld [tilespmem:s5+$0x14B00]  }
0x460: {  	v6 =	vld [tilespmem:s5+$0x14B80]  }
0x461: {  	v7 =	vld [tilespmem:s5+$0x14900]  }
0x462: {  	v8 =	vld [tilespmem:s5+$0x14980]  }
0x463: {  	v9 =	vld [tilespmem:s5+$0x14700]  }
0x464: {  	v10 =	vld [tilespmem:s5+$0x14780]  }
0x465: {  	v11 =	vld [tilespmem:s5+$0x14500]  }
0x466: {  	v12 =	vld [tilespmem:s5+$0x14580]  }
0x467: {  	v13 =	vld [tilespmem:s5+$0x14300]  }
0x468: {  	v14 =	vld [tilespmem:s5+$0x14380]  }
0x469: {  	v15 =	vld [tilespmem:s5+$0x14100]  }
0x46a: {  	v16 =	vld [tilespmem:s5+$0x14180]  }
0x46b: {  	v17 =	vld [tilespmem:s5+$0x13F00]  }
0x46c: {  	v18 =	vld [tilespmem:s5+$0x13F80]  }
0x46d: {  	v19 =	vld [tilespmem:s5+$0x13D00]  }
0x46e: {  	v20 =	vld [tilespmem:s5+$0x13D80]  }
0x46f: {  	v21 =	vld [tilespmem:s5+$0x13B00]  }
0x470: {  	v22 =	vld [tilespmem:s5+$0x13B80]  }
0x471: {  	v23 =	vld [tilespmem:s5+$0x13900]  }
0x472: {  	v24 =	vld [tilespmem:s5+$0x13980]  }
0x473: {  	v25 =	vld [tilespmem:s5+$0x13700]  }
0x474: {  	v26 =	vld [tilespmem:s5+$0x13780]  }
0x475: {  	v27 =	vld [tilespmem:s5+$0x13500]  }
0x476: {  	v28 =	vld [tilespmem:s5+$0x13580]  }
0x477: {  	v29 =	vld [tilespmem:s5+$0x13300]  }
0x478: {  	v30 =	vld [tilespmem:s5+$0x13100]  }
0x479: {  	v31 =	vld [tilespmem:s5+$0x13180]  }
0x47a: {  	v33 =	vld [tilespmem:s5+$0x13380]  }
0x47b: {  	v32 =	vld [tilespmem:s5+$0x13200]  }
0x47c: {  	v34 =	vld [tilespmem:s5+$0x13400]  }
0x47d: {  	v2 =	vmov s12;
	s6 =	simm.s32 $0x40;
	v35 =	vld [tilespmem:s5+$0x13280]  }
.LBB2_17:
0x47e: {  	p1 =	sne.s32 s6, $0x1C0;
	v36 =	vld [tilespmem:s5+$0x13480]  }
0x47f: {  	v37 =	vld [tilespmem:s5+$0x13600]  }
0x480: {  	v38 =	vld [tilespmem:s5+$0x13680]  }
0x481: {  	v39 =	vld [tilespmem:s5+$0x13800]  }
0x482: {  	v29 =	vadd.f32 v29, v30;
	v30 =	vadd.f32 v33, v31;
	v31 =	vld [tilespmem:s5+$0x13880]  }
0x483: {  	v32 =	vadd.f32 v34, v32;
	v33 =	vadd.f32 v36, v35;
	v34 =	vld [tilespmem:s5+$0x13A00]  }
0x484: {  	v27 =	vadd.f32 v27, v29;
	v28 =	vadd.f32 v28, v30;
	v29 =	vld [tilespmem:s5+$0x13A80]  }
0x485: {  	v30 =	vadd.f32 v37, v32;
	v32 =	vadd.f32 v38, v33;
	v33 =	vld [tilespmem:s5+$0x13C00]  }
0x486: {  	v25 =	vadd.f32 v25, v27;
	v26 =	vadd.f32 v26, v28;
	v27 =	vld [tilespmem:s5+$0x13C80]  }
0x487: {  	v28 =	vadd.f32 v39, v30;
	v30 =	vadd.f32 v31, v32;
	v31 =	vld [tilespmem:s5+$0x13E00]  }
0x488: {  	v23 =	vadd.f32 v23, v25;
	v24 =	vadd.f32 v24, v26;
	v25 =	vld [tilespmem:s5+$0x13E80]  }
0x489: {  	v26 =	vadd.f32 v34, v28;
	v28 =	vadd.f32 v29, v30;
	v29 =	vld [tilespmem:s5+$0x14000]  }
0x48a: {  	v21 =	vadd.f32 v21, v23;
	v22 =	vadd.f32 v22, v24;
	v23 =	vld [tilespmem:s5+$0x14080]  }
0x48b: {  	v24 =	vadd.f32 v33, v26;
	v26 =	vadd.f32 v27, v28;
	v27 =	vld [tilespmem:s5+$0x14200]  }
0x48c: {  	v19 =	vadd.f32 v19, v21;
	v20 =	vadd.f32 v20, v22;
	v21 =	vld [tilespmem:s5+$0x14280]  }
0x48d: {  	v22 =	vadd.f32 v31, v24;
	v24 =	vadd.f32 v25, v26;
	v25 =	vld [tilespmem:s5+$0x14400]  }
0x48e: {  	v17 =	vadd.f32 v17, v19;
	v18 =	vadd.f32 v18, v20;
	v19 =	vld [tilespmem:s5+$0x14480]  }
0x48f: {  	v20 =	vadd.f32 v29, v22;
	v22 =	vadd.f32 v23, v24;
	v23 =	vld [tilespmem:s5+$0x14600]  }
0x490: {  	v15 =	vadd.f32 v15, v17;
	v16 =	vadd.f32 v16, v18;
	v17 =	vld [tilespmem:s5+$0x14680]  }
0x491: {  	v18 =	vadd.f32 v27, v20;
	v20 =	vadd.f32 v21, v22;
	v21 =	vld [tilespmem:s5+$0x14800]  }
0x492: {  	v13 =	vadd.f32 v13, v15;
	v14 =	vadd.f32 v14, v16;
	v15 =	vld [tilespmem:s5+$0x14880]  }
0x493: {  	v16 =	vadd.f32 v25, v18;
	v18 =	vadd.f32 v19, v20;
	v19 =	vld [tilespmem:s5+$0x14A00]  }
0x494: {  	v11 =	vadd.f32 v11, v13;
	v12 =	vadd.f32 v12, v14;
	v13 =	vld [tilespmem:s5+$0x14A80]  }
0x495: {  	v14 =	vadd.f32 v23, v16;
	v16 =	vadd.f32 v17, v18;
	v17 =	vld [tilespmem:s5+$0x14C00]  }
0x496: {  	v9 =	vadd.f32 v9, v11;
	v10 =	vadd.f32 v10, v12;
	v11 =	vld [tilespmem:s5+$0x14C80]  }
0x497: {  	v12 =	vadd.f32 v21, v14;
	v14 =	vadd.f32 v15, v16;
	v15 =	vld [tilespmem:s5+$0x14E00]  }
0x498: {  	v7 =	vadd.f32 v7, v9;
	v8 =	vadd.f32 v8, v10;
	v9 =	vld [tilespmem:s5+$0x14E80]  }
0x499: {  	v10 =	vadd.f32 v19, v12;
	v12 =	vadd.f32 v13, v14;
	v13 =	vld [tilespmem:s5+$0x15000]  }
0x49a: {  	v5 =	vadd.f32 v5, v7;
	v6 =	vadd.f32 v6, v8;
	v7 =	vld [tilespmem:s5+$0x15080]  }
0x49b: {  	v8 =	vadd.f32 v17, v10;
	v10 =	vadd.f32 v11, v12  }
0x49c: {  	v3 =	vadd.f32 v3, v5;
	v4 =	vadd.f32 v4, v6  }
0x49d: {  	v5 =	vadd.f32 v15, v8;
	v6 =	vadd.f32 v9, v10  }
0x49e: {  	v0 =	vadd.f32 v0, v3;
	v1 =	vadd.f32 v1, v4  }
0x49f: {  	v3 =	vadd.f32 v13, v5;
	v4 =	vadd.f32 v7, v6;
	_ =	sdelay $0x1  }
0x4a0: {  	v0 =	vadd.f32 v1, v0;
	v1 =	vadd.f32 v4, v3;
	_ =	sdelay $0x1  }
0x4a1: {  	v0 =	vadd.f32 v1, v0;
	_ =	sdelay $0x1  }
0x4a2: {  	[tilespmem:v2+s5+$0x0 ss:$0x1] =	vst.idx.msk $0xffff, v0;
	s5 =	sshra.s32 s6, $0x2  }
0x4a3: {  	v0 =	vld [tilespmem:s5+$0x14F00]  }
0x4a4: {  	v1 =	vld [tilespmem:s5+$0x14F80]  }
0x4a5: {  	v3 =	vld [tilespmem:s5+$0x14D00]  }
0x4a6: {  	v4 =	vld [tilespmem:s5+$0x14D80]  }
0x4a7: {  	v5 =	vld [tilespmem:s5+$0x14B00]  }
0x4a8: {  	v6 =	vld [tilespmem:s5+$0x14B80]  }
0x4a9: {  	v7 =	vld [tilespmem:s5+$0x14900]  }
0x4aa: {  	v8 =	vld [tilespmem:s5+$0x14980]  }
0x4ab: {  	v9 =	vld [tilespmem:s5+$0x14700]  }
0x4ac: {  	v10 =	vld [tilespmem:s5+$0x14780]  }
0x4ad: {  	v11 =	vld [tilespmem:s5+$0x14500]  }
0x4ae: {  	v12 =	vld [tilespmem:s5+$0x14580]  }
0x4af: {  	v13 =	vld [tilespmem:s5+$0x14300]  }
0x4b0: {  	v14 =	vld [tilespmem:s5+$0x14380]  }
0x4b1: {  	v15 =	vld [tilespmem:s5+$0x14100]  }
0x4b2: {  	v16 =	vld [tilespmem:s5+$0x14180]  }
0x4b3: {  	v17 =	vld [tilespmem:s5+$0x13F00]  }
0x4b4: {  	v18 =	vld [tilespmem:s5+$0x13F80]  }
0x4b5: {  	v19 =	vld [tilespmem:s5+$0x13D00]  }
0x4b6: {  	v20 =	vld [tilespmem:s5+$0x13D80]  }
0x4b7: {  	v21 =	vld [tilespmem:s5+$0x13B00]  }
0x4b8: {  	v22 =	vld [tilespmem:s5+$0x13B80]  }
0x4b9: {  	v23 =	vld [tilespmem:s5+$0x13900]  }
0x4ba: {  	v24 =	vld [tilespmem:s5+$0x13980]  }
0x4bb: {  	v25 =	vld [tilespmem:s5+$0x13700]  }
0x4bc: {  	v26 =	vld [tilespmem:s5+$0x13780]  }
0x4bd: {  	v27 =	vld [tilespmem:s5+$0x13500]  }
0x4be: {  	v28 =	vld [tilespmem:s5+$0x13580]  }
0x4bf: {  	v29 =	vld [tilespmem:s5+$0x13300]  }
0x4c0: {  	v30 =	vld [tilespmem:s5+$0x13100]  }
.Ltmp9:
0x4c1: {  	v31 =	vld [tilespmem:s5+$0x13180];
	(pc) =	sbr.rel @p1 .LBB2_17-.Ltmp9, $4  }
0x4c2: {  	v33 =	vld [tilespmem:s5+$0x13380]  }
0x4c3: {  	v32 =	vld [tilespmem:s5+$0x13200]  }
0x4c4: {  	v34 =	vld [tilespmem:s5+$0x13400]  }
0x4c5: {  	s6 =	sadd.s32 $0x40, s6;
	v35 =	vld [tilespmem:s5+$0x13280]  }
0x4c6: {  	v36 =	vld [tilespmem:s5+$0x13480]  }
0x4c7: {  	v37 =	vld [tilespmem:s5+$0x13600]  }
0x4c8: {  	v38 =	vld [tilespmem:s5+$0x13680]  }
0x4c9: {  	v39 =	vld [tilespmem:s5+$0x13800]  }
0x4ca: {  	v29 =	vadd.f32 v29, v30;
	v44 =	vld [tilespmem:s5+$0x13880];
	v43 =	vadd.f32 v33, v31  }
0x4cb: {  	v46 =	vld [tilespmem:s5+$0x13A00];
	v32 =	vadd.f32 v34, v32;
	v45 =	vadd.f32 v36, v35  }
0x4cc: {  	v47 =	vld [tilespmem:s5+$0x13A80];
	v27 =	vadd.f32 v27, v29;
	v28 =	vadd.f32 v28, v43  }
0x4cd: {  	v50 =	vld [tilespmem:s5+$0x13C00];
	v48 =	vadd.f32 v37, v32;
	v49 =	vadd.f32 v38, v45  }
0x4ce: {  	v51 =	vld [tilespmem:s5+$0x13C80];
	v25 =	vadd.f32 v25, v27;
	v26 =	vadd.f32 v26, v28  }
0x4cf: {  	v54 =	vld [tilespmem:s5+$0x13E00];
	v52 =	vadd.f32 v39, v48;
	v53 =	vadd.f32 v44, v49  }
0x4d0: {  	v55 =	vld [tilespmem:s5+$0x13E80];
	v23 =	vadd.f32 v23, v25;
	v24 =	vadd.f32 v24, v26  }
0x4d1: {  	v58 =	vld [tilespmem:s5+$0x14000];
	v56 =	vadd.f32 v46, v52;
	v57 =	vadd.f32 v47, v53  }
0x4d2: {  	v59 =	vld [tilespmem:s5+$0x14080];
	v21 =	vadd.f32 v21, v23;
	v22 =	vadd.f32 v22, v24  }
0x4d3: {  	v62 =	vld [tilespmem:s5+$0x14200];
	v60 =	vadd.f32 v50, v56;
	v61 =	vadd.f32 v51, v57  }
0x4d4: {  	v63 =	vld [tilespmem:s5+$0x14280];
	v19 =	vadd.f32 v19, v21;
	v20 =	vadd.f32 v20, v22  }
0x4d5: {  	v31 =	vld [tilespmem:s5+$0x14400];
	v28 =	vadd.f32 v54, v60;
	v30 =	vadd.f32 v55, v61  }
0x4d6: {  	v32 =	vld [tilespmem:s5+$0x14480];
	v17 =	vadd.f32 v17, v19;
	v18 =	vadd.f32 v18, v20  }
0x4d7: {  	v35 =	vld [tilespmem:s5+$0x14600];
	v33 =	vadd.f32 v58, v28;
	v34 =	vadd.f32 v59, v30  }
0x4d8: {  	v36 =	vld [tilespmem:s5+$0x14680];
	v15 =	vadd.f32 v15, v17;
	v16 =	vadd.f32 v16, v18  }
0x4d9: {  	v40 =	vld [tilespmem:s5+$0x14880];
	v37 =	vadd.f32 v62, v33;
	v38 =	vadd.f32 v63, v34  }
0x4da: {  	v39 =	vld [tilespmem:s5+$0x14800];
	v13 =	vadd.f32 v13, v15;
	v14 =	vadd.f32 v14, v16  }
0x4db: {  	v43 =	vld [tilespmem:s5+$0x14A00];
	v41 =	vadd.f32 v31, v37;
	v42 =	vadd.f32 v32, v38  }
0x4dc: {  	v44 =	vld [tilespmem:s5+$0x14A80];
	v11 =	vadd.f32 v11, v13;
	v12 =	vadd.f32 v12, v14  }
0x4dd: {  	v48 =	vld [tilespmem:s5+$0x14C80];
	v45 =	vadd.f32 v35, v41;
	v46 =	vadd.f32 v36, v42  }
0x4de: {  	v47 =	vld [tilespmem:s5+$0x14C00];
	v9 =	vadd.f32 v9, v11;
	v10 =	vadd.f32 v10, v12  }
0x4df: {  	v52 =	vld [tilespmem:s5+$0x14E80];
	v49 =	vadd.f32 v39, v45;
	v50 =	vadd.f32 v40, v46  }
0x4e0: {  	v51 =	vld [tilespmem:s5+$0x14E00];
	v7 =	vadd.f32 v7, v9;
	v8 =	vadd.f32 v8, v10  }
0x4e1: {  	v56 =	vld [tilespmem:s5+$0x15080];
	v53 =	vadd.f32 v43, v49;
	v54 =	vadd.f32 v44, v50  }
0x4e2: {  	v55 =	vld [tilespmem:s5+$0x15000];
	v5 =	vadd.f32 v5, v7;
	v6 =	vadd.f32 v6, v8  }
0x4e3: {  	v57 =	vadd.f32 v47, v53;
	v58 =	vadd.f32 v48, v54  }
0x4e4: {  	v3 =	vadd.f32 v3, v5;
	v4 =	vadd.f32 v4, v6  }
0x4e5: {  	v59 =	vadd.f32 v51, v57;
	v60 =	vadd.f32 v52, v58  }
0x4e6: {  	v0 =	vadd.f32 v0, v3;
	v1 =	vadd.f32 v1, v4  }
0x4e7: {  	v61 =	vadd.f32 v55, v59;
	v62 =	vadd.f32 v56, v60;
	_ =	sdelay $0x1  }
.Ltmp10:
0x4e8: {  	v0 =	vadd.f32 v1, v0;
	v63 =	vadd.f32 v62, v61;
	(pc) =	sbr.rel @p0 .LBB2_20-.Ltmp10, $3  }
0x4e9: {  	_ = 	snop  }
0x4ea: {  	v0 =	vadd.f32 v63, v0;
	_ =	sdelay $0x1  }
0x4eb: {  	[tilespmem:v2+s5+$0x0 ss:$0x1] =	vst.idx.msk $0xffff, v0  }
.Ltmp11:
0x4ec: {  	s4 =	sshrl.u32 s4, $0x2;
	s16 =	sadd.s32 $0x1, s16;
	(pc) =	sbr.rel .LBB2_2-.Ltmp11, $4  }
0x4ed: {  	s15 =	sadd.s32 $0x400, s15;
	s28 =	sadd.s32 $0x400, s28;
	s29 =	sadd.s32 $0x400, s29  }
0x4ee: {  	s30 =	sadd.s32 $0x400, s30;
	s31 =	sadd.s32 $0x400, s31;
	s24 =	sadd.s32 $0x400, s24  }
0x4ef: {  	s11 =	sadd.s32 $0x400, s11;
	s12 =	sadd.s32 $0x400, s12;
	s4 =	sadd.s32 $0x4C0, s4  }
0x4f0: {  	[tilespmem:s0], [sflag:$0xA] =	stream.indirect.gather [hbm4b:s1+s14], $0x80, s4, s14, $0xb8;
	[tilespmem:$0x17100] =	vst v63  }
.LBB2_21:
0x4f1: {  	_ =	sfence.sel $0x180000  }
0x4f2: {  	[bflag:$0x0] =	sbarrier.arrive $0xFFFF  }
0x4f3: {  	_ =	strace $0x90000047  }
0x4f4: {  	s0 =	stileid.u32;
	[bflag:$0x2] =	sbarrier.arrive $0xFFFF  }
0x4f5: {  	p0 =	sne.s32 s0, $0x0;
	s0 =	rddreg [dreg:$0x4]  }
0x4f6: {  	s0 =	sadd.s32 @!p0 $0x100000, s0  }
0x4f7: {  	[sflag:s0] =	ssyncadd.tile.s32 @!p0 $0x1;
	_ =	shalt  }
.Lfunc_end2:
_tile_overlayer_lowered:
.L_overlay_start_2:
0x4f8: {  	(tag) =	ssettag $0x2  }
0x4f9: {  	s0 =	rddreg [dreg:$0x0];
	s2 =	stileid.u32  }
0x4fa: {  	s1 =	rddreg [dreg:$0x1];
	p0 =	sne.s32 s2, $0x0  }
0x4fb: {  	s3 =	rddreg [dreg:$0x2];
	[bflag:$0x3] =	sbarrier.arrive $0xFFFF;
	s2 =	simm.s32 @!p0 $0x1C0B  }
0x4fc: {  	[timem:s3], [sflag:s2] =	dma.local @!p0 [hbm:s0], s1  }
0x4fd: {  	s0 =	simm.s32 @!p0 $0xB  }
0x4fe: {  	_ =	swait.ge @!p0 [sflag:s0], s1  }
0x4ff: {  	s1 =	ssub.s32 @!p0 $0x0, s1;
	[sflag:s0] =	ssyncset.done @!p0 $0x0  }
0x500: {  	[sflag:s0] =	ssyncadd.s32 @!p0 s1  }
0x501: {  	[bflag:$0x3] =	sbarrier.arrive $0xFFFF  }
0x502: {  	_ =	shalt  }

</sc_bundles>
